<compile_context>
chip_gen: v7x
topology: tpu7x:2x2x1
jax: 0.10.2.dev20260603
libtpu: 0.0.44.dev20260713+nightly
codegen_flags: <defaults>
</compile_context>

<pallas_src>
import functools

import jax
import jax.numpy as jnp
from jax import lax
from jax.experimental import pallas as pl
from jax.experimental.pallas import tpu as pltpu
from jax.experimental.pallas import tpu_sc as plsc

N_SRC = 163842
N_ROWS = 40962
C_IN = 32
C_OUT = 64
K = 7

NC = 2
NS = 16
NW = NC * NS
ROWS_PW = 1296
N_PAD = NW * ROWS_PW

CHUNK_P = 144
CHUNK_G = 72

TC_TILE = 1536
TC_GRID = N_PAD // TC_TILE
EPS = 1e-5

_MESH = plsc.VectorSubcoreMesh(core_axis_name="c", subcore_axis_name="s")
_SC_PARAMS = pltpu.CompilerParams(use_tc_tiling_on_sc=False)


@functools.partial(
    pl.kernel,
    out_type=jax.ShapeDtypeStruct((N_PAD, C_IN), jnp.float32),
    mesh=_MESH,
    scratch_types=[
        pltpu.VMEM((CHUNK_P * K,), jnp.int32),
        pltpu.VMEM((CHUNK_P * K,), jnp.int32),
        pltpu.VMEM((CHUNK_P * K, C_IN), jnp.float32),
        pltpu.VMEM((CHUNK_P * K, C_IN), jnp.float32),
        pltpu.VMEM((CHUNK_P, C_IN), jnp.float32),
        pltpu.VMEM((CHUNK_P, C_IN), jnp.float32),
        pltpu.SemaphoreType.DMA,
        pltpu.SemaphoreType.DMA,
        pltpu.SemaphoreType.DMA,
        pltpu.SemaphoreType.DMA,
    ],
    compiler_params=_SC_PARAMS,
)
def _sc_pool(x_hbm, pidx_hbm, pooled_hbm,
             idx0, idx1, buf0, buf1, ob0, ob1, gs0, gs1, ss0, ss1):
    idxs, bufs, obs = [idx0, idx1], [buf0, buf1], [ob0, ob1]
    gsems, ssems = [gs0, gs1], [ss0, ss1]

    def run(base0, nchunk):
        pltpu.sync_copy(pidx_hbm.at[pl.ds(base0 * K, CHUNK_P * K)], idxs[0])
        gd = [pltpu.async_copy(x_hbm.at[idxs[0]], bufs[0], gsems[0]), None]
        sd = [None, None]
        for c in range(nchunk):
            b, nb = c & 1, (c + 1) & 1
            if c + 1 < nchunk:
                nbase = base0 + (c + 1) * CHUNK_P
                pltpu.sync_copy(pidx_hbm.at[pl.ds(nbase * K, CHUNK_P * K)],
                                idxs[nb])
                gd[nb] = pltpu.async_copy(x_hbm.at[idxs[nb]], bufs[nb],
                                          gsems[nb])
            gd[b].wait()
            if sd[b] is not None:
                sd[b].wait()
            buf, ob = bufs[b], obs[b]

            def row(i, carry):
                for h in range(C_IN // 16):
                    sl = pl.ds(h * 16, 16)
                    s = buf[i * K, sl]
                    for k in range(1, K):
                        s = s + buf[i * K + k, sl]
                    ob[i, sl] = s * (1.0 / K)
                return carry

            lax.fori_loop(0, CHUNK_P, row, 0)
            sd[b] = pltpu.async_copy(
                obs[b], pooled_hbm.at[pl.ds(base0 + c * CHUNK_P, CHUNK_P)],
                ssems[b])
        for d in sd:
            if d is not None:
                d.wait()

    wid = lax.axis_index("s") * NC + lax.axis_index("c")
    run(wid * ROWS_PW, ROWS_PW // CHUNK_P)


def _make_sc_gather(ch, chunk):
    @functools.partial(
        pl.kernel,
        out_type=jax.ShapeDtypeStruct((N_PAD * K, ch), jnp.float32),
        mesh=_MESH,
        scratch_types=[
            pltpu.VMEM((chunk * K,), jnp.int32),
            pltpu.VMEM((chunk * K,), jnp.int32),
            pltpu.VMEM((chunk * K, ch), jnp.float32),
            pltpu.VMEM((chunk * K, ch), jnp.float32),
            pltpu.SemaphoreType.DMA,
            pltpu.SemaphoreType.DMA,
            pltpu.SemaphoreType.DMA,
            pltpu.SemaphoreType.DMA,
        ],
        compiler_params=_SC_PARAMS,
    )
    def _sc_gather(table_hbm, idx_hbm, out_hbm,
                   idx0, idx1, buf0, buf1, gs0, gs1, ss0, ss1):
        idxs, bufs = [idx0, idx1], [buf0, buf1]
        gsems, ssems = [gs0, gs1], [ss0, ss1]

        def run(base0, nchunk):
            pltpu.sync_copy(idx_hbm.at[pl.ds(base0, chunk * K)], idxs[0])
            gd = [pltpu.async_copy(table_hbm.at[idxs[0]], bufs[0], gsems[0]),
                  None]
            sd = [None, None]
            for c in range(nchunk):
                b, nb = c & 1, (c + 1) & 1
                if c + 1 < nchunk:
                    nbase = base0 + (c + 1) * chunk * K
                    pltpu.sync_copy(idx_hbm.at[pl.ds(nbase, chunk * K)],
                                    idxs[nb])
                    if sd[nb] is not None:
                        sd[nb].wait()
                    gd[nb] = pltpu.async_copy(table_hbm.at[idxs[nb]],
                                              bufs[nb], gsems[nb])
                gd[b].wait()
                sd[b] = pltpu.async_copy(
                    bufs[b],
                    out_hbm.at[pl.ds(base0 + c * chunk * K, chunk * K)],
                    ssems[b])
            for d in sd:
                if d is not None:
                    d.wait()

        wid = lax.axis_index("s") * NC + lax.axis_index("c")
        run(wid * ROWS_PW * K, ROWS_PW // chunk)

    return _sc_gather


_sc_gather32 = _make_sc_gather(C_IN, CHUNK_P)
_sc_gather64 = _make_sc_gather(C_OUT, CHUNK_G)


def _tc_mm1_body(g1_ref, w1_ref, b1_ref, h_ref, st_ref):
    i = pl.program_id(0)
    h = lax.dot_general(
        g1_ref[...], w1_ref[...], (((1,), (1,)), ((), ())),
        preferred_element_type=jnp.float32,
    ) + b1_ref[...]
    h_ref[...] = h
    rows = i * TC_TILE + lax.broadcasted_iota(jnp.int32, (TC_TILE, 1), 0)
    hm = jnp.where(rows < N_ROWS, h, 0.0)

    @pl.when(i == 0)
    def _():
        st_ref[...] = jnp.zeros((8, 128), jnp.float32)

    st_ref[0:1, 0:C_OUT] += jnp.sum(hm, axis=0)[None, :]
    st_ref[1:2, 0:C_OUT] += jnp.sum(hm * hm, axis=0)[None, :]


def _tc_mm1(g1, w1, b1):
    return pl.pallas_call(
        _tc_mm1_body,
        grid=(TC_GRID,),
        in_specs=[
            pl.BlockSpec((TC_TILE, K * C_IN), lambda i: (i, 0)),
            pl.BlockSpec((C_OUT, K * C_IN), lambda i: (0, 0)),
            pl.BlockSpec((1, C_OUT), lambda i: (0, 0)),
        ],
        out_specs=[
            pl.BlockSpec((TC_TILE, C_OUT), lambda i: (i, 0)),
            pl.BlockSpec((8, 128), lambda i: (0, 0)),
        ],
        out_shape=[
            jax.ShapeDtypeStruct((N_PAD, C_OUT), jnp.float32),
            jax.ShapeDtypeStruct((8, 128), jnp.float32),
        ],
    )(g1, w1, b1)


def _bn_coeffs(st_ref, gamma_ref, beta_ref, width):
    inv_n = 1.0 / N_ROWS
    mu = st_ref[0:1, 0:width] * inv_n
    var = st_ref[1:2, 0:width] * inv_n - mu * mu
    a = gamma_ref[...] * lax.rsqrt(var + EPS)
    c = beta_ref[...] - a * mu
    return a, c


def _tc_mm2_body(g2_ref, w2_ref, st1_ref, ga1_ref, be1_ref, b2_ref,
                 h2_ref, st2_ref):
    i = pl.program_id(0)
    a, c = _bn_coeffs(st1_ref, ga1_ref, be1_ref, C_OUT)
    acc = jnp.zeros((TC_TILE, C_OUT), jnp.float32)
    for k in range(K):
        z = g2_ref[:, k * C_OUT:(k + 1) * C_OUT] * a + c
        z = jnp.where(z >= 0, z, 0.2 * z)
        acc = acc + lax.dot_general(
            z, w2_ref[:, k * C_OUT:(k + 1) * C_OUT],
            (((1,), (1,)), ((), ())), preferred_element_type=jnp.float32,
        )
    h2 = acc + b2_ref[...]
    h2_ref[...] = h2
    rows = i * TC_TILE + lax.broadcasted_iota(jnp.int32, (TC_TILE, 1), 0)
    hm = jnp.where(rows < N_ROWS, h2, 0.0)

    @pl.when(i == 0)
    def _():
        st2_ref[...] = jnp.zeros((8, 128), jnp.float32)

    st2_ref[0:1, 0:C_OUT] += jnp.sum(hm, axis=0)[None, :]
    st2_ref[1:2, 0:C_OUT] += jnp.sum(hm * hm, axis=0)[None, :]


def _tc_mm2(g2, w2, st1, gamma1, beta1, b2):
    return pl.pallas_call(
        _tc_mm2_body,
        grid=(TC_GRID,),
        in_specs=[
            pl.BlockSpec((TC_TILE, K * C_OUT), lambda i: (i, 0)),
            pl.BlockSpec((C_OUT, K * C_OUT), lambda i: (0, 0)),
            pl.BlockSpec((8, 128), lambda i: (0, 0)),
            pl.BlockSpec((1, C_OUT), lambda i: (0, 0)),
            pl.BlockSpec((1, C_OUT), lambda i: (0, 0)),
            pl.BlockSpec((1, C_OUT), lambda i: (0, 0)),
        ],
        out_specs=[
            pl.BlockSpec((TC_TILE, C_OUT), lambda i: (i, 0)),
            pl.BlockSpec((8, 128), lambda i: (0, 0)),
        ],
        out_shape=[
            jax.ShapeDtypeStruct((N_PAD, C_OUT), jnp.float32),
            jax.ShapeDtypeStruct((8, 128), jnp.float32),
        ],
    )(g2, w2, st1, gamma1, beta1, b2)


def _tc_bn_body(h2_ref, st2_ref, ga2_ref, be2_ref, out_ref):
    a, c = _bn_coeffs(st2_ref, ga2_ref, be2_ref, C_OUT)
    y = h2_ref[...] * a + c
    out_ref[...] = jnp.where(y >= 0, y, 0.2 * y)


def _tc_bn(h2, st2, gamma2, beta2):
    return pl.pallas_call(
        _tc_bn_body,
        grid=(TC_GRID,),
        in_specs=[
            pl.BlockSpec((TC_TILE, C_OUT), lambda i: (i, 0)),
            pl.BlockSpec((8, 128), lambda i: (0, 0)),
            pl.BlockSpec((1, C_OUT), lambda i: (0, 0)),
            pl.BlockSpec((1, C_OUT), lambda i: (0, 0)),
        ],
        out_specs=pl.BlockSpec((TC_TILE, C_OUT), lambda i: (i, 0)),
        out_shape=jax.ShapeDtypeStruct((N_PAD, C_OUT), jnp.float32),
    )(h2, st2, gamma2, beta2)


def kernel(x, neigh_orders, pool_neigh_orders, W1, b1, gamma1, beta1,
           W2, b2, gamma2, beta2):
    pad = (N_PAD - N_ROWS) * K
    pidx = jnp.concatenate(
        [pool_neigh_orders.astype(jnp.int32), jnp.zeros((pad,), jnp.int32)])
    nidx = jnp.concatenate(
        [neigh_orders.astype(jnp.int32), jnp.zeros((pad,), jnp.int32)])

    pooled = _sc_pool(x, pidx)
    g1 = _sc_gather32(pooled, nidx).reshape(N_PAD, K * C_IN)
    h_raw, st1 = _tc_mm1(g1, W1, b1.reshape(1, C_OUT))
    g2 = _sc_gather64(h_raw, nidx).reshape(N_PAD, K * C_OUT)
    h2_raw, st2 = _tc_mm2(g2, W2, st1, gamma1.reshape(1, C_OUT),
                          beta1.reshape(1, C_OUT), b2.reshape(1, C_OUT))
    out = _tc_bn(h2_raw, st2, gamma2.reshape(1, C_OUT),
                 beta2.reshape(1, C_OUT))
    return out[:N_ROWS]

# --- scband reference (transcript-rebuilt; emitter-appended) ---
"""Pipeline reference for scband-down-block-2516850835581 (READ-ONLY COPY).

The authoritative reference and input builder live on the scoring server;
editing this copy changes nothing except your own understanding.
"""

import jax, jax.numpy as jnp
import numpy as np

N_IN = 163842
N_OUT = 40962
IN_CH = 32
OUT_CH = 64

def setup_inputs(seed: int = 0) -> dict:
    key = jax.random.key(seed)
    ks = jax.random.split(key, 12)
    x = jax.random.normal(ks[0], (N_IN, IN_CH), dtype=jnp.float32)
    neigh_orders = jax.random.randint(ks[1], (N_OUT * 7,), 0, N_OUT, dtype=jnp.int64 if jax.config.jax_enable_x64 else jnp.int32)
    pool_neigh_orders = jax.random.randint(ks[2], (N_OUT * 7,), 0, N_IN, dtype=jnp.int64 if jax.config.jax_enable_x64 else jnp.int32)
    W1 = jax.random.normal(ks[3], (OUT_CH, 7 * IN_CH), dtype=jnp.float32) * 0.05
    b1 = jnp.zeros((OUT_CH,), dtype=jnp.float32)
    gamma1 = jnp.ones((OUT_CH,), dtype=jnp.float32)
    beta1 = jnp.zeros((OUT_CH,), dtype=jnp.float32)
    W2 = jax.random.normal(ks[4], (OUT_CH, 7 * OUT_CH), dtype=jnp.float32) * 0.05
    b2 = jnp.zeros((OUT_CH,), dtype=jnp.float32)
    gamma2 = jnp.ones((OUT_CH,), dtype=jnp.float32)
    beta2 = jnp.zeros((OUT_CH,), dtype=jnp.float32)
    return {"x": x, "neigh_orders": neigh_orders, "pool_neigh_orders": pool_neigh_orders,
            "W1": W1, "b1": b1, "gamma1": gamma1, "beta1": beta1,
            "W2": W2, "b2": b2, "gamma2": gamma2, "beta2": beta2}

def _batchnorm(h, gamma, beta, eps=1e-5):
    mu = jnp.mean(h, axis=0)
    var = jnp.mean((h - mu) ** 2, axis=0)  # biased variance, as torch BN uses for normalization
    return gamma * (h - mu) / jnp.sqrt(var + eps) + beta

def _leaky(h):
    return jnp.where(h >= 0, h, 0.2 * h)

def reference(x, neigh_orders, pool_neigh_orders, W1, b1, gamma1, beta1, W2, b2, gamma2, beta2):
    # mean pool: gather 7 fine-mesh neighbors per coarse vertex and average
    pooled = jnp.take(x, pool_neigh_orders, axis=0).reshape(N_OUT, 7, IN_CH)
    pooled = jnp.mean(pooled, axis=1)  # [N_OUT, IN_CH]
    # conv1: 1-ring gather -> linear
    g1 = jnp.take(pooled, neigh_orders, axis=0).reshape(N_OUT, 7 * IN_CH)
    h = g1 @ W1.T + b1
    h = _leaky(_batchnorm(h, gamma1, beta1))
    # conv2
    g2 = jnp.take(h, neigh_orders, axis=0).reshape(N_OUT, 7 * OUT_CH)
    h2 = g2 @ W2.T + b2
    h2 = _leaky(_batchnorm(h2, gamma2, beta2))
    return h2

if __name__ == "__main__":
    import jax
    _d = setup_inputs()
    print(jax.jit(kernel)(*tuple(_d.values())))

</pallas_src>

<mosaic_0001>
#map = affine_map<(d0, d1) -> (0, 0)>
#map1 = affine_map<(d0, d1) -> (0)>
module attributes {stable_mosaic.version = 14 : i64} {
  func.func @_sc_gather(%arg0: i32, %arg1: i32, %arg2: memref<41472x32xf32, #tpu.memory_space<hbm>>, %arg3: memref<290304xi32, #tpu.memory_space<hbm>>, %arg4: memref<290304x32xf32, #tpu.memory_space<hbm>>, %arg5: memref<1008xi32, #tpu.memory_space<vmem>>, %arg6: memref<1008xi32, #tpu.memory_space<vmem>>, %arg7: memref<1008x32xf32, #tpu.memory_space<vmem>>, %arg8: memref<1008x32xf32, #tpu.memory_space<vmem>>, %arg9: memref<!tpu.dma_semaphore, #tpu.memory_space<semaphore_mem>>, %arg10: memref<!tpu.dma_semaphore, #tpu.memory_space<semaphore_mem>>, %arg11: memref<!tpu.dma_semaphore, #tpu.memory_space<semaphore_mem>>, %arg12: memref<!tpu.dma_semaphore, #tpu.memory_space<semaphore_mem>>) attributes {dimension_semantics = [#tpu.dimension_semantics<core_parallel>, #tpu.dimension_semantics<subcore_parallel>], iteration_bounds = array<i64: 2, 16>, scalar_prefetch = 0 : i64, scratch_operands = 8 : i64, tpu.core_type = #tpu.core_type<sc_vector_subcore>, window_params = [{transform_indices = #map}, {transform_indices = #map1}, {transform_indices = #map}]} {
    %mul3A = arith.constant 2 : i32
    %mul3A_0 = arith.muli %arg1, %mul3A : i32
    %add3A = arith.addi %mul3A_0, %arg0 : i32
    %mul3A_1 = arith.constant 1296 : i32
    %mul3A_2 = arith.muli %add3A, %mul3A_1 : i32
    %mul3A_3 = arith.constant 7 : i32
    %mul3A_4 = arith.muli %mul3A_2, %mul3A_3 : i32
    "tpu.region"() ({
      %run_scoped3A = tpu.sem_alloc : memref<!tpu.dma_semaphore, #tpu.memory_space<semaphore_mem>>
      %dma_start3A_163 = tpu.memref_slice %arg3[%mul3A_4] : memref<290304xi32, #tpu.memory_space<hbm>> -> memref<1008xi32, #tpu.memory_space<hbm>>
      %dma_start3A_164 = tpu.memref_slice %arg3[%mul3A_4] : memref<290304xi32, #tpu.memory_space<hbm>> -> memref<1008xi32, #tpu.memory_space<hbm>>
      tpu.enqueue_dma source(%dma_start3A_164 : memref<1008xi32, #tpu.memory_space<hbm>>) target(%arg5 : memref<1008xi32, #tpu.memory_space<vmem>>) target_semaphore(%run_scoped3A : memref<!tpu.dma_semaphore, #tpu.memory_space<semaphore_mem>>)
      %dma_wait3A_165 = tpu.memref_slice %arg3[%mul3A_4] : memref<290304xi32, #tpu.memory_space<hbm>> -> memref<1008xi32, #tpu.memory_space<hbm>>
      %dma_wait3A_166 = tpu.memref_slice %arg3[%mul3A_4] : memref<290304xi32, #tpu.memory_space<hbm>> -> memref<1008xi32, #tpu.memory_space<hbm>>
      tpu.wait_dma2 semaphore(%run_scoped3A : memref<!tpu.dma_semaphore, #tpu.memory_space<semaphore_mem>>) src(%dma_wait3A_166 : memref<1008xi32, #tpu.memory_space<hbm>>) dst(%arg5 : memref<1008xi32, #tpu.memory_space<vmem>>)
      tpu.yield
    }) : () -> ()
    %dma_start3A = arith.constant 0 : i32
    %dma_start3A_5 = arith.constant 0 : i32
    %dma_start3A_6 = tpu.memref_slice %arg2[%dma_start3A, %dma_start3A_5] : memref<41472x32xf32, #tpu.memory_space<hbm>> -> memref<41472x32xf32, #tpu.memory_space<hbm>>
    tpu.enqueue_indirect_dma source(%dma_start3A_6 : memref<41472x32xf32, #tpu.memory_space<hbm>>) target(%arg7 : memref<1008x32xf32, #tpu.memory_space<vmem>>) offsets(%arg5 : memref<1008xi32, #tpu.memory_space<vmem>>) semaphore(%arg9 : memref<!tpu.dma_semaphore, #tpu.memory_space<semaphore_mem>>)
    %add3A_7 = arith.constant 1008 : i32
    %add3A_8 = arith.addi %mul3A_4, %add3A_7 : i32
    "tpu.region"() ({
      %run_scoped3A = tpu.sem_alloc : memref<!tpu.dma_semaphore, #tpu.memory_space<semaphore_mem>>
      %dma_start3A_163 = tpu.memref_slice %arg3[%add3A_8] : memref<290304xi32, #tpu.memory_space<hbm>> -> memref<1008xi32, #tpu.memory_space<hbm>>
      %dma_start3A_164 = tpu.memref_slice %arg3[%add3A_8] : memref<290304xi32, #tpu.memory_space<hbm>> -> memref<1008xi32, #tpu.memory_space<hbm>>
      tpu.enqueue_dma source(%dma_start3A_164 : memref<1008xi32, #tpu.memory_space<hbm>>) target(%arg6 : memref<1008xi32, #tpu.memory_space<vmem>>) target_semaphore(%run_scoped3A : memref<!tpu.dma_semaphore, #tpu.memory_space<semaphore_mem>>)
      %dma_wait3A_165 = tpu.memref_slice %arg3[%add3A_8] : memref<290304xi32, #tpu.memory_space<hbm>> -> memref<1008xi32, #tpu.memory_space<hbm>>
      %dma_wait3A_166 = tpu.memref_slice %arg3[%add3A_8] : memref<290304xi32, #tpu.memory_space<hbm>> -> memref<1008xi32, #tpu.memory_space<hbm>>
      tpu.wait_dma2 semaphore(%run_scoped3A : memref<!tpu.dma_semaphore, #tpu.memory_space<semaphore_mem>>) src(%dma_wait3A_166 : memref<1008xi32, #tpu.memory_space<hbm>>) dst(%arg6 : memref<1008xi32, #tpu.memory_space<vmem>>)
      tpu.yield
    }) : () -> ()
    %dma_start3A_9 = arith.constant 0 : i32
    %dma_start3A_10 = arith.constant 0 : i32
    %dma_start3A_11 = tpu.memref_slice %arg2[%dma_start3A_9, %dma_start3A_10] : memref<41472x32xf32, #tpu.memory_space<hbm>> -> memref<41472x32xf32, #tpu.memory_space<hbm>>
    tpu.enqueue_indirect_dma source(%dma_start3A_11 : memref<41472x32xf32, #tpu.memory_space<hbm>>) target(%arg8 : memref<1008x32xf32, #tpu.memory_space<vmem>>) offsets(%arg6 : memref<1008xi32, #tpu.memory_space<vmem>>) semaphore(%arg10 : memref<!tpu.dma_semaphore, #tpu.memory_space<semaphore_mem>>)
    %dma_wait3A = arith.constant 0 : i32
    %dma_wait3A_12 = arith.constant 0 : i32
    %dma_wait3A_13 = tpu.memref_slice %arg2[%dma_wait3A, %dma_wait3A_12] : memref<41472x32xf32, #tpu.memory_space<hbm>> -> memref<41472x32xf32, #tpu.memory_space<hbm>>
    tpu.wait_indirect_dma semaphore(%arg9 : memref<!tpu.dma_semaphore, #tpu.memory_space<semaphore_mem>>) src(%dma_wait3A_13 : memref<41472x32xf32, #tpu.memory_space<hbm>>) dst(%arg7 : memref<1008x32xf32, #tpu.memory_space<vmem>>)
    %add3A_14 = arith.constant 0 : i32
    %add3A_15 = arith.addi %mul3A_4, %add3A_14 : i32
    %dma_start3A_16 = arith.constant 0 : i32
    %dma_start3A_17 = tpu.memref_slice %arg4[%add3A_15, %dma_start3A_16] : memref<290304x32xf32, #tpu.memory_space<hbm>> -> memref<1008x32xf32, #tpu.memory_space<hbm>>
    %dma_start3A_18 = arith.constant 0 : i32
    %dma_start3A_19 = tpu.memref_slice %arg4[%add3A_15, %dma_start3A_18] : memref<290304x32xf32, #tpu.memory_space<hbm>> -> memref<1008x32xf32, #tpu.memory_space<hbm>>
    tpu.enqueue_dma source(%arg7 : memref<1008x32xf32, #tpu.memory_space<vmem>>) target(%dma_start3A_19 : memref<1008x32xf32, #tpu.memory_space<hbm>>) target_semaphore(%arg11 : memref<!tpu.dma_semaphore, #tpu.memory_space<semaphore_mem>>)
    %add3A_20 = arith.constant 2016 : i32
    %add3A_21 = arith.addi %mul3A_4, %add3A_20 : i32
    "tpu.region"() ({
      %run_scoped3A = tpu.sem_alloc : memref<!tpu.dma_semaphore, #tpu.memory_space<semaphore_mem>>
      %dma_start3A_163 = tpu.memref_slice %arg3[%add3A_21] : memref<290304xi32, #tpu.memory_space<hbm>> -> memref<1008xi32, #tpu.memory_space<hbm>>
      %dma_start3A_164 = tpu.memref_slice %arg3[%add3A_21] : memref<290304xi32, #tpu.memory_space<hbm>> -> memref<1008xi32, #tpu.memory_space<hbm>>
      tpu.enqueue_dma source(%dma_start3A_164 : memref<1008xi32, #tpu.memory_space<hbm>>) target(%arg5 : memref<1008xi32, #tpu.memory_space<vmem>>) target_semaphore(%run_scoped3A : memref<!tpu.dma_semaphore, #tpu.memory_space<semaphore_mem>>)
      %dma_wait3A_165 = tpu.memref_slice %arg3[%add3A_21] : memref<290304xi32, #tpu.memory_space<hbm>> -> memref<1008xi32, #tpu.memory_space<hbm>>
      %dma_wait3A_166 = tpu.memref_slice %arg3[%add3A_21] : memref<290304xi32, #tpu.memory_space<hbm>> -> memref<1008xi32, #tpu.memory_space<hbm>>
      tpu.wait_dma2 semaphore(%run_scoped3A : memref<!tpu.dma_semaphore, #tpu.memory_space<semaphore_mem>>) src(%dma_wait3A_166 : memref<1008xi32, #tpu.memory_space<hbm>>) dst(%arg5 : memref<1008xi32, #tpu.memory_space<vmem>>)
      tpu.yield
    }) : () -> ()
    %dma_wait3A_22 = arith.constant 0 : i32
    %dma_wait3A_23 = tpu.memref_slice %arg4[%add3A_15, %dma_wait3A_22] : memref<290304x32xf32, #tpu.memory_space<hbm>> -> memref<1008x32xf32, #tpu.memory_space<hbm>>
    %dma_wait3A_24 = arith.constant 0 : i32
    %dma_wait3A_25 = tpu.memref_slice %arg4[%add3A_15, %dma_wait3A_24] : memref<290304x32xf32, #tpu.memory_space<hbm>> -> memref<1008x32xf32, #tpu.memory_space<hbm>>
    tpu.wait_dma2 semaphore(%arg11 : memref<!tpu.dma_semaphore, #tpu.memory_space<semaphore_mem>>) src(%arg7 : memref<1008x32xf32, #tpu.memory_space<vmem>>) dst(%dma_wait3A_25 : memref<1008x32xf32, #tpu.memory_space<hbm>>)
    %dma_start3A_26 = arith.constant 0 : i32
    %dma_start3A_27 = arith.constant 0 : i32
    %dma_start3A_28 = tpu.memref_slice %arg2[%dma_start3A_26, %dma_start3A_27] : memref<41472x32xf32, #tpu.memory_space<hbm>> -> memref<41472x32xf32, #tpu.memory_space<hbm>>
    tpu.enqueue_indirect_dma source(%dma_start3A_28 : memref<41472x32xf32, #tpu.memory_space<hbm>>) target(%arg7 : memref<1008x32xf32, #tpu.memory_space<vmem>>) offsets(%arg5 : memref<1008xi32, #tpu.memory_space<vmem>>) semaphore(%arg9 : memref<!tpu.dma_semaphore, #tpu.memory_space<semaphore_mem>>)
    %dma_wait3A_29 = arith.constant 0 : i32
    %dma_wait3A_30 = arith.constant 0 : i32
    %dma_wait3A_31 = tpu.memref_slice %arg2[%dma_wait3A_29, %dma_wait3A_30] : memref<41472x32xf32, #tpu.memory_space<hbm>> -> memref<41472x32xf32, #tpu.memory_space<hbm>>
    tpu.wait_indirect_dma semaphore(%arg10 : memref<!tpu.dma_semaphore, #tpu.memory_space<semaphore_mem>>) src(%dma_wait3A_31 : memref<41472x32xf32, #tpu.memory_space<hbm>>) dst(%arg8 : memref<1008x32xf32, #tpu.memory_space<vmem>>)
    %add3A_32 = arith.constant 1008 : i32
    %add3A_33 = arith.addi %mul3A_4, %add3A_32 : i32
    %dma_start3A_34 = arith.constant 0 : i32
    %dma_start3A_35 = tpu.memref_slice %arg4[%add3A_33, %dma_start3A_34] : memref<290304x32xf32, #tpu.memory_space<hbm>> -> memref<1008x32xf32, #tpu.memory_space<hbm>>
    %dma_start3A_36 = arith.constant 0 : i32
    %dma_start3A_37 = tpu.memref_slice %arg4[%add3A_33, %dma_start3A_36] : memref<290304x32xf32, #tpu.memory_space<hbm>> -> memref<1008x32xf32, #tpu.memory_space<hbm>>
    tpu.enqueue_dma source(%arg8 : memref<1008x32xf32, #tpu.memory_space<vmem>>) target(%dma_start3A_37 : memref<1008x32xf32, #tpu.memory_space<hbm>>) target_semaphore(%arg12 : memref<!tpu.dma_semaphore, #tpu.memory_space<semaphore_mem>>)
    %add3A_38 = arith.constant 3024 : i32
    %add3A_39 = arith.addi %mul3A_4, %add3A_38 : i32
    "tpu.region"() ({
      %run_scoped3A = tpu.sem_alloc : memref<!tpu.dma_semaphore, #tpu.memory_space<semaphore_mem>>
      %dma_start3A_163 = tpu.memref_slice %arg3[%add3A_39] : memref<290304xi32, #tpu.memory_space<hbm>> -> memref<1008xi32, #tpu.memory_space<hbm>>
      %dma_start3A_164 = tpu.memref_slice %arg3[%add3A_39] : memref<290304xi32, #tpu.memory_space<hbm>> -> memref<1008xi32, #tpu.memory_space<hbm>>
      tpu.enqueue_dma source(%dma_start3A_164 : memref<1008xi32, #tpu.memory_space<hbm>>) target(%arg6 : memref<1008xi32, #tpu.memory_space<vmem>>) target_semaphore(%run_scoped3A : memref<!tpu.dma_semaphore, #tpu.memory_space<semaphore_mem>>)
      %dma_wait3A_165 = tpu.memref_slice %arg3[%add3A_39] : memref<290304xi32, #tpu.memory_space<hbm>> -> memref<1008xi32, #tpu.memory_space<hbm>>
      %dma_wait3A_166 = tpu.memref_slice %arg3[%add3A_39] : memref<290304xi32, #tpu.memory_space<hbm>> -> memref<1008xi32, #tpu.memory_space<hbm>>
      tpu.wait_dma2 semaphore(%run_scoped3A : memref<!tpu.dma_semaphore, #tpu.memory_space<semaphore_mem>>) src(%dma_wait3A_166 : memref<1008xi32, #tpu.memory_space<hbm>>) dst(%arg6 : memref<1008xi32, #tpu.memory_space<vmem>>)
      tpu.yield
    }) : () -> ()
    %dma_wait3A_40 = arith.constant 0 : i32
    %dma_wait3A_41 = tpu.memref_slice %arg4[%add3A_33, %dma_wait3A_40] : memref<290304x32xf32, #tpu.memory_space<hbm>> -> memref<1008x32xf32, #tpu.memory_space<hbm>>
    %dma_wait3A_42 = arith.constant 0 : i32
    %dma_wait3A_43 = tpu.memref_slice %arg4[%add3A_33, %dma_wait3A_42] : memref<290304x32xf32, #tpu.memory_space<hbm>> -> memref<1008x32xf32, #tpu.memory_space<hbm>>
    tpu.wait_dma2 semaphore(%arg12 : memref<!tpu.dma_semaphore, #tpu.memory_space<semaphore_mem>>) src(%arg8 : memref<1008x32xf32, #tpu.memory_space<vmem>>) dst(%dma_wait3A_43 : memref<1008x32xf32, #tpu.memory_space<hbm>>)
    %dma_start3A_44 = arith.constant 0 : i32
    %dma_start3A_45 = arith.constant 0 : i32
    %dma_start3A_46 = tpu.memref_slice %arg2[%dma_start3A_44, %dma_start3A_45] : memref<41472x32xf32, #tpu.memory_space<hbm>> -> memref<41472x32xf32, #tpu.memory_space<hbm>>
    tpu.enqueue_indirect_dma source(%dma_start3A_46 : memref<41472x32xf32, #tpu.memory_space<hbm>>) target(%arg8 : memref<1008x32xf32, #tpu.memory_space<vmem>>) offsets(%arg6 : memref<1008xi32, #tpu.memory_space<vmem>>) semaphore(%arg10 : memref<!tpu.dma_semaphore, #tpu.memory_space<semaphore_mem>>)
    %dma_wait3A_47 = arith.constant 0 : i32
    %dma_wait3A_48 = arith.constant 0 : i32
    %dma_wait3A_49 = tpu.memref_slice %arg2[%dma_wait3A_47, %dma_wait3A_48] : memref<41472x32xf32, #tpu.memory_space<hbm>> -> memref<41472x32xf32, #tpu.memory_space<hbm>>
    tpu.wait_indirect_dma semaphore(%arg9 : memref<!tpu.dma_semaphore, #tpu.memory_space<semaphore_mem>>) src(%dma_wait3A_49 : memref<41472x32xf32, #tpu.memory_space<hbm>>) dst(%arg7 : memref<1008x32xf32, #tpu.memory_space<vmem>>)
    %add3A_50 = arith.constant 2016 : i32
    %add3A_51 = arith.addi %mul3A_4, %add3A_50 : i32
    %dma_start3A_52 = arith.constant 0 : i32
    %dma_start3A_53 = tpu.memref_slice %arg4[%add3A_51, %dma_start3A_52] : memref<290304x32xf32, #tpu.memory_space<hbm>> -> memref<1008x32xf32, #tpu.memory_space<hbm>>
    %dma_start3A_54 = arith.constant 0 : i32
    %dma_start3A_55 = tpu.memref_slice %arg4[%add3A_51, %dma_start3A_54] : memref<290304x32xf32, #tpu.memory_space<hbm>> -> memref<1008x32xf32, #tpu.memory_space<hbm>>
    tpu.enqueue_dma source(%arg7 : memref<1008x32xf32, #tpu.memory_space<vmem>>) target(%dma_start3A_55 : memref<1008x32xf32, #tpu.memory_space<hbm>>) target_semaphore(%arg11 : memref<!tpu.dma_semaphore, #tpu.memory_space<semaphore_mem>>)
    %add3A_56 = arith.constant 4032 : i32
    %add3A_57 = arith.addi %mul3A_4, %add3A_56 : i32
    "tpu.region"() ({
      %run_scoped3A = tpu.sem_alloc : memref<!tpu.dma_semaphore, #tpu.memory_space<semaphore_mem>>
      %dma_start3A_163 = tpu.memref_slice %arg3[%add3A_57] : memref<290304xi32, #tpu.memory_space<hbm>> -> memref<1008xi32, #tpu.memory_space<hbm>>
      %dma_start3A_164 = tpu.memref_slice %arg3[%add3A_57] : memref<290304xi32, #tpu.memory_space<hbm>> -> memref<1008xi32, #tpu.memory_space<hbm>>
      tpu.enqueue_dma source(%dma_start3A_164 : memref<1008xi32, #tpu.memory_space<hbm>>) target(%arg5 : memref<1008xi32, #tpu.memory_space<vmem>>) target_semaphore(%run_scoped3A : memref<!tpu.dma_semaphore, #tpu.memory_space<semaphore_mem>>)
      %dma_wait3A_165 = tpu.memref_slice %arg3[%add3A_57] : memref<290304xi32, #tpu.memory_space<hbm>> -> memref<1008xi32, #tpu.memory_space<hbm>>
      %dma_wait3A_166 = tpu.memref_slice %arg3[%add3A_57] : memref<290304xi32, #tpu.memory_space<hbm>> -> memref<1008xi32, #tpu.memory_space<hbm>>
      tpu.wait_dma2 semaphore(%run_scoped3A : memref<!tpu.dma_semaphore, #tpu.memory_space<semaphore_mem>>) src(%dma_wait3A_166 : memref<1008xi32, #tpu.memory_space<hbm>>) dst(%arg5 : memref<1008xi32, #tpu.memory_space<vmem>>)
      tpu.yield
    }) : () -> ()
    %dma_wait3A_58 = arith.constant 0 : i32
    %dma_wait3A_59 = tpu.memref_slice %arg4[%add3A_51, %dma_wait3A_58] : memref<290304x32xf32, #tpu.memory_space<hbm>> -> memref<1008x32xf32, #tpu.memory_space<hbm>>
    %dma_wait3A_60 = arith.constant 0 : i32
    %dma_wait3A_61 = tpu.memref_slice %arg4[%add3A_51, %dma_wait3A_60] : memref<290304x32xf32, #tpu.memory_space<hbm>> -> memref<1008x32xf32, #tpu.memory_space<hbm>>
    tpu.wait_dma2 semaphore(%arg11 : memref<!tpu.dma_semaphore, #tpu.memory_space<semaphore_mem>>) src(%arg7 : memref<1008x32xf32, #tpu.memory_space<vmem>>) dst(%dma_wait3A_61 : memref<1008x32xf32, #tpu.memory_space<hbm>>)
    %dma_start3A_62 = arith.constant 0 : i32
    %dma_start3A_63 = arith.constant 0 : i32
    %dma_start3A_64 = tpu.memref_slice %arg2[%dma_start3A_62, %dma_start3A_63] : memref<41472x32xf32, #tpu.memory_space<hbm>> -> memref<41472x32xf32, #tpu.memory_space<hbm>>
    tpu.enqueue_indirect_dma source(%dma_start3A_64 : memref<41472x32xf32, #tpu.memory_space<hbm>>) target(%arg7 : memref<1008x32xf32, #tpu.memory_space<vmem>>) offsets(%arg5 : memref<1008xi32, #tpu.memory_space<vmem>>) semaphore(%arg9 : memref<!tpu.dma_semaphore, #tpu.memory_space<semaphore_mem>>)
    %dma_wait3A_65 = arith.constant 0 : i32
    %dma_wait3A_66 = arith.constant 0 : i32
    %dma_wait3A_67 = tpu.memref_slice %arg2[%dma_wait3A_65, %dma_wait3A_66] : memref<41472x32xf32, #tpu.memory_space<hbm>> -> memref<41472x32xf32, #tpu.memory_space<hbm>>
    tpu.wait_indirect_dma semaphore(%arg10 : memref<!tpu.dma_semaphore, #tpu.memory_space<semaphore_mem>>) src(%dma_wait3A_67 : memref<41472x32xf32, #tpu.memory_space<hbm>>) dst(%arg8 : memref<1008x32xf32, #tpu.memory_space<vmem>>)
    %add3A_68 = arith.constant 3024 : i32
    %add3A_69 = arith.addi %mul3A_4, %add3A_68 : i32
    %dma_start3A_70 = arith.constant 0 : i32
    %dma_start3A_71 = tpu.memref_slice %arg4[%add3A_69, %dma_start3A_70] : memref<290304x32xf32, #tpu.memory_space<hbm>> -> memref<1008x32xf32, #tpu.memory_space<hbm>>
    %dma_start3A_72 = arith.constant 0 : i32
    %dma_start3A_73 = tpu.memref_slice %arg4[%add3A_69, %dma_start3A_72] : memref<290304x32xf32, #tpu.memory_space<hbm>> -> memref<1008x32xf32, #tpu.memory_space<hbm>>
    tpu.enqueue_dma source(%arg8 : memref<1008x32xf32, #tpu.memory_space<vmem>>) target(%dma_start3A_73 : memref<1008x32xf32, #tpu.memory_space<hbm>>) target_semaphore(%arg12 : memref<!tpu.dma_semaphore, #tpu.memory_space<semaphore_mem>>)
    %add3A_74 = arith.constant 5040 : i32
    %add3A_75 = arith.addi %mul3A_4, %add3A_74 : i32
    "tpu.region"() ({
      %run_scoped3A = tpu.sem_alloc : memref<!tpu.dma_semaphore, #tpu.memory_space<semaphore_mem>>
      %dma_start3A_163 = tpu.memref_slice %arg3[%add3A_75] : memref<290304xi32, #tpu.memory_space<hbm>> -> memref<1008xi32, #tpu.memory_space<hbm>>
      %dma_start3A_164 = tpu.memref_slice %arg3[%add3A_75] : memref<290304xi32, #tpu.memory_space<hbm>> -> memref<1008xi32, #tpu.memory_space<hbm>>
      tpu.enqueue_dma source(%dma_start3A_164 : memref<1008xi32, #tpu.memory_space<hbm>>) target(%arg6 : memref<1008xi32, #tpu.memory_space<vmem>>) target_semaphore(%run_scoped3A : memref<!tpu.dma_semaphore, #tpu.memory_space<semaphore_mem>>)
      %dma_wait3A_165 = tpu.memref_slice %arg3[%add3A_75] : memref<290304xi32, #tpu.memory_space<hbm>> -> memref<1008xi32, #tpu.memory_space<hbm>>
      %dma_wait3A_166 = tpu.memref_slice %arg3[%add3A_75] : memref<290304xi32, #tpu.memory_space<hbm>> -> memref<1008xi32, #tpu.memory_space<hbm>>
      tpu.wait_dma2 semaphore(%run_scoped3A : memref<!tpu.dma_semaphore, #tpu.memory_space<semaphore_mem>>) src(%dma_wait3A_166 : memref<1008xi32, #tpu.memory_space<hbm>>) dst(%arg6 : memref<1008xi32, #tpu.memory_space<vmem>>)
      tpu.yield
    }) : () -> ()
    %dma_wait3A_76 = arith.constant 0 : i32
    %dma_wait3A_77 = tpu.memref_slice %arg4[%add3A_69, %dma_wait3A_76] : memref<290304x32xf32, #tpu.memory_space<hbm>> -> memref<1008x32xf32, #tpu.memory_space<hbm>>
    %dma_wait3A_78 = arith.constant 0 : i32
    %dma_wait3A_79 = tpu.memref_slice %arg4[%add3A_69, %dma_wait3A_78] : memref<290304x32xf32, #tpu.memory_space<hbm>> -> memref<1008x32xf32, #tpu.memory_space<hbm>>
    tpu.wait_dma2 semaphore(%arg12 : memref<!tpu.dma_semaphore, #tpu.memory_space<semaphore_mem>>) src(%arg8 : memref<1008x32xf32, #tpu.memory_space<vmem>>) dst(%dma_wait3A_79 : memref<1008x32xf32, #tpu.memory_space<hbm>>)
    %dma_start3A_80 = arith.constant 0 : i32
    %dma_start3A_81 = arith.constant 0 : i32
    %dma_start3A_82 = tpu.memref_slice %arg2[%dma_start3A_80, %dma_start3A_81] : memref<41472x32xf32, #tpu.memory_space<hbm>> -> memref<41472x32xf32, #tpu.memory_space<hbm>>
    tpu.enqueue_indirect_dma source(%dma_start3A_82 : memref<41472x32xf32, #tpu.memory_space<hbm>>) target(%arg8 : memref<1008x32xf32, #tpu.memory_space<vmem>>) offsets(%arg6 : memref<1008xi32, #tpu.memory_space<vmem>>) semaphore(%arg10 : memref<!tpu.dma_semaphore, #tpu.memory_space<semaphore_mem>>)
    %dma_wait3A_83 = arith.constant 0 : i32
    %dma_wait3A_84 = arith.constant 0 : i32
    %dma_wait3A_85 = tpu.memref_slice %arg2[%dma_wait3A_83, %dma_wait3A_84] : memref<41472x32xf32, #tpu.memory_space<hbm>> -> memref<41472x32xf32, #tpu.memory_space<hbm>>
    tpu.wait_indirect_dma semaphore(%arg9 : memref<!tpu.dma_semaphore, #tpu.memory_space<semaphore_mem>>) src(%dma_wait3A_85 : memref<41472x32xf32, #tpu.memory_space<hbm>>) dst(%arg7 : memref<1008x32xf32, #tpu.memory_space<vmem>>)
    %add3A_86 = arith.constant 4032 : i32
    %add3A_87 = arith.addi %mul3A_4, %add3A_86 : i32
    %dma_start3A_88 = arith.constant 0 : i32
    %dma_start3A_89 = tpu.memref_slice %arg4[%add3A_87, %dma_start3A_88] : memref<290304x32xf32, #tpu.memory_space<hbm>> -> memref<1008x32xf32, #tpu.memory_space<hbm>>
    %dma_start3A_90 = arith.constant 0 : i32
    %dma_start3A_91 = tpu.memref_slice %arg4[%add3A_87, %dma_start3A_90] : memref<290304x32xf32, #tpu.memory_space<hbm>> -> memref<1008x32xf32, #tpu.memory_space<hbm>>
    tpu.enqueue_dma source(%arg7 : memref<1008x32xf32, #tpu.memory_space<vmem>>) target(%dma_start3A_91 : memref<1008x32xf32, #tpu.memory_space<hbm>>) target_semaphore(%arg11 : memref<!tpu.dma_semaphore, #tpu.memory_space<semaphore_mem>>)
    %add3A_92 = arith.constant 6048 : i32
    %add3A_93 = arith.addi %mul3A_4, %add3A_92 : i32
    "tpu.region"() ({
      %run_scoped3A = tpu.sem_alloc : memref<!tpu.dma_semaphore, #tpu.memory_space<semaphore_mem>>
      %dma_start3A_163 = tpu.memref_slice %arg3[%add3A_93] : memref<290304xi32, #tpu.memory_space<hbm>> -> memref<1008xi32, #tpu.memory_space<hbm>>
      %dma_start3A_164 = tpu.memref_slice %arg3[%add3A_93] : memref<290304xi32, #tpu.memory_space<hbm>> -> memref<1008xi32, #tpu.memory_space<hbm>>
      tpu.enqueue_dma source(%dma_start3A_164 : memref<1008xi32, #tpu.memory_space<hbm>>) target(%arg5 : memref<1008xi32, #tpu.memory_space<vmem>>) target_semaphore(%run_scoped3A : memref<!tpu.dma_semaphore, #tpu.memory_space<semaphore_mem>>)
      %dma_wait3A_165 = tpu.memref_slice %arg3[%add3A_93] : memref<290304xi32, #tpu.memory_space<hbm>> -> memref<1008xi32, #tpu.memory_space<hbm>>
      %dma_wait3A_166 = tpu.memref_slice %arg3[%add3A_93] : memref<290304xi32, #tpu.memory_space<hbm>> -> memref<1008xi32, #tpu.memory_space<hbm>>
      tpu.wait_dma2 semaphore(%run_scoped3A : memref<!tpu.dma_semaphore, #tpu.memory_space<semaphore_mem>>) src(%dma_wait3A_166 : memref<1008xi32, #tpu.memory_space<hbm>>) dst(%arg5 : memref<1008xi32, #tpu.memory_space<vmem>>)
      tpu.yield
    }) : () -> ()
    %dma_wait3A_94 = arith.constant 0 : i32
    %dma_wait3A_95 = tpu.memref_slice %arg4[%add3A_87, %dma_wait3A_94] : memref<290304x32xf32, #tpu.memory_space<hbm>> -> memref<1008x32xf32, #tpu.memory_space<hbm>>
    %dma_wait3A_96 = arith.constant 0 : i32
    %dma_wait3A_97 = tpu.memref_slice %arg4[%add3A_87, %dma_wait3A_96] : memref<290304x32xf32, #tpu.memory_space<hbm>> -> memref<1008x32xf32, #tpu.memory_space<hbm>>
    tpu.wait_dma2 semaphore(%arg11 : memref<!tpu.dma_semaphore, #tpu.memory_space<semaphore_mem>>) src(%arg7 : memref<1008x32xf32, #tpu.memory_space<vmem>>) dst(%dma_wait3A_97 : memref<1008x32xf32, #tpu.memory_space<hbm>>)
    %dma_start3A_98 = arith.constant 0 : i32
    %dma_start3A_99 = arith.constant 0 : i32
    %dma_start3A_100 = tpu.memref_slice %arg2[%dma_start3A_98, %dma_start3A_99] : memref<41472x32xf32, #tpu.memory_space<hbm>> -> memref<41472x32xf32, #tpu.memory_space<hbm>>
    tpu.enqueue_indirect_dma source(%dma_start3A_100 : memref<41472x32xf32, #tpu.memory_space<hbm>>) target(%arg7 : memref<1008x32xf32, #tpu.memory_space<vmem>>) offsets(%arg5 : memref<1008xi32, #tpu.memory_space<vmem>>) semaphore(%arg9 : memref<!tpu.dma_semaphore, #tpu.memory_space<semaphore_mem>>)
    %dma_wait3A_101 = arith.constant 0 : i32
    %dma_wait3A_102 = arith.constant 0 : i32
    %dma_wait3A_103 = tpu.memref_slice %arg2[%dma_wait3A_101, %dma_wait3A_102] : memref<41472x32xf32, #tpu.memory_space<hbm>> -> memref<41472x32xf32, #tpu.memory_space<hbm>>
    tpu.wait_indirect_dma semaphore(%arg10 : memref<!tpu.dma_semaphore, #tpu.memory_space<semaphore_mem>>) src(%dma_wait3A_103 : memref<41472x32xf32, #tpu.memory_space<hbm>>) dst(%arg8 : memref<1008x32xf32, #tpu.memory_space<vmem>>)
    %add3A_104 = arith.constant 5040 : i32
    %add3A_105 = arith.addi %mul3A_4, %add3A_104 : i32
    %dma_start3A_106 = arith.constant 0 : i32
    %dma_start3A_107 = tpu.memref_slice %arg4[%add3A_105, %dma_start3A_106] : memref<290304x32xf32, #tpu.memory_space<hbm>> -> memref<1008x32xf32, #tpu.memory_space<hbm>>
    %dma_start3A_108 = arith.constant 0 : i32
    %dma_start3A_109 = tpu.memref_slice %arg4[%add3A_105, %dma_start3A_108] : memref<290304x32xf32, #tpu.memory_space<hbm>> -> memref<1008x32xf32, #tpu.memory_space<hbm>>
    tpu.enqueue_dma source(%arg8 : memref<1008x32xf32, #tpu.memory_space<vmem>>) target(%dma_start3A_109 : memref<1008x32xf32, #tpu.memory_space<hbm>>) target_semaphore(%arg12 : memref<!tpu.dma_semaphore, #tpu.memory_space<semaphore_mem>>)
    %add3A_110 = arith.constant 7056 : i32
    %add3A_111 = arith.addi %mul3A_4, %add3A_110 : i32
    "tpu.region"() ({
      %run_scoped3A = tpu.sem_alloc : memref<!tpu.dma_semaphore, #tpu.memory_space<semaphore_mem>>
      %dma_start3A_163 = tpu.memref_slice %arg3[%add3A_111] : memref<290304xi32, #tpu.memory_space<hbm>> -> memref<1008xi32, #tpu.memory_space<hbm>>
      %dma_start3A_164 = tpu.memref_slice %arg3[%add3A_111] : memref<290304xi32, #tpu.memory_space<hbm>> -> memref<1008xi32, #tpu.memory_space<hbm>>
      tpu.enqueue_dma source(%dma_start3A_164 : memref<1008xi32, #tpu.memory_space<hbm>>) target(%arg6 : memref<1008xi32, #tpu.memory_space<vmem>>) target_semaphore(%run_scoped3A : memref<!tpu.dma_semaphore, #tpu.memory_space<semaphore_mem>>)
      %dma_wait3A_165 = tpu.memref_slice %arg3[%add3A_111] : memref<290304xi32, #tpu.memory_space<hbm>> -> memref<1008xi32, #tpu.memory_space<hbm>>
      %dma_wait3A_166 = tpu.memref_slice %arg3[%add3A_111] : memref<290304xi32, #tpu.memory_space<hbm>> -> memref<1008xi32, #tpu.memory_space<hbm>>
      tpu.wait_dma2 semaphore(%run_scoped3A : memref<!tpu.dma_semaphore, #tpu.memory_space<semaphore_mem>>) src(%dma_wait3A_166 : memref<1008xi32, #tpu.memory_space<hbm>>) dst(%arg6 : memref<1008xi32, #tpu.memory_space<vmem>>)
      tpu.yield
    }) : () -> ()
    %dma_wait3A_112 = arith.constant 0 : i32
    %dma_wait3A_113 = tpu.memref_slice %arg4[%add3A_105, %dma_wait3A_112] : memref<290304x32xf32, #tpu.memory_space<hbm>> -> memref<1008x32xf32, #tpu.memory_space<hbm>>
    %dma_wait3A_114 = arith.constant 0 : i32
    %dma_wait3A_115 = tpu.memref_slice %arg4[%add3A_105, %dma_wait3A_114] : memref<290304x32xf32, #tpu.memory_space<hbm>> -> memref<1008x32xf32, #tpu.memory_space<hbm>>
    tpu.wait_dma2 semaphore(%arg12 : memref<!tpu.dma_semaphore, #tpu.memory_space<semaphore_mem>>) src(%arg8 : memref<1008x32xf32, #tpu.memory_space<vmem>>) dst(%dma_wait3A_115 : memref<1008x32xf32, #tpu.memory_space<hbm>>)
    %dma_start3A_116 = arith.constant 0 : i32
    %dma_start3A_117 = arith.constant 0 : i32
    %dma_start3A_118 = tpu.memref_slice %arg2[%dma_start3A_116, %dma_start3A_117] : memref<41472x32xf32, #tpu.memory_space<hbm>> -> memref<41472x32xf32, #tpu.memory_space<hbm>>
    tpu.enqueue_indirect_dma source(%dma_start3A_118 : memref<41472x32xf32, #tpu.memory_space<hbm>>) target(%arg8 : memref<1008x32xf32, #tpu.memory_space<vmem>>) offsets(%arg6 : memref<1008xi32, #tpu.memory_space<vmem>>) semaphore(%arg10 : memref<!tpu.dma_semaphore, #tpu.memory_space<semaphore_mem>>)
    %dma_wait3A_119 = arith.constant 0 : i32
    %dma_wait3A_120 = arith.constant 0 : i32
    %dma_wait3A_121 = tpu.memref_slice %arg2[%dma_wait3A_119, %dma_wait3A_120] : memref<41472x32xf32, #tpu.memory_space<hbm>> -> memref<41472x32xf32, #tpu.memory_space<hbm>>
    tpu.wait_indirect_dma semaphore(%arg9 : memref<!tpu.dma_semaphore, #tpu.memory_space<semaphore_mem>>) src(%dma_wait3A_121 : memref<41472x32xf32, #tpu.memory_space<hbm>>) dst(%arg7 : memref<1008x32xf32, #tpu.memory_space<vmem>>)
    %add3A_122 = arith.constant 6048 : i32
    %add3A_123 = arith.addi %mul3A_4, %add3A_122 : i32
    %dma_start3A_124 = arith.constant 0 : i32
    %dma_start3A_125 = tpu.memref_slice %arg4[%add3A_123, %dma_start3A_124] : memref<290304x32xf32, #tpu.memory_space<hbm>> -> memref<1008x32xf32, #tpu.memory_space<hbm>>
    %dma_start3A_126 = arith.constant 0 : i32
    %dma_start3A_127 = tpu.memref_slice %arg4[%add3A_123, %dma_start3A_126] : memref<290304x32xf32, #tpu.memory_space<hbm>> -> memref<1008x32xf32, #tpu.memory_space<hbm>>
    tpu.enqueue_dma source(%arg7 : memref<1008x32xf32, #tpu.memory_space<vmem>>) target(%dma_start3A_127 : memref<1008x32xf32, #tpu.memory_space<hbm>>) target_semaphore(%arg11 : memref<!tpu.dma_semaphore, #tpu.memory_space<semaphore_mem>>)
    %add3A_128 = arith.constant 8064 : i32
    %add3A_129 = arith.addi %mul3A_4, %add3A_128 : i32
    "tpu.region"() ({
      %run_scoped3A = tpu.sem_alloc : memref<!tpu.dma_semaphore, #tpu.memory_space<semaphore_mem>>
      %dma_start3A_163 = tpu.memref_slice %arg3[%add3A_129] : memref<290304xi32, #tpu.memory_space<hbm>> -> memref<1008xi32, #tpu.memory_space<hbm>>
      %dma_start3A_164 = tpu.memref_slice %arg3[%add3A_129] : memref<290304xi32, #tpu.memory_space<hbm>> -> memref<1008xi32, #tpu.memory_space<hbm>>
      tpu.enqueue_dma source(%dma_start3A_164 : memref<1008xi32, #tpu.memory_space<hbm>>) target(%arg5 : memref<1008xi32, #tpu.memory_space<vmem>>) target_semaphore(%run_scoped3A : memref<!tpu.dma_semaphore, #tpu.memory_space<semaphore_mem>>)
      %dma_wait3A_165 = tpu.memref_slice %arg3[%add3A_129] : memref<290304xi32, #tpu.memory_space<hbm>> -> memref<1008xi32, #tpu.memory_space<hbm>>
      %dma_wait3A_166 = tpu.memref_slice %arg3[%add3A_129] : memref<290304xi32, #tpu.memory_space<hbm>> -> memref<1008xi32, #tpu.memory_space<hbm>>
      tpu.wait_dma2 semaphore(%run_scoped3A : memref<!tpu.dma_semaphore, #tpu.memory_space<semaphore_mem>>) src(%dma_wait3A_166 : memref<1008xi32, #tpu.memory_space<hbm>>) dst(%arg5 : memref<1008xi32, #tpu.memory_space<vmem>>)
      tpu.yield
    }) : () -> ()
    %dma_wait3A_130 = arith.constant 0 : i32
    %dma_wait3A_131 = tpu.memref_slice %arg4[%add3A_123, %dma_wait3A_130] : memref<290304x32xf32, #tpu.memory_space<hbm>> -> memref<1008x32xf32, #tpu.memory_space<hbm>>
    %dma_wait3A_132 = arith.constant 0 : i32
    %dma_wait3A_133 = tpu.memref_slice %arg4[%add3A_123, %dma_wait3A_132] : memref<290304x32xf32, #tpu.memory_space<hbm>> -> memref<1008x32xf32, #tpu.memory_space<hbm>>
    tpu.wait_dma2 semaphore(%arg11 : memref<!tpu.dma_semaphore, #tpu.memory_space<semaphore_mem>>) src(%arg7 : memref<1008x32xf32, #tpu.memory_space<vmem>>) dst(%dma_wait3A_133 : memref<1008x32xf32, #tpu.memory_space<hbm>>)
    %dma_start3A_134 = arith.constant 0 : i32
    %dma_start3A_135 = arith.constant 0 : i32
    %dma_start3A_136 = tpu.memref_slice %arg2[%dma_start3A_134, %dma_start3A_135] : memref<41472x32xf32, #tpu.memory_space<hbm>> -> memref<41472x32xf32, #tpu.memory_space<hbm>>
    tpu.enqueue_indirect_dma source(%dma_start3A_136 : memref<41472x32xf32, #tpu.memory_space<hbm>>) target(%arg7 : memref<1008x32xf32, #tpu.memory_space<vmem>>) offsets(%arg5 : memref<1008xi32, #tpu.memory_space<vmem>>) semaphore(%arg9 : memref<!tpu.dma_semaphore, #tpu.memory_space<semaphore_mem>>)
    %dma_wait3A_137 = arith.constant 0 : i32
    %dma_wait3A_138 = arith.constant 0 : i32
    %dma_wait3A_139 = tpu.memref_slice %arg2[%dma_wait3A_137, %dma_wait3A_138] : memref<41472x32xf32, #tpu.memory_space<hbm>> -> memref<41472x32xf32, #tpu.memory_space<hbm>>
    tpu.wait_indirect_dma semaphore(%arg10 : memref<!tpu.dma_semaphore, #tpu.memory_space<semaphore_mem>>) src(%dma_wait3A_139 : memref<41472x32xf32, #tpu.memory_space<hbm>>) dst(%arg8 : memref<1008x32xf32, #tpu.memory_space<vmem>>)
    %add3A_140 = arith.constant 7056 : i32
    %add3A_141 = arith.addi %mul3A_4, %add3A_140 : i32
    %dma_start3A_142 = arith.constant 0 : i32
    %dma_start3A_143 = tpu.memref_slice %arg4[%add3A_141, %dma_start3A_142] : memref<290304x32xf32, #tpu.memory_space<hbm>> -> memref<1008x32xf32, #tpu.memory_space<hbm>>
    %dma_start3A_144 = arith.constant 0 : i32
    %dma_start3A_145 = tpu.memref_slice %arg4[%add3A_141, %dma_start3A_144] : memref<290304x32xf32, #tpu.memory_space<hbm>> -> memref<1008x32xf32, #tpu.memory_space<hbm>>
    tpu.enqueue_dma source(%arg8 : memref<1008x32xf32, #tpu.memory_space<vmem>>) target(%dma_start3A_145 : memref<1008x32xf32, #tpu.memory_space<hbm>>) target_semaphore(%arg12 : memref<!tpu.dma_semaphore, #tpu.memory_space<semaphore_mem>>)
    %dma_wait3A_146 = arith.constant 0 : i32
    %dma_wait3A_147 = arith.constant 0 : i32
    %dma_wait3A_148 = tpu.memref_slice %arg2[%dma_wait3A_146, %dma_wait3A_147] : memref<41472x32xf32, #tpu.memory_space<hbm>> -> memref<41472x32xf32, #tpu.memory_space<hbm>>
    tpu.wait_indirect_dma semaphore(%arg9 : memref<!tpu.dma_semaphore, #tpu.memory_space<semaphore_mem>>) src(%dma_wait3A_148 : memref<41472x32xf32, #tpu.memory_space<hbm>>) dst(%arg7 : memref<1008x32xf32, #tpu.memory_space<vmem>>)
    %add3A_149 = arith.constant 8064 : i32
    %add3A_150 = arith.addi %mul3A_4, %add3A_149 : i32
    %dma_start3A_151 = arith.constant 0 : i32
    %dma_start3A_152 = tpu.memref_slice %arg4[%add3A_150, %dma_start3A_151] : memref<290304x32xf32, #tpu.memory_space<hbm>> -> memref<1008x32xf32, #tpu.memory_space<hbm>>
    %dma_start3A_153 = arith.constant 0 : i32
    %dma_start3A_154 = tpu.memref_slice %arg4[%add3A_150, %dma_start3A_153] : memref<290304x32xf32, #tpu.memory_space<hbm>> -> memref<1008x32xf32, #tpu.memory_space<hbm>>
    tpu.enqueue_dma source(%arg7 : memref<1008x32xf32, #tpu.memory_space<vmem>>) target(%dma_start3A_154 : memref<1008x32xf32, #tpu.memory_space<hbm>>) target_semaphore(%arg11 : memref<!tpu.dma_semaphore, #tpu.memory_space<semaphore_mem>>)
    %dma_wait3A_155 = arith.constant 0 : i32
    %dma_wait3A_156 = tpu.memref_slice %arg4[%add3A_150, %dma_wait3A_155] : memref<290304x32xf32, #tpu.memory_space<hbm>> -> memref<1008x32xf32, #tpu.memory_space<hbm>>
    %dma_wait3A_157 = arith.constant 0 : i32
    %dma_wait3A_158 = tpu.memref_slice %arg4[%add3A_150, %dma_wait3A_157] : memref<290304x32xf32, #tpu.memory_space<hbm>> -> memref<1008x32xf32, #tpu.memory_space<hbm>>
    tpu.wait_dma2 semaphore(%arg11 : memref<!tpu.dma_semaphore, #tpu.memory_space<semaphore_mem>>) src(%arg7 : memref<1008x32xf32, #tpu.memory_space<vmem>>) dst(%dma_wait3A_158 : memref<1008x32xf32, #tpu.memory_space<hbm>>)
    %dma_wait3A_159 = arith.constant 0 : i32
    %dma_wait3A_160 = tpu.memref_slice %arg4[%add3A_141, %dma_wait3A_159] : memref<290304x32xf32, #tpu.memory_space<hbm>> -> memref<1008x32xf32, #tpu.memory_space<hbm>>
    %dma_wait3A_161 = arith.constant 0 : i32
    %dma_wait3A_162 = tpu.memref_slice %arg4[%add3A_141, %dma_wait3A_161] : memref<290304x32xf32, #tpu.memory_space<hbm>> -> memref<1008x32xf32, #tpu.memory_space<hbm>>
    tpu.wait_dma2 semaphore(%arg12 : memref<!tpu.dma_semaphore, #tpu.memory_space<semaphore_mem>>) src(%arg8 : memref<1008x32xf32, #tpu.memory_space<vmem>>) dst(%dma_wait3A_162 : memref<1008x32xf32, #tpu.memory_space<hbm>>)
    return
  }
}

#map = affine_map<(d0, d1) -> (0, 0)>
#map1 = affine_map<(d0, d1) -> (0)>
module attributes {stable_mosaic.version = 14 : i64} {
  func.func @_sc_gather(%arg0: i32, %arg1: i32, %arg2: memref<41472x64xf32, #tpu.memory_space<hbm>>, %arg3: memref<290304xi32, #tpu.memory_space<hbm>>, %arg4: memref<290304x64xf32, #tpu.memory_space<hbm>>, %arg5: memref<504xi32, #tpu.memory_space<vmem>>, %arg6: memref<504xi32, #tpu.memory_space<vmem>>, %arg7: memref<504x64xf32, #tpu.memory_space<vmem>>, %arg8: memref<504x64xf32, #tpu.memory_space<vmem>>, %arg9: memref<!tpu.dma_semaphore, #tpu.memory_space<semaphore_mem>>, %arg10: memref<!tpu.dma_semaphore, #tpu.memory_space<semaphore_mem>>, %arg11: memref<!tpu.dma_semaphore, #tpu.memory_space<semaphore_mem>>, %arg12: memref<!tpu.dma_semaphore, #tpu.memory_space<semaphore_mem>>) attributes {dimension_semantics = [#tpu.dimension_semantics<core_parallel>, #tpu.dimension_semantics<subcore_parallel>], iteration_bounds = array<i64: 2, 16>, scalar_prefetch = 0 : i64, scratch_operands = 8 : i64, tpu.core_type = #tpu.core_type<sc_vector_subcore>, window_params = [{transform_indices = #map}, {transform_indices = #map1}, {transform_indices = #map}]} {
    %mul3A = arith.constant 2 : i32
    %mul3A_0 = arith.muli %arg1, %mul3A : i32
    %add3A = arith.addi %mul3A_0, %arg0 : i32
    %mul3A_1 = arith.constant 1296 : i32
    %mul3A_2 = arith.muli %add3A, %mul3A_1 : i32
    %mul3A_3 = arith.constant 7 : i32
    %mul3A_4 = arith.muli %mul3A_2, %mul3A_3 : i32
    "tpu.region"() ({
      %run_scoped3A = tpu.sem_alloc : memref<!tpu.dma_semaphore, #tpu.memory_space<semaphore_mem>>
      %dma_start3A_325 = tpu.memref_slice %arg3[%mul3A_4] : memref<290304xi32, #tpu.memory_space<hbm>> -> memref<504xi32, #tpu.memory_space<hbm>>
      %dma_start3A_326 = tpu.memref_slice %arg3[%mul3A_4] : memref<290304xi32, #tpu.memory_space<hbm>> -> memref<504xi32, #tpu.memory_space<hbm>>
      tpu.enqueue_dma source(%dma_start3A_326 : memref<504xi32, #tpu.memory_space<hbm>>) target(%arg5 : memref<504xi32, #tpu.memory_space<vmem>>) target_semaphore(%run_scoped3A : memref<!tpu.dma_semaphore, #tpu.memory_space<semaphore_mem>>)
      %dma_wait3A_327 = tpu.memref_slice %arg3[%mul3A_4] : memref<290304xi32, #tpu.memory_space<hbm>> -> memref<504xi32, #tpu.memory_space<hbm>>
      %dma_wait3A_328 = tpu.memref_slice %arg3[%mul3A_4] : memref<290304xi32, #tpu.memory_space<hbm>> -> memref<504xi32, #tpu.memory_space<hbm>>
      tpu.wait_dma2 semaphore(%run_scoped3A : memref<!tpu.dma_semaphore, #tpu.memory_space<semaphore_mem>>) src(%dma_wait3A_328 : memref<504xi32, #tpu.memory_space<hbm>>) dst(%arg5 : memref<504xi32, #tpu.memory_space<vmem>>)
      tpu.yield
    }) : () -> ()
    %dma_start3A = arith.constant 0 : i32
    %dma_start3A_5 = arith.constant 0 : i32
    %dma_start3A_6 = tpu.memref_slice %arg2[%dma_start3A, %dma_start3A_5] : memref<41472x64xf32, #tpu.memory_space<hbm>> -> memref<41472x64xf32, #tpu.memory_space<hbm>>
    tpu.enqueue_indirect_dma source(%dma_start3A_6 : memref<41472x64xf32, #tpu.memory_space<hbm>>) target(%arg7 : memref<504x64xf32, #tpu.memory_space<vmem>>) offsets(%arg5 : memref<504xi32, #tpu.memory_space<vmem>>) semaphore(%arg9 : memref<!tpu.dma_semaphore, #tpu.memory_space<semaphore_mem>>)
    %add3A_7 = arith.constant 504 : i32
    %add3A_8 = arith.addi %mul3A_4, %add3A_7 : i32
    "tpu.region"() ({
      %run_scoped3A = tpu.sem_alloc : memref<!tpu.dma_semaphore, #tpu.memory_space<semaphore_mem>>
      %dma_start3A_325 = tpu.memref_slice %arg3[%add3A_8] : memref<290304xi32, #tpu.memory_space<hbm>> -> memref<504xi32, #tpu.memory_space<hbm>>
      %dma_start3A_326 = tpu.memref_slice %arg3[%add3A_8] : memref<290304xi32, #tpu.memory_space<hbm>> -> memref<504xi32, #tpu.memory_space<hbm>>
      tpu.enqueue_dma source(%dma_start3A_326 : memref<504xi32, #tpu.memory_space<hbm>>) target(%arg6 : memref<504xi32, #tpu.memory_space<vmem>>) target_semaphore(%run_scoped3A : memref<!tpu.dma_semaphore, #tpu.memory_space<semaphore_mem>>)
      %dma_wait3A_327 = tpu.memref_slice %arg3[%add3A_8] : memref<290304xi32, #tpu.memory_space<hbm>> -> memref<504xi32, #tpu.memory_space<hbm>>
      %dma_wait3A_328 = tpu.memref_slice %arg3[%add3A_8] : memref<290304xi32, #tpu.memory_space<hbm>> -> memref<504xi32, #tpu.memory_space<hbm>>
      tpu.wait_dma2 semaphore(%run_scoped3A : memref<!tpu.dma_semaphore, #tpu.memory_space<semaphore_mem>>) src(%dma_wait3A_328 : memref<504xi32, #tpu.memory_space<hbm>>) dst(%arg6 : memref<504xi32, #tpu.memory_space<vmem>>)
      tpu.yield
    }) : () -> ()
    %dma_start3A_9 = arith.constant 0 : i32
    %dma_start3A_10 = arith.constant 0 : i32
    %dma_start3A_11 = tpu.memref_slice %arg2[%dma_start3A_9, %dma_start3A_10] : memref<41472x64xf32, #tpu.memory_space<hbm>> -> memref<41472x64xf32, #tpu.memory_space<hbm>>
    tpu.enqueue_indirect_dma source(%dma_start3A_11 : memref<41472x64xf32, #tpu.memory_space<hbm>>) target(%arg8 : memref<504x64xf32, #tpu.memory_space<vmem>>) offsets(%arg6 : memref<504xi32, #tpu.memory_space<vmem>>) semaphore(%arg10 : memref<!tpu.dma_semaphore, #tpu.memory_space<semaphore_mem>>)
    %dma_wait3A = arith.constant 0 : i32
    %dma_wait3A_12 = arith.constant 0 : i32
    %dma_wait3A_13 = tpu.memref_slice %arg2[%dma_wait3A, %dma_wait3A_12] : memref<41472x64xf32, #tpu.memory_space<hbm>> -> memref<41472x64xf32, #tpu.memory_space<hbm>>
    tpu.wait_indirect_dma semaphore(%arg9 : memref<!tpu.dma_semaphore, #tpu.memory_space<semaphore_mem>>) src(%dma_wait3A_13 : memref<41472x64xf32, #tpu.memory_space<hbm>>) dst(%arg7 : memref<504x64xf32, #tpu.memory_space<vmem>>)
    %add3A_14 = arith.constant 0 : i32
    %add3A_15 = arith.addi %mul3A_4, %add3A_14 : i32
    %dma_start3A_16 = arith.constant 0 : i32
    %dma_start3A_17 = tpu.memref_slice %arg4[%add3A_15, %dma_start3A_16] : memref<290304x64xf32, #tpu.memory_space<hbm>> -> memref<504x64xf32, #tpu.memory_space<hbm>>
    %dma_start3A_18 = arith.constant 0 : i32
    %dma_start3A_19 = tpu.memref_slice %arg4[%add3A_15, %dma_start3A_18] : memref<290304x64xf32, #tpu.memory_space<hbm>> -> memref<504x64xf32, #tpu.memory_space<hbm>>
    tpu.enqueue_dma source(%arg7 : memref<504x64xf32, #tpu.memory_space<vmem>>) target(%dma_start3A_19 : memref<504x64xf32, #tpu.memory_space<hbm>>) target_semaphore(%arg11 : memref<!tpu.dma_semaphore, #tpu.memory_space<semaphore_mem>>)
    %add3A_20 = arith.constant 1008 : i32
    %add3A_21 = arith.addi %mul3A_4, %add3A_20 : i32
    "tpu.region"() ({
      %run_scoped3A = tpu.sem_alloc : memref<!tpu.dma_semaphore, #tpu.memory_space<semaphore_mem>>
      %dma_start3A_325 = tpu.memref_slice %arg3[%add3A_21] : memref<290304xi32, #tpu.memory_space<hbm>> -> memref<504xi32, #tpu.memory_space<hbm>>
      %dma_start3A_326 = tpu.memref_slice %arg3[%add3A_21] : memref<290304xi32, #tpu.memory_space<hbm>> -> memref<504xi32, #tpu.memory_space<hbm>>
      tpu.enqueue_dma source(%dma_start3A_326 : memref<504xi32, #tpu.memory_space<hbm>>) target(%arg5 : memref<504xi32, #tpu.memory_space<vmem>>) target_semaphore(%run_scoped3A : memref<!tpu.dma_semaphore, #tpu.memory_space<semaphore_mem>>)
      %dma_wait3A_327 = tpu.memref_slice %arg3[%add3A_21] : memref<290304xi32, #tpu.memory_space<hbm>> -> memref<504xi32, #tpu.memory_space<hbm>>
      %dma_wait3A_328 = tpu.memref_slice %arg3[%add3A_21] : memref<290304xi32, #tpu.memory_space<hbm>> -> memref<504xi32, #tpu.memory_space<hbm>>
      tpu.wait_dma2 semaphore(%run_scoped3A : memref<!tpu.dma_semaphore, #tpu.memory_space<semaphore_mem>>) src(%dma_wait3A_328 : memref<504xi32, #tpu.memory_space<hbm>>) dst(%arg5 : memref<504xi32, #tpu.memory_space<vmem>>)
      tpu.yield
    }) : () -> ()
    %dma_wait3A_22 = arith.constant 0 : i32
    %dma_wait3A_23 = tpu.memref_slice %arg4[%add3A_15, %dma_wait3A_22] : memref<290304x64xf32, #tpu.memory_space<hbm>> -> memref<504x64xf32, #tpu.memory_space<hbm>>
    %dma_wait3A_24 = arith.constant 0 : i32
    %dma_wait3A_25 = tpu.memref_slice %arg4[%add3A_15, %dma_wait3A_24] : memref<290304x64xf32, #tpu.memory_space<hbm>> -> memref<504x64xf32, #tpu.memory_space<hbm>>
    tpu.wait_dma2 semaphore(%arg11 : memref<!tpu.dma_semaphore, #tpu.memory_space<semaphore_mem>>) src(%arg7 : memref<504x64xf32, #tpu.memory_space<vmem>>) dst(%dma_wait3A_25 : memref<504x64xf32, #tpu.memory_space<hbm>>)
    %dma_start3A_26 = arith.constant 0 : i32
    %dma_start3A_27 = arith.constant 0 : i32
    %dma_start3A_28 = tpu.memref_slice %arg2[%dma_start3A_26, %dma_start3A_27] : memref<41472x64xf32, #tpu.memory_space<hbm>> -> memref<41472x64xf32, #tpu.memory_space<hbm>>
    tpu.enqueue_indirect_dma source(%dma_start3A_28 : memref<41472x64xf32, #tpu.memory_space<hbm>>) target(%arg7 : memref<504x64xf32, #tpu.memory_space<vmem>>) offsets(%arg5 : memref<504xi32, #tpu.memory_space<vmem>>) semaphore(%arg9 : memref<!tpu.dma_semaphore, #tpu.memory_space<semaphore_mem>>)
    %dma_wait3A_29 = arith.constant 0 : i32
    %dma_wait3A_30 = arith.constant 0 : i32
    %dma_wait3A_31 = tpu.memref_slice %arg2[%dma_wait3A_29, %dma_wait3A_30] : memref<41472x64xf32, #tpu.memory_space<hbm>> -> memref<41472x64xf32, #tpu.memory_space<hbm>>
    tpu.wait_indirect_dma semaphore(%arg10 : memref<!tpu.dma_semaphore, #tpu.memory_space<semaphore_mem>>) src(%dma_wait3A_31 : memref<41472x64xf32, #tpu.memory_space<hbm>>) dst(%arg8 : memref<504x64xf32, #tpu.memory_space<vmem>>)
    %add3A_32 = arith.constant 504 : i32
    %add3A_33 = arith.addi %mul3A_4, %add3A_32 : i32
    %dma_start3A_34 = arith.constant 0 : i32
    %dma_start3A_35 = tpu.memref_slice %arg4[%add3A_33, %dma_start3A_34] : memref<290304x64xf32, #tpu.memory_space<hbm>> -> memref<504x64xf32, #tpu.memory_space<hbm>>
    %dma_start3A_36 = arith.constant 0 : i32
    %dma_start3A_37 = tpu.memref_slice %arg4[%add3A_33, %dma_start3A_36] : memref<290304x64xf32, #tpu.memory_space<hbm>> -> memref<504x64xf32, #tpu.memory_space<hbm>>
    tpu.enqueue_dma source(%arg8 : memref<504x64xf32, #tpu.memory_space<vmem>>) target(%dma_start3A_37 : memref<504x64xf32, #tpu.memory_space<hbm>>) target_semaphore(%arg12 : memref<!tpu.dma_semaphore, #tpu.memory_space<semaphore_mem>>)
    %add3A_38 = arith.constant 1512 : i32
    %add3A_39 = arith.addi %mul3A_4, %add3A_38 : i32
    "tpu.region"() ({
      %run_scoped3A = tpu.sem_alloc : memref<!tpu.dma_semaphore, #tpu.memory_space<semaphore_mem>>
      %dma_start3A_325 = tpu.memref_slice %arg3[%add3A_39] : memref<290304xi32, #tpu.memory_space<hbm>> -> memref<504xi32, #tpu.memory_space<hbm>>
      %dma_start3A_326 = tpu.memref_slice %arg3[%add3A_39] : memref<290304xi32, #tpu.memory_space<hbm>> -> memref<504xi32, #tpu.memory_space<hbm>>
      tpu.enqueue_dma source(%dma_start3A_326 : memref<504xi32, #tpu.memory_space<hbm>>) target(%arg6 : memref<504xi32, #tpu.memory_space<vmem>>) target_semaphore(%run_scoped3A : memref<!tpu.dma_semaphore, #tpu.memory_space<semaphore_mem>>)
      %dma_wait3A_327 = tpu.memref_slice %arg3[%add3A_39] : memref<290304xi32, #tpu.memory_space<hbm>> -> memref<504xi32, #tpu.memory_space<hbm>>
      %dma_wait3A_328 = tpu.memref_slice %arg3[%add3A_39] : memref<290304xi32, #tpu.memory_space<hbm>> -> memref<504xi32, #tpu.memory_space<hbm>>
      tpu.wait_dma2 semaphore(%run_scoped3A : memref<!tpu.dma_semaphore, #tpu.memory_space<semaphore_mem>>) src(%dma_wait3A_328 : memref<504xi32, #tpu.memory_space<hbm>>) dst(%arg6 : memref<504xi32, #tpu.memory_space<vmem>>)
      tpu.yield
    }) : () -> ()
    %dma_wait3A_40 = arith.constant 0 : i32
    %dma_wait3A_41 = tpu.memref_slice %arg4[%add3A_33, %dma_wait3A_40] : memref<290304x64xf32, #tpu.memory_space<hbm>> -> memref<504x64xf32, #tpu.memory_space<hbm>>
    %dma_wait3A_42 = arith.constant 0 : i32
    %dma_wait3A_43 = tpu.memref_slice %arg4[%add3A_33, %dma_wait3A_42] : memref<290304x64xf32, #tpu.memory_space<hbm>> -> memref<504x64xf32, #tpu.memory_space<hbm>>
    tpu.wait_dma2 semaphore(%arg12 : memref<!tpu.dma_semaphore, #tpu.memory_space<semaphore_mem>>) src(%arg8 : memref<504x64xf32, #tpu.memory_space<vmem>>) dst(%dma_wait3A_43 : memref<504x64xf32, #tpu.memory_space<hbm>>)
    %dma_start3A_44 = arith.constant 0 : i32
    %dma_start3A_45 = arith.constant 0 : i32
    %dma_start3A_46 = tpu.memref_slice %arg2[%dma_start3A_44, %dma_start3A_45] : memref<41472x64xf32, #tpu.memory_space<hbm>> -> memref<41472x64xf32, #tpu.memory_space<hbm>>
    tpu.enqueue_indirect_dma source(%dma_start3A_46 : memref<41472x64xf32, #tpu.memory_space<hbm>>) target(%arg8 : memref<504x64xf32, #tpu.memory_space<vmem>>) offsets(%arg6 : memref<504xi32, #tpu.memory_space<vmem>>) semaphore(%arg10 : memref<!tpu.dma_semaphore, #tpu.memory_space<semaphore_mem>>)
    %dma_wait3A_47 = arith.constant 0 : i32
    %dma_wait3A_48 = arith.constant 0 : i32
    %dma_wait3A_49 = tpu.memref_slice %arg2[%dma_wait3A_47, %dma_wait3A_48] : memref<41472x64xf32, #tpu.memory_space<hbm>> -> memref<41472x64xf32, #tpu.memory_space<hbm>>
    tpu.wait_indirect_dma semaphore(%arg9 : memref<!tpu.dma_semaphore, #tpu.memory_space<semaphore_mem>>) src(%dma_wait3A_49 : memref<41472x64xf32, #tpu.memory_space<hbm>>) dst(%arg7 : memref<504x64xf32, #tpu.memory_space<vmem>>)
    %add3A_50 = arith.constant 1008 : i32
    %add3A_51 = arith.addi %mul3A_4, %add3A_50 : i32
    %dma_start3A_52 = arith.constant 0 : i32
    %dma_start3A_53 = tpu.memref_slice %arg4[%add3A_51, %dma_start3A_52] : memref<290304x64xf32, #tpu.memory_space<hbm>> -> memref<504x64xf32, #tpu.memory_space<hbm>>
    %dma_start3A_54 = arith.constant 0 : i32
    %dma_start3A_55 = tpu.memref_slice %arg4[%add3A_51, %dma_start3A_54] : memref<290304x64xf32, #tpu.memory_space<hbm>> -> memref<504x64xf32, #tpu.memory_space<hbm>>
    tpu.enqueue_dma source(%arg7 : memref<504x64xf32, #tpu.memory_space<vmem>>) target(%dma_start3A_55 : memref<504x64xf32, #tpu.memory_space<hbm>>) target_semaphore(%arg11 : memref<!tpu.dma_semaphore, #tpu.memory_space<semaphore_mem>>)
    %add3A_56 = arith.constant 2016 : i32
    %add3A_57 = arith.addi %mul3A_4, %add3A_56 : i32
    "tpu.region"() ({
      %run_scoped3A = tpu.sem_alloc : memref<!tpu.dma_semaphore, #tpu.memory_space<semaphore_mem>>
      %dma_start3A_325 = tpu.memref_slice %arg3[%add3A_57] : memref<290304xi32, #tpu.memory_space<hbm>> -> memref<504xi32, #tpu.memory_space<hbm>>
      %dma_start3A_326 = tpu.memref_slice %arg3[%add3A_57] : memref<290304xi32, #tpu.memory_space<hbm>> -> memref<504xi32, #tpu.memory_space<hbm>>
      tpu.enqueue_dma source(%dma_start3A_326 : memref<504xi32, #tpu.memory_space<hbm>>) target(%arg5 : memref<504xi32, #tpu.memory_space<vmem>>) target_semaphore(%run_scoped3A : memref<!tpu.dma_semaphore, #tpu.memory_space<semaphore_mem>>)
      %dma_wait3A_327 = tpu.memref_slice %arg3[%add3A_57] : memref<290304xi32, #tpu.memory_space<hbm>> -> memref<504xi32, #tpu.memory_space<hbm>>
      %dma_wait3A_328 = tpu.memref_slice %arg3[%add3A_57] : memref<290304xi32, #tpu.memory_space<hbm>> -> memref<504xi32, #tpu.memory_space<hbm>>
      tpu.wait_dma2 semaphore(%run_scoped3A : memref<!tpu.dma_semaphore, #tpu.memory_space<semaphore_mem>>) src(%dma_wait3A_328 : memref<504xi32, #tpu.memory_space<hbm>>) dst(%arg5 : memref<504xi32, #tpu.memory_space<vmem>>)
      tpu.yield
    }) : () -> ()
    %dma_wait3A_58 = arith.constant 0 : i32
    %dma_wait3A_59 = tpu.memref_slice %arg4[%add3A_51, %dma_wait3A_58] : memref<290304x64xf32, #tpu.memory_space<hbm>> -> memref<504x64xf32, #tpu.memory_space<hbm>>
    %dma_wait3A_60 = arith.constant 0 : i32
    %dma_wait3A_61 = tpu.memref_slice %arg4[%add3A_51, %dma_wait3A_60] : memref<290304x64xf32, #tpu.memory_space<hbm>> -> memref<504x64xf32, #tpu.memory_space<hbm>>
    tpu.wait_dma2 semaphore(%arg11 : memref<!tpu.dma_semaphore, #tpu.memory_space<semaphore_mem>>) src(%arg7 : memref<504x64xf32, #tpu.memory_space<vmem>>) dst(%dma_wait3A_61 : memref<504x64xf32, #tpu.memory_space<hbm>>)
    %dma_start3A_62 = arith.constant 0 : i32
    %dma_start3A_63 = arith.constant 0 : i32
    %dma_start3A_64 = tpu.memref_slice %arg2[%dma_start3A_62, %dma_start3A_63] : memref<41472x64xf32, #tpu.memory_space<hbm>> -> memref<41472x64xf32, #tpu.memory_space<hbm>>
    tpu.enqueue_indirect_dma source(%dma_start3A_64 : memref<41472x64xf32, #tpu.memory_space<hbm>>) target(%arg7 : memref<504x64xf32, #tpu.memory_space<vmem>>) offsets(%arg5 : memref<504xi32, #tpu.memory_space<vmem>>) semaphore(%arg9 : memref<!tpu.dma_semaphore, #tpu.memory_space<semaphore_mem>>)
    %dma_wait3A_65 = arith.constant 0 : i32
    %dma_wait3A_66 = arith.constant 0 : i32
    %dma_wait3A_67 = tpu.memref_slice %arg2[%dma_wait3A_65, %dma_wait3A_66] : memref<41472x64xf32, #tpu.memory_space<hbm>> -> memref<41472x64xf32, #tpu.memory_space<hbm>>
    tpu.wait_indirect_dma semaphore(%arg10 : memref<!tpu.dma_semaphore, #tpu.memory_space<semaphore_mem>>) src(%dma_wait3A_67 : memref<41472x64xf32, #tpu.memory_space<hbm>>) dst(%arg8 : memref<504x64xf32, #tpu.memory_space<vmem>>)
    %add3A_68 = arith.constant 1512 : i32
    %add3A_69 = arith.addi %mul3A_4, %add3A_68 : i32
    %dma_start3A_70 = arith.constant 0 : i32
    %dma_start3A_71 = tpu.memref_slice %arg4[%add3A_69, %dma_start3A_70] : memref<290304x64xf32, #tpu.memory_space<hbm>> -> memref<504x64xf32, #tpu.memory_space<hbm>>
    %dma_start3A_72 = arith.constant 0 : i32
    %dma_start3A_73 = tpu.memref_slice %arg4[%add3A_69, %dma_start3A_72] : memref<290304x64xf32, #tpu.memory_space<hbm>> -> memref<504x64xf32, #tpu.memory_space<hbm>>
    tpu.enqueue_dma source(%arg8 : memref<504x64xf32, #tpu.memory_space<vmem>>) target(%dma_start3A_73 : memref<504x64xf32, #tpu.memory_space<hbm>>) target_semaphore(%arg12 : memref<!tpu.dma_semaphore, #tpu.memory_space<semaphore_mem>>)
    %add3A_74 = arith.constant 2520 : i32
    %add3A_75 = arith.addi %mul3A_4, %add3A_74 : i32
    "tpu.region"() ({
      %run_scoped3A = tpu.sem_alloc : memref<!tpu.dma_semaphore, #tpu.memory_space<semaphore_mem>>
      %dma_start3A_325 = tpu.memref_slice %arg3[%add3A_75] : memref<290304xi32, #tpu.memory_space<hbm>> -> memref<504xi32, #tpu.memory_space<hbm>>
      %dma_start3A_326 = tpu.memref_slice %arg3[%add3A_75] : memref<290304xi32, #tpu.memory_space<hbm>> -> memref<504xi32, #tpu.memory_space<hbm>>
      tpu.enqueue_dma source(%dma_start3A_326 : memref<504xi32, #tpu.memory_space<hbm>>) target(%arg6 : memref<504xi32, #tpu.memory_space<vmem>>) target_semaphore(%run_scoped3A : memref<!tpu.dma_semaphore, #tpu.memory_space<semaphore_mem>>)
      %dma_wait3A_327 = tpu.memref_slice %arg3[%add3A_75] : memref<290304xi32, #tpu.memory_space<hbm>> -> memref<504xi32, #tpu.memory_space<hbm>>
      %dma_wait3A_328 = tpu.memref_slice %arg3[%add3A_75] : memref<290304xi32, #tpu.memory_space<hbm>> -> memref<504xi32, #tpu.memory_space<hbm>>
      tpu.wait_dma2 semaphore(%run_scoped3A : memref<!tpu.dma_semaphore, #tpu.memory_space<semaphore_mem>>) src(%dma_wait3A_328 : memref<504xi32, #tpu.memory_space<hbm>>) dst(%arg6 : memref<504xi32, #tpu.memory_space<vmem>>)
      tpu.yield
    }) : () -> ()
    %dma_wait3A_76 = arith.constant 0 : i32
    %dma_wait3A_77 = tpu.memref_slice %arg4[%add3A_69, %dma_wait3A_76] : memref<290304x64xf32, #tpu.memory_space<hbm>> -> memref<504x64xf32, #tpu.memory_space<hbm>>
    %dma_wait3A_78 = arith.constant 0 : i32
    %dma_wait3A_79 = tpu.memref_slice %arg4[%add3A_69, %dma_wait3A_78] : memref<290304x64xf32, #tpu.memory_space<hbm>> -> memref<504x64xf32, #tpu.memory_space<hbm>>
    tpu.wait_dma2 semaphore(%arg12 : memref<!tpu.dma_semaphore, #tpu.memory_space<semaphore_mem>>) src(%arg8 : memref<504x64xf32, #tpu.memory_space<vmem>>) dst(%dma_wait3A_79 : memref<504x64xf32, #tpu.memory_space<hbm>>)
    %dma_start3A_80 = arith.constant 0 : i32
    %dma_start3A_81 = arith.constant 0 : i32
    %dma_start3A_82 = tpu.memref_slice %arg2[%dma_start3A_80, %dma_start3A_81] : memref<41472x64xf32, #tpu.memory_space<hbm>> -> memref<41472x64xf32, #tpu.memory_space<hbm>>
    tpu.enqueue_indirect_dma source(%dma_start3A_82 : memref<41472x64xf32, #tpu.memory_space<hbm>>) target(%arg8 : memref<504x64xf32, #tpu.memory_space<vmem>>) offsets(%arg6 : memref<504xi32, #tpu.memory_space<vmem>>) semaphore(%arg10 : memref<!tpu.dma_semaphore, #tpu.memory_space<semaphore_mem>>)
    %dma_wait3A_83 = arith.constant 0 : i32
    %dma_wait3A_84 = arith.constant 0 : i32
    %dma_wait3A_85 = tpu.memref_slice %arg2[%dma_wait3A_83, %dma_wait3A_84] : memref<41472x64xf32, #tpu.memory_space<hbm>> -> memref<41472x64xf32, #tpu.memory_space<hbm>>
    tpu.wait_indirect_dma semaphore(%arg9 : memref<!tpu.dma_semaphore, #tpu.memory_space<semaphore_mem>>) src(%dma_wait3A_85 : memref<41472x64xf32, #tpu.memory_space<hbm>>) dst(%arg7 : memref<504x64xf32, #tpu.memory_space<vmem>>)
    %add3A_86 = arith.constant 2016 : i32
    %add3A_87 = arith.addi %mul3A_4, %add3A_86 : i32
    %dma_start3A_88 = arith.constant 0 : i32
    %dma_start3A_89 = tpu.memref_slice %arg4[%add3A_87, %dma_start3A_88] : memref<290304x64xf32, #tpu.memory_space<hbm>> -> memref<504x64xf32, #tpu.memory_space<hbm>>
    %dma_start3A_90 = arith.constant 0 : i32
    %dma_start3A_91 = tpu.memref_slice %arg4[%add3A_87, %dma_start3A_90] : memref<290304x64xf32, #tpu.memory_space<hbm>> -> memref<504x64xf32, #tpu.memory_space<hbm>>
    tpu.enqueue_dma source(%arg7 : memref<504x64xf32, #tpu.memory_space<vmem>>) target(%dma_start3A_91 : memref<504x64xf32, #tpu.memory_space<hbm>>) target_semaphore(%arg11 : memref<!tpu.dma_semaphore, #tpu.memory_space<semaphore_mem>>)
    %add3A_92 = arith.constant 3024 : i32
    %add3A_93 = arith.addi %mul3A_4, %add3A_92 : i32
    "tpu.region"() ({
      %run_scoped3A = tpu.sem_alloc : memref<!tpu.dma_semaphore, #tpu.memory_space<semaphore_mem>>
      %dma_start3A_325 = tpu.memref_slice %arg3[%add3A_93] : memref<290304xi32, #tpu.memory_space<hbm>> -> memref<504xi32, #tpu.memory_space<hbm>>
      %dma_start3A_326 = tpu.memref_slice %arg3[%add3A_93] : memref<290304xi32, #tpu.memory_space<hbm>> -> memref<504xi32, #tpu.memory_space<hbm>>
      tpu.enqueue_dma source(%dma_start3A_326 : memref<504xi32, #tpu.memory_space<hbm>>) target(%arg5 : memref<504xi32, #tpu.memory_space<vmem>>) target_semaphore(%run_scoped3A : memref<!tpu.dma_semaphore, #tpu.memory_space<semaphore_mem>>)
      %dma_wait3A_327 = tpu.memref_slice %arg3[%add3A_93] : memref<290304xi32, #tpu.memory_space<hbm>> -> memref<504xi32, #tpu.memory_space<hbm>>
      %dma_wait3A_328 = tpu.memref_slice %arg3[%add3A_93] : memref<290304xi32, #tpu.memory_space<hbm>> -> memref<504xi32, #tpu.memory_space<hbm>>
      tpu.wait_dma2 semaphore(%run_scoped3A : memref<!tpu.dma_semaphore, #tpu.memory_space<semaphore_mem>>) src(%dma_wait3A_328 : memref<504xi32, #tpu.memory_space<hbm>>) dst(%arg5 : memref<504xi32, #tpu.memory_space<vmem>>)
      tpu.yield
    }) : () -> ()
    %dma_wait3A_94 = arith.constant 0 : i32
    %dma_wait3A_95 = tpu.memref_slice %arg4[%add3A_87, %dma_wait3A_94] : memref<290304x64xf32, #tpu.memory_space<hbm>> -> memref<504x64xf32, #tpu.memory_space<hbm>>
    %dma_wait3A_96 = arith.constant 0 : i32
    %dma_wait3A_97 = tpu.memref_slice %arg4[%add3A_87, %dma_wait3A_96] : memref<290304x64xf32, #tpu.memory_space<hbm>> -> memref<504x64xf32, #tpu.memory_space<hbm>>
    tpu.wait_dma2 semaphore(%arg11 : memref<!tpu.dma_semaphore, #tpu.memory_space<semaphore_mem>>) src(%arg7 : memref<504x64xf32, #tpu.memory_space<vmem>>) dst(%dma_wait3A_97 : memref<504x64xf32, #tpu.memory_space<hbm>>)
    %dma_start3A_98 = arith.constant 0 : i32
    %dma_start3A_99 = arith.constant 0 : i32
    %dma_start3A_100 = tpu.memref_slice %arg2[%dma_start3A_98, %dma_start3A_99] : memref<41472x64xf32, #tpu.memory_space<hbm>> -> memref<41472x64xf32, #tpu.memory_space<hbm>>
    tpu.enqueue_indirect_dma source(%dma_start3A_100 : memref<41472x64xf32, #tpu.memory_space<hbm>>) target(%arg7 : memref<504x64xf32, #tpu.memory_space<vmem>>) offsets(%arg5 : memref<504xi32, #tpu.memory_space<vmem>>) semaphore(%arg9 : memref<!tpu.dma_semaphore, #tpu.memory_space<semaphore_mem>>)
    %dma_wait3A_101 = arith.constant 0 : i32
    %dma_wait3A_102 = arith.constant 0 : i32
    %dma_wait3A_103 = tpu.memref_slice %arg2[%dma_wait3A_101, %dma_wait3A_102] : memref<41472x64xf32, #tpu.memory_space<hbm>> -> memref<41472x64xf32, #tpu.memory_space<hbm>>
    tpu.wait_indirect_dma semaphore(%arg10 : memref<!tpu.dma_semaphore, #tpu.memory_space<semaphore_mem>>) src(%dma_wait3A_103 : memref<41472x64xf32, #tpu.memory_space<hbm>>) dst(%arg8 : memref<504x64xf32, #tpu.memory_space<vmem>>)
    %add3A_104 = arith.constant 2520 : i32
    %add3A_105 = arith.addi %mul3A_4, %add3A_104 : i32
    %dma_start3A_106 = arith.constant 0 : i32
    %dma_start3A_107 = tpu.memref_slice %arg4[%add3A_105, %dma_start3A_106] : memref<290304x64xf32, #tpu.memory_space<hbm>> -> memref<504x64xf32, #tpu.memory_space<hbm>>
    %dma_start3A_108 = arith.constant 0 : i32
    %dma_start3A_109 = tpu.memref_slice %arg4[%add3A_105, %dma_start3A_108] : memref<290304x64xf32, #tpu.memory_space<hbm>> -> memref<504x64xf32, #tpu.memory_space<hbm>>
    tpu.enqueue_dma source(%arg8 : memref<504x64xf32, #tpu.memory_space<vmem>>) target(%dma_start3A_109 : memref<504x64xf32, #tpu.memory_space<hbm>>) target_semaphore(%arg12 : memref<!tpu.dma_semaphore, #tpu.memory_space<semaphore_mem>>)
    %add3A_110 = arith.constant 3528 : i32
    %add3A_111 = arith.addi %mul3A_4, %add3A_110 : i32
    "tpu.region"() ({
      %run_scoped3A = tpu.sem_alloc : memref<!tpu.dma_semaphore, #tpu.memory_space<semaphore_mem>>
      %dma_start3A_325 = tpu.memref_slice %arg3[%add3A_111] : memref<290304xi32, #tpu.memory_space<hbm>> -> memref<504xi32, #tpu.memory_space<hbm>>
      %dma_start3A_326 = tpu.memref_slice %arg3[%add3A_111] : memref<290304xi32, #tpu.memory_space<hbm>> -> memref<504xi32, #tpu.memory_space<hbm>>
      tpu.enqueue_dma source(%dma_start3A_326 : memref<504xi32, #tpu.memory_space<hbm>>) target(%arg6 : memref<504xi32, #tpu.memory_space<vmem>>) target_semaphore(%run_scoped3A : memref<!tpu.dma_semaphore, #tpu.memory_space<semaphore_mem>>)
      %dma_wait3A_327 = tpu.memref_slice %arg3[%add3A_111] : memref<290304xi32, #tpu.memory_space<hbm>> -> memref<504xi32, #tpu.memory_space<hbm>>
      %dma_wait3A_328 = tpu.memref_slice %arg3[%add3A_111] : memref<290304xi32, #tpu.memory_space<hbm>> -> memref<504xi32, #tpu.memory_space<hbm>>
      tpu.wait_dma2 semaphore(%run_scoped3A : memref<!tpu.dma_semaphore, #tpu.memory_space<semaphore_mem>>) src(%dma_wait3A_328 : memref<504xi32, #tpu.memory_space<hbm>>) dst(%arg6 : memref<504xi32, #tpu.memory_space<vmem>>)
      tpu.yield
    }) : () -> ()
    %dma_wait3A_112 = arith.constant 0 : i32
    %dma_wait3A_113 = tpu.memref_slice %arg4[%add3A_105, %dma_wait3A_112] : memref<290304x64xf32, #tpu.memory_space<hbm>> -> memref<504x64xf32, #tpu.memory_space<hbm>>
    %dma_wait3A_114 = arith.constant 0 : i32
    %dma_wait3A_115 = tpu.memref_slice %arg4[%add3A_105, %dma_wait3A_114] : memref<290304x64xf32, #tpu.memory_space<hbm>> -> memref<504x64xf32, #tpu.memory_space<hbm>>
    tpu.wait_dma2 semaphore(%arg12 : memref<!tpu.dma_semaphore, #tpu.memory_space<semaphore_mem>>) src(%arg8 : memref<504x64xf32, #tpu.memory_space<vmem>>) dst(%dma_wait3A_115 : memref<504x64xf32, #tpu.memory_space<hbm>>)
    %dma_start3A_116 = arith.constant 0 : i32
    %dma_start3A_117 = arith.constant 0 : i32
    %dma_start3A_118 = tpu.memref_slice %arg2[%dma_start3A_116, %dma_start3A_117] : memref<41472x64xf32, #tpu.memory_space<hbm>> -> memref<41472x64xf32, #tpu.memory_space<hbm>>
    tpu.enqueue_indirect_dma source(%dma_start3A_118 : memref<41472x64xf32, #tpu.memory_space<hbm>>) target(%arg8 : memref<504x64xf32, #tpu.memory_space<vmem>>) offsets(%arg6 : memref<504xi32, #tpu.memory_space<vmem>>) semaphore(%arg10 : memref<!tpu.dma_semaphore, #tpu.memory_space<semaphore_mem>>)
    %dma_wait3A_119 = arith.constant 0 : i32
    %dma_wait3A_120 = arith.constant 0 : i32
    %dma_wait3A_121 = tpu.memref_slice %arg2[%dma_wait3A_119, %dma_wait3A_120] : memref<41472x64xf32, #tpu.memory_space<hbm>> -> memref<41472x64xf32, #tpu.memory_space<hbm>>
    tpu.wait_indirect_dma semaphore(%arg9 : memref<!tpu.dma_semaphore, #tpu.memory_space<semaphore_mem>>) src(%dma_wait3A_121 : memref<41472x64xf32, #tpu.memory_space<hbm>>) dst(%arg7 : memref<504x64xf32, #tpu.memory_space<vmem>>)
    %add3A_122 = arith.constant 3024 : i32
    %add3A_123 = arith.addi %mul3A_4, %add3A_122 : i32
    %dma_start3A_124 = arith.constant 0 : i32
    %dma_start3A_125 = tpu.memref_slice %arg4[%add3A_123, %dma_start3A_124] : memref<290304x64xf32, #tpu.memory_space<hbm>> -> memref<504x64xf32, #tpu.memory_space<hbm>>
    %dma_start3A_126 = arith.constant 0 : i32
    %dma_start3A_127 = tpu.memref_slice %arg4[%add3A_123, %dma_start3A_126] : memref<290304x64xf32, #tpu.memory_space<hbm>> -> memref<504x64xf32, #tpu.memory_space<hbm>>
    tpu.enqueue_dma source(%arg7 : memref<504x64xf32, #tpu.memory_space<vmem>>) target(%dma_start3A_127 : memref<504x64xf32, #tpu.memory_space<hbm>>) target_semaphore(%arg11 : memref<!tpu.dma_semaphore, #tpu.memory_space<semaphore_mem>>)
    %add3A_128 = arith.constant 4032 : i32
    %add3A_129 = arith.addi %mul3A_4, %add3A_128 : i32
    "tpu.region"() ({
      %run_scoped3A = tpu.sem_alloc : memref<!tpu.dma_semaphore, #tpu.memory_space<semaphore_mem>>
      %dma_start3A_325 = tpu.memref_slice %arg3[%add3A_129] : memref<290304xi32, #tpu.memory_space<hbm>> -> memref<504xi32, #tpu.memory_space<hbm>>
      %dma_start3A_326 = tpu.memref_slice %arg3[%add3A_129] : memref<290304xi32, #tpu.memory_space<hbm>> -> memref<504xi32, #tpu.memory_space<hbm>>
      tpu.enqueue_dma source(%dma_start3A_326 : memref<504xi32, #tpu.memory_space<hbm>>) target(%arg5 : memref<504xi32, #tpu.memory_space<vmem>>) target_semaphore(%run_scoped3A : memref<!tpu.dma_semaphore, #tpu.memory_space<semaphore_mem>>)
      %dma_wait3A_327 = tpu.memref_slice %arg3[%add3A_129] : memref<290304xi32, #tpu.memory_space<hbm>> -> memref<504xi32, #tpu.memory_space<hbm>>
      %dma_wait3A_328 = tpu.memref_slice %arg3[%add3A_129] : memref<290304xi32, #tpu.memory_space<hbm>> -> memref<504xi32, #tpu.memory_space<hbm>>
      tpu.wait_dma2 semaphore(%run_scoped3A : memref<!tpu.dma_semaphore, #tpu.memory_space<semaphore_mem>>) src(%dma_wait3A_328 : memref<504xi32, #tpu.memory_space<hbm>>) dst(%arg5 : memref<504xi32, #tpu.memory_space<vmem>>)
      tpu.yield
    }) : () -> ()
    %dma_wait3A_130 = arith.constant 0 : i32
    %dma_wait3A_131 = tpu.memref_slice %arg4[%add3A_123, %dma_wait3A_130] : memref<290304x64xf32, #tpu.memory_space<hbm>> -> memref<504x64xf32, #tpu.memory_space<hbm>>
    %dma_wait3A_132 = arith.constant 0 : i32
    %dma_wait3A_133 = tpu.memref_slice %arg4[%add3A_123, %dma_wait3A_132] : memref<290304x64xf32, #tpu.memory_space<hbm>> -> memref<504x64xf32, #tpu.memory_space<hbm>>
    tpu.wait_dma2 semaphore(%arg11 : memref<!tpu.dma_semaphore, #tpu.memory_space<semaphore_mem>>) src(%arg7 : memref<504x64xf32, #tpu.memory_space<vmem>>) dst(%dma_wait3A_133 : memref<504x64xf32, #tpu.memory_space<hbm>>)
    %dma_start3A_134 = arith.constant 0 : i32
    %dma_start3A_135 = arith.constant 0 : i32
    %dma_start3A_136 = tpu.memref_slice %arg2[%dma_start3A_134, %dma_start3A_135] : memref<41472x64xf32, #tpu.memory_space<hbm>> -> memref<41472x64xf32, #tpu.memory_space<hbm>>
    tpu.enqueue_indirect_dma source(%dma_start3A_136 : memref<41472x64xf32, #tpu.memory_space<hbm>>) target(%arg7 : memref<504x64xf32, #tpu.memory_space<vmem>>) offsets(%arg5 : memref<504xi32, #tpu.memory_space<vmem>>) semaphore(%arg9 : memref<!tpu.dma_semaphore, #tpu.memory_space<semaphore_mem>>)
    %dma_wait3A_137 = arith.constant 0 : i32
    %dma_wait3A_138 = arith.constant 0 : i32
    %dma_wait3A_139 = tpu.memref_slice %arg2[%dma_wait3A_137, %dma_wait3A_138] : memref<41472x64xf32, #tpu.memory_space<hbm>> -> memref<41472x64xf32, #tpu.memory_space<hbm>>
    tpu.wait_indirect_dma semaphore(%arg10 : memref<!tpu.dma_semaphore, #tpu.memory_space<semaphore_mem>>) src(%dma_wait3A_139 : memref<41472x64xf32, #tpu.memory_space<hbm>>) dst(%arg8 : memref<504x64xf32, #tpu.memory_space<vmem>>)
    %add3A_140 = arith.constant 3528 : i32
    %add3A_141 = arith.addi %mul3A_4, %add3A_140 : i32
    %dma_start3A_142 = arith.constant 0 : i32
    %dma_start3A_143 = tpu.memref_slice %arg4[%add3A_141, %dma_start3A_142] : memref<290304x64xf32, #tpu.memory_space<hbm>> -> memref<504x64xf32, #tpu.memory_space<hbm>>
    %dma_start3A_144 = arith.constant 0 : i32
    %dma_start3A_145 = tpu.memref_slice %arg4[%add3A_141, %dma_start3A_144] : memref<290304x64xf32, #tpu.memory_space<hbm>> -> memref<504x64xf32, #tpu.memory_space<hbm>>
    tpu.enqueue_dma source(%arg8 : memref<504x64xf32, #tpu.memory_space<vmem>>) target(%dma_start3A_145 : memref<504x64xf32, #tpu.memory_space<hbm>>) target_semaphore(%arg12 : memref<!tpu.dma_semaphore, #tpu.memory_space<semaphore_mem>>)
    %add3A_146 = arith.constant 4536 : i32
    %add3A_147 = arith.addi %mul3A_4, %add3A_146 : i32
    "tpu.region"() ({
      %run_scoped3A = tpu.sem_alloc : memref<!tpu.dma_semaphore, #tpu.memory_space<semaphore_mem>>
      %dma_start3A_325 = tpu.memref_slice %arg3[%add3A_147] : memref<290304xi32, #tpu.memory_space<hbm>> -> memref<504xi32, #tpu.memory_space<hbm>>
      %dma_start3A_326 = tpu.memref_slice %arg3[%add3A_147] : memref<290304xi32, #tpu.memory_space<hbm>> -> memref<504xi32, #tpu.memory_space<hbm>>
      tpu.enqueue_dma source(%dma_start3A_326 : memref<504xi32, #tpu.memory_space<hbm>>) target(%arg6 : memref<504xi32, #tpu.memory_space<vmem>>) target_semaphore(%run_scoped3A : memref<!tpu.dma_semaphore, #tpu.memory_space<semaphore_mem>>)
      %dma_wait3A_327 = tpu.memref_slice %arg3[%add3A_147] : memref<290304xi32, #tpu.memory_space<hbm>> -> memref<504xi32, #tpu.memory_space<hbm>>
      %dma_wait3A_328 = tpu.memref_slice %arg3[%add3A_147] : memref<290304xi32, #tpu.memory_space<hbm>> -> memref<504xi32, #tpu.memory_space<hbm>>
      tpu.wait_dma2 semaphore(%run_scoped3A : memref<!tpu.dma_semaphore, #tpu.memory_space<semaphore_mem>>) src(%dma_wait3A_328 : memref<504xi32, #tpu.memory_space<hbm>>) dst(%arg6 : memref<504xi32, #tpu.memory_space<vmem>>)
      tpu.yield
    }) : () -> ()
    %dma_wait3A_148 = arith.constant 0 : i32
    %dma_wait3A_149 = tpu.memref_slice %arg4[%add3A_141, %dma_wait3A_148] : memref<290304x64xf32, #tpu.memory_space<hbm>> -> memref<504x64xf32, #tpu.memory_space<hbm>>
    %dma_wait3A_150 = arith.constant 0 : i32
    %dma_wait3A_151 = tpu.memref_slice %arg4[%add3A_141, %dma_wait3A_150] : memref<290304x64xf32, #tpu.memory_space<hbm>> -> memref<504x64xf32, #tpu.memory_space<hbm>>
    tpu.wait_dma2 semaphore(%arg12 : memref<!tpu.dma_semaphore, #tpu.memory_space<semaphore_mem>>) src(%arg8 : memref<504x64xf32, #tpu.memory_space<vmem>>) dst(%dma_wait3A_151 : memref<504x64xf32, #tpu.memory_space<hbm>>)
    %dma_start3A_152 = arith.constant 0 : i32
    %dma_start3A_153 = arith.constant 0 : i32
    %dma_start3A_154 = tpu.memref_slice %arg2[%dma_start3A_152, %dma_start3A_153] : memref<41472x64xf32, #tpu.memory_space<hbm>> -> memref<41472x64xf32, #tpu.memory_space<hbm>>
    tpu.enqueue_indirect_dma source(%dma_start3A_154 : memref<41472x64xf32, #tpu.memory_space<hbm>>) target(%arg8 : memref<504x64xf32, #tpu.memory_space<vmem>>) offsets(%arg6 : memref<504xi32, #tpu.memory_space<vmem>>) semaphore(%arg10 : memref<!tpu.dma_semaphore, #tpu.memory_space<semaphore_mem>>)
    %dma_wait3A_155 = arith.constant 0 : i32
    %dma_wait3A_156 = arith.constant 0 : i32
    %dma_wait3A_157 = tpu.memref_slice %arg2[%dma_wait3A_155, %dma_wait3A_156] : memref<41472x64xf32, #tpu.memory_space<hbm>> -> memref<41472x64xf32, #tpu.memory_space<hbm>>
    tpu.wait_indirect_dma semaphore(%arg9 : memref<!tpu.dma_semaphore, #tpu.memory_space<semaphore_mem>>) src(%dma_wait3A_157 : memref<41472x64xf32, #tpu.memory_space<hbm>>) dst(%arg7 : memref<504x64xf32, #tpu.memory_space<vmem>>)
    %add3A_158 = arith.constant 4032 : i32
    %add3A_159 = arith.addi %mul3A_4, %add3A_158 : i32
    %dma_start3A_160 = arith.constant 0 : i32
    %dma_start3A_161 = tpu.memref_slice %arg4[%add3A_159, %dma_start3A_160] : memref<290304x64xf32, #tpu.memory_space<hbm>> -> memref<504x64xf32, #tpu.memory_space<hbm>>
    %dma_start3A_162 = arith.constant 0 : i32
    %dma_start3A_163 = tpu.memref_slice %arg4[%add3A_159, %dma_start3A_162] : memref<290304x64xf32, #tpu.memory_space<hbm>> -> memref<504x64xf32, #tpu.memory_space<hbm>>
    tpu.enqueue_dma source(%arg7 : memref<504x64xf32, #tpu.memory_space<vmem>>) target(%dma_start3A_163 : memref<504x64xf32, #tpu.memory_space<hbm>>) target_semaphore(%arg11 : memref<!tpu.dma_semaphore, #tpu.memory_space<semaphore_mem>>)
    %add3A_164 = arith.constant 5040 : i32
    %add3A_165 = arith.addi %mul3A_4, %add3A_164 : i32
    "tpu.region"() ({
      %run_scoped3A = tpu.sem_alloc : memref<!tpu.dma_semaphore, #tpu.memory_space<semaphore_mem>>
      %dma_start3A_325 = tpu.memref_slice %arg3[%add3A_165] : memref<290304xi32, #tpu.memory_space<hbm>> -> memref<504xi32, #tpu.memory_space<hbm>>
      %dma_start3A_326 = tpu.memref_slice %arg3[%add3A_165] : memref<290304xi32, #tpu.memory_space<hbm>> -> memref<504xi32, #tpu.memory_space<hbm>>
      tpu.enqueue_dma source(%dma_start3A_326 : memref<504xi32, #tpu.memory_space<hbm>>) target(%arg5 : memref<504xi32, #tpu.memory_space<vmem>>) target_semaphore(%run_scoped3A : memref<!tpu.dma_semaphore, #tpu.memory_space<semaphore_mem>>)
      %dma_wait3A_327 = tpu.memref_slice %arg3[%add3A_165] : memref<290304xi32, #tpu.memory_space<hbm>> -> memref<504xi32, #tpu.memory_space<hbm>>
      %dma_wait3A_328 = tpu.memref_slice %arg3[%add3A_165] : memref<290304xi32, #tpu.memory_space<hbm>> -> memref<504xi32, #tpu.memory_space<hbm>>
      tpu.wait_dma2 semaphore(%run_scoped3A : memref<!tpu.dma_semaphore, #tpu.memory_space<semaphore_mem>>) src(%dma_wait3A_328 : memref<504xi32, #tpu.memory_space<hbm>>) dst(%arg5 : memref<504xi32, #tpu.memory_space<vmem>>)
      tpu.yield
    }) : () -> ()
    %dma_wait3A_166 = arith.constant 0 : i32
    %dma_wait3A_167 = tpu.memref_slice %arg4[%add3A_159, %dma_wait3A_166] : memref<290304x64xf32, #tpu.memory_space<hbm>> -> memref<504x64xf32, #tpu.memory_space<hbm>>
    %dma_wait3A_168 = arith.constant 0 : i32
    %dma_wait3A_169 = tpu.memref_slice %arg4[%add3A_159, %dma_wait3A_168] : memref<290304x64xf32, #tpu.memory_space<hbm>> -> memref<504x64xf32, #tpu.memory_space<hbm>>
    tpu.wait_dma2 semaphore(%arg11 : memref<!tpu.dma_semaphore, #tpu.memory_space<semaphore_mem>>) src(%arg7 : memref<504x64xf32, #tpu.memory_space<vmem>>) dst(%dma_wait3A_169 : memref<504x64xf32, #tpu.memory_space<hbm>>)
    %dma_start3A_170 = arith.constant 0 : i32
    %dma_start3A_171 = arith.constant 0 : i32
    %dma_start3A_172 = tpu.memref_slice %arg2[%dma_start3A_170, %dma_start3A_171] : memref<41472x64xf32, #tpu.memory_space<hbm>> -> memref<41472x64xf32, #tpu.memory_space<hbm>>
    tpu.enqueue_indirect_dma source(%dma_start3A_172 : memref<41472x64xf32, #tpu.memory_space<hbm>>) target(%arg7 : memref<504x64xf32, #tpu.memory_space<vmem>>) offsets(%arg5 : memref<504xi32, #tpu.memory_space<vmem>>) semaphore(%arg9 : memref<!tpu.dma_semaphore, #tpu.memory_space<semaphore_mem>>)
    %dma_wait3A_173 = arith.constant 0 : i32
    %dma_wait3A_174 = arith.constant 0 : i32
    %dma_wait3A_175 = tpu.memref_slice %arg2[%dma_wait3A_173, %dma_wait3A_174] : memref<41472x64xf32, #tpu.memory_space<hbm>> -> memref<41472x64xf32, #tpu.memory_space<hbm>>
    tpu.wait_indirect_dma semaphore(%arg10 : memref<!tpu.dma_semaphore, #tpu.memory_space<semaphore_mem>>) src(%dma_wait3A_175 : memref<41472x64xf32, #tpu.memory_space<hbm>>) dst(%arg8 : memref<504x64xf32, #tpu.memory_space<vmem>>)
    %add3A_176 = arith.constant 4536 : i32
    %add3A_177 = arith.addi %mul3A_4, %add3A_176 : i32
    %dma_start3A_178 = arith.constant 0 : i32
    %dma_start3A_179 = tpu.memref_slice %arg4[%add3A_177, %dma_start3A_178] : memref<290304x64xf32, #tpu.memory_space<hbm>> -> memref<504x64xf32, #tpu.memory_space<hbm>>
    %dma_start3A_180 = arith.constant 0 : i32
    %dma_start3A_181 = tpu.memref_slice %arg4[%add3A_177, %dma_start3A_180] : memref<290304x64xf32, #tpu.memory_space<hbm>> -> memref<504x64xf32, #tpu.memory_space<hbm>>
    tpu.enqueue_dma source(%arg8 : memref<504x64xf32, #tpu.memory_space<vmem>>) target(%dma_start3A_181 : memref<504x64xf32, #tpu.memory_space<hbm>>) target_semaphore(%arg12 : memref<!tpu.dma_semaphore, #tpu.memory_space<semaphore_mem>>)
    %add3A_182 = arith.constant 5544 : i32
    %add3A_183 = arith.addi %mul3A_4, %add3A_182 : i32
    "tpu.region"() ({
      %run_scoped3A = tpu.sem_alloc : memref<!tpu.dma_semaphore, #tpu.memory_space<semaphore_mem>>
      %dma_start3A_325 = tpu.memref_slice %arg3[%add3A_183] : memref<290304xi32, #tpu.memory_space<hbm>> -> memref<504xi32, #tpu.memory_space<hbm>>
      %dma_start3A_326 = tpu.memref_slice %arg3[%add3A_183] : memref<290304xi32, #tpu.memory_space<hbm>> -> memref<504xi32, #tpu.memory_space<hbm>>
      tpu.enqueue_dma source(%dma_start3A_326 : memref<504xi32, #tpu.memory_space<hbm>>) target(%arg6 : memref<504xi32, #tpu.memory_space<vmem>>) target_semaphore(%run_scoped3A : memref<!tpu.dma_semaphore, #tpu.memory_space<semaphore_mem>>)
      %dma_wait3A_327 = tpu.memref_slice %arg3[%add3A_183] : memref<290304xi32, #tpu.memory_space<hbm>> -> memref<504xi32, #tpu.memory_space<hbm>>
      %dma_wait3A_328 = tpu.memref_slice %arg3[%add3A_183] : memref<290304xi32, #tpu.memory_space<hbm>> -> memref<504xi32, #tpu.memory_space<hbm>>
      tpu.wait_dma2 semaphore(%run_scoped3A : memref<!tpu.dma_semaphore, #tpu.memory_space<semaphore_mem>>) src(%dma_wait3A_328 : memref<504xi32, #tpu.memory_space<hbm>>) dst(%arg6 : memref<504xi32, #tpu.memory_space<vmem>>)
      tpu.yield
    }) : () -> ()
    %dma_wait3A_184 = arith.constant 0 : i32
    %dma_wait3A_185 = tpu.memref_slice %arg4[%add3A_177, %dma_wait3A_184] : memref<290304x64xf32, #tpu.memory_space<hbm>> -> memref<504x64xf32, #tpu.memory_space<hbm>>
    %dma_wait3A_186 = arith.constant 0 : i32
    %dma_wait3A_187 = tpu.memref_slice %arg4[%add3A_177, %dma_wait3A_186] : memref<290304x64xf32, #tpu.memory_space<hbm>> -> memref<504x64xf32, #tpu.memory_space<hbm>>
    tpu.wait_dma2 semaphore(%arg12 : memref<!tpu.dma_semaphore, #tpu.memory_space<semaphore_mem>>) src(%arg8 : memref<504x64xf32, #tpu.memory_space<vmem>>) dst(%dma_wait3A_187 : memref<504x64xf32, #tpu.memory_space<hbm>>)
    %dma_start3A_188 = arith.constant 0 : i32
    %dma_start3A_189 = arith.constant 0 : i32
    %dma_start3A_190 = tpu.memref_slice %arg2[%dma_start3A_188, %dma_start3A_189] : memref<41472x64xf32, #tpu.memory_space<hbm>> -> memref<41472x64xf32, #tpu.memory_space<hbm>>
    tpu.enqueue_indirect_dma source(%dma_start3A_190 : memref<41472x64xf32, #tpu.memory_space<hbm>>) target(%arg8 : memref<504x64xf32, #tpu.memory_space<vmem>>) offsets(%arg6 : memref<504xi32, #tpu.memory_space<vmem>>) semaphore(%arg10 : memref<!tpu.dma_semaphore, #tpu.memory_space<semaphore_mem>>)
    %dma_wait3A_191 = arith.constant 0 : i32
    %dma_wait3A_192 = arith.constant 0 : i32
    %dma_wait3A_193 = tpu.memref_slice %arg2[%dma_wait3A_191, %dma_wait3A_192] : memref<41472x64xf32, #tpu.memory_space<hbm>> -> memref<41472x64xf32, #tpu.memory_space<hbm>>
    tpu.wait_indirect_dma semaphore(%arg9 : memref<!tpu.dma_semaphore, #tpu.memory_space<semaphore_mem>>) src(%dma_wait3A_193 : memref<41472x64xf32, #tpu.memory_space<hbm>>) dst(%arg7 : memref<504x64xf32, #tpu.memory_space<vmem>>)
    %add3A_194 = arith.constant 5040 : i32
    %add3A_195 = arith.addi %mul3A_4, %add3A_194 : i32
    %dma_start3A_196 = arith.constant 0 : i32
    %dma_start3A_197 = tpu.memref_slice %arg4[%add3A_195, %dma_start3A_196] : memref<290304x64xf32, #tpu.memory_space<hbm>> -> memref<504x64xf32, #tpu.memory_space<hbm>>
    %dma_start3A_198 = arith.constant 0 : i32
    %dma_start3A_199 = tpu.memref_slice %arg4[%add3A_195, %dma_start3A_198] : memref<290304x64xf32, #tpu.memory_space<hbm>> -> memref<504x64xf32, #tpu.memory_space<hbm>>
    tpu.enqueue_dma source(%arg7 : memref<504x64xf32, #tpu.memory_space<vmem>>) target(%dma_start3A_199 : memref<504x64xf32, #tpu.memory_space<hbm>>) target_semaphore(%arg11 : memref<!tpu.dma_semaphore, #tpu.memory_space<semaphore_mem>>)
    %add3A_200 = arith.constant 6048 : i32
    %add3A_201 = arith.addi %mul3A_4, %add3A_200 : i32
    "tpu.region"() ({
      %run_scoped3A = tpu.sem_alloc : memref<!tpu.dma_semaphore, #tpu.memory_space<semaphore_mem>>
      %dma_start3A_325 = tpu.memref_slice %arg3[%add3A_201] : memref<290304xi32, #tpu.memory_space<hbm>> -> memref<504xi32, #tpu.memory_space<hbm>>
      %dma_start3A_326 = tpu.memref_slice %arg3[%add3A_201] : memref<290304xi32, #tpu.memory_space<hbm>> -> memref<504xi32, #tpu.memory_space<hbm>>
      tpu.enqueue_dma source(%dma_start3A_326 : memref<504xi32, #tpu.memory_space<hbm>>) target(%arg5 : memref<504xi32, #tpu.memory_space<vmem>>) target_semaphore(%run_scoped3A : memref<!tpu.dma_semaphore, #tpu.memory_space<semaphore_mem>>)
      %dma_wait3A_327 = tpu.memref_slice %arg3[%add3A_201] : memref<290304xi32, #tpu.memory_space<hbm>> -> memref<504xi32, #tpu.memory_space<hbm>>
      %dma_wait3A_328 = tpu.memref_slice %arg3[%add3A_201] : memref<290304xi32, #tpu.memory_space<hbm>> -> memref<504xi32, #tpu.memory_space<hbm>>
      tpu.wait_dma2 semaphore(%run_scoped3A : memref<!tpu.dma_semaphore, #tpu.memory_space<semaphore_mem>>) src(%dma_wait3A_328 : memref<504xi32, #tpu.memory_space<hbm>>) dst(%arg5 : memref<504xi32, #tpu.memory_space<vmem>>)
      tpu.yield
    }) : () -> ()
    %dma_wait3A_202 = arith.constant 0 : i32
    %dma_wait3A_203 = tpu.memref_slice %arg4[%add3A_195, %dma_wait3A_202] : memref<290304x64xf32, #tpu.memory_space<hbm>> -> memref<504x64xf32, #tpu.memory_space<hbm>>
    %dma_wait3A_204 = arith.constant 0 : i32
    %dma_wait3A_205 = tpu.memref_slice %arg4[%add3A_195, %dma_wait3A_204] : memref<290304x64xf32, #tpu.memory_space<hbm>> -> memref<504x64xf32, #tpu.memory_space<hbm>>
    tpu.wait_dma2 semaphore(%arg11 : memref<!tpu.dma_semaphore, #tpu.memory_space<semaphore_mem>>) src(%arg7 : memref<504x64xf32, #tpu.memory_space<vmem>>) dst(%dma_wait3A_205 : memref<504x64xf32, #tpu.memory_space<hbm>>)
    %dma_start3A_206 = arith.constant 0 : i32
    %dma_start3A_207 = arith.constant 0 : i32
    %dma_start3A_208 = tpu.memref_slice %arg2[%dma_start3A_206, %dma_start3A_207] : memref<41472x64xf32, #tpu.memory_space<hbm>> -> memref<41472x64xf32, #tpu.memory_space<hbm>>
    tpu.enqueue_indirect_dma source(%dma_start3A_208 : memref<41472x64xf32, #tpu.memory_space<hbm>>) target(%arg7 : memref<504x64xf32, #tpu.memory_space<vmem>>) offsets(%arg5 : memref<504xi32, #tpu.memory_space<vmem>>) semaphore(%arg9 : memref<!tpu.dma_semaphore, #tpu.memory_space<semaphore_mem>>)
    %dma_wait3A_209 = arith.constant 0 : i32
    %dma_wait3A_210 = arith.constant 0 : i32
    %dma_wait3A_211 = tpu.memref_slice %arg2[%dma_wait3A_209, %dma_wait3A_210] : memref<41472x64xf32, #tpu.memory_space<hbm>> -> memref<41472x64xf32, #tpu.memory_space<hbm>>
    tpu.wait_indirect_dma semaphore(%arg10 : memref<!tpu.dma_semaphore, #tpu.memory_space<semaphore_mem>>) src(%dma_wait3A_211 : memref<41472x64xf32, #tpu.memory_space<hbm>>) dst(%arg8 : memref<504x64xf32, #tpu.memory_space<vmem>>)
    %add3A_212 = arith.constant 5544 : i32
    %add3A_213 = arith.addi %mul3A_4, %add3A_212 : i32
    %dma_start3A_214 = arith.constant 0 : i32
    %dma_start3A_215 = tpu.memref_slice %arg4[%add3A_213, %dma_start3A_214] : memref<290304x64xf32, #tpu.memory_space<hbm>> -> memref<504x64xf32, #tpu.memory_space<hbm>>
    %dma_start3A_216 = arith.constant 0 : i32
    %dma_start3A_217 = tpu.memref_slice %arg4[%add3A_213, %dma_start3A_216] : memref<290304x64xf32, #tpu.memory_space<hbm>> -> memref<504x64xf32, #tpu.memory_space<hbm>>
    tpu.enqueue_dma source(%arg8 : memref<504x64xf32, #tpu.memory_space<vmem>>) target(%dma_start3A_217 : memref<504x64xf32, #tpu.memory_space<hbm>>) target_semaphore(%arg12 : memref<!tpu.dma_semaphore, #tpu.memory_space<semaphore_mem>>)
    %add3A_218 = arith.constant 6552 : i32
    %add3A_219 = arith.addi %mul3A_4, %add3A_218 : i32
    "tpu.region"() ({
      %run_scoped3A = tpu.sem_alloc : memref<!tpu.dma_semaphore, #tpu.memory_space<semaphore_mem>>
      %dma_start3A_325 = tpu.memref_slice %arg3[%add3A_219] : memref<290304xi32, #tpu.memory_space<hbm>> -> memref<504xi32, #tpu.memory_space<hbm>>
      %dma_start3A_326 = tpu.memref_slice %arg3[%add3A_219] : memref<290304xi32, #tpu.memory_space<hbm>> -> memref<504xi32, #tpu.memory_space<hbm>>
      tpu.enqueue_dma source(%dma_start3A_326 : memref<504xi32, #tpu.memory_space<hbm>>) target(%arg6 : memref<504xi32, #tpu.memory_space<vmem>>) target_semaphore(%run_scoped3A : memref<!tpu.dma_semaphore, #tpu.memory_space<semaphore_mem>>)
      %dma_wait3A_327 = tpu.memref_slice %arg3[%add3A_219] : memref<290304xi32, #tpu.memory_space<hbm>> -> memref<504xi32, #tpu.memory_space<hbm>>
      %dma_wait3A_328 = tpu.memref_slice %arg3[%add3A_219] : memref<290304xi32, #tpu.memory_space<hbm>> -> memref<504xi32, #tpu.memory_space<hbm>>
      tpu.wait_dma2 semaphore(%run_scoped3A : memref<!tpu.dma_semaphore, #tpu.memory_space<semaphore_mem>>) src(%dma_wait3A_328 : memref<504xi32, #tpu.memory_space<hbm>>) dst(%arg6 : memref<504xi32, #tpu.memory_space<vmem>>)
      tpu.yield
    }) : () -> ()
    %dma_wait3A_220 = arith.constant 0 : i32
    %dma_wait3A_221 = tpu.memref_slice %arg4[%add3A_213, %dma_wait3A_220] : memref<290304x64xf32, #tpu.memory_space<hbm>> -> memref<504x64xf32, #tpu.memory_space<hbm>>
    %dma_wait3A_222 = arith.constant 0 : i32
    %dma_wait3A_223 = tpu.memref_slice %arg4[%add3A_213, %dma_wait3A_222] : memref<290304x64xf32, #tpu.memory_space<hbm>> -> memref<504x64xf32, #tpu.memory_space<hbm>>
    tpu.wait_dma2 semaphore(%arg12 : memref<!tpu.dma_semaphore, #tpu.memory_space<semaphore_mem>>) src(%arg8 : memref<504x64xf32, #tpu.memory_space<vmem>>) dst(%dma_wait3A_223 : memref<504x64xf32, #tpu.memory_space<hbm>>)
    %dma_start3A_224 = arith.constant 0 : i32
    %dma_start3A_225 = arith.constant 0 : i32
    %dma_start3A_226 = tpu.memref_slice %arg2[%dma_start3A_224, %dma_start3A_225] : memref<41472x64xf32, #tpu.memory_space<hbm>> -> memref<41472x64xf32, #tpu.memory_space<hbm>>
    tpu.enqueue_indirect_dma source(%dma_start3A_226 : memref<41472x64xf32, #tpu.memory_space<hbm>>) target(%arg8 : memref<504x64xf32, #tpu.memory_space<vmem>>) offsets(%arg6 : memref<504xi32, #tpu.memory_space<vmem>>) semaphore(%arg10 : memref<!tpu.dma_semaphore, #tpu.memory_space<semaphore_mem>>)
    %dma_wait3A_227 = arith.constant 0 : i32
    %dma_wait3A_228 = arith.constant 0 : i32
    %dma_wait3A_229 = tpu.memref_slice %arg2[%dma_wait3A_227, %dma_wait3A_228] : memref<41472x64xf32, #tpu.memory_space<hbm>> -> memref<41472x64xf32, #tpu.memory_space<hbm>>
    tpu.wait_indirect_dma semaphore(%arg9 : memref<!tpu.dma_semaphore, #tpu.memory_space<semaphore_mem>>) src(%dma_wait3A_229 : memref<41472x64xf32, #tpu.memory_space<hbm>>) dst(%arg7 : memref<504x64xf32, #tpu.memory_space<vmem>>)
    %add3A_230 = arith.constant 6048 : i32
    %add3A_231 = arith.addi %mul3A_4, %add3A_230 : i32
    %dma_start3A_232 = arith.constant 0 : i32
    %dma_start3A_233 = tpu.memref_slice %arg4[%add3A_231, %dma_start3A_232] : memref<290304x64xf32, #tpu.memory_space<hbm>> -> memref<504x64xf32, #tpu.memory_space<hbm>>
    %dma_start3A_234 = arith.constant 0 : i32
    %dma_start3A_235 = tpu.memref_slice %arg4[%add3A_231, %dma_start3A_234] : memref<290304x64xf32, #tpu.memory_space<hbm>> -> memref<504x64xf32, #tpu.memory_space<hbm>>
    tpu.enqueue_dma source(%arg7 : memref<504x64xf32, #tpu.memory_space<vmem>>) target(%dma_start3A_235 : memref<504x64xf32, #tpu.memory_space<hbm>>) target_semaphore(%arg11 : memref<!tpu.dma_semaphore, #tpu.memory_space<semaphore_mem>>)
    %add3A_236 = arith.constant 7056 : i32
    %add3A_237 = arith.addi %mul3A_4, %add3A_236 : i32
    "tpu.region"() ({
      %run_scoped3A = tpu.sem_alloc : memref<!tpu.dma_semaphore, #tpu.memory_space<semaphore_mem>>
      %dma_start3A_325 = tpu.memref_slice %arg3[%add3A_237] : memref<290304xi32, #tpu.memory_space<hbm>> -> memref<504xi32, #tpu.memory_space<hbm>>
      %dma_start3A_326 = tpu.memref_slice %arg3[%add3A_237] : memref<290304xi32, #tpu.memory_space<hbm>> -> memref<504xi32, #tpu.memory_space<hbm>>
      tpu.enqueue_dma source(%dma_start3A_326 : memref<504xi32, #tpu.memory_space<hbm>>) target(%arg5 : memref<504xi32, #tpu.memory_space<vmem>>) target_semaphore(%run_scoped3A : memref<!tpu.dma_semaphore, #tpu.memory_space<semaphore_mem>>)
      %dma_wait3A_327 = tpu.memref_slice %arg3[%add3A_237] : memref<290304xi32, #tpu.memory_space<hbm>> -> memref<504xi32, #tpu.memory_space<hbm>>
      %dma_wait3A_328 = tpu.memref_slice %arg3[%add3A_237] : memref<290304xi32, #tpu.memory_space<hbm>> -> memref<504xi32, #tpu.memory_space<hbm>>
      tpu.wait_dma2 semaphore(%run_scoped3A : memref<!tpu.dma_semaphore, #tpu.memory_space<semaphore_mem>>) src(%dma_wait3A_328 : memref<504xi32, #tpu.memory_space<hbm>>) dst(%arg5 : memref<504xi32, #tpu.memory_space<vmem>>)
      tpu.yield
    }) : () -> ()
    %dma_wait3A_238 = arith.constant 0 : i32
    %dma_wait3A_239 = tpu.memref_slice %arg4[%add3A_231, %dma_wait3A_238] : memref<290304x64xf32, #tpu.memory_space<hbm>> -> memref<504x64xf32, #tpu.memory_space<hbm>>
    %dma_wait3A_240 = arith.constant 0 : i32
    %dma_wait3A_241 = tpu.memref_slice %arg4[%add3A_231, %dma_wait3A_240] : memref<290304x64xf32, #tpu.memory_space<hbm>> -> memref<504x64xf32, #tpu.memory_space<hbm>>
    tpu.wait_dma2 semaphore(%arg11 : memref<!tpu.dma_semaphore, #tpu.memory_space<semaphore_mem>>) src(%arg7 : memref<504x64xf32, #tpu.memory_space<vmem>>) dst(%dma_wait3A_241 : memref<504x64xf32, #tpu.memory_space<hbm>>)
    %dma_start3A_242 = arith.constant 0 : i32
    %dma_start3A_243 = arith.constant 0 : i32
    %dma_start3A_244 = tpu.memref_slice %arg2[%dma_start3A_242, %dma_start3A_243] : memref<41472x64xf32, #tpu.memory_space<hbm>> -> memref<41472x64xf32, #tpu.memory_space<hbm>>
    tpu.enqueue_indirect_dma source(%dma_start3A_244 : memref<41472x64xf32, #tpu.memory_space<hbm>>) target(%arg7 : memref<504x64xf32, #tpu.memory_space<vmem>>) offsets(%arg5 : memref<504xi32, #tpu.memory_space<vmem>>) semaphore(%arg9 : memref<!tpu.dma_semaphore, #tpu.memory_space<semaphore_mem>>)
    %dma_wait3A_245 = arith.constant 0 : i32
    %dma_wait3A_246 = arith.constant 0 : i32
    %dma_wait3A_247 = tpu.memref_slice %arg2[%dma_wait3A_245, %dma_wait3A_246] : memref<41472x64xf32, #tpu.memory_space<hbm>> -> memref<41472x64xf32, #tpu.memory_space<hbm>>
    tpu.wait_indirect_dma semaphore(%arg10 : memref<!tpu.dma_semaphore, #tpu.memory_space<semaphore_mem>>) src(%dma_wait3A_247 : memref<41472x64xf32, #tpu.memory_space<hbm>>) dst(%arg8 : memref<504x64xf32, #tpu.memory_space<vmem>>)
    %add3A_248 = arith.constant 6552 : i32
    %add3A_249 = arith.addi %mul3A_4, %add3A_248 : i32
    %dma_start3A_250 = arith.constant 0 : i32
    %dma_start3A_251 = tpu.memref_slice %arg4[%add3A_249, %dma_start3A_250] : memref<290304x64xf32, #tpu.memory_space<hbm>> -> memref<504x64xf32, #tpu.memory_space<hbm>>
    %dma_start3A_252 = arith.constant 0 : i32
    %dma_start3A_253 = tpu.memref_slice %arg4[%add3A_249, %dma_start3A_252] : memref<290304x64xf32, #tpu.memory_space<hbm>> -> memref<504x64xf32, #tpu.memory_space<hbm>>
    tpu.enqueue_dma source(%arg8 : memref<504x64xf32, #tpu.memory_space<vmem>>) target(%dma_start3A_253 : memref<504x64xf32, #tpu.memory_space<hbm>>) target_semaphore(%arg12 : memref<!tpu.dma_semaphore, #tpu.memory_space<semaphore_mem>>)
    %add3A_254 = arith.constant 7560 : i32
    %add3A_255 = arith.addi %mul3A_4, %add3A_254 : i32
    "tpu.region"() ({
      %run_scoped3A = tpu.sem_alloc : memref<!tpu.dma_semaphore, #tpu.memory_space<semaphore_mem>>
      %dma_start3A_325 = tpu.memref_slice %arg3[%add3A_255] : memref<290304xi32, #tpu.memory_space<hbm>> -> memref<504xi32, #tpu.memory_space<hbm>>
      %dma_start3A_326 = tpu.memref_slice %arg3[%add3A_255] : memref<290304xi32, #tpu.memory_space<hbm>> -> memref<504xi32, #tpu.memory_space<hbm>>
      tpu.enqueue_dma source(%dma_start3A_326 : memref<504xi32, #tpu.memory_space<hbm>>) target(%arg6 : memref<504xi32, #tpu.memory_space<vmem>>) target_semaphore(%run_scoped3A : memref<!tpu.dma_semaphore, #tpu.memory_space<semaphore_mem>>)
      %dma_wait3A_327 = tpu.memref_slice %arg3[%add3A_255] : memref<290304xi32, #tpu.memory_space<hbm>> -> memref<504xi32, #tpu.memory_space<hbm>>
      %dma_wait3A_328 = tpu.memref_slice %arg3[%add3A_255] : memref<290304xi32, #tpu.memory_space<hbm>> -> memref<504xi32, #tpu.memory_space<hbm>>
      tpu.wait_dma2 semaphore(%run_scoped3A : memref<!tpu.dma_semaphore, #tpu.memory_space<semaphore_mem>>) src(%dma_wait3A_328 : memref<504xi32, #tpu.memory_space<hbm>>) dst(%arg6 : memref<504xi32, #tpu.memory_space<vmem>>)
      tpu.yield
    }) : () -> ()
    %dma_wait3A_256 = arith.constant 0 : i32
    %dma_wait3A_257 = tpu.memref_slice %arg4[%add3A_249, %dma_wait3A_256] : memref<290304x64xf32, #tpu.memory_space<hbm>> -> memref<504x64xf32, #tpu.memory_space<hbm>>
    %dma_wait3A_258 = arith.constant 0 : i32
    %dma_wait3A_259 = tpu.memref_slice %arg4[%add3A_249, %dma_wait3A_258] : memref<290304x64xf32, #tpu.memory_space<hbm>> -> memref<504x64xf32, #tpu.memory_space<hbm>>
    tpu.wait_dma2 semaphore(%arg12 : memref<!tpu.dma_semaphore, #tpu.memory_space<semaphore_mem>>) src(%arg8 : memref<504x64xf32, #tpu.memory_space<vmem>>) dst(%dma_wait3A_259 : memref<504x64xf32, #tpu.memory_space<hbm>>)
    %dma_start3A_260 = arith.constant 0 : i32
    %dma_start3A_261 = arith.constant 0 : i32
    %dma_start3A_262 = tpu.memref_slice %arg2[%dma_start3A_260, %dma_start3A_261] : memref<41472x64xf32, #tpu.memory_space<hbm>> -> memref<41472x64xf32, #tpu.memory_space<hbm>>
    tpu.enqueue_indirect_dma source(%dma_start3A_262 : memref<41472x64xf32, #tpu.memory_space<hbm>>) target(%arg8 : memref<504x64xf32, #tpu.memory_space<vmem>>) offsets(%arg6 : memref<504xi32, #tpu.memory_space<vmem>>) semaphore(%arg10 : memref<!tpu.dma_semaphore, #tpu.memory_space<semaphore_mem>>)
    %dma_wait3A_263 = arith.constant 0 : i32
    %dma_wait3A_264 = arith.constant 0 : i32
    %dma_wait3A_265 = tpu.memref_slice %arg2[%dma_wait3A_263, %dma_wait3A_264] : memref<41472x64xf32, #tpu.memory_space<hbm>> -> memref<41472x64xf32, #tpu.memory_space<hbm>>
    tpu.wait_indirect_dma semaphore(%arg9 : memref<!tpu.dma_semaphore, #tpu.memory_space<semaphore_mem>>) src(%dma_wait3A_265 : memref<41472x64xf32, #tpu.memory_space<hbm>>) dst(%arg7 : memref<504x64xf32, #tpu.memory_space<vmem>>)
    %add3A_266 = arith.constant 7056 : i32
    %add3A_267 = arith.addi %mul3A_4, %add3A_266 : i32
    %dma_start3A_268 = arith.constant 0 : i32
    %dma_start3A_269 = tpu.memref_slice %arg4[%add3A_267, %dma_start3A_268] : memref<290304x64xf32, #tpu.memory_space<hbm>> -> memref<504x64xf32, #tpu.memory_space<hbm>>
    %dma_start3A_270 = arith.constant 0 : i32
    %dma_start3A_271 = tpu.memref_slice %arg4[%add3A_267, %dma_start3A_270] : memref<290304x64xf32, #tpu.memory_space<hbm>> -> memref<504x64xf32, #tpu.memory_space<hbm>>
    tpu.enqueue_dma source(%arg7 : memref<504x64xf32, #tpu.memory_space<vmem>>) target(%dma_start3A_271 : memref<504x64xf32, #tpu.memory_space<hbm>>) target_semaphore(%arg11 : memref<!tpu.dma_semaphore, #tpu.memory_space<semaphore_mem>>)
    %add3A_272 = arith.constant 8064 : i32
    %add3A_273 = arith.addi %mul3A_4, %add3A_272 : i32
    "tpu.region"() ({
      %run_scoped3A = tpu.sem_alloc : memref<!tpu.dma_semaphore, #tpu.memory_space<semaphore_mem>>
      %dma_start3A_325 = tpu.memref_slice %arg3[%add3A_273] : memref<290304xi32, #tpu.memory_space<hbm>> -> memref<504xi32, #tpu.memory_space<hbm>>
      %dma_start3A_326 = tpu.memref_slice %arg3[%add3A_273] : memref<290304xi32, #tpu.memory_space<hbm>> -> memref<504xi32, #tpu.memory_space<hbm>>
      tpu.enqueue_dma source(%dma_start3A_326 : memref<504xi32, #tpu.memory_space<hbm>>) target(%arg5 : memref<504xi32, #tpu.memory_space<vmem>>) target_semaphore(%run_scoped3A : memref<!tpu.dma_semaphore, #tpu.memory_space<semaphore_mem>>)
      %dma_wait3A_327 = tpu.memref_slice %arg3[%add3A_273] : memref<290304xi32, #tpu.memory_space<hbm>> -> memref<504xi32, #tpu.memory_space<hbm>>
      %dma_wait3A_328 = tpu.memref_slice %arg3[%add3A_273] : memref<290304xi32, #tpu.memory_space<hbm>> -> memref<504xi32, #tpu.memory_space<hbm>>
      tpu.wait_dma2 semaphore(%run_scoped3A : memref<!tpu.dma_semaphore, #tpu.memory_space<semaphore_mem>>) src(%dma_wait3A_328 : memref<504xi32, #tpu.memory_space<hbm>>) dst(%arg5 : memref<504xi32, #tpu.memory_space<vmem>>)
      tpu.yield
    }) : () -> ()
    %dma_wait3A_274 = arith.constant 0 : i32
    %dma_wait3A_275 = tpu.memref_slice %arg4[%add3A_267, %dma_wait3A_274] : memref<290304x64xf32, #tpu.memory_space<hbm>> -> memref<504x64xf32, #tpu.memory_space<hbm>>
    %dma_wait3A_276 = arith.constant 0 : i32
    %dma_wait3A_277 = tpu.memref_slice %arg4[%add3A_267, %dma_wait3A_276] : memref<290304x64xf32, #tpu.memory_space<hbm>> -> memref<504x64xf32, #tpu.memory_space<hbm>>
    tpu.wait_dma2 semaphore(%arg11 : memref<!tpu.dma_semaphore, #tpu.memory_space<semaphore_mem>>) src(%arg7 : memref<504x64xf32, #tpu.memory_space<vmem>>) dst(%dma_wait3A_277 : memref<504x64xf32, #tpu.memory_space<hbm>>)
    %dma_start3A_278 = arith.constant 0 : i32
    %dma_start3A_279 = arith.constant 0 : i32
    %dma_start3A_280 = tpu.memref_slice %arg2[%dma_start3A_278, %dma_start3A_279] : memref<41472x64xf32, #tpu.memory_space<hbm>> -> memref<41472x64xf32, #tpu.memory_space<hbm>>
    tpu.enqueue_indirect_dma source(%dma_start3A_280 : memref<41472x64xf32, #tpu.memory_space<hbm>>) target(%arg7 : memref<504x64xf32, #tpu.memory_space<vmem>>) offsets(%arg5 : memref<504xi32, #tpu.memory_space<vmem>>) semaphore(%arg9 : memref<!tpu.dma_semaphore, #tpu.memory_space<semaphore_mem>>)
    %dma_wait3A_281 = arith.constant 0 : i32
    %dma_wait3A_282 = arith.constant 0 : i32
    %dma_wait3A_283 = tpu.memref_slice %arg2[%dma_wait3A_281, %dma_wait3A_282] : memref<41472x64xf32, #tpu.memory_space<hbm>> -> memref<41472x64xf32, #tpu.memory_space<hbm>>
    tpu.wait_indirect_dma semaphore(%arg10 : memref<!tpu.dma_semaphore, #tpu.memory_space<semaphore_mem>>) src(%dma_wait3A_283 : memref<41472x64xf32, #tpu.memory_space<hbm>>) dst(%arg8 : memref<504x64xf32, #tpu.memory_space<vmem>>)
    %add3A_284 = arith.constant 7560 : i32
    %add3A_285 = arith.addi %mul3A_4, %add3A_284 : i32
    %dma_start3A_286 = arith.constant 0 : i32
    %dma_start3A_287 = tpu.memref_slice %arg4[%add3A_285, %dma_start3A_286] : memref<290304x64xf32, #tpu.memory_space<hbm>> -> memref<504x64xf32, #tpu.memory_space<hbm>>
    %dma_start3A_288 = arith.constant 0 : i32
    %dma_start3A_289 = tpu.memref_slice %arg4[%add3A_285, %dma_start3A_288] : memref<290304x64xf32, #tpu.memory_space<hbm>> -> memref<504x64xf32, #tpu.memory_space<hbm>>
    tpu.enqueue_dma source(%arg8 : memref<504x64xf32, #tpu.memory_space<vmem>>) target(%dma_start3A_289 : memref<504x64xf32, #tpu.memory_space<hbm>>) target_semaphore(%arg12 : memref<!tpu.dma_semaphore, #tpu.memory_space<semaphore_mem>>)
    %add3A_290 = arith.constant 8568 : i32
    %add3A_291 = arith.addi %mul3A_4, %add3A_290 : i32
    "tpu.region"() ({
      %run_scoped3A = tpu.sem_alloc : memref<!tpu.dma_semaphore, #tpu.memory_space<semaphore_mem>>
      %dma_start3A_325 = tpu.memref_slice %arg3[%add3A_291] : memref<290304xi32, #tpu.memory_space<hbm>> -> memref<504xi32, #tpu.memory_space<hbm>>
      %dma_start3A_326 = tpu.memref_slice %arg3[%add3A_291] : memref<290304xi32, #tpu.memory_space<hbm>> -> memref<504xi32, #tpu.memory_space<hbm>>
      tpu.enqueue_dma source(%dma_start3A_326 : memref<504xi32, #tpu.memory_space<hbm>>) target(%arg6 : memref<504xi32, #tpu.memory_space<vmem>>) target_semaphore(%run_scoped3A : memref<!tpu.dma_semaphore, #tpu.memory_space<semaphore_mem>>)
      %dma_wait3A_327 = tpu.memref_slice %arg3[%add3A_291] : memref<290304xi32, #tpu.memory_space<hbm>> -> memref<504xi32, #tpu.memory_space<hbm>>
      %dma_wait3A_328 = tpu.memref_slice %arg3[%add3A_291] : memref<290304xi32, #tpu.memory_space<hbm>> -> memref<504xi32, #tpu.memory_space<hbm>>
      tpu.wait_dma2 semaphore(%run_scoped3A : memref<!tpu.dma_semaphore, #tpu.memory_space<semaphore_mem>>) src(%dma_wait3A_328 : memref<504xi32, #tpu.memory_space<hbm>>) dst(%arg6 : memref<504xi32, #tpu.memory_space<vmem>>)
      tpu.yield
    }) : () -> ()
    %dma_wait3A_292 = arith.constant 0 : i32
    %dma_wait3A_293 = tpu.memref_slice %arg4[%add3A_285, %dma_wait3A_292] : memref<290304x64xf32, #tpu.memory_space<hbm>> -> memref<504x64xf32, #tpu.memory_space<hbm>>
    %dma_wait3A_294 = arith.constant 0 : i32
    %dma_wait3A_295 = tpu.memref_slice %arg4[%add3A_285, %dma_wait3A_294] : memref<290304x64xf32, #tpu.memory_space<hbm>> -> memref<504x64xf32, #tpu.memory_space<hbm>>
    tpu.wait_dma2 semaphore(%arg12 : memref<!tpu.dma_semaphore, #tpu.memory_space<semaphore_mem>>) src(%arg8 : memref<504x64xf32, #tpu.memory_space<vmem>>) dst(%dma_wait3A_295 : memref<504x64xf32, #tpu.memory_space<hbm>>)
    %dma_start3A_296 = arith.constant 0 : i32
    %dma_start3A_297 = arith.constant 0 : i32
    %dma_start3A_298 = tpu.memref_slice %arg2[%dma_start3A_296, %dma_start3A_297] : memref<41472x64xf32, #tpu.memory_space<hbm>> -> memref<41472x64xf32, #tpu.memory_space<hbm>>
    tpu.enqueue_indirect_dma source(%dma_start3A_298 : memref<41472x64xf32, #tpu.memory_space<hbm>>) target(%arg8 : memref<504x64xf32, #tpu.memory_space<vmem>>) offsets(%arg6 : memref<504xi32, #tpu.memory_space<vmem>>) semaphore(%arg10 : memref<!tpu.dma_semaphore, #tpu.memory_space<semaphore_mem>>)
    %dma_wait3A_299 = arith.constant 0 : i32
    %dma_wait3A_300 = arith.constant 0 : i32
    %dma_wait3A_301 = tpu.memref_slice %arg2[%dma_wait3A_299, %dma_wait3A_300] : memref<41472x64xf32, #tpu.memory_space<hbm>> -> memref<41472x64xf32, #tpu.memory_space<hbm>>
    tpu.wait_indirect_dma semaphore(%arg9 : memref<!tpu.dma_semaphore, #tpu.memory_space<semaphore_mem>>) src(%dma_wait3A_301 : memref<41472x64xf32, #tpu.memory_space<hbm>>) dst(%arg7 : memref<504x64xf32, #tpu.memory_space<vmem>>)
    %add3A_302 = arith.constant 8064 : i32
    %add3A_303 = arith.addi %mul3A_4, %add3A_302 : i32
    %dma_start3A_304 = arith.constant 0 : i32
    %dma_start3A_305 = tpu.memref_slice %arg4[%add3A_303, %dma_start3A_304] : memref<290304x64xf32, #tpu.memory_space<hbm>> -> memref<504x64xf32, #tpu.memory_space<hbm>>
    %dma_start3A_306 = arith.constant 0 : i32
    %dma_start3A_307 = tpu.memref_slice %arg4[%add3A_303, %dma_start3A_306] : memref<290304x64xf32, #tpu.memory_space<hbm>> -> memref<504x64xf32, #tpu.memory_space<hbm>>
    tpu.enqueue_dma source(%arg7 : memref<504x64xf32, #tpu.memory_space<vmem>>) target(%dma_start3A_307 : memref<504x64xf32, #tpu.memory_space<hbm>>) target_semaphore(%arg11 : memref<!tpu.dma_semaphore, #tpu.memory_space<semaphore_mem>>)
    %dma_wait3A_308 = arith.constant 0 : i32
    %dma_wait3A_309 = arith.constant 0 : i32
    %dma_wait3A_310 = tpu.memref_slice %arg2[%dma_wait3A_308, %dma_wait3A_309] : memref<41472x64xf32, #tpu.memory_space<hbm>> -> memref<41472x64xf32, #tpu.memory_space<hbm>>
    tpu.wait_indirect_dma semaphore(%arg10 : memref<!tpu.dma_semaphore, #tpu.memory_space<semaphore_mem>>) src(%dma_wait3A_310 : memref<41472x64xf32, #tpu.memory_space<hbm>>) dst(%arg8 : memref<504x64xf32, #tpu.memory_space<vmem>>)
    %add3A_311 = arith.constant 8568 : i32
    %add3A_312 = arith.addi %mul3A_4, %add3A_311 : i32
    %dma_start3A_313 = arith.constant 0 : i32
    %dma_start3A_314 = tpu.memref_slice %arg4[%add3A_312, %dma_start3A_313] : memref<290304x64xf32, #tpu.memory_space<hbm>> -> memref<504x64xf32, #tpu.memory_space<hbm>>
    %dma_start3A_315 = arith.constant 0 : i32
    %dma_start3A_316 = tpu.memref_slice %arg4[%add3A_312, %dma_start3A_315] : memref<290304x64xf32, #tpu.memory_space<hbm>> -> memref<504x64xf32, #tpu.memory_space<hbm>>
    tpu.enqueue_dma source(%arg8 : memref<504x64xf32, #tpu.memory_space<vmem>>) target(%dma_start3A_316 : memref<504x64xf32, #tpu.memory_space<hbm>>) target_semaphore(%arg12 : memref<!tpu.dma_semaphore, #tpu.memory_space<semaphore_mem>>)
    %dma_wait3A_317 = arith.constant 0 : i32
    %dma_wait3A_318 = tpu.memref_slice %arg4[%add3A_303, %dma_wait3A_317] : memref<290304x64xf32, #tpu.memory_space<hbm>> -> memref<504x64xf32, #tpu.memory_space<hbm>>
    %dma_wait3A_319 = arith.constant 0 : i32
    %dma_wait3A_320 = tpu.memref_slice %arg4[%add3A_303, %dma_wait3A_319] : memref<290304x64xf32, #tpu.memory_space<hbm>> -> memref<504x64xf32, #tpu.memory_space<hbm>>
    tpu.wait_dma2 semaphore(%arg11 : memref<!tpu.dma_semaphore, #tpu.memory_space<semaphore_mem>>) src(%arg7 : memref<504x64xf32, #tpu.memory_space<vmem>>) dst(%dma_wait3A_320 : memref<504x64xf32, #tpu.memory_space<hbm>>)
    %dma_wait3A_321 = arith.constant 0 : i32
    %dma_wait3A_322 = tpu.memref_slice %arg4[%add3A_312, %dma_wait3A_321] : memref<290304x64xf32, #tpu.memory_space<hbm>> -> memref<504x64xf32, #tpu.memory_space<hbm>>
    %dma_wait3A_323 = arith.constant 0 : i32
    %dma_wait3A_324 = tpu.memref_slice %arg4[%add3A_312, %dma_wait3A_323] : memref<290304x64xf32, #tpu.memory_space<hbm>> -> memref<504x64xf32, #tpu.memory_space<hbm>>
    tpu.wait_dma2 semaphore(%arg12 : memref<!tpu.dma_semaphore, #tpu.memory_space<semaphore_mem>>) src(%arg8 : memref<504x64xf32, #tpu.memory_space<vmem>>) dst(%dma_wait3A_324 : memref<504x64xf32, #tpu.memory_space<hbm>>)
    return
  }
}

#map = affine_map<(d0, d1) -> (0, 0)>
#map1 = affine_map<(d0, d1) -> (0)>
module attributes {stable_mosaic.version = 14 : i64} {
  func.func @_sc_pool(%arg0: i32, %arg1: i32, %arg2: memref<163842x32xf32, #tpu.memory_space<hbm>>, %arg3: memref<290304xi32, #tpu.memory_space<hbm>>, %arg4: memref<41472x32xf32, #tpu.memory_space<hbm>>, %arg5: memref<1008xi32, #tpu.memory_space<vmem>>, %arg6: memref<1008xi32, #tpu.memory_space<vmem>>, %arg7: memref<1008x32xf32, #tpu.memory_space<vmem>>, %arg8: memref<1008x32xf32, #tpu.memory_space<vmem>>, %arg9: memref<144x32xf32, #tpu.memory_space<vmem>>, %arg10: memref<144x32xf32, #tpu.memory_space<vmem>>, %arg11: memref<!tpu.dma_semaphore, #tpu.memory_space<semaphore_mem>>, %arg12: memref<!tpu.dma_semaphore, #tpu.memory_space<semaphore_mem>>, %arg13: memref<!tpu.dma_semaphore, #tpu.memory_space<semaphore_mem>>, %arg14: memref<!tpu.dma_semaphore, #tpu.memory_space<semaphore_mem>>) attributes {dimension_semantics = [#tpu.dimension_semantics<core_parallel>, #tpu.dimension_semantics<subcore_parallel>], iteration_bounds = array<i64: 2, 16>, scalar_prefetch = 0 : i64, scratch_operands = 10 : i64, tpu.core_type = #tpu.core_type<sc_vector_subcore>, window_params = [{transform_indices = #map}, {transform_indices = #map1}, {transform_indices = #map}]} {
    %mul3A = arith.constant 2 : i32
    %mul3A_0 = arith.muli %arg1, %mul3A : i32
    %add3A = arith.addi %mul3A_0, %arg0 : i32
    %mul3A_1 = arith.constant 1296 : i32
    %mul3A_2 = arith.muli %add3A, %mul3A_1 : i32
    %mul3A_3 = arith.constant 7 : i32
    %mul3A_4 = arith.muli %mul3A_2, %mul3A_3 : i32
    "tpu.region"() ({
      %run_scoped3A = tpu.sem_alloc : memref<!tpu.dma_semaphore, #tpu.memory_space<semaphore_mem>>
      %dma_start3A_232 = tpu.memref_slice %arg3[%mul3A_4] : memref<290304xi32, #tpu.memory_space<hbm>> -> memref<1008xi32, #tpu.memory_space<hbm>>
      %dma_start3A_233 = tpu.memref_slice %arg3[%mul3A_4] : memref<290304xi32, #tpu.memory_space<hbm>> -> memref<1008xi32, #tpu.memory_space<hbm>>
      tpu.enqueue_dma source(%dma_start3A_233 : memref<1008xi32, #tpu.memory_space<hbm>>) target(%arg5 : memref<1008xi32, #tpu.memory_space<vmem>>) target_semaphore(%run_scoped3A : memref<!tpu.dma_semaphore, #tpu.memory_space<semaphore_mem>>)
      %dma_wait3A_234 = tpu.memref_slice %arg3[%mul3A_4] : memref<290304xi32, #tpu.memory_space<hbm>> -> memref<1008xi32, #tpu.memory_space<hbm>>
      %dma_wait3A_235 = tpu.memref_slice %arg3[%mul3A_4] : memref<290304xi32, #tpu.memory_space<hbm>> -> memref<1008xi32, #tpu.memory_space<hbm>>
      tpu.wait_dma2 semaphore(%run_scoped3A : memref<!tpu.dma_semaphore, #tpu.memory_space<semaphore_mem>>) src(%dma_wait3A_235 : memref<1008xi32, #tpu.memory_space<hbm>>) dst(%arg5 : memref<1008xi32, #tpu.memory_space<vmem>>)
      tpu.yield
    }) : () -> ()
    %dma_start3A = arith.constant 0 : i32
    %dma_start3A_5 = arith.constant 0 : i32
    %dma_start3A_6 = tpu.memref_slice %arg2[%dma_start3A, %dma_start3A_5] : memref<163842x32xf32, #tpu.memory_space<hbm>> -> memref<163842x32xf32, #tpu.memory_space<hbm>>
    tpu.enqueue_indirect_dma source(%dma_start3A_6 : memref<163842x32xf32, #tpu.memory_space<hbm>>) target(%arg7 : memref<1008x32xf32, #tpu.memory_space<vmem>>) offsets(%arg5 : memref<1008xi32, #tpu.memory_space<vmem>>) semaphore(%arg11 : memref<!tpu.dma_semaphore, #tpu.memory_space<semaphore_mem>>)
    %add3A_7 = arith.constant 144 : i32
    %add3A_8 = arith.addi %mul3A_2, %add3A_7 : i32
    %mul3A_9 = arith.constant 7 : i32
    %mul3A_10 = arith.muli %add3A_8, %mul3A_9 : i32
    "tpu.region"() ({
      %run_scoped3A = tpu.sem_alloc : memref<!tpu.dma_semaphore, #tpu.memory_space<semaphore_mem>>
      %dma_start3A_232 = tpu.memref_slice %arg3[%mul3A_10] : memref<290304xi32, #tpu.memory_space<hbm>> -> memref<1008xi32, #tpu.memory_space<hbm>>
      %dma_start3A_233 = tpu.memref_slice %arg3[%mul3A_10] : memref<290304xi32, #tpu.memory_space<hbm>> -> memref<1008xi32, #tpu.memory_space<hbm>>
      tpu.enqueue_dma source(%dma_start3A_233 : memref<1008xi32, #tpu.memory_space<hbm>>) target(%arg6 : memref<1008xi32, #tpu.memory_space<vmem>>) target_semaphore(%run_scoped3A : memref<!tpu.dma_semaphore, #tpu.memory_space<semaphore_mem>>)
      %dma_wait3A_234 = tpu.memref_slice %arg3[%mul3A_10] : memref<290304xi32, #tpu.memory_space<hbm>> -> memref<1008xi32, #tpu.memory_space<hbm>>
      %dma_wait3A_235 = tpu.memref_slice %arg3[%mul3A_10] : memref<290304xi32, #tpu.memory_space<hbm>> -> memref<1008xi32, #tpu.memory_space<hbm>>
      tpu.wait_dma2 semaphore(%run_scoped3A : memref<!tpu.dma_semaphore, #tpu.memory_space<semaphore_mem>>) src(%dma_wait3A_235 : memref<1008xi32, #tpu.memory_space<hbm>>) dst(%arg6 : memref<1008xi32, #tpu.memory_space<vmem>>)
      tpu.yield
    }) : () -> ()
    %dma_start3A_11 = arith.constant 0 : i32
    %dma_start3A_12 = arith.constant 0 : i32
    %dma_start3A_13 = tpu.memref_slice %arg2[%dma_start3A_11, %dma_start3A_12] : memref<163842x32xf32, #tpu.memory_space<hbm>> -> memref<163842x32xf32, #tpu.memory_space<hbm>>
    tpu.enqueue_indirect_dma source(%dma_start3A_13 : memref<163842x32xf32, #tpu.memory_space<hbm>>) target(%arg8 : memref<1008x32xf32, #tpu.memory_space<vmem>>) offsets(%arg6 : memref<1008xi32, #tpu.memory_space<vmem>>) semaphore(%arg12 : memref<!tpu.dma_semaphore, #tpu.memory_space<semaphore_mem>>)
    %dma_wait3A = arith.constant 0 : i32
    %dma_wait3A_14 = arith.constant 0 : i32
    %dma_wait3A_15 = tpu.memref_slice %arg2[%dma_wait3A, %dma_wait3A_14] : memref<163842x32xf32, #tpu.memory_space<hbm>> -> memref<163842x32xf32, #tpu.memory_space<hbm>>
    tpu.wait_indirect_dma semaphore(%arg11 : memref<!tpu.dma_semaphore, #tpu.memory_space<semaphore_mem>>) src(%dma_wait3A_15 : memref<163842x32xf32, #tpu.memory_space<hbm>>) dst(%arg7 : memref<1008x32xf32, #tpu.memory_space<vmem>>)
    %scan3A = arith.constant 0 : i32
    %scan3A_16 = arith.constant 0 : i32
    %scan3A_17 = arith.constant 144 : i32
    %scan3A_18 = arith.addi %scan3A_16, %scan3A_17 : i32
    %scan3A_19 = arith.constant 1 : i32
    scf.for %scan3A_232 = %scan3A_16 to %scan3A_18 step %scan3A_19  : i32 {
      %mul3A_233 = arith.constant 7 : i32
      %mul3A_234 = arith.muli %scan3A_232, %mul3A_233 : i32
      %get3A = arith.index_cast %mul3A_234 : i32 to index
      %get3A_235 = arith.constant 0 : index
      %get3A_236 = tpu.vector_load %arg7[%get3A, %get3A_235] {strides = array<i32>} : memref<1008x32xf32, #tpu.memory_space<vmem>>, vector<1x16xf32>,
      %get3A_237 = vector.shape_cast %get3A_236 : vector<1x16xf32> to vector<16xf32>
      %mul3A_238 = arith.constant 7 : i32
      %mul3A_239 = arith.muli %scan3A_232, %mul3A_238 : i32
      %add3A_240 = arith.constant 1 : i32
      %add3A_241 = arith.addi %mul3A_239, %add3A_240 : i32
      %get3A_242 = arith.index_cast %add3A_241 : i32 to index
      %get3A_243 = arith.constant 0 : index
      %get3A_244 = tpu.vector_load %arg7[%get3A_242, %get3A_243] {strides = array<i32>} : memref<1008x32xf32, #tpu.memory_space<vmem>>, vector<1x16xf32>,
      %get3A_245 = vector.shape_cast %get3A_244 : vector<1x16xf32> to vector<16xf32>
      %add3A_246 = arith.addf %get3A_237, %get3A_245 : vector<16xf32>
      %mul3A_247 = arith.constant 7 : i32
      %mul3A_248 = arith.muli %scan3A_232, %mul3A_247 : i32
      %add3A_249 = arith.constant 2 : i32
      %add3A_250 = arith.addi %mul3A_248, %add3A_249 : i32
      %get3A_251 = arith.index_cast %add3A_250 : i32 to index
      %get3A_252 = arith.constant 0 : index
      %get3A_253 = tpu.vector_load %arg7[%get3A_251, %get3A_252] {strides = array<i32>} : memref<1008x32xf32, #tpu.memory_space<vmem>>, vector<1x16xf32>,
      %get3A_254 = vector.shape_cast %get3A_253 : vector<1x16xf32> to vector<16xf32>
      %add3A_255 = arith.addf %add3A_246, %get3A_254 : vector<16xf32>
      %mul3A_256 = arith.constant 7 : i32
      %mul3A_257 = arith.muli %scan3A_232, %mul3A_256 : i32
      %add3A_258 = arith.constant 3 : i32
      %add3A_259 = arith.addi %mul3A_257, %add3A_258 : i32
      %get3A_260 = arith.index_cast %add3A_259 : i32 to index
      %get3A_261 = arith.constant 0 : index
      %get3A_262 = tpu.vector_load %arg7[%get3A_260, %get3A_261] {strides = array<i32>} : memref<1008x32xf32, #tpu.memory_space<vmem>>, vector<1x16xf32>,
      %get3A_263 = vector.shape_cast %get3A_262 : vector<1x16xf32> to vector<16xf32>
      %add3A_264 = arith.addf %add3A_255, %get3A_263 : vector<16xf32>
      %mul3A_265 = arith.constant 7 : i32
      %mul3A_266 = arith.muli %scan3A_232, %mul3A_265 : i32
      %add3A_267 = arith.constant 4 : i32
      %add3A_268 = arith.addi %mul3A_266, %add3A_267 : i32
      %get3A_269 = arith.index_cast %add3A_268 : i32 to index
      %get3A_270 = arith.constant 0 : index
      %get3A_271 = tpu.vector_load %arg7[%get3A_269, %get3A_270] {strides = array<i32>} : memref<1008x32xf32, #tpu.memory_space<vmem>>, vector<1x16xf32>,
      %get3A_272 = vector.shape_cast %get3A_271 : vector<1x16xf32> to vector<16xf32>
      %add3A_273 = arith.addf %add3A_264, %get3A_272 : vector<16xf32>
      %mul3A_274 = arith.constant 7 : i32
      %mul3A_275 = arith.muli %scan3A_232, %mul3A_274 : i32
      %add3A_276 = arith.constant 5 : i32
      %add3A_277 = arith.addi %mul3A_275, %add3A_276 : i32
      %get3A_278 = arith.index_cast %add3A_277 : i32 to index
      %get3A_279 = arith.constant 0 : index
      %get3A_280 = tpu.vector_load %arg7[%get3A_278, %get3A_279] {strides = array<i32>} : memref<1008x32xf32, #tpu.memory_space<vmem>>, vector<1x16xf32>,
      %get3A_281 = vector.shape_cast %get3A_280 : vector<1x16xf32> to vector<16xf32>
      %add3A_282 = arith.addf %add3A_273, %get3A_281 : vector<16xf32>
      %mul3A_283 = arith.constant 7 : i32
      %mul3A_284 = arith.muli %scan3A_232, %mul3A_283 : i32
      %add3A_285 = arith.constant 6 : i32
      %add3A_286 = arith.addi %mul3A_284, %add3A_285 : i32
      %get3A_287 = arith.index_cast %add3A_286 : i32 to index
      %get3A_288 = arith.constant 0 : index
      %get3A_289 = tpu.vector_load %arg7[%get3A_287, %get3A_288] {strides = array<i32>} : memref<1008x32xf32, #tpu.memory_space<vmem>>, vector<1x16xf32>,
      %get3A_290 = vector.shape_cast %get3A_289 : vector<1x16xf32> to vector<16xf32>
      %add3A_291 = arith.addf %add3A_282, %get3A_290 : vector<16xf32>
      %mul3A_292 = arith.constant 0.142857149 : f32
      %mul3A_293 = vector.broadcast %mul3A_292 : f32 to vector<16xf32>
      %mul3A_294 = arith.mulf %add3A_291, %mul3A_293 : vector<16xf32>
      %swap3A = arith.index_cast %scan3A_232 : i32 to index
      %swap3A_295 = arith.constant 0 : index
      %swap3A_296 = tpu.vector_load %arg9[%swap3A, %swap3A_295] {strides = array<i32>} : memref<144x32xf32, #tpu.memory_space<vmem>>, vector<1x16xf32>,
      %swap3A_297 = vector.shape_cast %swap3A_296 : vector<1x16xf32> to vector<16xf32>
      %swap3A_298 = vector.shape_cast %mul3A_294 : vector<16xf32> to vector<1x16xf32>
      tpu.vector_store %arg9[%swap3A, %swap3A_295], %swap3A_298 {strides = array<i32>} : memref<144x32xf32, #tpu.memory_space<vmem>>, vector<1x16xf32>,
      %mul3A_299 = arith.constant 7 : i32
      %mul3A_300 = arith.muli %scan3A_232, %mul3A_299 : i32
      %get3A_301 = arith.index_cast %mul3A_300 : i32 to index
      %get3A_302 = arith.constant 16 : index
      %get3A_303 = tpu.vector_load %arg7[%get3A_301, %get3A_302] {strides = array<i32>} : memref<1008x32xf32, #tpu.memory_space<vmem>>, vector<1x16xf32>,
      %get3A_304 = vector.shape_cast %get3A_303 : vector<1x16xf32> to vector<16xf32>
      %mul3A_305 = arith.constant 7 : i32
      %mul3A_306 = arith.muli %scan3A_232, %mul3A_305 : i32
      %add3A_307 = arith.constant 1 : i32
      %add3A_308 = arith.addi %mul3A_306, %add3A_307 : i32
      %get3A_309 = arith.index_cast %add3A_308 : i32 to index
      %get3A_310 = arith.constant 16 : index
      %get3A_311 = tpu.vector_load %arg7[%get3A_309, %get3A_310] {strides = array<i32>} : memref<1008x32xf32, #tpu.memory_space<vmem>>, vector<1x16xf32>,
      %get3A_312 = vector.shape_cast %get3A_311 : vector<1x16xf32> to vector<16xf32>
      %add3A_313 = arith.addf %get3A_304, %get3A_312 : vector<16xf32>
      %mul3A_314 = arith.constant 7 : i32
      %mul3A_315 = arith.muli %scan3A_232, %mul3A_314 : i32
      %add3A_316 = arith.constant 2 : i32
      %add3A_317 = arith.addi %mul3A_315, %add3A_316 : i32
      %get3A_318 = arith.index_cast %add3A_317 : i32 to index
      %get3A_319 = arith.constant 16 : index
      %get3A_320 = tpu.vector_load %arg7[%get3A_318, %get3A_319] {strides = array<i32>} : memref<1008x32xf32, #tpu.memory_space<vmem>>, vector<1x16xf32>,
      %get3A_321 = vector.shape_cast %get3A_320 : vector<1x16xf32> to vector<16xf32>
      %add3A_322 = arith.addf %add3A_313, %get3A_321 : vector<16xf32>
      %mul3A_323 = arith.constant 7 : i32
      %mul3A_324 = arith.muli %scan3A_232, %mul3A_323 : i32
      %add3A_325 = arith.constant 3 : i32
      %add3A_326 = arith.addi %mul3A_324, %add3A_325 : i32
      %get3A_327 = arith.index_cast %add3A_326 : i32 to index
      %get3A_328 = arith.constant 16 : index
      %get3A_329 = tpu.vector_load %arg7[%get3A_327, %get3A_328] {strides = array<i32>} : memref<1008x32xf32, #tpu.memory_space<vmem>>, vector<1x16xf32>,
      %get3A_330 = vector.shape_cast %get3A_329 : vector<1x16xf32> to vector<16xf32>
      %add3A_331 = arith.addf %add3A_322, %get3A_330 : vector<16xf32>
      %mul3A_332 = arith.constant 7 : i32
      %mul3A_333 = arith.muli %scan3A_232, %mul3A_332 : i32
      %add3A_334 = arith.constant 4 : i32
      %add3A_335 = arith.addi %mul3A_333, %add3A_334 : i32
      %get3A_336 = arith.index_cast %add3A_335 : i32 to index
      %get3A_337 = arith.constant 16 : index
      %get3A_338 = tpu.vector_load %arg7[%get3A_336, %get3A_337] {strides = array<i32>} : memref<1008x32xf32, #tpu.memory_space<vmem>>, vector<1x16xf32>,
      %get3A_339 = vector.shape_cast %get3A_338 : vector<1x16xf32> to vector<16xf32>
      %add3A_340 = arith.addf %add3A_331, %get3A_339 : vector<16xf32>
      %mul3A_341 = arith.constant 7 : i32
      %mul3A_342 = arith.muli %scan3A_232, %mul3A_341 : i32
      %add3A_343 = arith.constant 5 : i32
      %add3A_344 = arith.addi %mul3A_342, %add3A_343 : i32
      %get3A_345 = arith.index_cast %add3A_344 : i32 to index
      %get3A_346 = arith.constant 16 : index
      %get3A_347 = tpu.vector_load %arg7[%get3A_345, %get3A_346] {strides = array<i32>} : memref<1008x32xf32, #tpu.memory_space<vmem>>, vector<1x16xf32>,
      %get3A_348 = vector.shape_cast %get3A_347 : vector<1x16xf32> to vector<16xf32>
      %add3A_349 = arith.addf %add3A_340, %get3A_348 : vector<16xf32>
      %mul3A_350 = arith.constant 7 : i32
      %mul3A_351 = arith.muli %scan3A_232, %mul3A_350 : i32
      %add3A_352 = arith.constant 6 : i32
      %add3A_353 = arith.addi %mul3A_351, %add3A_352 : i32
      %get3A_354 = arith.index_cast %add3A_353 : i32 to index
      %get3A_355 = arith.constant 16 : index
      %get3A_356 = tpu.vector_load %arg7[%get3A_354, %get3A_355] {strides = array<i32>} : memref<1008x32xf32, #tpu.memory_space<vmem>>, vector<1x16xf32>,
      %get3A_357 = vector.shape_cast %get3A_356 : vector<1x16xf32> to vector<16xf32>
      %add3A_358 = arith.addf %add3A_349, %get3A_357 : vector<16xf32>
      %mul3A_359 = arith.constant 0.142857149 : f32
      %mul3A_360 = vector.broadcast %mul3A_359 : f32 to vector<16xf32>
      %mul3A_361 = arith.mulf %add3A_358, %mul3A_360 : vector<16xf32>
      %swap3A_362 = arith.index_cast %scan3A_232 : i32 to index
      %swap3A_363 = arith.constant 16 : index
      %swap3A_364 = tpu.vector_load %arg9[%swap3A_362, %swap3A_363] {strides = array<i32>} : memref<144x32xf32, #tpu.memory_space<vmem>>, vector<1x16xf32>,
      %swap3A_365 = vector.shape_cast %swap3A_364 : vector<1x16xf32> to vector<16xf32>
      %swap3A_366 = vector.shape_cast %mul3A_361 : vector<16xf32> to vector<1x16xf32>
      tpu.vector_store %arg9[%swap3A_362, %swap3A_363], %swap3A_366 {strides = array<i32>} : memref<144x32xf32, #tpu.memory_space<vmem>>, vector<1x16xf32>,
    }
    %scan3A_20 = arith.constant 144 : i32
    %add3A_21 = arith.constant 0 : i32
    %add3A_22 = arith.addi %mul3A_2, %add3A_21 : i32
    %dma_start3A_23 = arith.constant 0 : i32
    %dma_start3A_24 = tpu.memref_slice %arg4[%add3A_22, %dma_start3A_23] : memref<41472x32xf32, #tpu.memory_space<hbm>> -> memref<144x32xf32, #tpu.memory_space<hbm>>
    %dma_start3A_25 = arith.constant 0 : i32
    %dma_start3A_26 = tpu.memref_slice %arg4[%add3A_22, %dma_start3A_25] : memref<41472x32xf32, #tpu.memory_space<hbm>> -> memref<144x32xf32, #tpu.memory_space<hbm>>
    tpu.enqueue_dma source(%arg9 : memref<144x32xf32, #tpu.memory_space<vmem>>) target(%dma_start3A_26 : memref<144x32xf32, #tpu.memory_space<hbm>>) target_semaphore(%arg13 : memref<!tpu.dma_semaphore, #tpu.memory_space<semaphore_mem>>)
    %add3A_27 = arith.constant 288 : i32
    %add3A_28 = arith.addi %mul3A_2, %add3A_27 : i32
    %mul3A_29 = arith.constant 7 : i32
    %mul3A_30 = arith.muli %add3A_28, %mul3A_29 : i32
    "tpu.region"() ({
      %run_scoped3A = tpu.sem_alloc : memref<!tpu.dma_semaphore, #tpu.memory_space<semaphore_mem>>
      %dma_start3A_232 = tpu.memref_slice %arg3[%mul3A_30] : memref<290304xi32, #tpu.memory_space<hbm>> -> memref<1008xi32, #tpu.memory_space<hbm>>
      %dma_start3A_233 = tpu.memref_slice %arg3[%mul3A_30] : memref<290304xi32, #tpu.memory_space<hbm>> -> memref<1008xi32, #tpu.memory_space<hbm>>
      tpu.enqueue_dma source(%dma_start3A_233 : memref<1008xi32, #tpu.memory_space<hbm>>) target(%arg5 : memref<1008xi32, #tpu.memory_space<vmem>>) target_semaphore(%run_scoped3A : memref<!tpu.dma_semaphore, #tpu.memory_space<semaphore_mem>>)
      %dma_wait3A_234 = tpu.memref_slice %arg3[%mul3A_30] : memref<290304xi32, #tpu.memory_space<hbm>> -> memref<1008xi32, #tpu.memory_space<hbm>>
      %dma_wait3A_235 = tpu.memref_slice %arg3[%mul3A_30] : memref<290304xi32, #tpu.memory_space<hbm>> -> memref<1008xi32, #tpu.memory_space<hbm>>
      tpu.wait_dma2 semaphore(%run_scoped3A : memref<!tpu.dma_semaphore, #tpu.memory_space<semaphore_mem>>) src(%dma_wait3A_235 : memref<1008xi32, #tpu.memory_space<hbm>>) dst(%arg5 : memref<1008xi32, #tpu.memory_space<vmem>>)
      tpu.yield
    }) : () -> ()
    %dma_start3A_31 = arith.constant 0 : i32
    %dma_start3A_32 = arith.constant 0 : i32
    %dma_start3A_33 = tpu.memref_slice %arg2[%dma_start3A_31, %dma_start3A_32] : memref<163842x32xf32, #tpu.memory_space<hbm>> -> memref<163842x32xf32, #tpu.memory_space<hbm>>
    tpu.enqueue_indirect_dma source(%dma_start3A_33 : memref<163842x32xf32, #tpu.memory_space<hbm>>) target(%arg7 : memref<1008x32xf32, #tpu.memory_space<vmem>>) offsets(%arg5 : memref<1008xi32, #tpu.memory_space<vmem>>) semaphore(%arg11 : memref<!tpu.dma_semaphore, #tpu.memory_space<semaphore_mem>>)
    %dma_wait3A_34 = arith.constant 0 : i32
    %dma_wait3A_35 = arith.constant 0 : i32
    %dma_wait3A_36 = tpu.memref_slice %arg2[%dma_wait3A_34, %dma_wait3A_35] : memref<163842x32xf32, #tpu.memory_space<hbm>> -> memref<163842x32xf32, #tpu.memory_space<hbm>>
    tpu.wait_indirect_dma semaphore(%arg12 : memref<!tpu.dma_semaphore, #tpu.memory_space<semaphore_mem>>) src(%dma_wait3A_36 : memref<163842x32xf32, #tpu.memory_space<hbm>>) dst(%arg8 : memref<1008x32xf32, #tpu.memory_space<vmem>>)
    %scan3A_37 = arith.constant 0 : i32
    %scan3A_38 = arith.constant 0 : i32
    %scan3A_39 = arith.constant 144 : i32
    %scan3A_40 = arith.addi %scan3A_38, %scan3A_39 : i32
    %scan3A_41 = arith.constant 1 : i32
    scf.for %scan3A_232 = %scan3A_38 to %scan3A_40 step %scan3A_41  : i32 {
      %mul3A_233 = arith.constant 7 : i32
      %mul3A_234 = arith.muli %scan3A_232, %mul3A_233 : i32
      %get3A = arith.index_cast %mul3A_234 : i32 to index
      %get3A_235 = arith.constant 0 : index
      %get3A_236 = tpu.vector_load %arg8[%get3A, %get3A_235] {strides = array<i32>} : memref<1008x32xf32, #tpu.memory_space<vmem>>, vector<1x16xf32>,
      %get3A_237 = vector.shape_cast %get3A_236 : vector<1x16xf32> to vector<16xf32>
      %mul3A_238 = arith.constant 7 : i32
      %mul3A_239 = arith.muli %scan3A_232, %mul3A_238 : i32
      %add3A_240 = arith.constant 1 : i32
      %add3A_241 = arith.addi %mul3A_239, %add3A_240 : i32
      %get3A_242 = arith.index_cast %add3A_241 : i32 to index
      %get3A_243 = arith.constant 0 : index
      %get3A_244 = tpu.vector_load %arg8[%get3A_242, %get3A_243] {strides = array<i32>} : memref<1008x32xf32, #tpu.memory_space<vmem>>, vector<1x16xf32>,
      %get3A_245 = vector.shape_cast %get3A_244 : vector<1x16xf32> to vector<16xf32>
      %add3A_246 = arith.addf %get3A_237, %get3A_245 : vector<16xf32>
      %mul3A_247 = arith.constant 7 : i32
      %mul3A_248 = arith.muli %scan3A_232, %mul3A_247 : i32
      %add3A_249 = arith.constant 2 : i32
      %add3A_250 = arith.addi %mul3A_248, %add3A_249 : i32
      %get3A_251 = arith.index_cast %add3A_250 : i32 to index
      %get3A_252 = arith.constant 0 : index
      %get3A_253 = tpu.vector_load %arg8[%get3A_251, %get3A_252] {strides = array<i32>} : memref<1008x32xf32, #tpu.memory_space<vmem>>, vector<1x16xf32>,
      %get3A_254 = vector.shape_cast %get3A_253 : vector<1x16xf32> to vector<16xf32>
      %add3A_255 = arith.addf %add3A_246, %get3A_254 : vector<16xf32>
      %mul3A_256 = arith.constant 7 : i32
      %mul3A_257 = arith.muli %scan3A_232, %mul3A_256 : i32
      %add3A_258 = arith.constant 3 : i32
      %add3A_259 = arith.addi %mul3A_257, %add3A_258 : i32
      %get3A_260 = arith.index_cast %add3A_259 : i32 to index
      %get3A_261 = arith.constant 0 : index
      %get3A_262 = tpu.vector_load %arg8[%get3A_260, %get3A_261] {strides = array<i32>} : memref<1008x32xf32, #tpu.memory_space<vmem>>, vector<1x16xf32>,
      %get3A_263 = vector.shape_cast %get3A_262 : vector<1x16xf32> to vector<16xf32>
      %add3A_264 = arith.addf %add3A_255, %get3A_263 : vector<16xf32>
      %mul3A_265 = arith.constant 7 : i32
      %mul3A_266 = arith.muli %scan3A_232, %mul3A_265 : i32
      %add3A_267 = arith.constant 4 : i32
      %add3A_268 = arith.addi %mul3A_266, %add3A_267 : i32
      %get3A_269 = arith.index_cast %add3A_268 : i32 to index
      %get3A_270 = arith.constant 0 : index
      %get3A_271 = tpu.vector_load %arg8[%get3A_269, %get3A_270] {strides = array<i32>} : memref<1008x32xf32, #tpu.memory_space<vmem>>, vector<1x16xf32>,
      %get3A_272 = vector.shape_cast %get3A_271 : vector<1x16xf32> to vector<16xf32>
      %add3A_273 = arith.addf %add3A_264, %get3A_272 : vector<16xf32>
      %mul3A_274 = arith.constant 7 : i32
      %mul3A_275 = arith.muli %scan3A_232, %mul3A_274 : i32
      %add3A_276 = arith.constant 5 : i32
      %add3A_277 = arith.addi %mul3A_275, %add3A_276 : i32
      %get3A_278 = arith.index_cast %add3A_277 : i32 to index
      %get3A_279 = arith.constant 0 : index
      %get3A_280 = tpu.vector_load %arg8[%get3A_278, %get3A_279] {strides = array<i32>} : memref<1008x32xf32, #tpu.memory_space<vmem>>, vector<1x16xf32>,
      %get3A_281 = vector.shape_cast %get3A_280 : vector<1x16xf32> to vector<16xf32>
      %add3A_282 = arith.addf %add3A_273, %get3A_281 : vector<16xf32>
      %mul3A_283 = arith.constant 7 : i32
      %mul3A_284 = arith.muli %scan3A_232, %mul3A_283 : i32
      %add3A_285 = arith.constant 6 : i32
      %add3A_286 = arith.addi %mul3A_284, %add3A_285 : i32
      %get3A_287 = arith.index_cast %add3A_286 : i32 to index
      %get3A_288 = arith.constant 0 : index
      %get3A_289 = tpu.vector_load %arg8[%get3A_287, %get3A_288] {strides = array<i32>} : memref<1008x32xf32, #tpu.memory_space<vmem>>, vector<1x16xf32>,
      %get3A_290 = vector.shape_cast %get3A_289 : vector<1x16xf32> to vector<16xf32>
      %add3A_291 = arith.addf %add3A_282, %get3A_290 : vector<16xf32>
      %mul3A_292 = arith.constant 0.142857149 : f32
      %mul3A_293 = vector.broadcast %mul3A_292 : f32 to vector<16xf32>
      %mul3A_294 = arith.mulf %add3A_291, %mul3A_293 : vector<16xf32>
      %swap3A = arith.index_cast %scan3A_232 : i32 to index
      %swap3A_295 = arith.constant 0 : index
      %swap3A_296 = tpu.vector_load %arg10[%swap3A, %swap3A_295] {strides = array<i32>} : memref<144x32xf32, #tpu.memory_space<vmem>>, vector<1x16xf32>,
      %swap3A_297 = vector.shape_cast %swap3A_296 : vector<1x16xf32> to vector<16xf32>
      %swap3A_298 = vector.shape_cast %mul3A_294 : vector<16xf32> to vector<1x16xf32>
      tpu.vector_store %arg10[%swap3A, %swap3A_295], %swap3A_298 {strides = array<i32>} : memref<144x32xf32, #tpu.memory_space<vmem>>, vector<1x16xf32>,
      %mul3A_299 = arith.constant 7 : i32
      %mul3A_300 = arith.muli %scan3A_232, %mul3A_299 : i32
      %get3A_301 = arith.index_cast %mul3A_300 : i32 to index
      %get3A_302 = arith.constant 16 : index
      %get3A_303 = tpu.vector_load %arg8[%get3A_301, %get3A_302] {strides = array<i32>} : memref<1008x32xf32, #tpu.memory_space<vmem>>, vector<1x16xf32>,
      %get3A_304 = vector.shape_cast %get3A_303 : vector<1x16xf32> to vector<16xf32>
      %mul3A_305 = arith.constant 7 : i32
      %mul3A_306 = arith.muli %scan3A_232, %mul3A_305 : i32
      %add3A_307 = arith.constant 1 : i32
      %add3A_308 = arith.addi %mul3A_306, %add3A_307 : i32
      %get3A_309 = arith.index_cast %add3A_308 : i32 to index
      %get3A_310 = arith.constant 16 : index
      %get3A_311 = tpu.vector_load %arg8[%get3A_309, %get3A_310] {strides = array<i32>} : memref<1008x32xf32, #tpu.memory_space<vmem>>, vector<1x16xf32>,
      %get3A_312 = vector.shape_cast %get3A_311 : vector<1x16xf32> to vector<16xf32>
      %add3A_313 = arith.addf %get3A_304, %get3A_312 : vector<16xf32>
      %mul3A_314 = arith.constant 7 : i32
      %mul3A_315 = arith.muli %scan3A_232, %mul3A_314 : i32
      %add3A_316 = arith.constant 2 : i32
      %add3A_317 = arith.addi %mul3A_315, %add3A_316 : i32
      %get3A_318 = arith.index_cast %add3A_317 : i32 to index
      %get3A_319 = arith.constant 16 : index
      %get3A_320 = tpu.vector_load %arg8[%get3A_318, %get3A_319] {strides = array<i32>} : memref<1008x32xf32, #tpu.memory_space<vmem>>, vector<1x16xf32>,
      %get3A_321 = vector.shape_cast %get3A_320 : vector<1x16xf32> to vector<16xf32>
      %add3A_322 = arith.addf %add3A_313, %get3A_321 : vector<16xf32>
      %mul3A_323 = arith.constant 7 : i32
      %mul3A_324 = arith.muli %scan3A_232, %mul3A_323 : i32
      %add3A_325 = arith.constant 3 : i32
      %add3A_326 = arith.addi %mul3A_324, %add3A_325 : i32
      %get3A_327 = arith.index_cast %add3A_326 : i32 to index
      %get3A_328 = arith.constant 16 : index
      %get3A_329 = tpu.vector_load %arg8[%get3A_327, %get3A_328] {strides = array<i32>} : memref<1008x32xf32, #tpu.memory_space<vmem>>, vector<1x16xf32>,
      %get3A_330 = vector.shape_cast %get3A_329 : vector<1x16xf32> to vector<16xf32>
      %add3A_331 = arith.addf %add3A_322, %get3A_330 : vector<16xf32>
      %mul3A_332 = arith.constant 7 : i32
      %mul3A_333 = arith.muli %scan3A_232, %mul3A_332 : i32
      %add3A_334 = arith.constant 4 : i32
      %add3A_335 = arith.addi %mul3A_333, %add3A_334 : i32
      %get3A_336 = arith.index_cast %add3A_335 : i32 to index
      %get3A_337 = arith.constant 16 : index
      %get3A_338 = tpu.vector_load %arg8[%get3A_336, %get3A_337] {strides = array<i32>} : memref<1008x32xf32, #tpu.memory_space<vmem>>, vector<1x16xf32>,
      %get3A_339 = vector.shape_cast %get3A_338 : vector<1x16xf32> to vector<16xf32>
      %add3A_340 = arith.addf %add3A_331, %get3A_339 : vector<16xf32>
      %mul3A_341 = arith.constant 7 : i32
      %mul3A_342 = arith.muli %scan3A_232, %mul3A_341 : i32
      %add3A_343 = arith.constant 5 : i32
      %add3A_344 = arith.addi %mul3A_342, %add3A_343 : i32
      %get3A_345 = arith.index_cast %add3A_344 : i32 to index
      %get3A_346 = arith.constant 16 : index
      %get3A_347 = tpu.vector_load %arg8[%get3A_345, %get3A_346] {strides = array<i32>} : memref<1008x32xf32, #tpu.memory_space<vmem>>, vector<1x16xf32>,
      %get3A_348 = vector.shape_cast %get3A_347 : vector<1x16xf32> to vector<16xf32>
      %add3A_349 = arith.addf %add3A_340, %get3A_348 : vector<16xf32>
      %mul3A_350 = arith.constant 7 : i32
      %mul3A_351 = arith.muli %scan3A_232, %mul3A_350 : i32
      %add3A_352 = arith.constant 6 : i32
      %add3A_353 = arith.addi %mul3A_351, %add3A_352 : i32
      %get3A_354 = arith.index_cast %add3A_353 : i32 to index
      %get3A_355 = arith.constant 16 : index
      %get3A_356 = tpu.vector_load %arg8[%get3A_354, %get3A_355] {strides = array<i32>} : memref<1008x32xf32, #tpu.memory_space<vmem>>, vector<1x16xf32>,
      %get3A_357 = vector.shape_cast %get3A_356 : vector<1x16xf32> to vector<16xf32>
      %add3A_358 = arith.addf %add3A_349, %get3A_357 : vector<16xf32>
      %mul3A_359 = arith.constant 0.142857149 : f32
      %mul3A_360 = vector.broadcast %mul3A_359 : f32 to vector<16xf32>
      %mul3A_361 = arith.mulf %add3A_358, %mul3A_360 : vector<16xf32>
      %swap3A_362 = arith.index_cast %scan3A_232 : i32 to index
      %swap3A_363 = arith.constant 16 : index
      %swap3A_364 = tpu.vector_load %arg10[%swap3A_362, %swap3A_363] {strides = array<i32>} : memref<144x32xf32, #tpu.memory_space<vmem>>, vector<1x16xf32>,
      %swap3A_365 = vector.shape_cast %swap3A_364 : vector<1x16xf32> to vector<16xf32>
      %swap3A_366 = vector.shape_cast %mul3A_361 : vector<16xf32> to vector<1x16xf32>
      tpu.vector_store %arg10[%swap3A_362, %swap3A_363], %swap3A_366 {strides = array<i32>} : memref<144x32xf32, #tpu.memory_space<vmem>>, vector<1x16xf32>,
    }
    %scan3A_42 = arith.constant 144 : i32
    %add3A_43 = arith.constant 144 : i32
    %add3A_44 = arith.addi %mul3A_2, %add3A_43 : i32
    %dma_start3A_45 = arith.constant 0 : i32
    %dma_start3A_46 = tpu.memref_slice %arg4[%add3A_44, %dma_start3A_45] : memref<41472x32xf32, #tpu.memory_space<hbm>> -> memref<144x32xf32, #tpu.memory_space<hbm>>
    %dma_start3A_47 = arith.constant 0 : i32
    %dma_start3A_48 = tpu.memref_slice %arg4[%add3A_44, %dma_start3A_47] : memref<41472x32xf32, #tpu.memory_space<hbm>> -> memref<144x32xf32, #tpu.memory_space<hbm>>
    tpu.enqueue_dma source(%arg10 : memref<144x32xf32, #tpu.memory_space<vmem>>) target(%dma_start3A_48 : memref<144x32xf32, #tpu.memory_space<hbm>>) target_semaphore(%arg14 : memref<!tpu.dma_semaphore, #tpu.memory_space<semaphore_mem>>)
    %add3A_49 = arith.constant 432 : i32
    %add3A_50 = arith.addi %mul3A_2, %add3A_49 : i32
    %mul3A_51 = arith.constant 7 : i32
    %mul3A_52 = arith.muli %add3A_50, %mul3A_51 : i32
    "tpu.region"() ({
      %run_scoped3A = tpu.sem_alloc : memref<!tpu.dma_semaphore, #tpu.memory_space<semaphore_mem>>
      %dma_start3A_232 = tpu.memref_slice %arg3[%mul3A_52] : memref<290304xi32, #tpu.memory_space<hbm>> -> memref<1008xi32, #tpu.memory_space<hbm>>
      %dma_start3A_233 = tpu.memref_slice %arg3[%mul3A_52] : memref<290304xi32, #tpu.memory_space<hbm>> -> memref<1008xi32, #tpu.memory_space<hbm>>
      tpu.enqueue_dma source(%dma_start3A_233 : memref<1008xi32, #tpu.memory_space<hbm>>) target(%arg6 : memref<1008xi32, #tpu.memory_space<vmem>>) target_semaphore(%run_scoped3A : memref<!tpu.dma_semaphore, #tpu.memory_space<semaphore_mem>>)
      %dma_wait3A_234 = tpu.memref_slice %arg3[%mul3A_52] : memref<290304xi32, #tpu.memory_space<hbm>> -> memref<1008xi32, #tpu.memory_space<hbm>>
      %dma_wait3A_235 = tpu.memref_slice %arg3[%mul3A_52] : memref<290304xi32, #tpu.memory_space<hbm>> -> memref<1008xi32, #tpu.memory_space<hbm>>
      tpu.wait_dma2 semaphore(%run_scoped3A : memref<!tpu.dma_semaphore, #tpu.memory_space<semaphore_mem>>) src(%dma_wait3A_235 : memref<1008xi32, #tpu.memory_space<hbm>>) dst(%arg6 : memref<1008xi32, #tpu.memory_space<vmem>>)
      tpu.yield
    }) : () -> ()
    %dma_start3A_53 = arith.constant 0 : i32
    %dma_start3A_54 = arith.constant 0 : i32
    %dma_start3A_55 = tpu.memref_slice %arg2[%dma_start3A_53, %dma_start3A_54] : memref<163842x32xf32, #tpu.memory_space<hbm>> -> memref<163842x32xf32, #tpu.memory_space<hbm>>
    tpu.enqueue_indirect_dma source(%dma_start3A_55 : memref<163842x32xf32, #tpu.memory_space<hbm>>) target(%arg8 : memref<1008x32xf32, #tpu.memory_space<vmem>>) offsets(%arg6 : memref<1008xi32, #tpu.memory_space<vmem>>) semaphore(%arg12 : memref<!tpu.dma_semaphore, #tpu.memory_space<semaphore_mem>>)
    %dma_wait3A_56 = arith.constant 0 : i32
    %dma_wait3A_57 = arith.constant 0 : i32
    %dma_wait3A_58 = tpu.memref_slice %arg2[%dma_wait3A_56, %dma_wait3A_57] : memref<163842x32xf32, #tpu.memory_space<hbm>> -> memref<163842x32xf32, #tpu.memory_space<hbm>>
    tpu.wait_indirect_dma semaphore(%arg11 : memref<!tpu.dma_semaphore, #tpu.memory_space<semaphore_mem>>) src(%dma_wait3A_58 : memref<163842x32xf32, #tpu.memory_space<hbm>>) dst(%arg7 : memref<1008x32xf32, #tpu.memory_space<vmem>>)
    %dma_wait3A_59 = arith.constant 0 : i32
    %dma_wait3A_60 = tpu.memref_slice %arg4[%add3A_22, %dma_wait3A_59] : memref<41472x32xf32, #tpu.memory_space<hbm>> -> memref<144x32xf32, #tpu.memory_space<hbm>>
    %dma_wait3A_61 = arith.constant 0 : i32
    %dma_wait3A_62 = tpu.memref_slice %arg4[%add3A_22, %dma_wait3A_61] : memref<41472x32xf32, #tpu.memory_space<hbm>> -> memref<144x32xf32, #tpu.memory_space<hbm>>
    tpu.wait_dma2 semaphore(%arg13 : memref<!tpu.dma_semaphore, #tpu.memory_space<semaphore_mem>>) src(%arg9 : memref<144x32xf32, #tpu.memory_space<vmem>>) dst(%dma_wait3A_62 : memref<144x32xf32, #tpu.memory_space<hbm>>)
    %scan3A_63 = arith.constant 0 : i32
    %scan3A_64 = arith.constant 0 : i32
    %scan3A_65 = arith.constant 144 : i32
    %scan3A_66 = arith.addi %scan3A_64, %scan3A_65 : i32
    %scan3A_67 = arith.constant 1 : i32
    scf.for %scan3A_232 = %scan3A_64 to %scan3A_66 step %scan3A_67  : i32 {
      %mul3A_233 = arith.constant 7 : i32
      %mul3A_234 = arith.muli %scan3A_232, %mul3A_233 : i32
      %get3A = arith.index_cast %mul3A_234 : i32 to index
      %get3A_235 = arith.constant 0 : index
      %get3A_236 = tpu.vector_load %arg7[%get3A, %get3A_235] {strides = array<i32>} : memref<1008x32xf32, #tpu.memory_space<vmem>>, vector<1x16xf32>,
      %get3A_237 = vector.shape_cast %get3A_236 : vector<1x16xf32> to vector<16xf32>
      %mul3A_238 = arith.constant 7 : i32
      %mul3A_239 = arith.muli %scan3A_232, %mul3A_238 : i32
      %add3A_240 = arith.constant 1 : i32
      %add3A_241 = arith.addi %mul3A_239, %add3A_240 : i32
      %get3A_242 = arith.index_cast %add3A_241 : i32 to index
      %get3A_243 = arith.constant 0 : index
      %get3A_244 = tpu.vector_load %arg7[%get3A_242, %get3A_243] {strides = array<i32>} : memref<1008x32xf32, #tpu.memory_space<vmem>>, vector<1x16xf32>,
      %get3A_245 = vector.shape_cast %get3A_244 : vector<1x16xf32> to vector<16xf32>
      %add3A_246 = arith.addf %get3A_237, %get3A_245 : vector<16xf32>
      %mul3A_247 = arith.constant 7 : i32
      %mul3A_248 = arith.muli %scan3A_232, %mul3A_247 : i32
      %add3A_249 = arith.constant 2 : i32
      %add3A_250 = arith.addi %mul3A_248, %add3A_249 : i32
      %get3A_251 = arith.index_cast %add3A_250 : i32 to index
      %get3A_252 = arith.constant 0 : index
      %get3A_253 = tpu.vector_load %arg7[%get3A_251, %get3A_252] {strides = array<i32>} : memref<1008x32xf32, #tpu.memory_space<vmem>>, vector<1x16xf32>,
      %get3A_254 = vector.shape_cast %get3A_253 : vector<1x16xf32> to vector<16xf32>
      %add3A_255 = arith.addf %add3A_246, %get3A_254 : vector<16xf32>
      %mul3A_256 = arith.constant 7 : i32
      %mul3A_257 = arith.muli %scan3A_232, %mul3A_256 : i32
      %add3A_258 = arith.constant 3 : i32
      %add3A_259 = arith.addi %mul3A_257, %add3A_258 : i32
      %get3A_260 = arith.index_cast %add3A_259 : i32 to index
      %get3A_261 = arith.constant 0 : index
      %get3A_262 = tpu.vector_load %arg7[%get3A_260, %get3A_261] {strides = array<i32>} : memref<1008x32xf32, #tpu.memory_space<vmem>>, vector<1x16xf32>,
      %get3A_263 = vector.shape_cast %get3A_262 : vector<1x16xf32> to vector<16xf32>
      %add3A_264 = arith.addf %add3A_255, %get3A_263 : vector<16xf32>
      %mul3A_265 = arith.constant 7 : i32
      %mul3A_266 = arith.muli %scan3A_232, %mul3A_265 : i32
      %add3A_267 = arith.constant 4 : i32
      %add3A_268 = arith.addi %mul3A_266, %add3A_267 : i32
      %get3A_269 = arith.index_cast %add3A_268 : i32 to index
      %get3A_270 = arith.constant 0 : index
      %get3A_271 = tpu.vector_load %arg7[%get3A_269, %get3A_270] {strides = array<i32>} : memref<1008x32xf32, #tpu.memory_space<vmem>>, vector<1x16xf32>,
      %get3A_272 = vector.shape_cast %get3A_271 : vector<1x16xf32> to vector<16xf32>
      %add3A_273 = arith.addf %add3A_264, %get3A_272 : vector<16xf32>
      %mul3A_274 = arith.constant 7 : i32
      %mul3A_275 = arith.muli %scan3A_232, %mul3A_274 : i32
      %add3A_276 = arith.constant 5 : i32
      %add3A_277 = arith.addi %mul3A_275, %add3A_276 : i32
      %get3A_278 = arith.index_cast %add3A_277 : i32 to index
      %get3A_279 = arith.constant 0 : index
      %get3A_280 = tpu.vector_load %arg7[%get3A_278, %get3A_279] {strides = array<i32>} : memref<1008x32xf32, #tpu.memory_space<vmem>>, vector<1x16xf32>,
      %get3A_281 = vector.shape_cast %get3A_280 : vector<1x16xf32> to vector<16xf32>
      %add3A_282 = arith.addf %add3A_273, %get3A_281 : vector<16xf32>
      %mul3A_283 = arith.constant 7 : i32
      %mul3A_284 = arith.muli %scan3A_232, %mul3A_283 : i32
      %add3A_285 = arith.constant 6 : i32
      %add3A_286 = arith.addi %mul3A_284, %add3A_285 : i32
      %get3A_287 = arith.index_cast %add3A_286 : i32 to index
      %get3A_288 = arith.constant 0 : index
      %get3A_289 = tpu.vector_load %arg7[%get3A_287, %get3A_288] {strides = array<i32>} : memref<1008x32xf32, #tpu.memory_space<vmem>>, vector<1x16xf32>,
      %get3A_290 = vector.shape_cast %get3A_289 : vector<1x16xf32> to vector<16xf32>
      %add3A_291 = arith.addf %add3A_282, %get3A_290 : vector<16xf32>
      %mul3A_292 = arith.constant 0.142857149 : f32
      %mul3A_293 = vector.broadcast %mul3A_292 : f32 to vector<16xf32>
      %mul3A_294 = arith.mulf %add3A_291, %mul3A_293 : vector<16xf32>
      %swap3A = arith.index_cast %scan3A_232 : i32 to index
      %swap3A_295 = arith.constant 0 : index
      %swap3A_296 = tpu.vector_load %arg9[%swap3A, %swap3A_295] {strides = array<i32>} : memref<144x32xf32, #tpu.memory_space<vmem>>, vector<1x16xf32>,
      %swap3A_297 = vector.shape_cast %swap3A_296 : vector<1x16xf32> to vector<16xf32>
      %swap3A_298 = vector.shape_cast %mul3A_294 : vector<16xf32> to vector<1x16xf32>
      tpu.vector_store %arg9[%swap3A, %swap3A_295], %swap3A_298 {strides = array<i32>} : memref<144x32xf32, #tpu.memory_space<vmem>>, vector<1x16xf32>,
      %mul3A_299 = arith.constant 7 : i32
      %mul3A_300 = arith.muli %scan3A_232, %mul3A_299 : i32
      %get3A_301 = arith.index_cast %mul3A_300 : i32 to index
      %get3A_302 = arith.constant 16 : index
      %get3A_303 = tpu.vector_load %arg7[%get3A_301, %get3A_302] {strides = array<i32>} : memref<1008x32xf32, #tpu.memory_space<vmem>>, vector<1x16xf32>,
      %get3A_304 = vector.shape_cast %get3A_303 : vector<1x16xf32> to vector<16xf32>
      %mul3A_305 = arith.constant 7 : i32
      %mul3A_306 = arith.muli %scan3A_232, %mul3A_305 : i32
      %add3A_307 = arith.constant 1 : i32
      %add3A_308 = arith.addi %mul3A_306, %add3A_307 : i32
      %get3A_309 = arith.index_cast %add3A_308 : i32 to index
      %get3A_310 = arith.constant 16 : index
      %get3A_311 = tpu.vector_load %arg7[%get3A_309, %get3A_310] {strides = array<i32>} : memref<1008x32xf32, #tpu.memory_space<vmem>>, vector<1x16xf32>,
      %get3A_312 = vector.shape_cast %get3A_311 : vector<1x16xf32> to vector<16xf32>
      %add3A_313 = arith.addf %get3A_304, %get3A_312 : vector<16xf32>
      %mul3A_314 = arith.constant 7 : i32
      %mul3A_315 = arith.muli %scan3A_232, %mul3A_314 : i32
      %add3A_316 = arith.constant 2 : i32
      %add3A_317 = arith.addi %mul3A_315, %add3A_316 : i32
      %get3A_318 = arith.index_cast %add3A_317 : i32 to index
      %get3A_319 = arith.constant 16 : index
      %get3A_320 = tpu.vector_load %arg7[%get3A_318, %get3A_319] {strides = array<i32>} : memref<1008x32xf32, #tpu.memory_space<vmem>>, vector<1x16xf32>,
      %get3A_321 = vector.shape_cast %get3A_320 : vector<1x16xf32> to vector<16xf32>
      %add3A_322 = arith.addf %add3A_313, %get3A_321 : vector<16xf32>
      %mul3A_323 = arith.constant 7 : i32
      %mul3A_324 = arith.muli %scan3A_232, %mul3A_323 : i32
      %add3A_325 = arith.constant 3 : i32
      %add3A_326 = arith.addi %mul3A_324, %add3A_325 : i32
      %get3A_327 = arith.index_cast %add3A_326 : i32 to index
      %get3A_328 = arith.constant 16 : index
      %get3A_329 = tpu.vector_load %arg7[%get3A_327, %get3A_328] {strides = array<i32>} : memref<1008x32xf32, #tpu.memory_space<vmem>>, vector<1x16xf32>,
      %get3A_330 = vector.shape_cast %get3A_329 : vector<1x16xf32> to vector<16xf32>
      %add3A_331 = arith.addf %add3A_322, %get3A_330 : vector<16xf32>
      %mul3A_332 = arith.constant 7 : i32
      %mul3A_333 = arith.muli %scan3A_232, %mul3A_332 : i32
      %add3A_334 = arith.constant 4 : i32
      %add3A_335 = arith.addi %mul3A_333, %add3A_334 : i32
      %get3A_336 = arith.index_cast %add3A_335 : i32 to index
      %get3A_337 = arith.constant 16 : index
      %get3A_338 = tpu.vector_load %arg7[%get3A_336, %get3A_337] {strides = array<i32>} : memref<1008x32xf32, #tpu.memory_space<vmem>>, vector<1x16xf32>,
      %get3A_339 = vector.shape_cast %get3A_338 : vector<1x16xf32> to vector<16xf32>
      %add3A_340 = arith.addf %add3A_331, %get3A_339 : vector<16xf32>
      %mul3A_341 = arith.constant 7 : i32
      %mul3A_342 = arith.muli %scan3A_232, %mul3A_341 : i32
      %add3A_343 = arith.constant 5 : i32
      %add3A_344 = arith.addi %mul3A_342, %add3A_343 : i32
      %get3A_345 = arith.index_cast %add3A_344 : i32 to index
      %get3A_346 = arith.constant 16 : index
      %get3A_347 = tpu.vector_load %arg7[%get3A_345, %get3A_346] {strides = array<i32>} : memref<1008x32xf32, #tpu.memory_space<vmem>>, vector<1x16xf32>,
      %get3A_348 = vector.shape_cast %get3A_347 : vector<1x16xf32> to vector<16xf32>
      %add3A_349 = arith.addf %add3A_340, %get3A_348 : vector<16xf32>
      %mul3A_350 = arith.constant 7 : i32
      %mul3A_351 = arith.muli %scan3A_232, %mul3A_350 : i32
      %add3A_352 = arith.constant 6 : i32
      %add3A_353 = arith.addi %mul3A_351, %add3A_352 : i32
      %get3A_354 = arith.index_cast %add3A_353 : i32 to index
      %get3A_355 = arith.constant 16 : index
      %get3A_356 = tpu.vector_load %arg7[%get3A_354, %get3A_355] {strides = array<i32>} : memref<1008x32xf32, #tpu.memory_space<vmem>>, vector<1x16xf32>,
      %get3A_357 = vector.shape_cast %get3A_356 : vector<1x16xf32> to vector<16xf32>
      %add3A_358 = arith.addf %add3A_349, %get3A_357 : vector<16xf32>
      %mul3A_359 = arith.constant 0.142857149 : f32
      %mul3A_360 = vector.broadcast %mul3A_359 : f32 to vector<16xf32>
      %mul3A_361 = arith.mulf %add3A_358, %mul3A_360 : vector<16xf32>
      %swap3A_362 = arith.index_cast %scan3A_232 : i32 to index
      %swap3A_363 = arith.constant 16 : index
      %swap3A_364 = tpu.vector_load %arg9[%swap3A_362, %swap3A_363] {strides = array<i32>} : memref<144x32xf32, #tpu.memory_space<vmem>>, vector<1x16xf32>,
      %swap3A_365 = vector.shape_cast %swap3A_364 : vector<1x16xf32> to vector<16xf32>
      %swap3A_366 = vector.shape_cast %mul3A_361 : vector<16xf32> to vector<1x16xf32>
      tpu.vector_store %arg9[%swap3A_362, %swap3A_363], %swap3A_366 {strides = array<i32>} : memref<144x32xf32, #tpu.memory_space<vmem>>, vector<1x16xf32>,
    }
    %scan3A_68 = arith.constant 144 : i32
    %add3A_69 = arith.constant 288 : i32
    %add3A_70 = arith.addi %mul3A_2, %add3A_69 : i32
    %dma_start3A_71 = arith.constant 0 : i32
    %dma_start3A_72 = tpu.memref_slice %arg4[%add3A_70, %dma_start3A_71] : memref<41472x32xf32, #tpu.memory_space<hbm>> -> memref<144x32xf32, #tpu.memory_space<hbm>>
    %dma_start3A_73 = arith.constant 0 : i32
    %dma_start3A_74 = tpu.memref_slice %arg4[%add3A_70, %dma_start3A_73] : memref<41472x32xf32, #tpu.memory_space<hbm>> -> memref<144x32xf32, #tpu.memory_space<hbm>>
    tpu.enqueue_dma source(%arg9 : memref<144x32xf32, #tpu.memory_space<vmem>>) target(%dma_start3A_74 : memref<144x32xf32, #tpu.memory_space<hbm>>) target_semaphore(%arg13 : memref<!tpu.dma_semaphore, #tpu.memory_space<semaphore_mem>>)
    %add3A_75 = arith.constant 576 : i32
    %add3A_76 = arith.addi %mul3A_2, %add3A_75 : i32
    %mul3A_77 = arith.constant 7 : i32
    %mul3A_78 = arith.muli %add3A_76, %mul3A_77 : i32
    "tpu.region"() ({
      %run_scoped3A = tpu.sem_alloc : memref<!tpu.dma_semaphore, #tpu.memory_space<semaphore_mem>>
      %dma_start3A_232 = tpu.memref_slice %arg3[%mul3A_78] : memref<290304xi32, #tpu.memory_space<hbm>> -> memref<1008xi32, #tpu.memory_space<hbm>>
      %dma_start3A_233 = tpu.memref_slice %arg3[%mul3A_78] : memref<290304xi32, #tpu.memory_space<hbm>> -> memref<1008xi32, #tpu.memory_space<hbm>>
      tpu.enqueue_dma source(%dma_start3A_233 : memref<1008xi32, #tpu.memory_space<hbm>>) target(%arg5 : memref<1008xi32, #tpu.memory_space<vmem>>) target_semaphore(%run_scoped3A : memref<!tpu.dma_semaphore, #tpu.memory_space<semaphore_mem>>)
      %dma_wait3A_234 = tpu.memref_slice %arg3[%mul3A_78] : memref<290304xi32, #tpu.memory_space<hbm>> -> memref<1008xi32, #tpu.memory_space<hbm>>
      %dma_wait3A_235 = tpu.memref_slice %arg3[%mul3A_78] : memref<290304xi32, #tpu.memory_space<hbm>> -> memref<1008xi32, #tpu.memory_space<hbm>>
      tpu.wait_dma2 semaphore(%run_scoped3A : memref<!tpu.dma_semaphore, #tpu.memory_space<semaphore_mem>>) src(%dma_wait3A_235 : memref<1008xi32, #tpu.memory_space<hbm>>) dst(%arg5 : memref<1008xi32, #tpu.memory_space<vmem>>)
      tpu.yield
    }) : () -> ()
    %dma_start3A_79 = arith.constant 0 : i32
    %dma_start3A_80 = arith.constant 0 : i32
    %dma_start3A_81 = tpu.memref_slice %arg2[%dma_start3A_79, %dma_start3A_80] : memref<163842x32xf32, #tpu.memory_space<hbm>> -> memref<163842x32xf32, #tpu.memory_space<hbm>>
    tpu.enqueue_indirect_dma source(%dma_start3A_81 : memref<163842x32xf32, #tpu.memory_space<hbm>>) target(%arg7 : memref<1008x32xf32, #tpu.memory_space<vmem>>) offsets(%arg5 : memref<1008xi32, #tpu.memory_space<vmem>>) semaphore(%arg11 : memref<!tpu.dma_semaphore, #tpu.memory_space<semaphore_mem>>)
    %dma_wait3A_82 = arith.constant 0 : i32
    %dma_wait3A_83 = arith.constant 0 : i32
    %dma_wait3A_84 = tpu.memref_slice %arg2[%dma_wait3A_82, %dma_wait3A_83] : memref<163842x32xf32, #tpu.memory_space<hbm>> -> memref<163842x32xf32, #tpu.memory_space<hbm>>
    tpu.wait_indirect_dma semaphore(%arg12 : memref<!tpu.dma_semaphore, #tpu.memory_space<semaphore_mem>>) src(%dma_wait3A_84 : memref<163842x32xf32, #tpu.memory_space<hbm>>) dst(%arg8 : memref<1008x32xf32, #tpu.memory_space<vmem>>)
    %dma_wait3A_85 = arith.constant 0 : i32
    %dma_wait3A_86 = tpu.memref_slice %arg4[%add3A_44, %dma_wait3A_85] : memref<41472x32xf32, #tpu.memory_space<hbm>> -> memref<144x32xf32, #tpu.memory_space<hbm>>
    %dma_wait3A_87 = arith.constant 0 : i32
    %dma_wait3A_88 = tpu.memref_slice %arg4[%add3A_44, %dma_wait3A_87] : memref<41472x32xf32, #tpu.memory_space<hbm>> -> memref<144x32xf32, #tpu.memory_space<hbm>>
    tpu.wait_dma2 semaphore(%arg14 : memref<!tpu.dma_semaphore, #tpu.memory_space<semaphore_mem>>) src(%arg10 : memref<144x32xf32, #tpu.memory_space<vmem>>) dst(%dma_wait3A_88 : memref<144x32xf32, #tpu.memory_space<hbm>>)
    %scan3A_89 = arith.constant 0 : i32
    %scan3A_90 = arith.constant 0 : i32
    %scan3A_91 = arith.constant 144 : i32
    %scan3A_92 = arith.addi %scan3A_90, %scan3A_91 : i32
    %scan3A_93 = arith.constant 1 : i32
    scf.for %scan3A_232 = %scan3A_90 to %scan3A_92 step %scan3A_93  : i32 {
      %mul3A_233 = arith.constant 7 : i32
      %mul3A_234 = arith.muli %scan3A_232, %mul3A_233 : i32
      %get3A = arith.index_cast %mul3A_234 : i32 to index
      %get3A_235 = arith.constant 0 : index
      %get3A_236 = tpu.vector_load %arg8[%get3A, %get3A_235] {strides = array<i32>} : memref<1008x32xf32, #tpu.memory_space<vmem>>, vector<1x16xf32>,
      %get3A_237 = vector.shape_cast %get3A_236 : vector<1x16xf32> to vector<16xf32>
      %mul3A_238 = arith.constant 7 : i32
      %mul3A_239 = arith.muli %scan3A_232, %mul3A_238 : i32
      %add3A_240 = arith.constant 1 : i32
      %add3A_241 = arith.addi %mul3A_239, %add3A_240 : i32
      %get3A_242 = arith.index_cast %add3A_241 : i32 to index
      %get3A_243 = arith.constant 0 : index
      %get3A_244 = tpu.vector_load %arg8[%get3A_242, %get3A_243] {strides = array<i32>} : memref<1008x32xf32, #tpu.memory_space<vmem>>, vector<1x16xf32>,
      %get3A_245 = vector.shape_cast %get3A_244 : vector<1x16xf32> to vector<16xf32>
      %add3A_246 = arith.addf %get3A_237, %get3A_245 : vector<16xf32>
      %mul3A_247 = arith.constant 7 : i32
      %mul3A_248 = arith.muli %scan3A_232, %mul3A_247 : i32
      %add3A_249 = arith.constant 2 : i32
      %add3A_250 = arith.addi %mul3A_248, %add3A_249 : i32
      %get3A_251 = arith.index_cast %add3A_250 : i32 to index
      %get3A_252 = arith.constant 0 : index
      %get3A_253 = tpu.vector_load %arg8[%get3A_251, %get3A_252] {strides = array<i32>} : memref<1008x32xf32, #tpu.memory_space<vmem>>, vector<1x16xf32>,
      %get3A_254 = vector.shape_cast %get3A_253 : vector<1x16xf32> to vector<16xf32>
      %add3A_255 = arith.addf %add3A_246, %get3A_254 : vector<16xf32>
      %mul3A_256 = arith.constant 7 : i32
      %mul3A_257 = arith.muli %scan3A_232, %mul3A_256 : i32
      %add3A_258 = arith.constant 3 : i32
      %add3A_259 = arith.addi %mul3A_257, %add3A_258 : i32
      %get3A_260 = arith.index_cast %add3A_259 : i32 to index
      %get3A_261 = arith.constant 0 : index
      %get3A_262 = tpu.vector_load %arg8[%get3A_260, %get3A_261] {strides = array<i32>} : memref<1008x32xf32, #tpu.memory_space<vmem>>, vector<1x16xf32>,
      %get3A_263 = vector.shape_cast %get3A_262 : vector<1x16xf32> to vector<16xf32>
      %add3A_264 = arith.addf %add3A_255, %get3A_263 : vector<16xf32>
      %mul3A_265 = arith.constant 7 : i32
      %mul3A_266 = arith.muli %scan3A_232, %mul3A_265 : i32
      %add3A_267 = arith.constant 4 : i32
      %add3A_268 = arith.addi %mul3A_266, %add3A_267 : i32
      %get3A_269 = arith.index_cast %add3A_268 : i32 to index
      %get3A_270 = arith.constant 0 : index
      %get3A_271 = tpu.vector_load %arg8[%get3A_269, %get3A_270] {strides = array<i32>} : memref<1008x32xf32, #tpu.memory_space<vmem>>, vector<1x16xf32>,
      %get3A_272 = vector.shape_cast %get3A_271 : vector<1x16xf32> to vector<16xf32>
      %add3A_273 = arith.addf %add3A_264, %get3A_272 : vector<16xf32>
      %mul3A_274 = arith.constant 7 : i32
      %mul3A_275 = arith.muli %scan3A_232, %mul3A_274 : i32
      %add3A_276 = arith.constant 5 : i32
      %add3A_277 = arith.addi %mul3A_275, %add3A_276 : i32
      %get3A_278 = arith.index_cast %add3A_277 : i32 to index
      %get3A_279 = arith.constant 0 : index
      %get3A_280 = tpu.vector_load %arg8[%get3A_278, %get3A_279] {strides = array<i32>} : memref<1008x32xf32, #tpu.memory_space<vmem>>, vector<1x16xf32>,
      %get3A_281 = vector.shape_cast %get3A_280 : vector<1x16xf32> to vector<16xf32>
      %add3A_282 = arith.addf %add3A_273, %get3A_281 : vector<16xf32>
      %mul3A_283 = arith.constant 7 : i32
      %mul3A_284 = arith.muli %scan3A_232, %mul3A_283 : i32
      %add3A_285 = arith.constant 6 : i32
      %add3A_286 = arith.addi %mul3A_284, %add3A_285 : i32
      %get3A_287 = arith.index_cast %add3A_286 : i32 to index
      %get3A_288 = arith.constant 0 : index
      %get3A_289 = tpu.vector_load %arg8[%get3A_287, %get3A_288] {strides = array<i32>} : memref<1008x32xf32, #tpu.memory_space<vmem>>, vector<1x16xf32>,
      %get3A_290 = vector.shape_cast %get3A_289 : vector<1x16xf32> to vector<16xf32>
      %add3A_291 = arith.addf %add3A_282, %get3A_290 : vector<16xf32>
      %mul3A_292 = arith.constant 0.142857149 : f32
      %mul3A_293 = vector.broadcast %mul3A_292 : f32 to vector<16xf32>
      %mul3A_294 = arith.mulf %add3A_291, %mul3A_293 : vector<16xf32>
      %swap3A = arith.index_cast %scan3A_232 : i32 to index
      %swap3A_295 = arith.constant 0 : index
      %swap3A_296 = tpu.vector_load %arg10[%swap3A, %swap3A_295] {strides = array<i32>} : memref<144x32xf32, #tpu.memory_space<vmem>>, vector<1x16xf32>,
      %swap3A_297 = vector.shape_cast %swap3A_296 : vector<1x16xf32> to vector<16xf32>
      %swap3A_298 = vector.shape_cast %mul3A_294 : vector<16xf32> to vector<1x16xf32>
      tpu.vector_store %arg10[%swap3A, %swap3A_295], %swap3A_298 {strides = array<i32>} : memref<144x32xf32, #tpu.memory_space<vmem>>, vector<1x16xf32>,
      %mul3A_299 = arith.constant 7 : i32
      %mul3A_300 = arith.muli %scan3A_232, %mul3A_299 : i32
      %get3A_301 = arith.index_cast %mul3A_300 : i32 to index
      %get3A_302 = arith.constant 16 : index
      %get3A_303 = tpu.vector_load %arg8[%get3A_301, %get3A_302] {strides = array<i32>} : memref<1008x32xf32, #tpu.memory_space<vmem>>, vector<1x16xf32>,
      %get3A_304 = vector.shape_cast %get3A_303 : vector<1x16xf32> to vector<16xf32>
      %mul3A_305 = arith.constant 7 : i32
      %mul3A_306 = arith.muli %scan3A_232, %mul3A_305 : i32
      %add3A_307 = arith.constant 1 : i32
      %add3A_308 = arith.addi %mul3A_306, %add3A_307 : i32
      %get3A_309 = arith.index_cast %add3A_308 : i32 to index
      %get3A_310 = arith.constant 16 : index
      %get3A_311 = tpu.vector_load %arg8[%get3A_309, %get3A_310] {strides = array<i32>} : memref<1008x32xf32, #tpu.memory_space<vmem>>, vector<1x16xf32>,
      %get3A_312 = vector.shape_cast %get3A_311 : vector<1x16xf32> to vector<16xf32>
      %add3A_313 = arith.addf %get3A_304, %get3A_312 : vector<16xf32>
      %mul3A_314 = arith.constant 7 : i32
      %mul3A_315 = arith.muli %scan3A_232, %mul3A_314 : i32
      %add3A_316 = arith.constant 2 : i32
      %add3A_317 = arith.addi %mul3A_315, %add3A_316 : i32
      %get3A_318 = arith.index_cast %add3A_317 : i32 to index
      %get3A_319 = arith.constant 16 : index
      %get3A_320 = tpu.vector_load %arg8[%get3A_318, %get3A_319] {strides = array<i32>} : memref<1008x32xf32, #tpu.memory_space<vmem>>, vector<1x16xf32>,
      %get3A_321 = vector.shape_cast %get3A_320 : vector<1x16xf32> to vector<16xf32>
      %add3A_322 = arith.addf %add3A_313, %get3A_321 : vector<16xf32>
      %mul3A_323 = arith.constant 7 : i32
      %mul3A_324 = arith.muli %scan3A_232, %mul3A_323 : i32
      %add3A_325 = arith.constant 3 : i32
      %add3A_326 = arith.addi %mul3A_324, %add3A_325 : i32
      %get3A_327 = arith.index_cast %add3A_326 : i32 to index
      %get3A_328 = arith.constant 16 : index
      %get3A_329 = tpu.vector_load %arg8[%get3A_327, %get3A_328] {strides = array<i32>} : memref<1008x32xf32, #tpu.memory_space<vmem>>, vector<1x16xf32>,
      %get3A_330 = vector.shape_cast %get3A_329 : vector<1x16xf32> to vector<16xf32>
      %add3A_331 = arith.addf %add3A_322, %get3A_330 : vector<16xf32>
      %mul3A_332 = arith.constant 7 : i32
      %mul3A_333 = arith.muli %scan3A_232, %mul3A_332 : i32
      %add3A_334 = arith.constant 4 : i32
      %add3A_335 = arith.addi %mul3A_333, %add3A_334 : i32
      %get3A_336 = arith.index_cast %add3A_335 : i32 to index
      %get3A_337 = arith.constant 16 : index
      %get3A_338 = tpu.vector_load %arg8[%get3A_336, %get3A_337] {strides = array<i32>} : memref<1008x32xf32, #tpu.memory_space<vmem>>, vector<1x16xf32>,
      %get3A_339 = vector.shape_cast %get3A_338 : vector<1x16xf32> to vector<16xf32>
      %add3A_340 = arith.addf %add3A_331, %get3A_339 : vector<16xf32>
      %mul3A_341 = arith.constant 7 : i32
      %mul3A_342 = arith.muli %scan3A_232, %mul3A_341 : i32
      %add3A_343 = arith.constant 5 : i32
      %add3A_344 = arith.addi %mul3A_342, %add3A_343 : i32
      %get3A_345 = arith.index_cast %add3A_344 : i32 to index
      %get3A_346 = arith.constant 16 : index
      %get3A_347 = tpu.vector_load %arg8[%get3A_345, %get3A_346] {strides = array<i32>} : memref<1008x32xf32, #tpu.memory_space<vmem>>, vector<1x16xf32>,
      %get3A_348 = vector.shape_cast %get3A_347 : vector<1x16xf32> to vector<16xf32>
      %add3A_349 = arith.addf %add3A_340, %get3A_348 : vector<16xf32>
      %mul3A_350 = arith.constant 7 : i32
      %mul3A_351 = arith.muli %scan3A_232, %mul3A_350 : i32
      %add3A_352 = arith.constant 6 : i32
      %add3A_353 = arith.addi %mul3A_351, %add3A_352 : i32
      %get3A_354 = arith.index_cast %add3A_353 : i32 to index
      %get3A_355 = arith.constant 16 : index
      %get3A_356 = tpu.vector_load %arg8[%get3A_354, %get3A_355] {strides = array<i32>} : memref<1008x32xf32, #tpu.memory_space<vmem>>, vector<1x16xf32>,
      %get3A_357 = vector.shape_cast %get3A_356 : vector<1x16xf32> to vector<16xf32>
      %add3A_358 = arith.addf %add3A_349, %get3A_357 : vector<16xf32>
      %mul3A_359 = arith.constant 0.142857149 : f32
      %mul3A_360 = vector.broadcast %mul3A_359 : f32 to vector<16xf32>
      %mul3A_361 = arith.mulf %add3A_358, %mul3A_360 : vector<16xf32>
      %swap3A_362 = arith.index_cast %scan3A_232 : i32 to index
      %swap3A_363 = arith.constant 16 : index
      %swap3A_364 = tpu.vector_load %arg10[%swap3A_362, %swap3A_363] {strides = array<i32>} : memref<144x32xf32, #tpu.memory_space<vmem>>, vector<1x16xf32>,
      %swap3A_365 = vector.shape_cast %swap3A_364 : vector<1x16xf32> to vector<16xf32>
      %swap3A_366 = vector.shape_cast %mul3A_361 : vector<16xf32> to vector<1x16xf32>
      tpu.vector_store %arg10[%swap3A_362, %swap3A_363], %swap3A_366 {strides = array<i32>} : memref<144x32xf32, #tpu.memory_space<vmem>>, vector<1x16xf32>,
    }
    %scan3A_94 = arith.constant 144 : i32
    %add3A_95 = arith.constant 432 : i32
    %add3A_96 = arith.addi %mul3A_2, %add3A_95 : i32
    %dma_start3A_97 = arith.constant 0 : i32
    %dma_start3A_98 = tpu.memref_slice %arg4[%add3A_96, %dma_start3A_97] : memref<41472x32xf32, #tpu.memory_space<hbm>> -> memref<144x32xf32, #tpu.memory_space<hbm>>
    %dma_start3A_99 = arith.constant 0 : i32
    %dma_start3A_100 = tpu.memref_slice %arg4[%add3A_96, %dma_start3A_99] : memref<41472x32xf32, #tpu.memory_space<hbm>> -> memref<144x32xf32, #tpu.memory_space<hbm>>
    tpu.enqueue_dma source(%arg10 : memref<144x32xf32, #tpu.memory_space<vmem>>) target(%dma_start3A_100 : memref<144x32xf32, #tpu.memory_space<hbm>>) target_semaphore(%arg14 : memref<!tpu.dma_semaphore, #tpu.memory_space<semaphore_mem>>)
    %add3A_101 = arith.constant 720 : i32
    %add3A_102 = arith.addi %mul3A_2, %add3A_101 : i32
    %mul3A_103 = arith.constant 7 : i32
    %mul3A_104 = arith.muli %add3A_102, %mul3A_103 : i32
    "tpu.region"() ({
      %run_scoped3A = tpu.sem_alloc : memref<!tpu.dma_semaphore, #tpu.memory_space<semaphore_mem>>
      %dma_start3A_232 = tpu.memref_slice %arg3[%mul3A_104] : memref<290304xi32, #tpu.memory_space<hbm>> -> memref<1008xi32, #tpu.memory_space<hbm>>
      %dma_start3A_233 = tpu.memref_slice %arg3[%mul3A_104] : memref<290304xi32, #tpu.memory_space<hbm>> -> memref<1008xi32, #tpu.memory_space<hbm>>
      tpu.enqueue_dma source(%dma_start3A_233 : memref<1008xi32, #tpu.memory_space<hbm>>) target(%arg6 : memref<1008xi32, #tpu.memory_space<vmem>>) target_semaphore(%run_scoped3A : memref<!tpu.dma_semaphore, #tpu.memory_space<semaphore_mem>>)
      %dma_wait3A_234 = tpu.memref_slice %arg3[%mul3A_104] : memref<290304xi32, #tpu.memory_space<hbm>> -> memref<1008xi32, #tpu.memory_space<hbm>>
      %dma_wait3A_235 = tpu.memref_slice %arg3[%mul3A_104] : memref<290304xi32, #tpu.memory_space<hbm>> -> memref<1008xi32, #tpu.memory_space<hbm>>
      tpu.wait_dma2 semaphore(%run_scoped3A : memref<!tpu.dma_semaphore, #tpu.memory_space<semaphore_mem>>) src(%dma_wait3A_235 : memref<1008xi32, #tpu.memory_space<hbm>>) dst(%arg6 : memref<1008xi32, #tpu.memory_space<vmem>>)
      tpu.yield
    }) : () -> ()
    %dma_start3A_105 = arith.constant 0 : i32
    %dma_start3A_106 = arith.constant 0 : i32
    %dma_start3A_107 = tpu.memref_slice %arg2[%dma_start3A_105, %dma_start3A_106] : memref<163842x32xf32, #tpu.memory_space<hbm>> -> memref<163842x32xf32, #tpu.memory_space<hbm>>
    tpu.enqueue_indirect_dma source(%dma_start3A_107 : memref<163842x32xf32, #tpu.memory_space<hbm>>) target(%arg8 : memref<1008x32xf32, #tpu.memory_space<vmem>>) offsets(%arg6 : memref<1008xi32, #tpu.memory_space<vmem>>) semaphore(%arg12 : memref<!tpu.dma_semaphore, #tpu.memory_space<semaphore_mem>>)
    %dma_wait3A_108 = arith.constant 0 : i32
    %dma_wait3A_109 = arith.constant 0 : i32
    %dma_wait3A_110 = tpu.memref_slice %arg2[%dma_wait3A_108, %dma_wait3A_109] : memref<163842x32xf32, #tpu.memory_space<hbm>> -> memref<163842x32xf32, #tpu.memory_space<hbm>>
    tpu.wait_indirect_dma semaphore(%arg11 : memref<!tpu.dma_semaphore, #tpu.memory_space<semaphore_mem>>) src(%dma_wait3A_110 : memref<163842x32xf32, #tpu.memory_space<hbm>>) dst(%arg7 : memref<1008x32xf32, #tpu.memory_space<vmem>>)
    %dma_wait3A_111 = arith.constant 0 : i32
    %dma_wait3A_112 = tpu.memref_slice %arg4[%add3A_70, %dma_wait3A_111] : memref<41472x32xf32, #tpu.memory_space<hbm>> -> memref<144x32xf32, #tpu.memory_space<hbm>>
    %dma_wait3A_113 = arith.constant 0 : i32
    %dma_wait3A_114 = tpu.memref_slice %arg4[%add3A_70, %dma_wait3A_113] : memref<41472x32xf32, #tpu.memory_space<hbm>> -> memref<144x32xf32, #tpu.memory_space<hbm>>
    tpu.wait_dma2 semaphore(%arg13 : memref<!tpu.dma_semaphore, #tpu.memory_space<semaphore_mem>>) src(%arg9 : memref<144x32xf32, #tpu.memory_space<vmem>>) dst(%dma_wait3A_114 : memref<144x32xf32, #tpu.memory_space<hbm>>)
    %scan3A_115 = arith.constant 0 : i32
    %scan3A_116 = arith.constant 0 : i32
    %scan3A_117 = arith.constant 144 : i32
    %scan3A_118 = arith.addi %scan3A_116, %scan3A_117 : i32
    %scan3A_119 = arith.constant 1 : i32
    scf.for %scan3A_232 = %scan3A_116 to %scan3A_118 step %scan3A_119  : i32 {
      %mul3A_233 = arith.constant 7 : i32
      %mul3A_234 = arith.muli %scan3A_232, %mul3A_233 : i32
      %get3A = arith.index_cast %mul3A_234 : i32 to index
      %get3A_235 = arith.constant 0 : index
      %get3A_236 = tpu.vector_load %arg7[%get3A, %get3A_235] {strides = array<i32>} : memref<1008x32xf32, #tpu.memory_space<vmem>>, vector<1x16xf32>,
      %get3A_237 = vector.shape_cast %get3A_236 : vector<1x16xf32> to vector<16xf32>
      %mul3A_238 = arith.constant 7 : i32
      %mul3A_239 = arith.muli %scan3A_232, %mul3A_238 : i32
      %add3A_240 = arith.constant 1 : i32
      %add3A_241 = arith.addi %mul3A_239, %add3A_240 : i32
      %get3A_242 = arith.index_cast %add3A_241 : i32 to index
      %get3A_243 = arith.constant 0 : index
      %get3A_244 = tpu.vector_load %arg7[%get3A_242, %get3A_243] {strides = array<i32>} : memref<1008x32xf32, #tpu.memory_space<vmem>>, vector<1x16xf32>,
      %get3A_245 = vector.shape_cast %get3A_244 : vector<1x16xf32> to vector<16xf32>
      %add3A_246 = arith.addf %get3A_237, %get3A_245 : vector<16xf32>
      %mul3A_247 = arith.constant 7 : i32
      %mul3A_248 = arith.muli %scan3A_232, %mul3A_247 : i32
      %add3A_249 = arith.constant 2 : i32
      %add3A_250 = arith.addi %mul3A_248, %add3A_249 : i32
      %get3A_251 = arith.index_cast %add3A_250 : i32 to index
      %get3A_252 = arith.constant 0 : index
      %get3A_253 = tpu.vector_load %arg7[%get3A_251, %get3A_252] {strides = array<i32>} : memref<1008x32xf32, #tpu.memory_space<vmem>>, vector<1x16xf32>,
      %get3A_254 = vector.shape_cast %get3A_253 : vector<1x16xf32> to vector<16xf32>
      %add3A_255 = arith.addf %add3A_246, %get3A_254 : vector<16xf32>
      %mul3A_256 = arith.constant 7 : i32
      %mul3A_257 = arith.muli %scan3A_232, %mul3A_256 : i32
      %add3A_258 = arith.constant 3 : i32
      %add3A_259 = arith.addi %mul3A_257, %add3A_258 : i32
      %get3A_260 = arith.index_cast %add3A_259 : i32 to index
      %get3A_261 = arith.constant 0 : index
      %get3A_262 = tpu.vector_load %arg7[%get3A_260, %get3A_261] {strides = array<i32>} : memref<1008x32xf32, #tpu.memory_space<vmem>>, vector<1x16xf32>,
      %get3A_263 = vector.shape_cast %get3A_262 : vector<1x16xf32> to vector<16xf32>
      %add3A_264 = arith.addf %add3A_255, %get3A_263 : vector<16xf32>
      %mul3A_265 = arith.constant 7 : i32
      %mul3A_266 = arith.muli %scan3A_232, %mul3A_265 : i32
      %add3A_267 = arith.constant 4 : i32
      %add3A_268 = arith.addi %mul3A_266, %add3A_267 : i32
      %get3A_269 = arith.index_cast %add3A_268 : i32 to index
      %get3A_270 = arith.constant 0 : index
      %get3A_271 = tpu.vector_load %arg7[%get3A_269, %get3A_270] {strides = array<i32>} : memref<1008x32xf32, #tpu.memory_space<vmem>>, vector<1x16xf32>,
      %get3A_272 = vector.shape_cast %get3A_271 : vector<1x16xf32> to vector<16xf32>
      %add3A_273 = arith.addf %add3A_264, %get3A_272 : vector<16xf32>
      %mul3A_274 = arith.constant 7 : i32
      %mul3A_275 = arith.muli %scan3A_232, %mul3A_274 : i32
      %add3A_276 = arith.constant 5 : i32
      %add3A_277 = arith.addi %mul3A_275, %add3A_276 : i32
      %get3A_278 = arith.index_cast %add3A_277 : i32 to index
      %get3A_279 = arith.constant 0 : index
      %get3A_280 = tpu.vector_load %arg7[%get3A_278, %get3A_279] {strides = array<i32>} : memref<1008x32xf32, #tpu.memory_space<vmem>>, vector<1x16xf32>,
      %get3A_281 = vector.shape_cast %get3A_280 : vector<1x16xf32> to vector<16xf32>
      %add3A_282 = arith.addf %add3A_273, %get3A_281 : vector<16xf32>
      %mul3A_283 = arith.constant 7 : i32
      %mul3A_284 = arith.muli %scan3A_232, %mul3A_283 : i32
      %add3A_285 = arith.constant 6 : i32
      %add3A_286 = arith.addi %mul3A_284, %add3A_285 : i32
      %get3A_287 = arith.index_cast %add3A_286 : i32 to index
      %get3A_288 = arith.constant 0 : index
      %get3A_289 = tpu.vector_load %arg7[%get3A_287, %get3A_288] {strides = array<i32>} : memref<1008x32xf32, #tpu.memory_space<vmem>>, vector<1x16xf32>,
      %get3A_290 = vector.shape_cast %get3A_289 : vector<1x16xf32> to vector<16xf32>
      %add3A_291 = arith.addf %add3A_282, %get3A_290 : vector<16xf32>
      %mul3A_292 = arith.constant 0.142857149 : f32
      %mul3A_293 = vector.broadcast %mul3A_292 : f32 to vector<16xf32>
      %mul3A_294 = arith.mulf %add3A_291, %mul3A_293 : vector<16xf32>
      %swap3A = arith.index_cast %scan3A_232 : i32 to index
      %swap3A_295 = arith.constant 0 : index
      %swap3A_296 = tpu.vector_load %arg9[%swap3A, %swap3A_295] {strides = array<i32>} : memref<144x32xf32, #tpu.memory_space<vmem>>, vector<1x16xf32>,
      %swap3A_297 = vector.shape_cast %swap3A_296 : vector<1x16xf32> to vector<16xf32>
      %swap3A_298 = vector.shape_cast %mul3A_294 : vector<16xf32> to vector<1x16xf32>
      tpu.vector_store %arg9[%swap3A, %swap3A_295], %swap3A_298 {strides = array<i32>} : memref<144x32xf32, #tpu.memory_space<vmem>>, vector<1x16xf32>,
      %mul3A_299 = arith.constant 7 : i32
      %mul3A_300 = arith.muli %scan3A_232, %mul3A_299 : i32
      %get3A_301 = arith.index_cast %mul3A_300 : i32 to index
      %get3A_302 = arith.constant 16 : index
      %get3A_303 = tpu.vector_load %arg7[%get3A_301, %get3A_302] {strides = array<i32>} : memref<1008x32xf32, #tpu.memory_space<vmem>>, vector<1x16xf32>,
      %get3A_304 = vector.shape_cast %get3A_303 : vector<1x16xf32> to vector<16xf32>
      %mul3A_305 = arith.constant 7 : i32
      %mul3A_306 = arith.muli %scan3A_232, %mul3A_305 : i32
      %add3A_307 = arith.constant 1 : i32
      %add3A_308 = arith.addi %mul3A_306, %add3A_307 : i32
      %get3A_309 = arith.index_cast %add3A_308 : i32 to index
      %get3A_310 = arith.constant 16 : index
      %get3A_311 = tpu.vector_load %arg7[%get3A_309, %get3A_310] {strides = array<i32>} : memref<1008x32xf32, #tpu.memory_space<vmem>>, vector<1x16xf32>,
      %get3A_312 = vector.shape_cast %get3A_311 : vector<1x16xf32> to vector<16xf32>
      %add3A_313 = arith.addf %get3A_304, %get3A_312 : vector<16xf32>
      %mul3A_314 = arith.constant 7 : i32
      %mul3A_315 = arith.muli %scan3A_232, %mul3A_314 : i32
      %add3A_316 = arith.constant 2 : i32
      %add3A_317 = arith.addi %mul3A_315, %add3A_316 : i32
      %get3A_318 = arith.index_cast %add3A_317 : i32 to index
      %get3A_319 = arith.constant 16 : index
      %get3A_320 = tpu.vector_load %arg7[%get3A_318, %get3A_319] {strides = array<i32>} : memref<1008x32xf32, #tpu.memory_space<vmem>>, vector<1x16xf32>,
      %get3A_321 = vector.shape_cast %get3A_320 : vector<1x16xf32> to vector<16xf32>
      %add3A_322 = arith.addf %add3A_313, %get3A_321 : vector<16xf32>
      %mul3A_323 = arith.constant 7 : i32
      %mul3A_324 = arith.muli %scan3A_232, %mul3A_323 : i32
      %add3A_325 = arith.constant 3 : i32
      %add3A_326 = arith.addi %mul3A_324, %add3A_325 : i32
      %get3A_327 = arith.index_cast %add3A_326 : i32 to index
      %get3A_328 = arith.constant 16 : index
      %get3A_329 = tpu.vector_load %arg7[%get3A_327, %get3A_328] {strides = array<i32>} : memref<1008x32xf32, #tpu.memory_space<vmem>>, vector<1x16xf32>,
      %get3A_330 = vector.shape_cast %get3A_329 : vector<1x16xf32> to vector<16xf32>
      %add3A_331 = arith.addf %add3A_322, %get3A_330 : vector<16xf32>
      %mul3A_332 = arith.constant 7 : i32
      %mul3A_333 = arith.muli %scan3A_232, %mul3A_332 : i32
      %add3A_334 = arith.constant 4 : i32
      %add3A_335 = arith.addi %mul3A_333, %add3A_334 : i32
      %get3A_336 = arith.index_cast %add3A_335 : i32 to index
      %get3A_337 = arith.constant 16 : index
      %get3A_338 = tpu.vector_load %arg7[%get3A_336, %get3A_337] {strides = array<i32>} : memref<1008x32xf32, #tpu.memory_space<vmem>>, vector<1x16xf32>,
      %get3A_339 = vector.shape_cast %get3A_338 : vector<1x16xf32> to vector<16xf32>
      %add3A_340 = arith.addf %add3A_331, %get3A_339 : vector<16xf32>
      %mul3A_341 = arith.constant 7 : i32
      %mul3A_342 = arith.muli %scan3A_232, %mul3A_341 : i32
      %add3A_343 = arith.constant 5 : i32
      %add3A_344 = arith.addi %mul3A_342, %add3A_343 : i32
      %get3A_345 = arith.index_cast %add3A_344 : i32 to index
      %get3A_346 = arith.constant 16 : index
      %get3A_347 = tpu.vector_load %arg7[%get3A_345, %get3A_346] {strides = array<i32>} : memref<1008x32xf32, #tpu.memory_space<vmem>>, vector<1x16xf32>,
      %get3A_348 = vector.shape_cast %get3A_347 : vector<1x16xf32> to vector<16xf32>
      %add3A_349 = arith.addf %add3A_340, %get3A_348 : vector<16xf32>
      %mul3A_350 = arith.constant 7 : i32
      %mul3A_351 = arith.muli %scan3A_232, %mul3A_350 : i32
      %add3A_352 = arith.constant 6 : i32
      %add3A_353 = arith.addi %mul3A_351, %add3A_352 : i32
      %get3A_354 = arith.index_cast %add3A_353 : i32 to index
      %get3A_355 = arith.constant 16 : index
      %get3A_356 = tpu.vector_load %arg7[%get3A_354, %get3A_355] {strides = array<i32>} : memref<1008x32xf32, #tpu.memory_space<vmem>>, vector<1x16xf32>,
      %get3A_357 = vector.shape_cast %get3A_356 : vector<1x16xf32> to vector<16xf32>
      %add3A_358 = arith.addf %add3A_349, %get3A_357 : vector<16xf32>
      %mul3A_359 = arith.constant 0.142857149 : f32
      %mul3A_360 = vector.broadcast %mul3A_359 : f32 to vector<16xf32>
      %mul3A_361 = arith.mulf %add3A_358, %mul3A_360 : vector<16xf32>
      %swap3A_362 = arith.index_cast %scan3A_232 : i32 to index
      %swap3A_363 = arith.constant 16 : index
      %swap3A_364 = tpu.vector_load %arg9[%swap3A_362, %swap3A_363] {strides = array<i32>} : memref<144x32xf32, #tpu.memory_space<vmem>>, vector<1x16xf32>,
      %swap3A_365 = vector.shape_cast %swap3A_364 : vector<1x16xf32> to vector<16xf32>
      %swap3A_366 = vector.shape_cast %mul3A_361 : vector<16xf32> to vector<1x16xf32>
      tpu.vector_store %arg9[%swap3A_362, %swap3A_363], %swap3A_366 {strides = array<i32>} : memref<144x32xf32, #tpu.memory_space<vmem>>, vector<1x16xf32>,
    }
    %scan3A_120 = arith.constant 144 : i32
    %add3A_121 = arith.constant 576 : i32
    %add3A_122 = arith.addi %mul3A_2, %add3A_121 : i32
    %dma_start3A_123 = arith.constant 0 : i32
    %dma_start3A_124 = tpu.memref_slice %arg4[%add3A_122, %dma_start3A_123] : memref<41472x32xf32, #tpu.memory_space<hbm>> -> memref<144x32xf32, #tpu.memory_space<hbm>>
    %dma_start3A_125 = arith.constant 0 : i32
    %dma_start3A_126 = tpu.memref_slice %arg4[%add3A_122, %dma_start3A_125] : memref<41472x32xf32, #tpu.memory_space<hbm>> -> memref<144x32xf32, #tpu.memory_space<hbm>>
    tpu.enqueue_dma source(%arg9 : memref<144x32xf32, #tpu.memory_space<vmem>>) target(%dma_start3A_126 : memref<144x32xf32, #tpu.memory_space<hbm>>) target_semaphore(%arg13 : memref<!tpu.dma_semaphore, #tpu.memory_space<semaphore_mem>>)
    %add3A_127 = arith.constant 864 : i32
    %add3A_128 = arith.addi %mul3A_2, %add3A_127 : i32
    %mul3A_129 = arith.constant 7 : i32
    %mul3A_130 = arith.muli %add3A_128, %mul3A_129 : i32
    "tpu.region"() ({
      %run_scoped3A = tpu.sem_alloc : memref<!tpu.dma_semaphore, #tpu.memory_space<semaphore_mem>>
      %dma_start3A_232 = tpu.memref_slice %arg3[%mul3A_130] : memref<290304xi32, #tpu.memory_space<hbm>> -> memref<1008xi32, #tpu.memory_space<hbm>>
      %dma_start3A_233 = tpu.memref_slice %arg3[%mul3A_130] : memref<290304xi32, #tpu.memory_space<hbm>> -> memref<1008xi32, #tpu.memory_space<hbm>>
      tpu.enqueue_dma source(%dma_start3A_233 : memref<1008xi32, #tpu.memory_space<hbm>>) target(%arg5 : memref<1008xi32, #tpu.memory_space<vmem>>) target_semaphore(%run_scoped3A : memref<!tpu.dma_semaphore, #tpu.memory_space<semaphore_mem>>)
      %dma_wait3A_234 = tpu.memref_slice %arg3[%mul3A_130] : memref<290304xi32, #tpu.memory_space<hbm>> -> memref<1008xi32, #tpu.memory_space<hbm>>
      %dma_wait3A_235 = tpu.memref_slice %arg3[%mul3A_130] : memref<290304xi32, #tpu.memory_space<hbm>> -> memref<1008xi32, #tpu.memory_space<hbm>>
      tpu.wait_dma2 semaphore(%run_scoped3A : memref<!tpu.dma_semaphore, #tpu.memory_space<semaphore_mem>>) src(%dma_wait3A_235 : memref<1008xi32, #tpu.memory_space<hbm>>) dst(%arg5 : memref<1008xi32, #tpu.memory_space<vmem>>)
      tpu.yield
    }) : () -> ()
    %dma_start3A_131 = arith.constant 0 : i32
    %dma_start3A_132 = arith.constant 0 : i32
    %dma_start3A_133 = tpu.memref_slice %arg2[%dma_start3A_131, %dma_start3A_132] : memref<163842x32xf32, #tpu.memory_space<hbm>> -> memref<163842x32xf32, #tpu.memory_space<hbm>>
    tpu.enqueue_indirect_dma source(%dma_start3A_133 : memref<163842x32xf32, #tpu.memory_space<hbm>>) target(%arg7 : memref<1008x32xf32, #tpu.memory_space<vmem>>) offsets(%arg5 : memref<1008xi32, #tpu.memory_space<vmem>>) semaphore(%arg11 : memref<!tpu.dma_semaphore, #tpu.memory_space<semaphore_mem>>)
    %dma_wait3A_134 = arith.constant 0 : i32
    %dma_wait3A_135 = arith.constant 0 : i32
    %dma_wait3A_136 = tpu.memref_slice %arg2[%dma_wait3A_134, %dma_wait3A_135] : memref<163842x32xf32, #tpu.memory_space<hbm>> -> memref<163842x32xf32, #tpu.memory_space<hbm>>
    tpu.wait_indirect_dma semaphore(%arg12 : memref<!tpu.dma_semaphore, #tpu.memory_space<semaphore_mem>>) src(%dma_wait3A_136 : memref<163842x32xf32, #tpu.memory_space<hbm>>) dst(%arg8 : memref<1008x32xf32, #tpu.memory_space<vmem>>)
    %dma_wait3A_137 = arith.constant 0 : i32
    %dma_wait3A_138 = tpu.memref_slice %arg4[%add3A_96, %dma_wait3A_137] : memref<41472x32xf32, #tpu.memory_space<hbm>> -> memref<144x32xf32, #tpu.memory_space<hbm>>
    %dma_wait3A_139 = arith.constant 0 : i32
    %dma_wait3A_140 = tpu.memref_slice %arg4[%add3A_96, %dma_wait3A_139] : memref<41472x32xf32, #tpu.memory_space<hbm>> -> memref<144x32xf32, #tpu.memory_space<hbm>>
    tpu.wait_dma2 semaphore(%arg14 : memref<!tpu.dma_semaphore, #tpu.memory_space<semaphore_mem>>) src(%arg10 : memref<144x32xf32, #tpu.memory_space<vmem>>) dst(%dma_wait3A_140 : memref<144x32xf32, #tpu.memory_space<hbm>>)
    %scan3A_141 = arith.constant 0 : i32
    %scan3A_142 = arith.constant 0 : i32
    %scan3A_143 = arith.constant 144 : i32
    %scan3A_144 = arith.addi %scan3A_142, %scan3A_143 : i32
    %scan3A_145 = arith.constant 1 : i32
    scf.for %scan3A_232 = %scan3A_142 to %scan3A_144 step %scan3A_145  : i32 {
      %mul3A_233 = arith.constant 7 : i32
      %mul3A_234 = arith.muli %scan3A_232, %mul3A_233 : i32
      %get3A = arith.index_cast %mul3A_234 : i32 to index
      %get3A_235 = arith.constant 0 : index
      %get3A_236 = tpu.vector_load %arg8[%get3A, %get3A_235] {strides = array<i32>} : memref<1008x32xf32, #tpu.memory_space<vmem>>, vector<1x16xf32>,
      %get3A_237 = vector.shape_cast %get3A_236 : vector<1x16xf32> to vector<16xf32>
      %mul3A_238 = arith.constant 7 : i32
      %mul3A_239 = arith.muli %scan3A_232, %mul3A_238 : i32
      %add3A_240 = arith.constant 1 : i32
      %add3A_241 = arith.addi %mul3A_239, %add3A_240 : i32
      %get3A_242 = arith.index_cast %add3A_241 : i32 to index
      %get3A_243 = arith.constant 0 : index
      %get3A_244 = tpu.vector_load %arg8[%get3A_242, %get3A_243] {strides = array<i32>} : memref<1008x32xf32, #tpu.memory_space<vmem>>, vector<1x16xf32>,
      %get3A_245 = vector.shape_cast %get3A_244 : vector<1x16xf32> to vector<16xf32>
      %add3A_246 = arith.addf %get3A_237, %get3A_245 : vector<16xf32>
      %mul3A_247 = arith.constant 7 : i32
      %mul3A_248 = arith.muli %scan3A_232, %mul3A_247 : i32
      %add3A_249 = arith.constant 2 : i32
      %add3A_250 = arith.addi %mul3A_248, %add3A_249 : i32
      %get3A_251 = arith.index_cast %add3A_250 : i32 to index
      %get3A_252 = arith.constant 0 : index
      %get3A_253 = tpu.vector_load %arg8[%get3A_251, %get3A_252] {strides = array<i32>} : memref<1008x32xf32, #tpu.memory_space<vmem>>, vector<1x16xf32>,
      %get3A_254 = vector.shape_cast %get3A_253 : vector<1x16xf32> to vector<16xf32>
      %add3A_255 = arith.addf %add3A_246, %get3A_254 : vector<16xf32>
      %mul3A_256 = arith.constant 7 : i32
      %mul3A_257 = arith.muli %scan3A_232, %mul3A_256 : i32
      %add3A_258 = arith.constant 3 : i32
      %add3A_259 = arith.addi %mul3A_257, %add3A_258 : i32
      %get3A_260 = arith.index_cast %add3A_259 : i32 to index
      %get3A_261 = arith.constant 0 : index
      %get3A_262 = tpu.vector_load %arg8[%get3A_260, %get3A_261] {strides = array<i32>} : memref<1008x32xf32, #tpu.memory_space<vmem>>, vector<1x16xf32>,
      %get3A_263 = vector.shape_cast %get3A_262 : vector<1x16xf32> to vector<16xf32>
      %add3A_264 = arith.addf %add3A_255, %get3A_263 : vector<16xf32>
      %mul3A_265 = arith.constant 7 : i32
      %mul3A_266 = arith.muli %scan3A_232, %mul3A_265 : i32
      %add3A_267 = arith.constant 4 : i32
      %add3A_268 = arith.addi %mul3A_266, %add3A_267 : i32
      %get3A_269 = arith.index_cast %add3A_268 : i32 to index
      %get3A_270 = arith.constant 0 : index
      %get3A_271 = tpu.vector_load %arg8[%get3A_269, %get3A_270] {strides = array<i32>} : memref<1008x32xf32, #tpu.memory_space<vmem>>, vector<1x16xf32>,
      %get3A_272 = vector.shape_cast %get3A_271 : vector<1x16xf32> to vector<16xf32>
      %add3A_273 = arith.addf %add3A_264, %get3A_272 : vector<16xf32>
      %mul3A_274 = arith.constant 7 : i32
      %mul3A_275 = arith.muli %scan3A_232, %mul3A_274 : i32
      %add3A_276 = arith.constant 5 : i32
      %add3A_277 = arith.addi %mul3A_275, %add3A_276 : i32
      %get3A_278 = arith.index_cast %add3A_277 : i32 to index
      %get3A_279 = arith.constant 0 : index
      %get3A_280 = tpu.vector_load %arg8[%get3A_278, %get3A_279] {strides = array<i32>} : memref<1008x32xf32, #tpu.memory_space<vmem>>, vector<1x16xf32>,
      %get3A_281 = vector.shape_cast %get3A_280 : vector<1x16xf32> to vector<16xf32>
      %add3A_282 = arith.addf %add3A_273, %get3A_281 : vector<16xf32>
      %mul3A_283 = arith.constant 7 : i32
      %mul3A_284 = arith.muli %scan3A_232, %mul3A_283 : i32
      %add3A_285 = arith.constant 6 : i32
      %add3A_286 = arith.addi %mul3A_284, %add3A_285 : i32
      %get3A_287 = arith.index_cast %add3A_286 : i32 to index
      %get3A_288 = arith.constant 0 : index
      %get3A_289 = tpu.vector_load %arg8[%get3A_287, %get3A_288] {strides = array<i32>} : memref<1008x32xf32, #tpu.memory_space<vmem>>, vector<1x16xf32>,
      %get3A_290 = vector.shape_cast %get3A_289 : vector<1x16xf32> to vector<16xf32>
      %add3A_291 = arith.addf %add3A_282, %get3A_290 : vector<16xf32>
      %mul3A_292 = arith.constant 0.142857149 : f32
      %mul3A_293 = vector.broadcast %mul3A_292 : f32 to vector<16xf32>
      %mul3A_294 = arith.mulf %add3A_291, %mul3A_293 : vector<16xf32>
      %swap3A = arith.index_cast %scan3A_232 : i32 to index
      %swap3A_295 = arith.constant 0 : index
      %swap3A_296 = tpu.vector_load %arg10[%swap3A, %swap3A_295] {strides = array<i32>} : memref<144x32xf32, #tpu.memory_space<vmem>>, vector<1x16xf32>,
      %swap3A_297 = vector.shape_cast %swap3A_296 : vector<1x16xf32> to vector<16xf32>
      %swap3A_298 = vector.shape_cast %mul3A_294 : vector<16xf32> to vector<1x16xf32>
      tpu.vector_store %arg10[%swap3A, %swap3A_295], %swap3A_298 {strides = array<i32>} : memref<144x32xf32, #tpu.memory_space<vmem>>, vector<1x16xf32>,
      %mul3A_299 = arith.constant 7 : i32
      %mul3A_300 = arith.muli %scan3A_232, %mul3A_299 : i32
      %get3A_301 = arith.index_cast %mul3A_300 : i32 to index
      %get3A_302 = arith.constant 16 : index
      %get3A_303 = tpu.vector_load %arg8[%get3A_301, %get3A_302] {strides = array<i32>} : memref<1008x32xf32, #tpu.memory_space<vmem>>, vector<1x16xf32>,
      %get3A_304 = vector.shape_cast %get3A_303 : vector<1x16xf32> to vector<16xf32>
      %mul3A_305 = arith.constant 7 : i32
      %mul3A_306 = arith.muli %scan3A_232, %mul3A_305 : i32
      %add3A_307 = arith.constant 1 : i32
      %add3A_308 = arith.addi %mul3A_306, %add3A_307 : i32
      %get3A_309 = arith.index_cast %add3A_308 : i32 to index
      %get3A_310 = arith.constant 16 : index
      %get3A_311 = tpu.vector_load %arg8[%get3A_309, %get3A_310] {strides = array<i32>} : memref<1008x32xf32, #tpu.memory_space<vmem>>, vector<1x16xf32>,
      %get3A_312 = vector.shape_cast %get3A_311 : vector<1x16xf32> to vector<16xf32>
      %add3A_313 = arith.addf %get3A_304, %get3A_312 : vector<16xf32>
      %mul3A_314 = arith.constant 7 : i32
      %mul3A_315 = arith.muli %scan3A_232, %mul3A_314 : i32
      %add3A_316 = arith.constant 2 : i32
      %add3A_317 = arith.addi %mul3A_315, %add3A_316 : i32
      %get3A_318 = arith.index_cast %add3A_317 : i32 to index
      %get3A_319 = arith.constant 16 : index
      %get3A_320 = tpu.vector_load %arg8[%get3A_318, %get3A_319] {strides = array<i32>} : memref<1008x32xf32, #tpu.memory_space<vmem>>, vector<1x16xf32>,
      %get3A_321 = vector.shape_cast %get3A_320 : vector<1x16xf32> to vector<16xf32>
      %add3A_322 = arith.addf %add3A_313, %get3A_321 : vector<16xf32>
      %mul3A_323 = arith.constant 7 : i32
      %mul3A_324 = arith.muli %scan3A_232, %mul3A_323 : i32
      %add3A_325 = arith.constant 3 : i32
      %add3A_326 = arith.addi %mul3A_324, %add3A_325 : i32
      %get3A_327 = arith.index_cast %add3A_326 : i32 to index
      %get3A_328 = arith.constant 16 : index
      %get3A_329 = tpu.vector_load %arg8[%get3A_327, %get3A_328] {strides = array<i32>} : memref<1008x32xf32, #tpu.memory_space<vmem>>, vector<1x16xf32>,
      %get3A_330 = vector.shape_cast %get3A_329 : vector<1x16xf32> to vector<16xf32>
      %add3A_331 = arith.addf %add3A_322, %get3A_330 : vector<16xf32>
      %mul3A_332 = arith.constant 7 : i32
      %mul3A_333 = arith.muli %scan3A_232, %mul3A_332 : i32
      %add3A_334 = arith.constant 4 : i32
      %add3A_335 = arith.addi %mul3A_333, %add3A_334 : i32
      %get3A_336 = arith.index_cast %add3A_335 : i32 to index
      %get3A_337 = arith.constant 16 : index
      %get3A_338 = tpu.vector_load %arg8[%get3A_336, %get3A_337] {strides = array<i32>} : memref<1008x32xf32, #tpu.memory_space<vmem>>, vector<1x16xf32>,
      %get3A_339 = vector.shape_cast %get3A_338 : vector<1x16xf32> to vector<16xf32>
      %add3A_340 = arith.addf %add3A_331, %get3A_339 : vector<16xf32>
      %mul3A_341 = arith.constant 7 : i32
      %mul3A_342 = arith.muli %scan3A_232, %mul3A_341 : i32
      %add3A_343 = arith.constant 5 : i32
      %add3A_344 = arith.addi %mul3A_342, %add3A_343 : i32
      %get3A_345 = arith.index_cast %add3A_344 : i32 to index
      %get3A_346 = arith.constant 16 : index
      %get3A_347 = tpu.vector_load %arg8[%get3A_345, %get3A_346] {strides = array<i32>} : memref<1008x32xf32, #tpu.memory_space<vmem>>, vector<1x16xf32>,
      %get3A_348 = vector.shape_cast %get3A_347 : vector<1x16xf32> to vector<16xf32>
      %add3A_349 = arith.addf %add3A_340, %get3A_348 : vector<16xf32>
      %mul3A_350 = arith.constant 7 : i32
      %mul3A_351 = arith.muli %scan3A_232, %mul3A_350 : i32
      %add3A_352 = arith.constant 6 : i32
      %add3A_353 = arith.addi %mul3A_351, %add3A_352 : i32
      %get3A_354 = arith.index_cast %add3A_353 : i32 to index
      %get3A_355 = arith.constant 16 : index
      %get3A_356 = tpu.vector_load %arg8[%get3A_354, %get3A_355] {strides = array<i32>} : memref<1008x32xf32, #tpu.memory_space<vmem>>, vector<1x16xf32>,
      %get3A_357 = vector.shape_cast %get3A_356 : vector<1x16xf32> to vector<16xf32>
      %add3A_358 = arith.addf %add3A_349, %get3A_357 : vector<16xf32>
      %mul3A_359 = arith.constant 0.142857149 : f32
      %mul3A_360 = vector.broadcast %mul3A_359 : f32 to vector<16xf32>
      %mul3A_361 = arith.mulf %add3A_358, %mul3A_360 : vector<16xf32>
      %swap3A_362 = arith.index_cast %scan3A_232 : i32 to index
      %swap3A_363 = arith.constant 16 : index
      %swap3A_364 = tpu.vector_load %arg10[%swap3A_362, %swap3A_363] {strides = array<i32>} : memref<144x32xf32, #tpu.memory_space<vmem>>, vector<1x16xf32>,
      %swap3A_365 = vector.shape_cast %swap3A_364 : vector<1x16xf32> to vector<16xf32>
      %swap3A_366 = vector.shape_cast %mul3A_361 : vector<16xf32> to vector<1x16xf32>
      tpu.vector_store %arg10[%swap3A_362, %swap3A_363], %swap3A_366 {strides = array<i32>} : memref<144x32xf32, #tpu.memory_space<vmem>>, vector<1x16xf32>,
    }
    %scan3A_146 = arith.constant 144 : i32
    %add3A_147 = arith.constant 720 : i32
    %add3A_148 = arith.addi %mul3A_2, %add3A_147 : i32
    %dma_start3A_149 = arith.constant 0 : i32
    %dma_start3A_150 = tpu.memref_slice %arg4[%add3A_148, %dma_start3A_149] : memref<41472x32xf32, #tpu.memory_space<hbm>> -> memref<144x32xf32, #tpu.memory_space<hbm>>
    %dma_start3A_151 = arith.constant 0 : i32
    %dma_start3A_152 = tpu.memref_slice %arg4[%add3A_148, %dma_start3A_151] : memref<41472x32xf32, #tpu.memory_space<hbm>> -> memref<144x32xf32, #tpu.memory_space<hbm>>
    tpu.enqueue_dma source(%arg10 : memref<144x32xf32, #tpu.memory_space<vmem>>) target(%dma_start3A_152 : memref<144x32xf32, #tpu.memory_space<hbm>>) target_semaphore(%arg14 : memref<!tpu.dma_semaphore, #tpu.memory_space<semaphore_mem>>)
    %add3A_153 = arith.constant 1008 : i32
    %add3A_154 = arith.addi %mul3A_2, %add3A_153 : i32
    %mul3A_155 = arith.constant 7 : i32
    %mul3A_156 = arith.muli %add3A_154, %mul3A_155 : i32
    "tpu.region"() ({
      %run_scoped3A = tpu.sem_alloc : memref<!tpu.dma_semaphore, #tpu.memory_space<semaphore_mem>>
      %dma_start3A_232 = tpu.memref_slice %arg3[%mul3A_156] : memref<290304xi32, #tpu.memory_space<hbm>> -> memref<1008xi32, #tpu.memory_space<hbm>>
      %dma_start3A_233 = tpu.memref_slice %arg3[%mul3A_156] : memref<290304xi32, #tpu.memory_space<hbm>> -> memref<1008xi32, #tpu.memory_space<hbm>>
      tpu.enqueue_dma source(%dma_start3A_233 : memref<1008xi32, #tpu.memory_space<hbm>>) target(%arg6 : memref<1008xi32, #tpu.memory_space<vmem>>) target_semaphore(%run_scoped3A : memref<!tpu.dma_semaphore, #tpu.memory_space<semaphore_mem>>)
      %dma_wait3A_234 = tpu.memref_slice %arg3[%mul3A_156] : memref<290304xi32, #tpu.memory_space<hbm>> -> memref<1008xi32, #tpu.memory_space<hbm>>
      %dma_wait3A_235 = tpu.memref_slice %arg3[%mul3A_156] : memref<290304xi32, #tpu.memory_space<hbm>> -> memref<1008xi32, #tpu.memory_space<hbm>>
      tpu.wait_dma2 semaphore(%run_scoped3A : memref<!tpu.dma_semaphore, #tpu.memory_space<semaphore_mem>>) src(%dma_wait3A_235 : memref<1008xi32, #tpu.memory_space<hbm>>) dst(%arg6 : memref<1008xi32, #tpu.memory_space<vmem>>)
      tpu.yield
    }) : () -> ()
    %dma_start3A_157 = arith.constant 0 : i32
    %dma_start3A_158 = arith.constant 0 : i32
    %dma_start3A_159 = tpu.memref_slice %arg2[%dma_start3A_157, %dma_start3A_158] : memref<163842x32xf32, #tpu.memory_space<hbm>> -> memref<163842x32xf32, #tpu.memory_space<hbm>>
    tpu.enqueue_indirect_dma source(%dma_start3A_159 : memref<163842x32xf32, #tpu.memory_space<hbm>>) target(%arg8 : memref<1008x32xf32, #tpu.memory_space<vmem>>) offsets(%arg6 : memref<1008xi32, #tpu.memory_space<vmem>>) semaphore(%arg12 : memref<!tpu.dma_semaphore, #tpu.memory_space<semaphore_mem>>)
    %dma_wait3A_160 = arith.constant 0 : i32
    %dma_wait3A_161 = arith.constant 0 : i32
    %dma_wait3A_162 = tpu.memref_slice %arg2[%dma_wait3A_160, %dma_wait3A_161] : memref<163842x32xf32, #tpu.memory_space<hbm>> -> memref<163842x32xf32, #tpu.memory_space<hbm>>
    tpu.wait_indirect_dma semaphore(%arg11 : memref<!tpu.dma_semaphore, #tpu.memory_space<semaphore_mem>>) src(%dma_wait3A_162 : memref<163842x32xf32, #tpu.memory_space<hbm>>) dst(%arg7 : memref<1008x32xf32, #tpu.memory_space<vmem>>)
    %dma_wait3A_163 = arith.constant 0 : i32
    %dma_wait3A_164 = tpu.memref_slice %arg4[%add3A_122, %dma_wait3A_163] : memref<41472x32xf32, #tpu.memory_space<hbm>> -> memref<144x32xf32, #tpu.memory_space<hbm>>
    %dma_wait3A_165 = arith.constant 0 : i32
    %dma_wait3A_166 = tpu.memref_slice %arg4[%add3A_122, %dma_wait3A_165] : memref<41472x32xf32, #tpu.memory_space<hbm>> -> memref<144x32xf32, #tpu.memory_space<hbm>>
    tpu.wait_dma2 semaphore(%arg13 : memref<!tpu.dma_semaphore, #tpu.memory_space<semaphore_mem>>) src(%arg9 : memref<144x32xf32, #tpu.memory_space<vmem>>) dst(%dma_wait3A_166 : memref<144x32xf32, #tpu.memory_space<hbm>>)
    %scan3A_167 = arith.constant 0 : i32
    %scan3A_168 = arith.constant 0 : i32
    %scan3A_169 = arith.constant 144 : i32
    %scan3A_170 = arith.addi %scan3A_168, %scan3A_169 : i32
    %scan3A_171 = arith.constant 1 : i32
    scf.for %scan3A_232 = %scan3A_168 to %scan3A_170 step %scan3A_171  : i32 {
      %mul3A_233 = arith.constant 7 : i32
      %mul3A_234 = arith.muli %scan3A_232, %mul3A_233 : i32
      %get3A = arith.index_cast %mul3A_234 : i32 to index
      %get3A_235 = arith.constant 0 : index
      %get3A_236 = tpu.vector_load %arg7[%get3A, %get3A_235] {strides = array<i32>} : memref<1008x32xf32, #tpu.memory_space<vmem>>, vector<1x16xf32>,
      %get3A_237 = vector.shape_cast %get3A_236 : vector<1x16xf32> to vector<16xf32>
      %mul3A_238 = arith.constant 7 : i32
      %mul3A_239 = arith.muli %scan3A_232, %mul3A_238 : i32
      %add3A_240 = arith.constant 1 : i32
      %add3A_241 = arith.addi %mul3A_239, %add3A_240 : i32
      %get3A_242 = arith.index_cast %add3A_241 : i32 to index
      %get3A_243 = arith.constant 0 : index
      %get3A_244 = tpu.vector_load %arg7[%get3A_242, %get3A_243] {strides = array<i32>} : memref<1008x32xf32, #tpu.memory_space<vmem>>, vector<1x16xf32>,
      %get3A_245 = vector.shape_cast %get3A_244 : vector<1x16xf32> to vector<16xf32>
      %add3A_246 = arith.addf %get3A_237, %get3A_245 : vector<16xf32>
      %mul3A_247 = arith.constant 7 : i32
      %mul3A_248 = arith.muli %scan3A_232, %mul3A_247 : i32
      %add3A_249 = arith.constant 2 : i32
      %add3A_250 = arith.addi %mul3A_248, %add3A_249 : i32
      %get3A_251 = arith.index_cast %add3A_250 : i32 to index
      %get3A_252 = arith.constant 0 : index
      %get3A_253 = tpu.vector_load %arg7[%get3A_251, %get3A_252] {strides = array<i32>} : memref<1008x32xf32, #tpu.memory_space<vmem>>, vector<1x16xf32>,
      %get3A_254 = vector.shape_cast %get3A_253 : vector<1x16xf32> to vector<16xf32>
      %add3A_255 = arith.addf %add3A_246, %get3A_254 : vector<16xf32>
      %mul3A_256 = arith.constant 7 : i32
      %mul3A_257 = arith.muli %scan3A_232, %mul3A_256 : i32
      %add3A_258 = arith.constant 3 : i32
      %add3A_259 = arith.addi %mul3A_257, %add3A_258 : i32
      %get3A_260 = arith.index_cast %add3A_259 : i32 to index
      %get3A_261 = arith.constant 0 : index
      %get3A_262 = tpu.vector_load %arg7[%get3A_260, %get3A_261] {strides = array<i32>} : memref<1008x32xf32, #tpu.memory_space<vmem>>, vector<1x16xf32>,
      %get3A_263 = vector.shape_cast %get3A_262 : vector<1x16xf32> to vector<16xf32>
      %add3A_264 = arith.addf %add3A_255, %get3A_263 : vector<16xf32>
      %mul3A_265 = arith.constant 7 : i32
      %mul3A_266 = arith.muli %scan3A_232, %mul3A_265 : i32
      %add3A_267 = arith.constant 4 : i32
      %add3A_268 = arith.addi %mul3A_266, %add3A_267 : i32
      %get3A_269 = arith.index_cast %add3A_268 : i32 to index
      %get3A_270 = arith.constant 0 : index
      %get3A_271 = tpu.vector_load %arg7[%get3A_269, %get3A_270] {strides = array<i32>} : memref<1008x32xf32, #tpu.memory_space<vmem>>, vector<1x16xf32>,
      %get3A_272 = vector.shape_cast %get3A_271 : vector<1x16xf32> to vector<16xf32>
      %add3A_273 = arith.addf %add3A_264, %get3A_272 : vector<16xf32>
      %mul3A_274 = arith.constant 7 : i32
      %mul3A_275 = arith.muli %scan3A_232, %mul3A_274 : i32
      %add3A_276 = arith.constant 5 : i32
      %add3A_277 = arith.addi %mul3A_275, %add3A_276 : i32
      %get3A_278 = arith.index_cast %add3A_277 : i32 to index
      %get3A_279 = arith.constant 0 : index
      %get3A_280 = tpu.vector_load %arg7[%get3A_278, %get3A_279] {strides = array<i32>} : memref<1008x32xf32, #tpu.memory_space<vmem>>, vector<1x16xf32>,
      %get3A_281 = vector.shape_cast %get3A_280 : vector<1x16xf32> to vector<16xf32>
      %add3A_282 = arith.addf %add3A_273, %get3A_281 : vector<16xf32>
      %mul3A_283 = arith.constant 7 : i32
      %mul3A_284 = arith.muli %scan3A_232, %mul3A_283 : i32
      %add3A_285 = arith.constant 6 : i32
      %add3A_286 = arith.addi %mul3A_284, %add3A_285 : i32
      %get3A_287 = arith.index_cast %add3A_286 : i32 to index
      %get3A_288 = arith.constant 0 : index
      %get3A_289 = tpu.vector_load %arg7[%get3A_287, %get3A_288] {strides = array<i32>} : memref<1008x32xf32, #tpu.memory_space<vmem>>, vector<1x16xf32>,
      %get3A_290 = vector.shape_cast %get3A_289 : vector<1x16xf32> to vector<16xf32>
      %add3A_291 = arith.addf %add3A_282, %get3A_290 : vector<16xf32>
      %mul3A_292 = arith.constant 0.142857149 : f32
      %mul3A_293 = vector.broadcast %mul3A_292 : f32 to vector<16xf32>
      %mul3A_294 = arith.mulf %add3A_291, %mul3A_293 : vector<16xf32>
      %swap3A = arith.index_cast %scan3A_232 : i32 to index
      %swap3A_295 = arith.constant 0 : index
      %swap3A_296 = tpu.vector_load %arg9[%swap3A, %swap3A_295] {strides = array<i32>} : memref<144x32xf32, #tpu.memory_space<vmem>>, vector<1x16xf32>,
      %swap3A_297 = vector.shape_cast %swap3A_296 : vector<1x16xf32> to vector<16xf32>
      %swap3A_298 = vector.shape_cast %mul3A_294 : vector<16xf32> to vector<1x16xf32>
      tpu.vector_store %arg9[%swap3A, %swap3A_295], %swap3A_298 {strides = array<i32>} : memref<144x32xf32, #tpu.memory_space<vmem>>, vector<1x16xf32>,
      %mul3A_299 = arith.constant 7 : i32
      %mul3A_300 = arith.muli %scan3A_232, %mul3A_299 : i32
      %get3A_301 = arith.index_cast %mul3A_300 : i32 to index
      %get3A_302 = arith.constant 16 : index
      %get3A_303 = tpu.vector_load %arg7[%get3A_301, %get3A_302] {strides = array<i32>} : memref<1008x32xf32, #tpu.memory_space<vmem>>, vector<1x16xf32>,
      %get3A_304 = vector.shape_cast %get3A_303 : vector<1x16xf32> to vector<16xf32>
      %mul3A_305 = arith.constant 7 : i32
      %mul3A_306 = arith.muli %scan3A_232, %mul3A_305 : i32
      %add3A_307 = arith.constant 1 : i32
      %add3A_308 = arith.addi %mul3A_306, %add3A_307 : i32
      %get3A_309 = arith.index_cast %add3A_308 : i32 to index
      %get3A_310 = arith.constant 16 : index
      %get3A_311 = tpu.vector_load %arg7[%get3A_309, %get3A_310] {strides = array<i32>} : memref<1008x32xf32, #tpu.memory_space<vmem>>, vector<1x16xf32>,
      %get3A_312 = vector.shape_cast %get3A_311 : vector<1x16xf32> to vector<16xf32>
      %add3A_313 = arith.addf %get3A_304, %get3A_312 : vector<16xf32>
      %mul3A_314 = arith.constant 7 : i32
      %mul3A_315 = arith.muli %scan3A_232, %mul3A_314 : i32
      %add3A_316 = arith.constant 2 : i32
      %add3A_317 = arith.addi %mul3A_315, %add3A_316 : i32
      %get3A_318 = arith.index_cast %add3A_317 : i32 to index
      %get3A_319 = arith.constant 16 : index
      %get3A_320 = tpu.vector_load %arg7[%get3A_318, %get3A_319] {strides = array<i32>} : memref<1008x32xf32, #tpu.memory_space<vmem>>, vector<1x16xf32>,
      %get3A_321 = vector.shape_cast %get3A_320 : vector<1x16xf32> to vector<16xf32>
      %add3A_322 = arith.addf %add3A_313, %get3A_321 : vector<16xf32>
      %mul3A_323 = arith.constant 7 : i32
      %mul3A_324 = arith.muli %scan3A_232, %mul3A_323 : i32
      %add3A_325 = arith.constant 3 : i32
      %add3A_326 = arith.addi %mul3A_324, %add3A_325 : i32
      %get3A_327 = arith.index_cast %add3A_326 : i32 to index
      %get3A_328 = arith.constant 16 : index
      %get3A_329 = tpu.vector_load %arg7[%get3A_327, %get3A_328] {strides = array<i32>} : memref<1008x32xf32, #tpu.memory_space<vmem>>, vector<1x16xf32>,
      %get3A_330 = vector.shape_cast %get3A_329 : vector<1x16xf32> to vector<16xf32>
      %add3A_331 = arith.addf %add3A_322, %get3A_330 : vector<16xf32>
      %mul3A_332 = arith.constant 7 : i32
      %mul3A_333 = arith.muli %scan3A_232, %mul3A_332 : i32
      %add3A_334 = arith.constant 4 : i32
      %add3A_335 = arith.addi %mul3A_333, %add3A_334 : i32
      %get3A_336 = arith.index_cast %add3A_335 : i32 to index
      %get3A_337 = arith.constant 16 : index
      %get3A_338 = tpu.vector_load %arg7[%get3A_336, %get3A_337] {strides = array<i32>} : memref<1008x32xf32, #tpu.memory_space<vmem>>, vector<1x16xf32>,
      %get3A_339 = vector.shape_cast %get3A_338 : vector<1x16xf32> to vector<16xf32>
      %add3A_340 = arith.addf %add3A_331, %get3A_339 : vector<16xf32>
      %mul3A_341 = arith.constant 7 : i32
      %mul3A_342 = arith.muli %scan3A_232, %mul3A_341 : i32
      %add3A_343 = arith.constant 5 : i32
      %add3A_344 = arith.addi %mul3A_342, %add3A_343 : i32
      %get3A_345 = arith.index_cast %add3A_344 : i32 to index
      %get3A_346 = arith.constant 16 : index
      %get3A_347 = tpu.vector_load %arg7[%get3A_345, %get3A_346] {strides = array<i32>} : memref<1008x32xf32, #tpu.memory_space<vmem>>, vector<1x16xf32>,
      %get3A_348 = vector.shape_cast %get3A_347 : vector<1x16xf32> to vector<16xf32>
      %add3A_349 = arith.addf %add3A_340, %get3A_348 : vector<16xf32>
      %mul3A_350 = arith.constant 7 : i32
      %mul3A_351 = arith.muli %scan3A_232, %mul3A_350 : i32
      %add3A_352 = arith.constant 6 : i32
      %add3A_353 = arith.addi %mul3A_351, %add3A_352 : i32
      %get3A_354 = arith.index_cast %add3A_353 : i32 to index
      %get3A_355 = arith.constant 16 : index
      %get3A_356 = tpu.vector_load %arg7[%get3A_354, %get3A_355] {strides = array<i32>} : memref<1008x32xf32, #tpu.memory_space<vmem>>, vector<1x16xf32>,
      %get3A_357 = vector.shape_cast %get3A_356 : vector<1x16xf32> to vector<16xf32>
      %add3A_358 = arith.addf %add3A_349, %get3A_357 : vector<16xf32>
      %mul3A_359 = arith.constant 0.142857149 : f32
      %mul3A_360 = vector.broadcast %mul3A_359 : f32 to vector<16xf32>
      %mul3A_361 = arith.mulf %add3A_358, %mul3A_360 : vector<16xf32>
      %swap3A_362 = arith.index_cast %scan3A_232 : i32 to index
      %swap3A_363 = arith.constant 16 : index
      %swap3A_364 = tpu.vector_load %arg9[%swap3A_362, %swap3A_363] {strides = array<i32>} : memref<144x32xf32, #tpu.memory_space<vmem>>, vector<1x16xf32>,
      %swap3A_365 = vector.shape_cast %swap3A_364 : vector<1x16xf32> to vector<16xf32>
      %swap3A_366 = vector.shape_cast %mul3A_361 : vector<16xf32> to vector<1x16xf32>
      tpu.vector_store %arg9[%swap3A_362, %swap3A_363], %swap3A_366 {strides = array<i32>} : memref<144x32xf32, #tpu.memory_space<vmem>>, vector<1x16xf32>,
    }
    %scan3A_172 = arith.constant 144 : i32
    %add3A_173 = arith.constant 864 : i32
    %add3A_174 = arith.addi %mul3A_2, %add3A_173 : i32
    %dma_start3A_175 = arith.constant 0 : i32
    %dma_start3A_176 = tpu.memref_slice %arg4[%add3A_174, %dma_start3A_175] : memref<41472x32xf32, #tpu.memory_space<hbm>> -> memref<144x32xf32, #tpu.memory_space<hbm>>
    %dma_start3A_177 = arith.constant 0 : i32
    %dma_start3A_178 = tpu.memref_slice %arg4[%add3A_174, %dma_start3A_177] : memref<41472x32xf32, #tpu.memory_space<hbm>> -> memref<144x32xf32, #tpu.memory_space<hbm>>
    tpu.enqueue_dma source(%arg9 : memref<144x32xf32, #tpu.memory_space<vmem>>) target(%dma_start3A_178 : memref<144x32xf32, #tpu.memory_space<hbm>>) target_semaphore(%arg13 : memref<!tpu.dma_semaphore, #tpu.memory_space<semaphore_mem>>)
    %add3A_179 = arith.constant 1152 : i32
    %add3A_180 = arith.addi %mul3A_2, %add3A_179 : i32
    %mul3A_181 = arith.constant 7 : i32
    %mul3A_182 = arith.muli %add3A_180, %mul3A_181 : i32
    "tpu.region"() ({
      %run_scoped3A = tpu.sem_alloc : memref<!tpu.dma_semaphore, #tpu.memory_space<semaphore_mem>>
      %dma_start3A_232 = tpu.memref_slice %arg3[%mul3A_182] : memref<290304xi32, #tpu.memory_space<hbm>> -> memref<1008xi32, #tpu.memory_space<hbm>>
      %dma_start3A_233 = tpu.memref_slice %arg3[%mul3A_182] : memref<290304xi32, #tpu.memory_space<hbm>> -> memref<1008xi32, #tpu.memory_space<hbm>>
      tpu.enqueue_dma source(%dma_start3A_233 : memref<1008xi32, #tpu.memory_space<hbm>>) target(%arg5 : memref<1008xi32, #tpu.memory_space<vmem>>) target_semaphore(%run_scoped3A : memref<!tpu.dma_semaphore, #tpu.memory_space<semaphore_mem>>)
      %dma_wait3A_234 = tpu.memref_slice %arg3[%mul3A_182] : memref<290304xi32, #tpu.memory_space<hbm>> -> memref<1008xi32, #tpu.memory_space<hbm>>
      %dma_wait3A_235 = tpu.memref_slice %arg3[%mul3A_182] : memref<290304xi32, #tpu.memory_space<hbm>> -> memref<1008xi32, #tpu.memory_space<hbm>>
      tpu.wait_dma2 semaphore(%run_scoped3A : memref<!tpu.dma_semaphore, #tpu.memory_space<semaphore_mem>>) src(%dma_wait3A_235 : memref<1008xi32, #tpu.memory_space<hbm>>) dst(%arg5 : memref<1008xi32, #tpu.memory_space<vmem>>)
      tpu.yield
    }) : () -> ()
    %dma_start3A_183 = arith.constant 0 : i32
    %dma_start3A_184 = arith.constant 0 : i32
    %dma_start3A_185 = tpu.memref_slice %arg2[%dma_start3A_183, %dma_start3A_184] : memref<163842x32xf32, #tpu.memory_space<hbm>> -> memref<163842x32xf32, #tpu.memory_space<hbm>>
    tpu.enqueue_indirect_dma source(%dma_start3A_185 : memref<163842x32xf32, #tpu.memory_space<hbm>>) target(%arg7 : memref<1008x32xf32, #tpu.memory_space<vmem>>) offsets(%arg5 : memref<1008xi32, #tpu.memory_space<vmem>>) semaphore(%arg11 : memref<!tpu.dma_semaphore, #tpu.memory_space<semaphore_mem>>)
    %dma_wait3A_186 = arith.constant 0 : i32
    %dma_wait3A_187 = arith.constant 0 : i32
    %dma_wait3A_188 = tpu.memref_slice %arg2[%dma_wait3A_186, %dma_wait3A_187] : memref<163842x32xf32, #tpu.memory_space<hbm>> -> memref<163842x32xf32, #tpu.memory_space<hbm>>
    tpu.wait_indirect_dma semaphore(%arg12 : memref<!tpu.dma_semaphore, #tpu.memory_space<semaphore_mem>>) src(%dma_wait3A_188 : memref<163842x32xf32, #tpu.memory_space<hbm>>) dst(%arg8 : memref<1008x32xf32, #tpu.memory_space<vmem>>)
    %dma_wait3A_189 = arith.constant 0 : i32
    %dma_wait3A_190 = tpu.memref_slice %arg4[%add3A_148, %dma_wait3A_189] : memref<41472x32xf32, #tpu.memory_space<hbm>> -> memref<144x32xf32, #tpu.memory_space<hbm>>
    %dma_wait3A_191 = arith.constant 0 : i32
    %dma_wait3A_192 = tpu.memref_slice %arg4[%add3A_148, %dma_wait3A_191] : memref<41472x32xf32, #tpu.memory_space<hbm>> -> memref<144x32xf32, #tpu.memory_space<hbm>>
    tpu.wait_dma2 semaphore(%arg14 : memref<!tpu.dma_semaphore, #tpu.memory_space<semaphore_mem>>) src(%arg10 : memref<144x32xf32, #tpu.memory_space<vmem>>) dst(%dma_wait3A_192 : memref<144x32xf32, #tpu.memory_space<hbm>>)
    %scan3A_193 = arith.constant 0 : i32
    %scan3A_194 = arith.constant 0 : i32
    %scan3A_195 = arith.constant 144 : i32
    %scan3A_196 = arith.addi %scan3A_194, %scan3A_195 : i32
    %scan3A_197 = arith.constant 1 : i32
    scf.for %scan3A_232 = %scan3A_194 to %scan3A_196 step %scan3A_197  : i32 {
      %mul3A_233 = arith.constant 7 : i32
      %mul3A_234 = arith.muli %scan3A_232, %mul3A_233 : i32
      %get3A = arith.index_cast %mul3A_234 : i32 to index
      %get3A_235 = arith.constant 0 : index
      %get3A_236 = tpu.vector_load %arg8[%get3A, %get3A_235] {strides = array<i32>} : memref<1008x32xf32, #tpu.memory_space<vmem>>, vector<1x16xf32>,
      %get3A_237 = vector.shape_cast %get3A_236 : vector<1x16xf32> to vector<16xf32>
      %mul3A_238 = arith.constant 7 : i32
      %mul3A_239 = arith.muli %scan3A_232, %mul3A_238 : i32
      %add3A_240 = arith.constant 1 : i32
      %add3A_241 = arith.addi %mul3A_239, %add3A_240 : i32
      %get3A_242 = arith.index_cast %add3A_241 : i32 to index
      %get3A_243 = arith.constant 0 : index
      %get3A_244 = tpu.vector_load %arg8[%get3A_242, %get3A_243] {strides = array<i32>} : memref<1008x32xf32, #tpu.memory_space<vmem>>, vector<1x16xf32>,
      %get3A_245 = vector.shape_cast %get3A_244 : vector<1x16xf32> to vector<16xf32>
      %add3A_246 = arith.addf %get3A_237, %get3A_245 : vector<16xf32>
      %mul3A_247 = arith.constant 7 : i32
      %mul3A_248 = arith.muli %scan3A_232, %mul3A_247 : i32
      %add3A_249 = arith.constant 2 : i32
      %add3A_250 = arith.addi %mul3A_248, %add3A_249 : i32
      %get3A_251 = arith.index_cast %add3A_250 : i32 to index
      %get3A_252 = arith.constant 0 : index
      %get3A_253 = tpu.vector_load %arg8[%get3A_251, %get3A_252] {strides = array<i32>} : memref<1008x32xf32, #tpu.memory_space<vmem>>, vector<1x16xf32>,
      %get3A_254 = vector.shape_cast %get3A_253 : vector<1x16xf32> to vector<16xf32>
      %add3A_255 = arith.addf %add3A_246, %get3A_254 : vector<16xf32>
      %mul3A_256 = arith.constant 7 : i32
      %mul3A_257 = arith.muli %scan3A_232, %mul3A_256 : i32
      %add3A_258 = arith.constant 3 : i32
      %add3A_259 = arith.addi %mul3A_257, %add3A_258 : i32
      %get3A_260 = arith.index_cast %add3A_259 : i32 to index
      %get3A_261 = arith.constant 0 : index
      %get3A_262 = tpu.vector_load %arg8[%get3A_260, %get3A_261] {strides = array<i32>} : memref<1008x32xf32, #tpu.memory_space<vmem>>, vector<1x16xf32>,
      %get3A_263 = vector.shape_cast %get3A_262 : vector<1x16xf32> to vector<16xf32>
      %add3A_264 = arith.addf %add3A_255, %get3A_263 : vector<16xf32>
      %mul3A_265 = arith.constant 7 : i32
      %mul3A_266 = arith.muli %scan3A_232, %mul3A_265 : i32
      %add3A_267 = arith.constant 4 : i32
      %add3A_268 = arith.addi %mul3A_266, %add3A_267 : i32
      %get3A_269 = arith.index_cast %add3A_268 : i32 to index
      %get3A_270 = arith.constant 0 : index
      %get3A_271 = tpu.vector_load %arg8[%get3A_269, %get3A_270] {strides = array<i32>} : memref<1008x32xf32, #tpu.memory_space<vmem>>, vector<1x16xf32>,
      %get3A_272 = vector.shape_cast %get3A_271 : vector<1x16xf32> to vector<16xf32>
      %add3A_273 = arith.addf %add3A_264, %get3A_272 : vector<16xf32>
      %mul3A_274 = arith.constant 7 : i32
      %mul3A_275 = arith.muli %scan3A_232, %mul3A_274 : i32
      %add3A_276 = arith.constant 5 : i32
      %add3A_277 = arith.addi %mul3A_275, %add3A_276 : i32
      %get3A_278 = arith.index_cast %add3A_277 : i32 to index
      %get3A_279 = arith.constant 0 : index
      %get3A_280 = tpu.vector_load %arg8[%get3A_278, %get3A_279] {strides = array<i32>} : memref<1008x32xf32, #tpu.memory_space<vmem>>, vector<1x16xf32>,
      %get3A_281 = vector.shape_cast %get3A_280 : vector<1x16xf32> to vector<16xf32>
      %add3A_282 = arith.addf %add3A_273, %get3A_281 : vector<16xf32>
      %mul3A_283 = arith.constant 7 : i32
      %mul3A_284 = arith.muli %scan3A_232, %mul3A_283 : i32
      %add3A_285 = arith.constant 6 : i32
      %add3A_286 = arith.addi %mul3A_284, %add3A_285 : i32
      %get3A_287 = arith.index_cast %add3A_286 : i32 to index
      %get3A_288 = arith.constant 0 : index
      %get3A_289 = tpu.vector_load %arg8[%get3A_287, %get3A_288] {strides = array<i32>} : memref<1008x32xf32, #tpu.memory_space<vmem>>, vector<1x16xf32>,
      %get3A_290 = vector.shape_cast %get3A_289 : vector<1x16xf32> to vector<16xf32>
      %add3A_291 = arith.addf %add3A_282, %get3A_290 : vector<16xf32>
      %mul3A_292 = arith.constant 0.142857149 : f32
      %mul3A_293 = vector.broadcast %mul3A_292 : f32 to vector<16xf32>
      %mul3A_294 = arith.mulf %add3A_291, %mul3A_293 : vector<16xf32>
      %swap3A = arith.index_cast %scan3A_232 : i32 to index
      %swap3A_295 = arith.constant 0 : index
      %swap3A_296 = tpu.vector_load %arg10[%swap3A, %swap3A_295] {strides = array<i32>} : memref<144x32xf32, #tpu.memory_space<vmem>>, vector<1x16xf32>,
      %swap3A_297 = vector.shape_cast %swap3A_296 : vector<1x16xf32> to vector<16xf32>
      %swap3A_298 = vector.shape_cast %mul3A_294 : vector<16xf32> to vector<1x16xf32>
      tpu.vector_store %arg10[%swap3A, %swap3A_295], %swap3A_298 {strides = array<i32>} : memref<144x32xf32, #tpu.memory_space<vmem>>, vector<1x16xf32>,
      %mul3A_299 = arith.constant 7 : i32
      %mul3A_300 = arith.muli %scan3A_232, %mul3A_299 : i32
      %get3A_301 = arith.index_cast %mul3A_300 : i32 to index
      %get3A_302 = arith.constant 16 : index
      %get3A_303 = tpu.vector_load %arg8[%get3A_301, %get3A_302] {strides = array<i32>} : memref<1008x32xf32, #tpu.memory_space<vmem>>, vector<1x16xf32>,
      %get3A_304 = vector.shape_cast %get3A_303 : vector<1x16xf32> to vector<16xf32>
      %mul3A_305 = arith.constant 7 : i32
      %mul3A_306 = arith.muli %scan3A_232, %mul3A_305 : i32
      %add3A_307 = arith.constant 1 : i32
      %add3A_308 = arith.addi %mul3A_306, %add3A_307 : i32
      %get3A_309 = arith.index_cast %add3A_308 : i32 to index
      %get3A_310 = arith.constant 16 : index
      %get3A_311 = tpu.vector_load %arg8[%get3A_309, %get3A_310] {strides = array<i32>} : memref<1008x32xf32, #tpu.memory_space<vmem>>, vector<1x16xf32>,
      %get3A_312 = vector.shape_cast %get3A_311 : vector<1x16xf32> to vector<16xf32>
      %add3A_313 = arith.addf %get3A_304, %get3A_312 : vector<16xf32>
      %mul3A_314 = arith.constant 7 : i32
      %mul3A_315 = arith.muli %scan3A_232, %mul3A_314 : i32
      %add3A_316 = arith.constant 2 : i32
      %add3A_317 = arith.addi %mul3A_315, %add3A_316 : i32
      %get3A_318 = arith.index_cast %add3A_317 : i32 to index
      %get3A_319 = arith.constant 16 : index
      %get3A_320 = tpu.vector_load %arg8[%get3A_318, %get3A_319] {strides = array<i32>} : memref<1008x32xf32, #tpu.memory_space<vmem>>, vector<1x16xf32>,
      %get3A_321 = vector.shape_cast %get3A_320 : vector<1x16xf32> to vector<16xf32>
      %add3A_322 = arith.addf %add3A_313, %get3A_321 : vector<16xf32>
      %mul3A_323 = arith.constant 7 : i32
      %mul3A_324 = arith.muli %scan3A_232, %mul3A_323 : i32
      %add3A_325 = arith.constant 3 : i32
      %add3A_326 = arith.addi %mul3A_324, %add3A_325 : i32
      %get3A_327 = arith.index_cast %add3A_326 : i32 to index
      %get3A_328 = arith.constant 16 : index
      %get3A_329 = tpu.vector_load %arg8[%get3A_327, %get3A_328] {strides = array<i32>} : memref<1008x32xf32, #tpu.memory_space<vmem>>, vector<1x16xf32>,
      %get3A_330 = vector.shape_cast %get3A_329 : vector<1x16xf32> to vector<16xf32>
      %add3A_331 = arith.addf %add3A_322, %get3A_330 : vector<16xf32>
      %mul3A_332 = arith.constant 7 : i32
      %mul3A_333 = arith.muli %scan3A_232, %mul3A_332 : i32
      %add3A_334 = arith.constant 4 : i32
      %add3A_335 = arith.addi %mul3A_333, %add3A_334 : i32
      %get3A_336 = arith.index_cast %add3A_335 : i32 to index
      %get3A_337 = arith.constant 16 : index
      %get3A_338 = tpu.vector_load %arg8[%get3A_336, %get3A_337] {strides = array<i32>} : memref<1008x32xf32, #tpu.memory_space<vmem>>, vector<1x16xf32>,
      %get3A_339 = vector.shape_cast %get3A_338 : vector<1x16xf32> to vector<16xf32>
      %add3A_340 = arith.addf %add3A_331, %get3A_339 : vector<16xf32>
      %mul3A_341 = arith.constant 7 : i32
      %mul3A_342 = arith.muli %scan3A_232, %mul3A_341 : i32
      %add3A_343 = arith.constant 5 : i32
      %add3A_344 = arith.addi %mul3A_342, %add3A_343 : i32
      %get3A_345 = arith.index_cast %add3A_344 : i32 to index
      %get3A_346 = arith.constant 16 : index
      %get3A_347 = tpu.vector_load %arg8[%get3A_345, %get3A_346] {strides = array<i32>} : memref<1008x32xf32, #tpu.memory_space<vmem>>, vector<1x16xf32>,
      %get3A_348 = vector.shape_cast %get3A_347 : vector<1x16xf32> to vector<16xf32>
      %add3A_349 = arith.addf %add3A_340, %get3A_348 : vector<16xf32>
      %mul3A_350 = arith.constant 7 : i32
      %mul3A_351 = arith.muli %scan3A_232, %mul3A_350 : i32
      %add3A_352 = arith.constant 6 : i32
      %add3A_353 = arith.addi %mul3A_351, %add3A_352 : i32
      %get3A_354 = arith.index_cast %add3A_353 : i32 to index
      %get3A_355 = arith.constant 16 : index
      %get3A_356 = tpu.vector_load %arg8[%get3A_354, %get3A_355] {strides = array<i32>} : memref<1008x32xf32, #tpu.memory_space<vmem>>, vector<1x16xf32>,
      %get3A_357 = vector.shape_cast %get3A_356 : vector<1x16xf32> to vector<16xf32>
      %add3A_358 = arith.addf %add3A_349, %get3A_357 : vector<16xf32>
      %mul3A_359 = arith.constant 0.142857149 : f32
      %mul3A_360 = vector.broadcast %mul3A_359 : f32 to vector<16xf32>
      %mul3A_361 = arith.mulf %add3A_358, %mul3A_360 : vector<16xf32>
      %swap3A_362 = arith.index_cast %scan3A_232 : i32 to index
      %swap3A_363 = arith.constant 16 : index
      %swap3A_364 = tpu.vector_load %arg10[%swap3A_362, %swap3A_363] {strides = array<i32>} : memref<144x32xf32, #tpu.memory_space<vmem>>, vector<1x16xf32>,
      %swap3A_365 = vector.shape_cast %swap3A_364 : vector<1x16xf32> to vector<16xf32>
      %swap3A_366 = vector.shape_cast %mul3A_361 : vector<16xf32> to vector<1x16xf32>
      tpu.vector_store %arg10[%swap3A_362, %swap3A_363], %swap3A_366 {strides = array<i32>} : memref<144x32xf32, #tpu.memory_space<vmem>>, vector<1x16xf32>,
    }
    %scan3A_198 = arith.constant 144 : i32
    %add3A_199 = arith.constant 1008 : i32
    %add3A_200 = arith.addi %mul3A_2, %add3A_199 : i32
    %dma_start3A_201 = arith.constant 0 : i32
    %dma_start3A_202 = tpu.memref_slice %arg4[%add3A_200, %dma_start3A_201] : memref<41472x32xf32, #tpu.memory_space<hbm>> -> memref<144x32xf32, #tpu.memory_space<hbm>>
    %dma_start3A_203 = arith.constant 0 : i32
    %dma_start3A_204 = tpu.memref_slice %arg4[%add3A_200, %dma_start3A_203] : memref<41472x32xf32, #tpu.memory_space<hbm>> -> memref<144x32xf32, #tpu.memory_space<hbm>>
    tpu.enqueue_dma source(%arg10 : memref<144x32xf32, #tpu.memory_space<vmem>>) target(%dma_start3A_204 : memref<144x32xf32, #tpu.memory_space<hbm>>) target_semaphore(%arg14 : memref<!tpu.dma_semaphore, #tpu.memory_space<semaphore_mem>>)
    %dma_wait3A_205 = arith.constant 0 : i32
    %dma_wait3A_206 = arith.constant 0 : i32
    %dma_wait3A_207 = tpu.memref_slice %arg2[%dma_wait3A_205, %dma_wait3A_206] : memref<163842x32xf32, #tpu.memory_space<hbm>> -> memref<163842x32xf32, #tpu.memory_space<hbm>>
    tpu.wait_indirect_dma semaphore(%arg11 : memref<!tpu.dma_semaphore, #tpu.memory_space<semaphore_mem>>) src(%dma_wait3A_207 : memref<163842x32xf32, #tpu.memory_space<hbm>>) dst(%arg7 : memref<1008x32xf32, #tpu.memory_space<vmem>>)
    %dma_wait3A_208 = arith.constant 0 : i32
    %dma_wait3A_209 = tpu.memref_slice %arg4[%add3A_174, %dma_wait3A_208] : memref<41472x32xf32, #tpu.memory_space<hbm>> -> memref<144x32xf32, #tpu.memory_space<hbm>>
    %dma_wait3A_210 = arith.constant 0 : i32
    %dma_wait3A_211 = tpu.memref_slice %arg4[%add3A_174, %dma_wait3A_210] : memref<41472x32xf32, #tpu.memory_space<hbm>> -> memref<144x32xf32, #tpu.memory_space<hbm>>
    tpu.wait_dma2 semaphore(%arg13 : memref<!tpu.dma_semaphore, #tpu.memory_space<semaphore_mem>>) src(%arg9 : memref<144x32xf32, #tpu.memory_space<vmem>>) dst(%dma_wait3A_211 : memref<144x32xf32, #tpu.memory_space<hbm>>)
    %scan3A_212 = arith.constant 0 : i32
    %scan3A_213 = arith.constant 0 : i32
    %scan3A_214 = arith.constant 144 : i32
    %scan3A_215 = arith.addi %scan3A_213, %scan3A_214 : i32
    %scan3A_216 = arith.constant 1 : i32
    scf.for %scan3A_232 = %scan3A_213 to %scan3A_215 step %scan3A_216  : i32 {
      %mul3A_233 = arith.constant 7 : i32
      %mul3A_234 = arith.muli %scan3A_232, %mul3A_233 : i32
      %get3A = arith.index_cast %mul3A_234 : i32 to index
      %get3A_235 = arith.constant 0 : index
      %get3A_236 = tpu.vector_load %arg7[%get3A, %get3A_235] {strides = array<i32>} : memref<1008x32xf32, #tpu.memory_space<vmem>>, vector<1x16xf32>,
      %get3A_237 = vector.shape_cast %get3A_236 : vector<1x16xf32> to vector<16xf32>
      %mul3A_238 = arith.constant 7 : i32
      %mul3A_239 = arith.muli %scan3A_232, %mul3A_238 : i32
      %add3A_240 = arith.constant 1 : i32
      %add3A_241 = arith.addi %mul3A_239, %add3A_240 : i32
      %get3A_242 = arith.index_cast %add3A_241 : i32 to index
      %get3A_243 = arith.constant 0 : index
      %get3A_244 = tpu.vector_load %arg7[%get3A_242, %get3A_243] {strides = array<i32>} : memref<1008x32xf32, #tpu.memory_space<vmem>>, vector<1x16xf32>,
      %get3A_245 = vector.shape_cast %get3A_244 : vector<1x16xf32> to vector<16xf32>
      %add3A_246 = arith.addf %get3A_237, %get3A_245 : vector<16xf32>
      %mul3A_247 = arith.constant 7 : i32
      %mul3A_248 = arith.muli %scan3A_232, %mul3A_247 : i32
      %add3A_249 = arith.constant 2 : i32
      %add3A_250 = arith.addi %mul3A_248, %add3A_249 : i32
      %get3A_251 = arith.index_cast %add3A_250 : i32 to index
      %get3A_252 = arith.constant 0 : index
      %get3A_253 = tpu.vector_load %arg7[%get3A_251, %get3A_252] {strides = array<i32>} : memref<1008x32xf32, #tpu.memory_space<vmem>>, vector<1x16xf32>,
      %get3A_254 = vector.shape_cast %get3A_253 : vector<1x16xf32> to vector<16xf32>
      %add3A_255 = arith.addf %add3A_246, %get3A_254 : vector<16xf32>
      %mul3A_256 = arith.constant 7 : i32
      %mul3A_257 = arith.muli %scan3A_232, %mul3A_256 : i32
      %add3A_258 = arith.constant 3 : i32
      %add3A_259 = arith.addi %mul3A_257, %add3A_258 : i32
      %get3A_260 = arith.index_cast %add3A_259 : i32 to index
      %get3A_261 = arith.constant 0 : index
      %get3A_262 = tpu.vector_load %arg7[%get3A_260, %get3A_261] {strides = array<i32>} : memref<1008x32xf32, #tpu.memory_space<vmem>>, vector<1x16xf32>,
      %get3A_263 = vector.shape_cast %get3A_262 : vector<1x16xf32> to vector<16xf32>
      %add3A_264 = arith.addf %add3A_255, %get3A_263 : vector<16xf32>
      %mul3A_265 = arith.constant 7 : i32
      %mul3A_266 = arith.muli %scan3A_232, %mul3A_265 : i32
      %add3A_267 = arith.constant 4 : i32
      %add3A_268 = arith.addi %mul3A_266, %add3A_267 : i32
      %get3A_269 = arith.index_cast %add3A_268 : i32 to index
      %get3A_270 = arith.constant 0 : index
      %get3A_271 = tpu.vector_load %arg7[%get3A_269, %get3A_270] {strides = array<i32>} : memref<1008x32xf32, #tpu.memory_space<vmem>>, vector<1x16xf32>,
      %get3A_272 = vector.shape_cast %get3A_271 : vector<1x16xf32> to vector<16xf32>
      %add3A_273 = arith.addf %add3A_264, %get3A_272 : vector<16xf32>
      %mul3A_274 = arith.constant 7 : i32
      %mul3A_275 = arith.muli %scan3A_232, %mul3A_274 : i32
      %add3A_276 = arith.constant 5 : i32
      %add3A_277 = arith.addi %mul3A_275, %add3A_276 : i32
      %get3A_278 = arith.index_cast %add3A_277 : i32 to index
      %get3A_279 = arith.constant 0 : index
      %get3A_280 = tpu.vector_load %arg7[%get3A_278, %get3A_279] {strides = array<i32>} : memref<1008x32xf32, #tpu.memory_space<vmem>>, vector<1x16xf32>,
      %get3A_281 = vector.shape_cast %get3A_280 : vector<1x16xf32> to vector<16xf32>
      %add3A_282 = arith.addf %add3A_273, %get3A_281 : vector<16xf32>
      %mul3A_283 = arith.constant 7 : i32
      %mul3A_284 = arith.muli %scan3A_232, %mul3A_283 : i32
      %add3A_285 = arith.constant 6 : i32
      %add3A_286 = arith.addi %mul3A_284, %add3A_285 : i32
      %get3A_287 = arith.index_cast %add3A_286 : i32 to index
      %get3A_288 = arith.constant 0 : index
      %get3A_289 = tpu.vector_load %arg7[%get3A_287, %get3A_288] {strides = array<i32>} : memref<1008x32xf32, #tpu.memory_space<vmem>>, vector<1x16xf32>,
      %get3A_290 = vector.shape_cast %get3A_289 : vector<1x16xf32> to vector<16xf32>
      %add3A_291 = arith.addf %add3A_282, %get3A_290 : vector<16xf32>
      %mul3A_292 = arith.constant 0.142857149 : f32
      %mul3A_293 = vector.broadcast %mul3A_292 : f32 to vector<16xf32>
      %mul3A_294 = arith.mulf %add3A_291, %mul3A_293 : vector<16xf32>
      %swap3A = arith.index_cast %scan3A_232 : i32 to index
      %swap3A_295 = arith.constant 0 : index
      %swap3A_296 = tpu.vector_load %arg9[%swap3A, %swap3A_295] {strides = array<i32>} : memref<144x32xf32, #tpu.memory_space<vmem>>, vector<1x16xf32>,
      %swap3A_297 = vector.shape_cast %swap3A_296 : vector<1x16xf32> to vector<16xf32>
      %swap3A_298 = vector.shape_cast %mul3A_294 : vector<16xf32> to vector<1x16xf32>
      tpu.vector_store %arg9[%swap3A, %swap3A_295], %swap3A_298 {strides = array<i32>} : memref<144x32xf32, #tpu.memory_space<vmem>>, vector<1x16xf32>,
      %mul3A_299 = arith.constant 7 : i32
      %mul3A_300 = arith.muli %scan3A_232, %mul3A_299 : i32
      %get3A_301 = arith.index_cast %mul3A_300 : i32 to index
      %get3A_302 = arith.constant 16 : index
      %get3A_303 = tpu.vector_load %arg7[%get3A_301, %get3A_302] {strides = array<i32>} : memref<1008x32xf32, #tpu.memory_space<vmem>>, vector<1x16xf32>,
      %get3A_304 = vector.shape_cast %get3A_303 : vector<1x16xf32> to vector<16xf32>
      %mul3A_305 = arith.constant 7 : i32
      %mul3A_306 = arith.muli %scan3A_232, %mul3A_305 : i32
      %add3A_307 = arith.constant 1 : i32
      %add3A_308 = arith.addi %mul3A_306, %add3A_307 : i32
      %get3A_309 = arith.index_cast %add3A_308 : i32 to index
      %get3A_310 = arith.constant 16 : index
      %get3A_311 = tpu.vector_load %arg7[%get3A_309, %get3A_310] {strides = array<i32>} : memref<1008x32xf32, #tpu.memory_space<vmem>>, vector<1x16xf32>,
      %get3A_312 = vector.shape_cast %get3A_311 : vector<1x16xf32> to vector<16xf32>
      %add3A_313 = arith.addf %get3A_304, %get3A_312 : vector<16xf32>
      %mul3A_314 = arith.constant 7 : i32
      %mul3A_315 = arith.muli %scan3A_232, %mul3A_314 : i32
      %add3A_316 = arith.constant 2 : i32
      %add3A_317 = arith.addi %mul3A_315, %add3A_316 : i32
      %get3A_318 = arith.index_cast %add3A_317 : i32 to index
      %get3A_319 = arith.constant 16 : index
      %get3A_320 = tpu.vector_load %arg7[%get3A_318, %get3A_319] {strides = array<i32>} : memref<1008x32xf32, #tpu.memory_space<vmem>>, vector<1x16xf32>,
      %get3A_321 = vector.shape_cast %get3A_320 : vector<1x16xf32> to vector<16xf32>
      %add3A_322 = arith.addf %add3A_313, %get3A_321 : vector<16xf32>
      %mul3A_323 = arith.constant 7 : i32
      %mul3A_324 = arith.muli %scan3A_232, %mul3A_323 : i32
      %add3A_325 = arith.constant 3 : i32
      %add3A_326 = arith.addi %mul3A_324, %add3A_325 : i32
      %get3A_327 = arith.index_cast %add3A_326 : i32 to index
      %get3A_328 = arith.constant 16 : index
      %get3A_329 = tpu.vector_load %arg7[%get3A_327, %get3A_328] {strides = array<i32>} : memref<1008x32xf32, #tpu.memory_space<vmem>>, vector<1x16xf32>,
      %get3A_330 = vector.shape_cast %get3A_329 : vector<1x16xf32> to vector<16xf32>
      %add3A_331 = arith.addf %add3A_322, %get3A_330 : vector<16xf32>
      %mul3A_332 = arith.constant 7 : i32
      %mul3A_333 = arith.muli %scan3A_232, %mul3A_332 : i32
      %add3A_334 = arith.constant 4 : i32
      %add3A_335 = arith.addi %mul3A_333, %add3A_334 : i32
      %get3A_336 = arith.index_cast %add3A_335 : i32 to index
      %get3A_337 = arith.constant 16 : index
      %get3A_338 = tpu.vector_load %arg7[%get3A_336, %get3A_337] {strides = array<i32>} : memref<1008x32xf32, #tpu.memory_space<vmem>>, vector<1x16xf32>,
      %get3A_339 = vector.shape_cast %get3A_338 : vector<1x16xf32> to vector<16xf32>
      %add3A_340 = arith.addf %add3A_331, %get3A_339 : vector<16xf32>
      %mul3A_341 = arith.constant 7 : i32
      %mul3A_342 = arith.muli %scan3A_232, %mul3A_341 : i32
      %add3A_343 = arith.constant 5 : i32
      %add3A_344 = arith.addi %mul3A_342, %add3A_343 : i32
      %get3A_345 = arith.index_cast %add3A_344 : i32 to index
      %get3A_346 = arith.constant 16 : index
      %get3A_347 = tpu.vector_load %arg7[%get3A_345, %get3A_346] {strides = array<i32>} : memref<1008x32xf32, #tpu.memory_space<vmem>>, vector<1x16xf32>,
      %get3A_348 = vector.shape_cast %get3A_347 : vector<1x16xf32> to vector<16xf32>
      %add3A_349 = arith.addf %add3A_340, %get3A_348 : vector<16xf32>
      %mul3A_350 = arith.constant 7 : i32
      %mul3A_351 = arith.muli %scan3A_232, %mul3A_350 : i32
      %add3A_352 = arith.constant 6 : i32
      %add3A_353 = arith.addi %mul3A_351, %add3A_352 : i32
      %get3A_354 = arith.index_cast %add3A_353 : i32 to index
      %get3A_355 = arith.constant 16 : index
      %get3A_356 = tpu.vector_load %arg7[%get3A_354, %get3A_355] {strides = array<i32>} : memref<1008x32xf32, #tpu.memory_space<vmem>>, vector<1x16xf32>,
      %get3A_357 = vector.shape_cast %get3A_356 : vector<1x16xf32> to vector<16xf32>
      %add3A_358 = arith.addf %add3A_349, %get3A_357 : vector<16xf32>
      %mul3A_359 = arith.constant 0.142857149 : f32
      %mul3A_360 = vector.broadcast %mul3A_359 : f32 to vector<16xf32>
      %mul3A_361 = arith.mulf %add3A_358, %mul3A_360 : vector<16xf32>
      %swap3A_362 = arith.index_cast %scan3A_232 : i32 to index
      %swap3A_363 = arith.constant 16 : index
      %swap3A_364 = tpu.vector_load %arg9[%swap3A_362, %swap3A_363] {strides = array<i32>} : memref<144x32xf32, #tpu.memory_space<vmem>>, vector<1x16xf32>,
      %swap3A_365 = vector.shape_cast %swap3A_364 : vector<1x16xf32> to vector<16xf32>
      %swap3A_366 = vector.shape_cast %mul3A_361 : vector<16xf32> to vector<1x16xf32>
      tpu.vector_store %arg9[%swap3A_362, %swap3A_363], %swap3A_366 {strides = array<i32>} : memref<144x32xf32, #tpu.memory_space<vmem>>, vector<1x16xf32>,
    }
    %scan3A_217 = arith.constant 144 : i32
    %add3A_218 = arith.constant 1152 : i32
    %add3A_219 = arith.addi %mul3A_2, %add3A_218 : i32
    %dma_start3A_220 = arith.constant 0 : i32
    %dma_start3A_221 = tpu.memref_slice %arg4[%add3A_219, %dma_start3A_220] : memref<41472x32xf32, #tpu.memory_space<hbm>> -> memref<144x32xf32, #tpu.memory_space<hbm>>
    %dma_start3A_222 = arith.constant 0 : i32
    %dma_start3A_223 = tpu.memref_slice %arg4[%add3A_219, %dma_start3A_222] : memref<41472x32xf32, #tpu.memory_space<hbm>> -> memref<144x32xf32, #tpu.memory_space<hbm>>
    tpu.enqueue_dma source(%arg9 : memref<144x32xf32, #tpu.memory_space<vmem>>) target(%dma_start3A_223 : memref<144x32xf32, #tpu.memory_space<hbm>>) target_semaphore(%arg13 : memref<!tpu.dma_semaphore, #tpu.memory_space<semaphore_mem>>)
    %dma_wait3A_224 = arith.constant 0 : i32
    %dma_wait3A_225 = tpu.memref_slice %arg4[%add3A_219, %dma_wait3A_224] : memref<41472x32xf32, #tpu.memory_space<hbm>> -> memref<144x32xf32, #tpu.memory_space<hbm>>
    %dma_wait3A_226 = arith.constant 0 : i32
    %dma_wait3A_227 = tpu.memref_slice %arg4[%add3A_219, %dma_wait3A_226] : memref<41472x32xf32, #tpu.memory_space<hbm>> -> memref<144x32xf32, #tpu.memory_space<hbm>>
    tpu.wait_dma2 semaphore(%arg13 : memref<!tpu.dma_semaphore, #tpu.memory_space<semaphore_mem>>) src(%arg9 : memref<144x32xf32, #tpu.memory_space<vmem>>) dst(%dma_wait3A_227 : memref<144x32xf32, #tpu.memory_space<hbm>>)
    %dma_wait3A_228 = arith.constant 0 : i32
    %dma_wait3A_229 = tpu.memref_slice %arg4[%add3A_200, %dma_wait3A_228] : memref<41472x32xf32, #tpu.memory_space<hbm>> -> memref<144x32xf32, #tpu.memory_space<hbm>>
    %dma_wait3A_230 = arith.constant 0 : i32
    %dma_wait3A_231 = tpu.memref_slice %arg4[%add3A_200, %dma_wait3A_230] : memref<41472x32xf32, #tpu.memory_space<hbm>> -> memref<144x32xf32, #tpu.memory_space<hbm>>
    tpu.wait_dma2 semaphore(%arg14 : memref<!tpu.dma_semaphore, #tpu.memory_space<semaphore_mem>>) src(%arg10 : memref<144x32xf32, #tpu.memory_space<vmem>>) dst(%dma_wait3A_231 : memref<144x32xf32, #tpu.memory_space<hbm>>)
    return
  }
}

module attributes {stable_mosaic.version = 14 : i64} {
  func.func @_tc_mm1_body(%arg0: i32, %arg1: memref<1536x224xf32, #tpu.memory_space<vmem>>, %arg2: memref<64x224xf32, #tpu.memory_space<vmem>>, %arg3: memref<1x64xf32, #tpu.memory_space<vmem>>, %arg4: memref<1536x64xf32, #tpu.memory_space<vmem>>, %arg5: memref<8x128xf32, #tpu.memory_space<vmem>>) attributes {dimension_semantics = [#tpu.dimension_semantics<arbitrary>], iteration_bounds = array<i64: 27>, scalar_prefetch = 0 : i64, scratch_operands = 0 : i64, tpu.core_type = #tpu.core_type<tc>, window_params = [{transform_indices = @transform_0, window_bounds = array<i64: 1536, 224>}, {pipeline_mode = #tpu.pipeline_mode<synchronous>, transform_indices = @transform_1, window_bounds = array<i64: 64, 224>}, {pipeline_mode = #tpu.pipeline_mode<synchronous>, transform_indices = @transform_2, window_bounds = array<i64: 1, 64>}, {transform_indices = @transform_3, window_bounds = array<i64: 1536, 64>}, {pipeline_mode = #tpu.pipeline_mode<synchronous>, transform_indices = @transform_4, window_bounds = array<i64: 8, 128>}]} {
    %get3A = arith.constant 0 : index
    %get3A_0 = arith.constant 0 : index
    %get3A_1 = vector.load %arg1[%get3A, %get3A_0] : memref<1536x224xf32, #tpu.memory_space<vmem>>, vector<1536x224xf32>
    %get3A_2 = arith.constant 0 : index
    %get3A_3 = arith.constant 0 : index
    %get3A_4 = vector.load %arg2[%get3A_2, %get3A_3] : memref<64x224xf32, #tpu.memory_space<vmem>>, vector<64x224xf32>
    %dot_general3A = arith.constant dense<0.000000e+00> : vector<1536x64xf32>
    %dot_general3A_5 = tpu.matmul %get3A_1, %get3A_4, %dot_general3A {dimension_numbers = #tpu.dot_dimension_numbers<[1], [1], [0], [0], [0, 0, 1, 0], [], []>, transpose_lhs_hint = false} : vector<1536x224xf32>, vector<64x224xf32>, vector<1536x64xf32> -> vector<1536x64xf32>
    %get3A_6 = arith.constant 0 : index
    %get3A_7 = arith.constant 0 : index
    %get3A_8 = vector.load %arg3[%get3A_6, %get3A_7] : memref<1x64xf32, #tpu.memory_space<vmem>>, vector<1x64xf32>
    %add3A = vector.broadcast %get3A_8 : vector<1x64xf32> to vector<1536x64xf32>
    %add3A_9 = arith.addf %dot_general3A_5, %add3A : vector<1536x64xf32>
    %swap3A = arith.constant 0 : index
    %swap3A_10 = arith.constant 0 : index
    %swap3A_11 = vector.load %arg4[%swap3A, %swap3A_10] : memref<1536x64xf32, #tpu.memory_space<vmem>>, vector<1536x64xf32>
    tpu.vector_store %arg4[%swap3A, %swap3A_10], %add3A_9 {strides = array<i32>} : memref<1536x64xf32, #tpu.memory_space<vmem>>, vector<1536x64xf32>,
    %mul3A = arith.constant 1536 : i32
    %mul3A_12 = arith.muli %arg0, %mul3A : i32
    %iota3A = tpu.iota {dimensions = array<i32: 0>} : vector<1536x1xi32>
    %add3A_13 = vector.broadcast %mul3A_12 : i32 to vector<1536x1xi32>
    %add3A_14 = arith.addi %add3A_13, %iota3A : vector<1536x1xi32>
    %lt3A = arith.constant 40962 : i32
    %lt3A_15 = vector.broadcast %lt3A : i32 to vector<1536x1xi32>
    %lt3A_16 = arith.cmpi slt, %add3A_14, %lt3A_15 : vector<1536x1xi32>
    %jit3A = arith.constant 0.000000e+00 : f32
    %broadcast_in_dim3A = vector.shape_cast %lt3A_16 : vector<1536x1xi1> to vector<1536x1xi1>
    %broadcast_in_dim3A_17 = vector.broadcast %broadcast_in_dim3A : vector<1536x1xi1> to vector<1536x64xi1>
    %broadcast_in_dim3A_18 = vector.broadcast %jit3A : f32 to vector<1536x64xf32>
    %select_n3A = arith.select %broadcast_in_dim3A_17, %add3A_9, %broadcast_in_dim3A_18 : vector<1536x64xi1>, vector<1536x64xf32>
    %eq3A = arith.constant 0 : i32
    %eq3A_19 = arith.cmpi eq, %arg0, %eq3A : i32
    %convert_element_type3A = arith.extui %eq3A_19 : i1 to i32
    %cond3A = arith.constant 0 : i32
    %cond3A_20 = arith.cmpi ne, %convert_element_type3A, %cond3A : i32
    scf.if %cond3A_20 {
      %broadcast_in_dim3A_41 = arith.constant 0.000000e+00 : f32
      %broadcast_in_dim3A_42 = vector.broadcast %broadcast_in_dim3A_41 : f32 to vector<8x128xf32>
      %swap3A_43 = arith.constant 0 : index
      %swap3A_44 = arith.constant 0 : index
      %swap3A_45 = vector.load %arg5[%swap3A_43, %swap3A_44] : memref<8x128xf32, #tpu.memory_space<vmem>>, vector<8x128xf32>
      tpu.vector_store %arg5[%swap3A_43, %swap3A_44], %broadcast_in_dim3A_42 {strides = array<i32>} : memref<8x128xf32, #tpu.memory_space<vmem>>, vector<8x128xf32>,
    } else {
    }
    %get3A_21 = arith.constant 0 : index
    %get3A_22 = arith.constant 0 : index
    %get3A_23 = vector.load %arg5[%get3A_21, %get3A_22] : memref<8x128xf32, #tpu.memory_space<vmem>>, vector<1x64xf32>
    %reduce_sum3A = arith.constant dense<0.000000e+00> : vector<64xf32>
    %reduce_sum3A_24 = vector.multi_reduction <add>, %select_n3A, %reduce_sum3A [0] : vector<1536x64xf32> to vector<64xf32>
    %broadcast_in_dim3A_25 = vector.shape_cast %reduce_sum3A_24 : vector<64xf32> to vector<1x64xf32>
    %add3A_26 = arith.addf %get3A_23, %broadcast_in_dim3A_25 : vector<1x64xf32>
    %swap3A_27 = arith.constant 0 : index
    %swap3A_28 = arith.constant 0 : index
    %swap3A_29 = vector.load %arg5[%swap3A_27, %swap3A_28] : memref<8x128xf32, #tpu.memory_space<vmem>>, vector<1x64xf32>
    tpu.vector_store %arg5[%swap3A_27, %swap3A_28], %add3A_26 {strides = array<i32>} : memref<8x128xf32, #tpu.memory_space<vmem>>, vector<1x64xf32>,
    %get3A_30 = arith.constant 1 : index
    %get3A_31 = arith.constant 0 : index
    %get3A_32 = vector.load %arg5[%get3A_30, %get3A_31] : memref<8x128xf32, #tpu.memory_space<vmem>>, vector<1x64xf32>
    %mul3A_33 = arith.mulf %select_n3A, %select_n3A : vector<1536x64xf32>
    %reduce_sum3A_34 = arith.constant dense<0.000000e+00> : vector<64xf32>
    %reduce_sum3A_35 = vector.multi_reduction <add>, %mul3A_33, %reduce_sum3A_34 [0] : vector<1536x64xf32> to vector<64xf32>
    %broadcast_in_dim3A_36 = vector.shape_cast %reduce_sum3A_35 : vector<64xf32> to vector<1x64xf32>
    %add3A_37 = arith.addf %get3A_32, %broadcast_in_dim3A_36 : vector<1x64xf32>
    %swap3A_38 = arith.constant 1 : index
    %swap3A_39 = arith.constant 0 : index
    %swap3A_40 = vector.load %arg5[%swap3A_38, %swap3A_39] : memref<8x128xf32, #tpu.memory_space<vmem>>, vector<1x64xf32>
    tpu.vector_store %arg5[%swap3A_38, %swap3A_39], %add3A_37 {strides = array<i32>} : memref<8x128xf32, #tpu.memory_space<vmem>>, vector<1x64xf32>,
    return
  }
  func.func @transform_0(%arg0: i32) -> (i32, i32) {
    %c0_i32 = arith.constant 0 : i32
    %c0_i32_0 = arith.constant 0 : i32
    return %arg0, %c0_i32 : i32, i32
  }
  func.func @transform_1(%arg0: i32) -> (i32, i32) {
    %c0_i32 = arith.constant 0 : i32
    %c0_i32_0 = arith.constant 0 : i32
    %c0_i32_1 = arith.constant 0 : i32
    return %c0_i32, %c0_i32_0 : i32, i32
  }
  func.func @transform_2(%arg0: i32) -> (i32, i32) {
    %c0_i32 = arith.constant 0 : i32
    %c0_i32_0 = arith.constant 0 : i32
    %c0_i32_1 = arith.constant 0 : i32
    return %c0_i32, %c0_i32_0 : i32, i32
  }
  func.func @transform_3(%arg0: i32) -> (i32, i32) {
    %c0_i32 = arith.constant 0 : i32
    %c0_i32_0 = arith.constant 0 : i32
    return %arg0, %c0_i32 : i32, i32
  }
  func.func @transform_4(%arg0: i32) -> (i32, i32) {
    %c0_i32 = arith.constant 0 : i32
    %c0_i32_0 = arith.constant 0 : i32
    %c0_i32_1 = arith.constant 0 : i32
    return %c0_i32, %c0_i32_0 : i32, i32
  }
}

module attributes {stable_mosaic.version = 14 : i64} {
  func.func @_tc_mm2_body(%arg0: i32, %arg1: memref<1536x448xf32, #tpu.memory_space<vmem>>, %arg2: memref<64x448xf32, #tpu.memory_space<vmem>>, %arg3: memref<8x128xf32, #tpu.memory_space<vmem>>, %arg4: memref<1x64xf32, #tpu.memory_space<vmem>>, %arg5: memref<1x64xf32, #tpu.memory_space<vmem>>, %arg6: memref<1x64xf32, #tpu.memory_space<vmem>>, %arg7: memref<1536x64xf32, #tpu.memory_space<vmem>>, %arg8: memref<8x128xf32, #tpu.memory_space<vmem>>) attributes {dimension_semantics = [#tpu.dimension_semantics<arbitrary>], iteration_bounds = array<i64: 27>, scalar_prefetch = 0 : i64, scratch_operands = 0 : i64, tpu.core_type = #tpu.core_type<tc>, window_params = [{transform_indices = @transform_0, window_bounds = array<i64: 1536, 448>}, {pipeline_mode = #tpu.pipeline_mode<synchronous>, transform_indices = @transform_1, window_bounds = array<i64: 64, 448>}, {pipeline_mode = #tpu.pipeline_mode<synchronous>, transform_indices = @transform_2, window_bounds = array<i64: 8, 128>}, {pipeline_mode = #tpu.pipeline_mode<synchronous>, transform_indices = @transform_3, window_bounds = array<i64: 1, 64>}, {pipeline_mode = #tpu.pipeline_mode<synchronous>, transform_indices = @transform_4, window_bounds = array<i64: 1, 64>}, {pipeline_mode = #tpu.pipeline_mode<synchronous>, transform_indices = @transform_5, window_bounds = array<i64: 1, 64>}, {transform_indices = @transform_6, window_bounds = array<i64: 1536, 64>}, {pipeline_mode = #tpu.pipeline_mode<synchronous>, transform_indices = @transform_7, window_bounds = array<i64: 8, 128>}]} {
    %get3A = arith.constant 0 : index
    %get3A_0 = arith.constant 0 : index
    %get3A_1 = vector.load %arg3[%get3A, %get3A_0] : memref<8x128xf32, #tpu.memory_space<vmem>>, vector<1x64xf32>
    %mul3A = arith.constant 2.44128696E-5 : f32
    %mul3A_2 = vector.broadcast %mul3A : f32 to vector<1x64xf32>
    %mul3A_3 = arith.mulf %get3A_1, %mul3A_2 : vector<1x64xf32>
    %get3A_4 = arith.constant 1 : index
    %get3A_5 = arith.constant 0 : index
    %get3A_6 = vector.load %arg3[%get3A_4, %get3A_5] : memref<8x128xf32, #tpu.memory_space<vmem>>, vector<1x64xf32>
    %mul3A_7 = arith.constant 2.44128696E-5 : f32
    %mul3A_8 = vector.broadcast %mul3A_7 : f32 to vector<1x64xf32>
    %mul3A_9 = arith.mulf %get3A_6, %mul3A_8 : vector<1x64xf32>
    %mul3A_10 = arith.mulf %mul3A_3, %mul3A_3 : vector<1x64xf32>
    %sub3A = arith.subf %mul3A_9, %mul3A_10 : vector<1x64xf32>
    %get3A_11 = arith.constant 0 : index
    %get3A_12 = arith.constant 0 : index
    %get3A_13 = vector.load %arg4[%get3A_11, %get3A_12] : memref<1x64xf32, #tpu.memory_space<vmem>>, vector<1x64xf32>
    %add3A = arith.constant 9.99999974E-6 : f32
    %add3A_14 = vector.broadcast %add3A : f32 to vector<1x64xf32>
    %add3A_15 = arith.addf %sub3A, %add3A_14 : vector<1x64xf32>
    %rsqrt3A = math.rsqrt %add3A_15 : vector<1x64xf32>
    %mul3A_16 = arith.mulf %get3A_13, %rsqrt3A : vector<1x64xf32>
    %get3A_17 = arith.constant 0 : index
    %get3A_18 = arith.constant 0 : index
    %get3A_19 = vector.load %arg5[%get3A_17, %get3A_18] : memref<1x64xf32, #tpu.memory_space<vmem>>, vector<1x64xf32>
    %mul3A_20 = arith.mulf %mul3A_16, %mul3A_3 : vector<1x64xf32>
    %sub3A_21 = arith.subf %get3A_19, %mul3A_20 : vector<1x64xf32>
    %broadcast_in_dim3A = arith.constant 0.000000e+00 : f32
    %broadcast_in_dim3A_22 = vector.broadcast %broadcast_in_dim3A : f32 to vector<1536x64xf32>
    %get3A_23 = arith.constant 0 : index
    %get3A_24 = arith.constant 0 : index
    %get3A_25 = vector.load %arg1[%get3A_23, %get3A_24] : memref<1536x448xf32, #tpu.memory_space<vmem>>, vector<1536x64xf32>
    %mul3A_26 = vector.broadcast %mul3A_16 : vector<1x64xf32> to vector<1536x64xf32>
    %mul3A_27 = arith.mulf %get3A_25, %mul3A_26 : vector<1536x64xf32>
    %add3A_28 = vector.broadcast %sub3A_21 : vector<1x64xf32> to vector<1536x64xf32>
    %add3A_29 = arith.addf %mul3A_27, %add3A_28 : vector<1536x64xf32>
    %ge3A = arith.constant 0.000000e+00 : f32
    %ge3A_30 = vector.broadcast %ge3A : f32 to vector<1536x64xf32>
    %ge3A_31 = arith.cmpf oge, %add3A_29, %ge3A_30 : vector<1536x64xf32>
    %mul3A_32 = arith.constant 2.000000e-01 : f32
    %mul3A_33 = vector.broadcast %mul3A_32 : f32 to vector<1536x64xf32>
    %mul3A_34 = arith.mulf %mul3A_33, %add3A_29 : vector<1536x64xf32>
    %select_n3A = arith.select %ge3A_31, %add3A_29, %mul3A_34 : vector<1536x64xi1>, vector<1536x64xf32>
    %get3A_35 = arith.constant 0 : index
    %get3A_36 = arith.constant 0 : index
    %get3A_37 = vector.load %arg2[%get3A_35, %get3A_36] : memref<64x448xf32, #tpu.memory_space<vmem>>, vector<64x64xf32>
    %dot_general3A = arith.constant dense<0.000000e+00> : vector<1536x64xf32>
    %dot_general3A_38 = tpu.matmul %select_n3A, %get3A_37, %dot_general3A {dimension_numbers = #tpu.dot_dimension_numbers<[1], [1], [0], [0], [0, 0, 1, 0], [], []>, transpose_lhs_hint = false} : vector<1536x64xf32>, vector<64x64xf32>, vector<1536x64xf32> -> vector<1536x64xf32>
    %add3A_39 = arith.addf %broadcast_in_dim3A_22, %dot_general3A_38 : vector<1536x64xf32>
    %get3A_40 = arith.constant 0 : index
    %get3A_41 = arith.constant 64 : index
    %get3A_42 = vector.load %arg1[%get3A_40, %get3A_41] : memref<1536x448xf32, #tpu.memory_space<vmem>>, vector<1536x64xf32>
    %mul3A_43 = vector.broadcast %mul3A_16 : vector<1x64xf32> to vector<1536x64xf32>
    %mul3A_44 = arith.mulf %get3A_42, %mul3A_43 : vector<1536x64xf32>
    %add3A_45 = vector.broadcast %sub3A_21 : vector<1x64xf32> to vector<1536x64xf32>
    %add3A_46 = arith.addf %mul3A_44, %add3A_45 : vector<1536x64xf32>
    %ge3A_47 = arith.constant 0.000000e+00 : f32
    %ge3A_48 = vector.broadcast %ge3A_47 : f32 to vector<1536x64xf32>
    %ge3A_49 = arith.cmpf oge, %add3A_46, %ge3A_48 : vector<1536x64xf32>
    %mul3A_50 = arith.constant 2.000000e-01 : f32
    %mul3A_51 = vector.broadcast %mul3A_50 : f32 to vector<1536x64xf32>
    %mul3A_52 = arith.mulf %mul3A_51, %add3A_46 : vector<1536x64xf32>
    %select_n3A_53 = arith.select %ge3A_49, %add3A_46, %mul3A_52 : vector<1536x64xi1>, vector<1536x64xf32>
    %get3A_54 = arith.constant 0 : index
    %get3A_55 = arith.constant 64 : index
    %get3A_56 = vector.load %arg2[%get3A_54, %get3A_55] : memref<64x448xf32, #tpu.memory_space<vmem>>, vector<64x64xf32>
    %dot_general3A_57 = arith.constant dense<0.000000e+00> : vector<1536x64xf32>
    %dot_general3A_58 = tpu.matmul %select_n3A_53, %get3A_56, %dot_general3A_57 {dimension_numbers = #tpu.dot_dimension_numbers<[1], [1], [0], [0], [0, 0, 1, 0], [], []>, transpose_lhs_hint = false} : vector<1536x64xf32>, vector<64x64xf32>, vector<1536x64xf32> -> vector<1536x64xf32>
    %add3A_59 = arith.addf %add3A_39, %dot_general3A_58 : vector<1536x64xf32>
    %get3A_60 = arith.constant 0 : index
    %get3A_61 = arith.constant 128 : index
    %get3A_62 = vector.load %arg1[%get3A_60, %get3A_61] : memref<1536x448xf32, #tpu.memory_space<vmem>>, vector<1536x64xf32>
    %mul3A_63 = vector.broadcast %mul3A_16 : vector<1x64xf32> to vector<1536x64xf32>
    %mul3A_64 = arith.mulf %get3A_62, %mul3A_63 : vector<1536x64xf32>
    %add3A_65 = vector.broadcast %sub3A_21 : vector<1x64xf32> to vector<1536x64xf32>
    %add3A_66 = arith.addf %mul3A_64, %add3A_65 : vector<1536x64xf32>
    %ge3A_67 = arith.constant 0.000000e+00 : f32
    %ge3A_68 = vector.broadcast %ge3A_67 : f32 to vector<1536x64xf32>
    %ge3A_69 = arith.cmpf oge, %add3A_66, %ge3A_68 : vector<1536x64xf32>
    %mul3A_70 = arith.constant 2.000000e-01 : f32
    %mul3A_71 = vector.broadcast %mul3A_70 : f32 to vector<1536x64xf32>
    %mul3A_72 = arith.mulf %mul3A_71, %add3A_66 : vector<1536x64xf32>
    %select_n3A_73 = arith.select %ge3A_69, %add3A_66, %mul3A_72 : vector<1536x64xi1>, vector<1536x64xf32>
    %get3A_74 = arith.constant 0 : index
    %get3A_75 = arith.constant 128 : index
    %get3A_76 = vector.load %arg2[%get3A_74, %get3A_75] : memref<64x448xf32, #tpu.memory_space<vmem>>, vector<64x64xf32>
    %dot_general3A_77 = arith.constant dense<0.000000e+00> : vector<1536x64xf32>
    %dot_general3A_78 = tpu.matmul %select_n3A_73, %get3A_76, %dot_general3A_77 {dimension_numbers = #tpu.dot_dimension_numbers<[1], [1], [0], [0], [0, 0, 1, 0], [], []>, transpose_lhs_hint = false} : vector<1536x64xf32>, vector<64x64xf32>, vector<1536x64xf32> -> vector<1536x64xf32>
    %add3A_79 = arith.addf %add3A_59, %dot_general3A_78 : vector<1536x64xf32>
    %get3A_80 = arith.constant 0 : index
    %get3A_81 = arith.constant 192 : index
    %get3A_82 = vector.load %arg1[%get3A_80, %get3A_81] : memref<1536x448xf32, #tpu.memory_space<vmem>>, vector<1536x64xf32>
    %mul3A_83 = vector.broadcast %mul3A_16 : vector<1x64xf32> to vector<1536x64xf32>
    %mul3A_84 = arith.mulf %get3A_82, %mul3A_83 : vector<1536x64xf32>
    %add3A_85 = vector.broadcast %sub3A_21 : vector<1x64xf32> to vector<1536x64xf32>
    %add3A_86 = arith.addf %mul3A_84, %add3A_85 : vector<1536x64xf32>
    %ge3A_87 = arith.constant 0.000000e+00 : f32
    %ge3A_88 = vector.broadcast %ge3A_87 : f32 to vector<1536x64xf32>
    %ge3A_89 = arith.cmpf oge, %add3A_86, %ge3A_88 : vector<1536x64xf32>
    %mul3A_90 = arith.constant 2.000000e-01 : f32
    %mul3A_91 = vector.broadcast %mul3A_90 : f32 to vector<1536x64xf32>
    %mul3A_92 = arith.mulf %mul3A_91, %add3A_86 : vector<1536x64xf32>
    %select_n3A_93 = arith.select %ge3A_89, %add3A_86, %mul3A_92 : vector<1536x64xi1>, vector<1536x64xf32>
    %get3A_94 = arith.constant 0 : index
    %get3A_95 = arith.constant 192 : index
    %get3A_96 = vector.load %arg2[%get3A_94, %get3A_95] : memref<64x448xf32, #tpu.memory_space<vmem>>, vector<64x64xf32>
    %dot_general3A_97 = arith.constant dense<0.000000e+00> : vector<1536x64xf32>
    %dot_general3A_98 = tpu.matmul %select_n3A_93, %get3A_96, %dot_general3A_97 {dimension_numbers = #tpu.dot_dimension_numbers<[1], [1], [0], [0], [0, 0, 1, 0], [], []>, transpose_lhs_hint = false} : vector<1536x64xf32>, vector<64x64xf32>, vector<1536x64xf32> -> vector<1536x64xf32>
    %add3A_99 = arith.addf %add3A_79, %dot_general3A_98 : vector<1536x64xf32>
    %get3A_100 = arith.constant 0 : index
    %get3A_101 = arith.constant 256 : index
    %get3A_102 = vector.load %arg1[%get3A_100, %get3A_101] : memref<1536x448xf32, #tpu.memory_space<vmem>>, vector<1536x64xf32>
    %mul3A_103 = vector.broadcast %mul3A_16 : vector<1x64xf32> to vector<1536x64xf32>
    %mul3A_104 = arith.mulf %get3A_102, %mul3A_103 : vector<1536x64xf32>
    %add3A_105 = vector.broadcast %sub3A_21 : vector<1x64xf32> to vector<1536x64xf32>
    %add3A_106 = arith.addf %mul3A_104, %add3A_105 : vector<1536x64xf32>
    %ge3A_107 = arith.constant 0.000000e+00 : f32
    %ge3A_108 = vector.broadcast %ge3A_107 : f32 to vector<1536x64xf32>
    %ge3A_109 = arith.cmpf oge, %add3A_106, %ge3A_108 : vector<1536x64xf32>
    %mul3A_110 = arith.constant 2.000000e-01 : f32
    %mul3A_111 = vector.broadcast %mul3A_110 : f32 to vector<1536x64xf32>
    %mul3A_112 = arith.mulf %mul3A_111, %add3A_106 : vector<1536x64xf32>
    %select_n3A_113 = arith.select %ge3A_109, %add3A_106, %mul3A_112 : vector<1536x64xi1>, vector<1536x64xf32>
    %get3A_114 = arith.constant 0 : index
    %get3A_115 = arith.constant 256 : index
    %get3A_116 = vector.load %arg2[%get3A_114, %get3A_115] : memref<64x448xf32, #tpu.memory_space<vmem>>, vector<64x64xf32>
    %dot_general3A_117 = arith.constant dense<0.000000e+00> : vector<1536x64xf32>
    %dot_general3A_118 = tpu.matmul %select_n3A_113, %get3A_116, %dot_general3A_117 {dimension_numbers = #tpu.dot_dimension_numbers<[1], [1], [0], [0], [0, 0, 1, 0], [], []>, transpose_lhs_hint = false} : vector<1536x64xf32>, vector<64x64xf32>, vector<1536x64xf32> -> vector<1536x64xf32>
    %add3A_119 = arith.addf %add3A_99, %dot_general3A_118 : vector<1536x64xf32>
    %get3A_120 = arith.constant 0 : index
    %get3A_121 = arith.constant 320 : index
    %get3A_122 = vector.load %arg1[%get3A_120, %get3A_121] : memref<1536x448xf32, #tpu.memory_space<vmem>>, vector<1536x64xf32>
    %mul3A_123 = vector.broadcast %mul3A_16 : vector<1x64xf32> to vector<1536x64xf32>
    %mul3A_124 = arith.mulf %get3A_122, %mul3A_123 : vector<1536x64xf32>
    %add3A_125 = vector.broadcast %sub3A_21 : vector<1x64xf32> to vector<1536x64xf32>
    %add3A_126 = arith.addf %mul3A_124, %add3A_125 : vector<1536x64xf32>
    %ge3A_127 = arith.constant 0.000000e+00 : f32
    %ge3A_128 = vector.broadcast %ge3A_127 : f32 to vector<1536x64xf32>
    %ge3A_129 = arith.cmpf oge, %add3A_126, %ge3A_128 : vector<1536x64xf32>
    %mul3A_130 = arith.constant 2.000000e-01 : f32
    %mul3A_131 = vector.broadcast %mul3A_130 : f32 to vector<1536x64xf32>
    %mul3A_132 = arith.mulf %mul3A_131, %add3A_126 : vector<1536x64xf32>
    %select_n3A_133 = arith.select %ge3A_129, %add3A_126, %mul3A_132 : vector<1536x64xi1>, vector<1536x64xf32>
    %get3A_134 = arith.constant 0 : index
    %get3A_135 = arith.constant 320 : index
    %get3A_136 = vector.load %arg2[%get3A_134, %get3A_135] : memref<64x448xf32, #tpu.memory_space<vmem>>, vector<64x64xf32>
    %dot_general3A_137 = arith.constant dense<0.000000e+00> : vector<1536x64xf32>
    %dot_general3A_138 = tpu.matmul %select_n3A_133, %get3A_136, %dot_general3A_137 {dimension_numbers = #tpu.dot_dimension_numbers<[1], [1], [0], [0], [0, 0, 1, 0], [], []>, transpose_lhs_hint = false} : vector<1536x64xf32>, vector<64x64xf32>, vector<1536x64xf32> -> vector<1536x64xf32>
    %add3A_139 = arith.addf %add3A_119, %dot_general3A_138 : vector<1536x64xf32>
    %get3A_140 = arith.constant 0 : index
    %get3A_141 = arith.constant 384 : index
    %get3A_142 = vector.load %arg1[%get3A_140, %get3A_141] : memref<1536x448xf32, #tpu.memory_space<vmem>>, vector<1536x64xf32>
    %mul3A_143 = vector.broadcast %mul3A_16 : vector<1x64xf32> to vector<1536x64xf32>
    %mul3A_144 = arith.mulf %get3A_142, %mul3A_143 : vector<1536x64xf32>
    %add3A_145 = vector.broadcast %sub3A_21 : vector<1x64xf32> to vector<1536x64xf32>
    %add3A_146 = arith.addf %mul3A_144, %add3A_145 : vector<1536x64xf32>
    %ge3A_147 = arith.constant 0.000000e+00 : f32
    %ge3A_148 = vector.broadcast %ge3A_147 : f32 to vector<1536x64xf32>
    %ge3A_149 = arith.cmpf oge, %add3A_146, %ge3A_148 : vector<1536x64xf32>
    %mul3A_150 = arith.constant 2.000000e-01 : f32
    %mul3A_151 = vector.broadcast %mul3A_150 : f32 to vector<1536x64xf32>
    %mul3A_152 = arith.mulf %mul3A_151, %add3A_146 : vector<1536x64xf32>
    %select_n3A_153 = arith.select %ge3A_149, %add3A_146, %mul3A_152 : vector<1536x64xi1>, vector<1536x64xf32>
    %get3A_154 = arith.constant 0 : index
    %get3A_155 = arith.constant 384 : index
    %get3A_156 = vector.load %arg2[%get3A_154, %get3A_155] : memref<64x448xf32, #tpu.memory_space<vmem>>, vector<64x64xf32>
    %dot_general3A_157 = arith.constant dense<0.000000e+00> : vector<1536x64xf32>
    %dot_general3A_158 = tpu.matmul %select_n3A_153, %get3A_156, %dot_general3A_157 {dimension_numbers = #tpu.dot_dimension_numbers<[1], [1], [0], [0], [0, 0, 1, 0], [], []>, transpose_lhs_hint = false} : vector<1536x64xf32>, vector<64x64xf32>, vector<1536x64xf32> -> vector<1536x64xf32>
    %add3A_159 = arith.addf %add3A_139, %dot_general3A_158 : vector<1536x64xf32>
    %get3A_160 = arith.constant 0 : index
    %get3A_161 = arith.constant 0 : index
    %get3A_162 = vector.load %arg6[%get3A_160, %get3A_161] : memref<1x64xf32, #tpu.memory_space<vmem>>, vector<1x64xf32>
    %add3A_163 = vector.broadcast %get3A_162 : vector<1x64xf32> to vector<1536x64xf32>
    %add3A_164 = arith.addf %add3A_159, %add3A_163 : vector<1536x64xf32>
    %swap3A = arith.constant 0 : index
    %swap3A_165 = arith.constant 0 : index
    %swap3A_166 = vector.load %arg7[%swap3A, %swap3A_165] : memref<1536x64xf32, #tpu.memory_space<vmem>>, vector<1536x64xf32>
    tpu.vector_store %arg7[%swap3A, %swap3A_165], %add3A_164 {strides = array<i32>} : memref<1536x64xf32, #tpu.memory_space<vmem>>, vector<1536x64xf32>,
    %mul3A_167 = arith.constant 1536 : i32
    %mul3A_168 = arith.muli %arg0, %mul3A_167 : i32
    %iota3A = tpu.iota {dimensions = array<i32: 0>} : vector<1536x1xi32>
    %add3A_169 = vector.broadcast %mul3A_168 : i32 to vector<1536x1xi32>
    %add3A_170 = arith.addi %add3A_169, %iota3A : vector<1536x1xi32>
    %lt3A = arith.constant 40962 : i32
    %lt3A_171 = vector.broadcast %lt3A : i32 to vector<1536x1xi32>
    %lt3A_172 = arith.cmpi slt, %add3A_170, %lt3A_171 : vector<1536x1xi32>
    %jit3A = arith.constant 0.000000e+00 : f32
    %broadcast_in_dim3A_173 = vector.shape_cast %lt3A_172 : vector<1536x1xi1> to vector<1536x1xi1>
    %broadcast_in_dim3A_174 = vector.broadcast %broadcast_in_dim3A_173 : vector<1536x1xi1> to vector<1536x64xi1>
    %broadcast_in_dim3A_175 = vector.broadcast %jit3A : f32 to vector<1536x64xf32>
    %select_n3A_176 = arith.select %broadcast_in_dim3A_174, %add3A_164, %broadcast_in_dim3A_175 : vector<1536x64xi1>, vector<1536x64xf32>
    %eq3A = arith.constant 0 : i32
    %eq3A_177 = arith.cmpi eq, %arg0, %eq3A : i32
    %convert_element_type3A = arith.extui %eq3A_177 : i1 to i32
    %cond3A = arith.constant 0 : i32
    %cond3A_178 = arith.cmpi ne, %convert_element_type3A, %cond3A : i32
    scf.if %cond3A_178 {
      %broadcast_in_dim3A_199 = arith.constant 0.000000e+00 : f32
      %broadcast_in_dim3A_200 = vector.broadcast %broadcast_in_dim3A_199 : f32 to vector<8x128xf32>
      %swap3A_201 = arith.constant 0 : index
      %swap3A_202 = arith.constant 0 : index
      %swap3A_203 = vector.load %arg8[%swap3A_201, %swap3A_202] : memref<8x128xf32, #tpu.memory_space<vmem>>, vector<8x128xf32>
      tpu.vector_store %arg8[%swap3A_201, %swap3A_202], %broadcast_in_dim3A_200 {strides = array<i32>} : memref<8x128xf32, #tpu.memory_space<vmem>>, vector<8x128xf32>,
    } else {
    }
    %get3A_179 = arith.constant 0 : index
    %get3A_180 = arith.constant 0 : index
    %get3A_181 = vector.load %arg8[%get3A_179, %get3A_180] : memref<8x128xf32, #tpu.memory_space<vmem>>, vector<1x64xf32>
    %reduce_sum3A = arith.constant dense<0.000000e+00> : vector<64xf32>
    %reduce_sum3A_182 = vector.multi_reduction <add>, %select_n3A_176, %reduce_sum3A [0] : vector<1536x64xf32> to vector<64xf32>
    %broadcast_in_dim3A_183 = vector.shape_cast %reduce_sum3A_182 : vector<64xf32> to vector<1x64xf32>
    %add3A_184 = arith.addf %get3A_181, %broadcast_in_dim3A_183 : vector<1x64xf32>
    %swap3A_185 = arith.constant 0 : index
    %swap3A_186 = arith.constant 0 : index
    %swap3A_187 = vector.load %arg8[%swap3A_185, %swap3A_186] : memref<8x128xf32, #tpu.memory_space<vmem>>, vector<1x64xf32>
    tpu.vector_store %arg8[%swap3A_185, %swap3A_186], %add3A_184 {strides = array<i32>} : memref<8x128xf32, #tpu.memory_space<vmem>>, vector<1x64xf32>,
    %get3A_188 = arith.constant 1 : index
    %get3A_189 = arith.constant 0 : index
    %get3A_190 = vector.load %arg8[%get3A_188, %get3A_189] : memref<8x128xf32, #tpu.memory_space<vmem>>, vector<1x64xf32>
    %mul3A_191 = arith.mulf %select_n3A_176, %select_n3A_176 : vector<1536x64xf32>
    %reduce_sum3A_192 = arith.constant dense<0.000000e+00> : vector<64xf32>
    %reduce_sum3A_193 = vector.multi_reduction <add>, %mul3A_191, %reduce_sum3A_192 [0] : vector<1536x64xf32> to vector<64xf32>
    %broadcast_in_dim3A_194 = vector.shape_cast %reduce_sum3A_193 : vector<64xf32> to vector<1x64xf32>
    %add3A_195 = arith.addf %get3A_190, %broadcast_in_dim3A_194 : vector<1x64xf32>
    %swap3A_196 = arith.constant 1 : index
    %swap3A_197 = arith.constant 0 : index
    %swap3A_198 = vector.load %arg8[%swap3A_196, %swap3A_197] : memref<8x128xf32, #tpu.memory_space<vmem>>, vector<1x64xf32>
    tpu.vector_store %arg8[%swap3A_196, %swap3A_197], %add3A_195 {strides = array<i32>} : memref<8x128xf32, #tpu.memory_space<vmem>>, vector<1x64xf32>,
    return
  }
  func.func @transform_0(%arg0: i32) -> (i32, i32) {
    %c0_i32 = arith.constant 0 : i32
    %c0_i32_0 = arith.constant 0 : i32
    return %arg0, %c0_i32 : i32, i32
  }
  func.func @transform_1(%arg0: i32) -> (i32, i32) {
    %c0_i32 = arith.constant 0 : i32
    %c0_i32_0 = arith.constant 0 : i32
    %c0_i32_1 = arith.constant 0 : i32
    return %c0_i32, %c0_i32_0 : i32, i32
  }
  func.func @transform_2(%arg0: i32) -> (i32, i32) {
    %c0_i32 = arith.constant 0 : i32
    %c0_i32_0 = arith.constant 0 : i32
    %c0_i32_1 = arith.constant 0 : i32
    return %c0_i32, %c0_i32_0 : i32, i32
  }
  func.func @transform_3(%arg0: i32) -> (i32, i32) {
    %c0_i32 = arith.constant 0 : i32
    %c0_i32_0 = arith.constant 0 : i32
    %c0_i32_1 = arith.constant 0 : i32
    return %c0_i32, %c0_i32_0 : i32, i32
  }
  func.func @transform_4(%arg0: i32) -> (i32, i32) {
    %c0_i32 = arith.constant 0 : i32
    %c0_i32_0 = arith.constant 0 : i32
    %c0_i32_1 = arith.constant 0 : i32
    return %c0_i32, %c0_i32_0 : i32, i32
  }
  func.func @transform_5(%arg0: i32) -> (i32, i32) {
    %c0_i32 = arith.constant 0 : i32
    %c0_i32_0 = arith.constant 0 : i32
    %c0_i32_1 = arith.constant 0 : i32
    return %c0_i32, %c0_i32_0 : i32, i32
  }
  func.func @transform_6(%arg0: i32) -> (i32, i32) {
    %c0_i32 = arith.constant 0 : i32
    %c0_i32_0 = arith.constant 0 : i32
    return %arg0, %c0_i32 : i32, i32
  }
  func.func @transform_7(%arg0: i32) -> (i32, i32) {
    %c0_i32 = arith.constant 0 : i32
    %c0_i32_0 = arith.constant 0 : i32
    %c0_i32_1 = arith.constant 0 : i32
    return %c0_i32, %c0_i32_0 : i32, i32
  }
}

module attributes {stable_mosaic.version = 14 : i64} {
  func.func @_tc_bn_body(%arg0: i32, %arg1: memref<1536x64xf32, #tpu.memory_space<vmem>>, %arg2: memref<8x128xf32, #tpu.memory_space<vmem>>, %arg3: memref<1x64xf32, #tpu.memory_space<vmem>>, %arg4: memref<1x64xf32, #tpu.memory_space<vmem>>, %arg5: memref<1536x64xf32, #tpu.memory_space<vmem>>) attributes {dimension_semantics = [#tpu.dimension_semantics<arbitrary>], iteration_bounds = array<i64: 27>, scalar_prefetch = 0 : i64, scratch_operands = 0 : i64, tpu.core_type = #tpu.core_type<tc>, window_params = [{transform_indices = @transform_0, window_bounds = array<i64: 1536, 64>}, {pipeline_mode = #tpu.pipeline_mode<synchronous>, transform_indices = @transform_1, window_bounds = array<i64: 8, 128>}, {pipeline_mode = #tpu.pipeline_mode<synchronous>, transform_indices = @transform_2, window_bounds = array<i64: 1, 64>}, {pipeline_mode = #tpu.pipeline_mode<synchronous>, transform_indices = @transform_3, window_bounds = array<i64: 1, 64>}, {transform_indices = @transform_4, window_bounds = array<i64: 1536, 64>}]} {
    %get3A = arith.constant 0 : index
    %get3A_0 = arith.constant 0 : index
    %get3A_1 = vector.load %arg2[%get3A, %get3A_0] : memref<8x128xf32, #tpu.memory_space<vmem>>, vector<1x64xf32>
    %mul3A = arith.constant 2.44128696E-5 : f32
    %mul3A_2 = vector.broadcast %mul3A : f32 to vector<1x64xf32>
    %mul3A_3 = arith.mulf %get3A_1, %mul3A_2 : vector<1x64xf32>
    %get3A_4 = arith.constant 1 : index
    %get3A_5 = arith.constant 0 : index
    %get3A_6 = vector.load %arg2[%get3A_4, %get3A_5] : memref<8x128xf32, #tpu.memory_space<vmem>>, vector<1x64xf32>
    %mul3A_7 = arith.constant 2.44128696E-5 : f32
    %mul3A_8 = vector.broadcast %mul3A_7 : f32 to vector<1x64xf32>
    %mul3A_9 = arith.mulf %get3A_6, %mul3A_8 : vector<1x64xf32>
    %mul3A_10 = arith.mulf %mul3A_3, %mul3A_3 : vector<1x64xf32>
    %sub3A = arith.subf %mul3A_9, %mul3A_10 : vector<1x64xf32>
    %get3A_11 = arith.constant 0 : index
    %get3A_12 = arith.constant 0 : index
    %get3A_13 = vector.load %arg3[%get3A_11, %get3A_12] : memref<1x64xf32, #tpu.memory_space<vmem>>, vector<1x64xf32>
    %add3A = arith.constant 9.99999974E-6 : f32
    %add3A_14 = vector.broadcast %add3A : f32 to vector<1x64xf32>
    %add3A_15 = arith.addf %sub3A, %add3A_14 : vector<1x64xf32>
    %rsqrt3A = math.rsqrt %add3A_15 : vector<1x64xf32>
    %mul3A_16 = arith.mulf %get3A_13, %rsqrt3A : vector<1x64xf32>
    %get3A_17 = arith.constant 0 : index
    %get3A_18 = arith.constant 0 : index
    %get3A_19 = vector.load %arg4[%get3A_17, %get3A_18] : memref<1x64xf32, #tpu.memory_space<vmem>>, vector<1x64xf32>
    %mul3A_20 = arith.mulf %mul3A_16, %mul3A_3 : vector<1x64xf32>
    %sub3A_21 = arith.subf %get3A_19, %mul3A_20 : vector<1x64xf32>
    %get3A_22 = arith.constant 0 : index
    %get3A_23 = arith.constant 0 : index
    %get3A_24 = vector.load %arg1[%get3A_22, %get3A_23] : memref<1536x64xf32, #tpu.memory_space<vmem>>, vector<1536x64xf32>
    %mul3A_25 = vector.broadcast %mul3A_16 : vector<1x64xf32> to vector<1536x64xf32>
    %mul3A_26 = arith.mulf %get3A_24, %mul3A_25 : vector<1536x64xf32>
    %add3A_27 = vector.broadcast %sub3A_21 : vector<1x64xf32> to vector<1536x64xf32>
    %add3A_28 = arith.addf %mul3A_26, %add3A_27 : vector<1536x64xf32>
    %ge3A = arith.constant 0.000000e+00 : f32
    %ge3A_29 = vector.broadcast %ge3A : f32 to vector<1536x64xf32>
    %ge3A_30 = arith.cmpf oge, %add3A_28, %ge3A_29 : vector<1536x64xf32>
    %mul3A_31 = arith.constant 2.000000e-01 : f32
    %mul3A_32 = vector.broadcast %mul3A_31 : f32 to vector<1536x64xf32>
    %mul3A_33 = arith.mulf %mul3A_32, %add3A_28 : vector<1536x64xf32>
    %select_n3A = arith.select %ge3A_30, %add3A_28, %mul3A_33 : vector<1536x64xi1>, vector<1536x64xf32>
    %swap3A = arith.constant 0 : index
    %swap3A_34 = arith.constant 0 : index
    %swap3A_35 = vector.load %arg5[%swap3A, %swap3A_34] : memref<1536x64xf32, #tpu.memory_space<vmem>>, vector<1536x64xf32>
    tpu.vector_store %arg5[%swap3A, %swap3A_34], %select_n3A {strides = array<i32>} : memref<1536x64xf32, #tpu.memory_space<vmem>>, vector<1536x64xf32>,
    return
  }
  func.func @transform_0(%arg0: i32) -> (i32, i32) {
    %c0_i32 = arith.constant 0 : i32
    %c0_i32_0 = arith.constant 0 : i32
    return %arg0, %c0_i32 : i32, i32
  }
  func.func @transform_1(%arg0: i32) -> (i32, i32) {
    %c0_i32 = arith.constant 0 : i32
    %c0_i32_0 = arith.constant 0 : i32
    %c0_i32_1 = arith.constant 0 : i32
    return %c0_i32, %c0_i32_0 : i32, i32
  }
  func.func @transform_2(%arg0: i32) -> (i32, i32) {
    %c0_i32 = arith.constant 0 : i32
    %c0_i32_0 = arith.constant 0 : i32
    %c0_i32_1 = arith.constant 0 : i32
    return %c0_i32, %c0_i32_0 : i32, i32
  }
  func.func @transform_3(%arg0: i32) -> (i32, i32) {
    %c0_i32 = arith.constant 0 : i32
    %c0_i32_0 = arith.constant 0 : i32
    %c0_i32_1 = arith.constant 0 : i32
    return %c0_i32, %c0_i32_0 : i32, i32
  }
  func.func @transform_4(%arg0: i32) -> (i32, i32) {
    %c0_i32 = arith.constant 0 : i32
    %c0_i32_0 = arith.constant 0 : i32
    return %arg0, %c0_i32 : i32, i32
  }
}

</mosaic_0001>

<sc_bundles>
// kernel: kernel.11.cloned.1.call-start
scs
__scs_entry_jumppad:
0x0: {  	(pc) =	sbr.rel $0x88, $3  }
0x1: {  	(tag) =	ssettag $0x0;
	lr =	simm.s32 $0x1  }
0x2: {  	[smem:$0x3F96] =	sst lr;
	_ =	strace $0xD0000000  }
0x3: {  	_ = 	snop  }
0x4: {  	_ = 	snop  }
0x5: {  	_ = 	snop  }
0x6: {  	_ = 	snop  }
0x7: {  	_ = 	snop  }
__scs_overlays_trampoline_lowered:
0x8: {  	[smem:$0x3FA5] =	sst s0  }
0x9: {  	[smem:$0x3FA6] =	sst s1  }
0xa: {  	[smem:$0x3FA7] =	sst s2  }
0xb: {  	[smem:$0x3FA8] =	sst s3  }
0xc: {  	[smem:$0x3FA9] =	sst s4  }
0xd: {  	[smem:$0x3FAA] =	sst s5  }
0xe: {  	[smem:$0x3FAB] =	sst s6  }
0xf: {  	[smem:$0x3FAC] =	sst s7  }
0x10: {  	[smem:$0x3FAD] =	sst s8  }
0x11: {  	[smem:$0x3FAE] =	sst s9;
	s0 =	simm.s32 @!p0 $0x0  }
0x12: {  	s1 =	sld [smem:$0x3F94];
	s0 =	simm.s32 @p0 $0x1  }
0x13: {  	[smem:$0x3FAF] =	sst s0;
	s0 =	simm.s32 @!p1 $0x0  }
0x14: {  	s2 =	sld [smem:$0x3F93];
	s0 =	simm.s32 @p1 $0x1  }
0x15: {  	[smem:$0x3FB0] =	sst s0;
	s0 =	simm.s32 @!p2 $0x0  }
0x16: {  	s3 =	sld [smem:$0x3FDB];
	s0 =	simm.s32 @p2 $0x1  }
0x17: {  	s4 =	simm.s32 $0x1BF5;
	[smem:$0x3FB2] =	sst s0  }
0x18: {  	s0 =	sld [smem:$0x3F95];
	_ =	swait.ge [sflag:s4], $0x0  }
0x19: {  	s7 =	sld [smem:$0x3F96]  }
0x1a: {  	s8 =	sadd.s32 $0xFFFFE003, lr  }
0x1b: {  	s9 =	sadd.s32 $0xFFFFFEF7, lr;
	s5 =	simm.s32 $0xFFFFFFFF;
	p2 =	slt.u32 s8, $0xFFFFF086  }
0x1c: {  	p1 =	slt.u32 s9, $0xF7A;
	s5 =	simm.s32 @!p2 $0x0  }
0x1d: {  	s5 =	simm.s32 @p1 $0x1;
	p0 =	seq.s32 s7, s2  }
0x1e: {  	s7 =	smul.u32 @!p0 $0xF7A, s2;
	p2 =	seq.s32 @!p0 s5, $0x0  }
0x1f: {  	s9 =	smul.u32 $0xF7A, s1;
	s8 =	simm.s32 @!p0 $0x1BF5;
	p2 =	por !p2, p0  }
0x20: {  	[sflag:s8] =	ssyncset.s32 @!p0 $0xFFFFF086;
	s6 =	sadd.s32 @!p0 s3, s7;
	s7 =	simm.s32 @!p0 $0x108  }
0x21: {  	s3 =	sadd.s32 s3, s9;
	s6 =	sadd.s32 @!p0 $0x88, s6;
	s7 =	simm.s32 @p2 $0x1082  }
0x22: {  	[simem:s7], [sflag:s8] =	dma.local @!p0 [hbm:s6], $0xF7A  }
0x23: {  	s9 =	sor.u32 $0xD0000000, s2;
	s6 =	simm.s32 $0x108;
	_ =	swait.ge @!p0 [sflag:s8], $0x0  }
0x24: {  	s3 =	sadd.s32 $0x88, s3;
	s6 =	simm.s32 @!p1 $0x1082;
	[sflag:s4] =	ssyncset.s32 $0xFFFFF086  }
0x25: {  	[simem:s6], [sflag:s4] =	dma.local [hbm:s3], $0xF7A  }
0x26: {  	[smem:$0x3F96] =	sst s1;
	(tag) =	ssettag s2;
	_ =	strace s9  }
0x27: {  	s1 =	sld [smem:$0x3FA6]  }
0x28: {  	s2 =	sld [smem:$0x3FA7]  }
0x29: {  	s4 =	sld [smem:$0x3FA9]  }
0x2a: {  	p0 =	seq.s32 s5, $0x0;
	s5 =	sld [smem:$0x3FAA]  }
0x2b: {  	s6 =	sld [smem:$0x3FAB]  }
0x2c: {  	s7 =	sld [smem:$0x3FAC]  }
0x2d: {  	s3 =	simm.s32 $0x108;
	s8 =	sld [smem:$0x3FAD]  }
0x2e: {  	s3 =	simm.s32 @!p0 $0x1082;
	s9 =	sld [smem:$0x3FAE]  }
0x2f: {  	lr =	sadd.s32 s0, s3;
	s0 =	sld [smem:$0x3FA5]  }
0x30: {  	s3 =	sld [smem:$0x3FA8]  }
0x31: {  	[smem:$0x3FB1] =	sst s10  }
0x32: {  	s10 =	sld [smem:$0x3FAF];
	_ =	sdelay $0x3  }
0x33: {  	p0 =	seq.s32 s10, $0x1;
	s10 =	sld [smem:$0x3FB1];
	_ =	sdelay $0x3  }
0x34: {  	[smem:$0x3FB1] =	sst s10  }
0x35: {  	s10 =	sld [smem:$0x3FB0];
	_ =	sdelay $0x3  }
0x36: {  	p1 =	seq.s32 s10, $0x1;
	s10 =	sld [smem:$0x3FB1];
	_ =	sdelay $0x3  }
0x37: {  	[smem:$0x3FB1] =	sst s10  }
0x38: {  	s10 =	sld [smem:$0x3FB2]  }
0x39: {  	_ = 	snop;
	(pc) =	sbr.ind lr, $3  }
0x3a: {  	_ = 	snop  }
0x3b: {  	_ = 	snop  }
0x3c: {  	p2 =	seq.s32 s10, $0x1;
	s10 =	sld [smem:$0x3FB1]  }
0x3d: {  	_ =	shalt  }
0x3e: {  	_ =	shalt  }
0x3f: {  	_ =	shalt  }
0x40: {  	_ =	shalt  }
0x41: {  	_ =	shalt  }
0x42: {  	_ =	shalt  }
0x43: {  	_ =	shalt  }
0x44: {  	_ =	shalt  }
0x45: {  	_ =	shalt  }
0x46: {  	_ =	shalt  }
0x47: {  	_ =	shalt  }
0x48: {  	_ =	shalt  }
0x49: {  	_ =	shalt  }
0x4a: {  	_ =	shalt  }
0x4b: {  	_ =	shalt  }
0x4c: {  	_ =	shalt  }
0x4d: {  	_ =	shalt  }
0x4e: {  	_ =	shalt  }
0x4f: {  	_ =	shalt  }
0x50: {  	_ =	shalt  }
0x51: {  	_ =	shalt  }
0x52: {  	_ =	shalt  }
0x53: {  	_ =	shalt  }
0x54: {  	_ =	shalt  }
0x55: {  	_ =	shalt  }
0x56: {  	_ =	shalt  }
0x57: {  	_ =	shalt  }
0x58: {  	_ =	shalt  }
0x59: {  	_ =	shalt  }
0x5a: {  	_ =	shalt  }
0x5b: {  	_ =	shalt  }
0x5c: {  	_ =	shalt  }
0x5d: {  	_ =	shalt  }
0x5e: {  	_ =	shalt  }
0x5f: {  	_ =	shalt  }
0x60: {  	_ =	shalt  }
0x61: {  	_ =	shalt  }
0x62: {  	_ =	shalt  }
0x63: {  	_ =	shalt  }
0x64: {  	_ =	shalt  }
0x65: {  	_ =	shalt  }
0x66: {  	_ =	shalt  }
0x67: {  	_ =	shalt  }
0x68: {  	_ =	shalt  }
0x69: {  	_ =	shalt  }
0x6a: {  	_ =	shalt  }
0x6b: {  	_ =	shalt  }
0x6c: {  	_ =	shalt  }
0x6d: {  	_ =	shalt  }
0x6e: {  	_ =	shalt  }
0x6f: {  	_ =	shalt  }
0x70: {  	_ =	shalt  }
0x71: {  	_ =	shalt  }
0x72: {  	_ =	shalt  }
0x73: {  	_ =	shalt  }
0x74: {  	_ =	shalt  }
0x75: {  	_ =	shalt  }
0x76: {  	_ =	shalt  }
0x77: {  	_ =	shalt  }
0x78: {  	_ =	shalt  }
0x79: {  	_ =	shalt  }
0x7a: {  	_ =	shalt  }
0x7b: {  	_ =	shalt  }
0x7c: {  	_ =	shalt  }
0x7d: {  	_ =	shalt  }
0x7e: {  	_ =	shalt  }
0x7f: {  	_ =	shalt  }
0x80: {  	_ =	shalt  }
0x81: {  	_ =	shalt  }
0x82: {  	_ =	shalt  }
0x83: {  	_ =	shalt  }
0x84: {  	_ =	shalt  }
0x85: {  	_ =	shalt  }
0x86: {  	_ =	shalt  }
0x87: {  	_ =	shalt  }
.Lfunc_end0:
.L_simem_size_0:
called_computation.1_lowered:
.L_overlay_start_0:
0x88: {  	s2 =	sld [smem:$0x3FD9]  }
0x89: {  	s3 =	sld [smem:$0x3FFE];
	_ =	sdelay $0x1  }
0x8a: {  	s1 =	srdreg.scid  }
0x8b: {  	s0 =	sand.u32 $0x1, s1  }
0x8c: {  	s17 =	sshll.u32 s0, $0xA;
	s2 =	sadd.s32 s3, s2  }
0x8d: {  	s2 =	sadd.s32 s2, s17  }
0x8e: {  	[smem:$0x3FBD] =	sst s2  }
0x8f: {  	_ = 	snop  }
0x90: {  	s2 =	sld [smem:$0x3FD0];
	(tm) =	ssettm $0x1  }
0x91: {  	s18 =	sld [smem:$0x3FFB];
	_ =	sdelay $0x3  }
0x92: {  	_ =	strace s18  }
0x93: {  	s3 =	sld [smem:$0x3FFC];
	_ =	sdelay $0x3  }
0x94: {  	_ =	strace s3  }
0x95: {  	s3 =	sld [smem:$0x3FFD];
	_ =	sdelay $0x3  }
0x96: {  	_ =	strace s3  }
0x97: {  	_ =	strace $0x8FFFFFFF  }
0x98: {  	s19 =	sld [smem:$0x3FDB];
	_ =	sdelay $0x1  }
0x99: {  	s4 =	simm.s32 $_scs_section_size  }
0x9a: {  	s5 =	simm.s32 $_size__tile_overlayer_lowered;
	s6 =	simm.s32 $_tile_overlayer_lowered  }
0x9b: {  	s22 =	simm.s32 $0x1BFF;
	s21 =	sshll.u32 s6, $0x1;
	s3 =	sadd.s32 s4, s19  }
0x9c: {  	s7 =	simm.s32 $0x0;
	s20 =	sshll.u32 s5, $0x1;
	s5 =	sadd.s32 s21, s3  }
0x9d: {  	[timem:s7], [sflag:s22] =	dma.local [hbm:s5], s20  }
0x9e: {  	_ =	swait.ge [sflag:s22], s20  }
0x9f: {  	s4 =	ssub.s32 $0x0, s20;
	[sflag:s22] =	ssyncset.done $0x0  }
0xa0: {  	[sflag:s22] =	ssyncadd.s32 s4;
	_ =	sdelay $0x1  }
0xa1: {  	s23 =	simm.s32 $0x1B8B  }
0xa2: {  	_ =	swait.ge [sflag:s23], $0x1  }
0xa3: {  	[sflag:s23] =	ssyncset.done $0x0  }
0xa4: {  	s25 =	simm.s32 $0x1B8E;
	s24 =	sld [smem:$0x3FFE];
	[sflag:s23] =	ssyncadd.s32 $0xFFFFFFFF  }
0xa5: {  	s26 =	simm.s32 $execute0_lowered;
	[smem:$0x3FD2] =	sst s25  }
0xa6: {  	s5 =	sshll.u32 s26, $0x1;
	_ =	strace $0x80000049;
	[dreg:$0x1] =	wrdreg $0xFFFFFFFF  }
0xa7: {  	s28 =	simm.s32 $_size_execute0_lowered;
	s3 =	sadd.s32 s3, s5;
	[dreg:$0x0] =	wrdreg $0x0  }
0xa8: {  	s5 =	sshll.u32 s28, $0x1;
	[dreg:$0x2] =	wrdreg s3  }
0xa9: {  	[dreg:$0x3] =	wrdreg s5  }
0xaa: {  	[dreg:$0x4] =	wrdreg $0xC0  }
0xab: {  	_ =	task [dreg:s7], $0x5FFFF  }
0xac: {  	[dreg:$0x1] =	wrdreg $0xFFFFFFFF  }
0xad: {  	[dreg:$0x0] =	wrdreg $0x60  }
0xae: {  	[dreg:$0x2] =	wrdreg s2  }
0xaf: {  	[dreg:$0x3] =	wrdreg s24  }
0xb0: {  	[dreg:$0x4] =	wrdreg $0x9  }
0xb1: {  	_ =	task.clear_ibuf [dreg:s7], $0x5FFFF;
	_ =	strace $0x90000049  }
0xb2: {  	s29 =	simm.s32 $0x9;
	_ =	strace $0x8000004B  }
0xb3: {  	_ =	swait.ge [sflag:s29], $0x1  }
0xb4: {  	[sflag:s29] =	ssyncadd.s32 $0xFFFFFFFF  }
0xb5: {  	_ =	strace $0x9000004B  }
0xb6: {  	_ =	sfence  }
0xb7: {  	s30 =	sld [smem:$0x0];
	_ =	sdelay $0x2  }
0xb8: {  	s31 =	sshll.u32 s1, $0xD;
	s1 =	sshrl.u32 s1, $0x2  }
0xb9: {  	s3 =	sand.u32 $0x4000, s31;
	s1 =	sadd.s32 s1, s30  }
0xba: {  	s0 =	sor.u32 s3, s0;
	s1 =	sshll.u32 s1, $0x11  }
0xbb: {  	s0 =	sor.u32 s1, s0  }
0xbc: {  	s0 =	sadd.s32 $0x8F2B, s0  }
0xbd: {  	[sflag:s0] =	ssyncadd.remote.s32 $0x1  }
0xbe: {  	_ =	sfence.sel $0xFFFF  }
0xbf: {  	[dreg:$0x0] =	wrdreg $0xFFFFFFFF;
	(pc) =	sbr.abs _section_cstart, $3  }
0xc0: {  	[dreg:$0x1] =	wrdreg $0xFFFFFFFF  }
0xc1: {  	_ =	task.clear_ibuf [dreg:s7], $0x2FFFF;
	_ =	strace $0x9FFFFFFF  }
0xc2: {  	(tm) =	ssettm $0x7FFFFFFF  }
0xc3: {  	_ =	shalt  }
tec
execute0_lowered:
.L_overlay_start_1:
0x0: {  	(tag) =	ssettag $0x1  }
0x1: {  	s1 =	srdreg.scid;
	s0 =	stileid.u32  }
0x2: {  	s31 =	sand.u32 $0x1, s1;
	s25 =	sshll.u32 s0, $0x1  }
0x3: {  	s11 =	sor.u32 s31, s25  }
0x4: {  	s2 =	rddreg [dreg:$0x0];
	s29 =	smul.u32 $0x2370, s11  }
0x5: {  	s12 =	rddreg [dreg:$0x1];
	s3 =	simm.s32 $0x0  }
0x6: {  	[smem:$0x7FF] =	sst s3;
	s28 =	sadd.s32 $0xB400, s12;
	s4 =	sshrl.u32 s29, $0x3  }
0x7: {  	s5 =	simm.s32 $0x5;
	_ =	strace $0x8000004A;
	s4 =	sadd.s32 s28, s4  }
0x8: {  	[tilespmem:s3], [sflag:$0x5] =	stream.linear.gather [hbm4b:s4+s3], $0x3F0, $0x38;
	[tilespmem:$0x103E0] =	vst v63  }
0x9: {  	_ =	swait.ge [sflag:s5], $0x3F0  }
0xa: {  	s6 =	simm.s32 $0x3F0;
	s15 =	sadd.s32 $0x3F0, s29;
	[sflag:s5] =	ssyncset.done $0x0  }
0xb: {  	s7 =	simm.s32 $0x7E0;
	s8 =	sshrl.u32 s15, $0x3;
	[sflag:s5] =	ssyncadd.s32 $0xFFFFFC10  }
0xc: {  	[tilespmem:s7], [sflag:$0x1] =	stream.indirect.gather [hbm4b:s2+s6], $0x20, s3, s6, $0xb8;
	[tilespmem:$0x103E0] =	vst v63  }
0xd: {  	s8 =	sadd.s32 s28, s8  }
0xe: {  	[tilespmem:s6], [sflag:$0x5] =	stream.linear.gather [hbm4b:s8+s3], $0x3F0, $0x38;
	[tilespmem:$0x103E0] =	vst v63  }
0xf: {  	_ =	swait.ge [sflag:s5], $0x3F0  }
0x10: {  	[sflag:s5] =	ssyncset.done $0x0  }
0x11: {  	s9 =	simm.s32 $0x85E0;
	s10 =	simm.s32 $0x1;
	[sflag:s5] =	ssyncadd.s32 $0xFFFFFC10  }
0x12: {  	[tilespmem:s9], [sflag:$0x2] =	stream.indirect.gather [hbm4b:s2+s6], $0x20, s6, s6, $0xb8;
	[tilespmem:$0x103E0] =	vst v63  }
0x13: {  	s11 =	smul.u32 $0x8DC0, s11;
	_ =	swait.ge [sflag:s10], $0x7E00  }
0x14: {  	s30 =	sadd.s32 $0x14200, s12;
	s18 =	sadd.s32 $0x7E0, s29;
	[sflag:s10] =	ssyncset.done $0x0  }
0x15: {  	s11 =	sadd.s32 s30, s11;
	s26 =	sshrl.u32 s18, $0x3;
	[sflag:s10] =	ssyncadd.s32 $0xFFFF8200  }
0x16: {  	[hbm4b:s11+s3] =	stream.linear.scatter [tilespmem:s7], [sflag:$0x3], $0x7E00, $0x38;
	[tilespmem:$0x103E0] =	vst v63  }
0x17: {  	s12 =	sadd.s32 s28, s26  }
0x18: {  	[tilespmem:s3], [sflag:$0x5] =	stream.linear.gather [hbm4b:s12+s3], $0x3F0, $0x38;
	[tilespmem:$0x103E0] =	vst v63  }
0x19: {  	_ =	swait.ge [sflag:s5], $0x3F0  }
0x1a: {  	[sflag:s5] =	ssyncset.done $0x0  }
0x1b: {  	s13 =	simm.s32 $0x3;
	[sflag:s5] =	ssyncadd.s32 $0xFFFFFC10  }
0x1c: {  	_ =	swait.ge [sflag:s13], $0x7E00  }
0x1d: {  	[sflag:s13] =	ssyncset.done $0x0  }
0x1e: {  	s14 =	simm.s32 $0x2;
	[sflag:s13] =	ssyncadd.s32 $0xFFFF8200  }
0x1f: {  	[tilespmem:s7], [sflag:$0x1] =	stream.indirect.gather [hbm4b:s2+s6], $0x20, s3, s6, $0xb8;
	[tilespmem:$0x103E0] =	vst v63  }
0x20: {  	_ =	swait.ge [sflag:s14], $0x7E00  }
0x21: {  	s20 =	sadd.s32 $0xBD0, s29;
	s15 =	sshll.u32 s15, $0x2;
	[sflag:s14] =	ssyncset.done $0x0  }
0x22: {  	s16 =	sshrl.u32 s20, $0x3;
	s15 =	sadd.s32 s30, s15;
	[sflag:s14] =	ssyncadd.s32 $0xFFFF8200  }
0x23: {  	[hbm4b:s15+s3] =	stream.linear.scatter [tilespmem:s9], [sflag:$0x4], $0x7E00, $0x38;
	[tilespmem:$0x103E0] =	vst v63  }
0x24: {  	s16 =	sadd.s32 s28, s16  }
0x25: {  	[tilespmem:s6], [sflag:$0x5] =	stream.linear.gather [hbm4b:s16+s3], $0x3F0, $0x38;
	[tilespmem:$0x103E0] =	vst v63  }
0x26: {  	_ =	swait.ge [sflag:s5], $0x3F0  }
0x27: {  	[sflag:s5] =	ssyncset.done $0x0  }
0x28: {  	s17 =	simm.s32 $0x4;
	[sflag:s5] =	ssyncadd.s32 $0xFFFFFC10  }
0x29: {  	_ =	swait.ge [sflag:s17], $0x7E00  }
0x2a: {  	[sflag:s17] =	ssyncset.done $0x0  }
0x2b: {  	[sflag:s17] =	ssyncadd.s32 $0xFFFF8200  }
0x2c: {  	[tilespmem:s9], [sflag:$0x2] =	stream.indirect.gather [hbm4b:s2+s6], $0x20, s6, s6, $0xb8;
	[tilespmem:$0x103E0] =	vst v63  }
0x2d: {  	_ =	swait.ge [sflag:s10], $0x7E00  }
0x2e: {  	s22 =	sadd.s32 $0xFC0, s29;
	s18 =	sshll.u32 s18, $0x2;
	[sflag:s10] =	ssyncset.done $0x0  }
0x2f: {  	s19 =	sshrl.u32 s22, $0x3;
	s18 =	sadd.s32 s30, s18;
	[sflag:s10] =	ssyncadd.s32 $0xFFFF8200  }
0x30: {  	[hbm4b:s18+s3] =	stream.linear.scatter [tilespmem:s7], [sflag:$0x3], $0x7E00, $0x38;
	[tilespmem:$0x103E0] =	vst v63  }
0x31: {  	s19 =	sadd.s32 s28, s19  }
0x32: {  	[tilespmem:s3], [sflag:$0x5] =	stream.linear.gather [hbm4b:s19+s3], $0x3F0, $0x38;
	[tilespmem:$0x103E0] =	vst v63  }
0x33: {  	_ =	swait.ge [sflag:s5], $0x3F0  }
0x34: {  	[sflag:s5] =	ssyncset.done $0x0  }
0x35: {  	[sflag:s5] =	ssyncadd.s32 $0xFFFFFC10  }
0x36: {  	_ =	swait.ge [sflag:s13], $0x7E00  }
0x37: {  	[sflag:s13] =	ssyncset.done $0x0  }
0x38: {  	[sflag:s13] =	ssyncadd.s32 $0xFFFF8200  }
0x39: {  	[tilespmem:s7], [sflag:$0x1] =	stream.indirect.gather [hbm4b:s2+s6], $0x20, s3, s6, $0xb8;
	[tilespmem:$0x103E0] =	vst v63  }
0x3a: {  	_ =	swait.ge [sflag:s14], $0x7E00  }
0x3b: {  	s24 =	sadd.s32 $0x13B0, s29;
	s20 =	sshll.u32 s20, $0x2;
	[sflag:s14] =	ssyncset.done $0x0  }
0x3c: {  	s21 =	sshrl.u32 s24, $0x3;
	s20 =	sadd.s32 s30, s20;
	[sflag:s14] =	ssyncadd.s32 $0xFFFF8200  }
0x3d: {  	[hbm4b:s20+s3] =	stream.linear.scatter [tilespmem:s9], [sflag:$0x4], $0x7E00, $0x38;
	[tilespmem:$0x103E0] =	vst v63  }
0x3e: {  	s21 =	sadd.s32 s28, s21  }
0x3f: {  	[tilespmem:s6], [sflag:$0x5] =	stream.linear.gather [hbm4b:s21+s3], $0x3F0, $0x38;
	[tilespmem:$0x103E0] =	vst v63  }
0x40: {  	_ =	swait.ge [sflag:s5], $0x3F0  }
0x41: {  	[sflag:s5] =	ssyncset.done $0x0  }
0x42: {  	[sflag:s5] =	ssyncadd.s32 $0xFFFFFC10  }
0x43: {  	_ =	swait.ge [sflag:s17], $0x7E00  }
0x44: {  	[sflag:s17] =	ssyncset.done $0x0  }
0x45: {  	[sflag:s17] =	ssyncadd.s32 $0xFFFF8200  }
0x46: {  	[tilespmem:s9], [sflag:$0x2] =	stream.indirect.gather [hbm4b:s2+s6], $0x20, s6, s6, $0xb8;
	[tilespmem:$0x103E0] =	vst v63  }
0x47: {  	_ =	swait.ge [sflag:s10], $0x7E00  }
0x48: {  	s22 =	sshll.u32 s22, $0x2;
	s26 =	sadd.s32 $0x17A0, s29;
	[sflag:s10] =	ssyncset.done $0x0  }
0x49: {  	s22 =	sadd.s32 s30, s22;
	s23 =	sshrl.u32 s26, $0x3;
	[sflag:s10] =	ssyncadd.s32 $0xFFFF8200  }
0x4a: {  	[hbm4b:s22+s3] =	stream.linear.scatter [tilespmem:s7], [sflag:$0x3], $0x7E00, $0x38;
	[tilespmem:$0x103E0] =	vst v63  }
0x4b: {  	s23 =	sadd.s32 s28, s23  }
0x4c: {  	[tilespmem:s3], [sflag:$0x5] =	stream.linear.gather [hbm4b:s23+s3], $0x3F0, $0x38;
	[tilespmem:$0x103E0] =	vst v63  }
0x4d: {  	_ =	swait.ge [sflag:s5], $0x3F0  }
0x4e: {  	[sflag:s5] =	ssyncset.done $0x0  }
0x4f: {  	[sflag:s5] =	ssyncadd.s32 $0xFFFFFC10  }
0x50: {  	_ =	swait.ge [sflag:s13], $0x7E00  }
0x51: {  	[sflag:s13] =	ssyncset.done $0x0  }
0x52: {  	[sflag:s13] =	ssyncadd.s32 $0xFFFF8200  }
0x53: {  	[tilespmem:s7], [sflag:$0x1] =	stream.indirect.gather [hbm4b:s2+s6], $0x20, s3, s6, $0xb8;
	[tilespmem:$0x103E0] =	vst v63  }
0x54: {  	_ =	swait.ge [sflag:s14], $0x7E00  }
0x55: {  	s1 =	sadd.s32 $0x1B90, s29;
	s24 =	sshll.u32 s24, $0x2;
	[sflag:s14] =	ssyncset.done $0x0  }
0x56: {  	s25 =	sshrl.u32 s1, $0x3;
	s24 =	sadd.s32 s30, s24;
	[sflag:s14] =	ssyncadd.s32 $0xFFFF8200  }
0x57: {  	[hbm4b:s24+s3] =	stream.linear.scatter [tilespmem:s9], [sflag:$0x4], $0x7E00, $0x38;
	[tilespmem:$0x103E0] =	vst v63  }
0x58: {  	s25 =	sadd.s32 s28, s25  }
0x59: {  	[tilespmem:s6], [sflag:$0x5] =	stream.linear.gather [hbm4b:s25+s3], $0x3F0, $0x38;
	[tilespmem:$0x103E0] =	vst v63  }
0x5a: {  	_ =	swait.ge [sflag:s5], $0x3F0  }
0x5b: {  	[sflag:s5] =	ssyncset.done $0x0  }
0x5c: {  	[sflag:s5] =	ssyncadd.s32 $0xFFFFFC10  }
0x5d: {  	_ =	swait.ge [sflag:s17], $0x7E00  }
0x5e: {  	[sflag:s17] =	ssyncset.done $0x0  }
0x5f: {  	[sflag:s17] =	ssyncadd.s32 $0xFFFF8200  }
0x60: {  	[tilespmem:s9], [sflag:$0x2] =	stream.indirect.gather [hbm4b:s2+s6], $0x20, s6, s6, $0xb8;
	[tilespmem:$0x103E0] =	vst v63  }
0x61: {  	_ =	swait.ge [sflag:s10], $0x7E00  }
0x62: {  	s0 =	sadd.s32 $0x1F80, s29;
	s26 =	sshll.u32 s26, $0x2;
	[sflag:s10] =	ssyncset.done $0x0  }
0x63: {  	s29 =	sshrl.u32 s0, $0x3;
	s26 =	sadd.s32 s30, s26;
	[sflag:s10] =	ssyncadd.s32 $0xFFFF8200  }
0x64: {  	[hbm4b:s26+s3] =	stream.linear.scatter [tilespmem:s7], [sflag:$0x3], $0x7E00, $0x38;
	[tilespmem:$0x103E0] =	vst v63  }
0x65: {  	s28 =	sadd.s32 s28, s29  }
0x66: {  	[tilespmem:s3], [sflag:$0x5] =	stream.linear.gather [hbm4b:s28+s3], $0x3F0, $0x38;
	[tilespmem:$0x103E0] =	vst v63  }
0x67: {  	_ =	swait.ge [sflag:s5], $0x3F0  }
0x68: {  	[sflag:s5] =	ssyncset.done $0x0  }
0x69: {  	[sflag:s5] =	ssyncadd.s32 $0xFFFFFC10  }
0x6a: {  	_ =	swait.ge [sflag:s13], $0x7E00  }
0x6b: {  	[sflag:s13] =	ssyncset.done $0x0  }
0x6c: {  	s1 =	sshll.u32 s1, $0x2;
	[sflag:s13] =	ssyncadd.s32 $0xFFFF8200  }
0x6d: {  	[tilespmem:s7], [sflag:$0x1] =	stream.indirect.gather [hbm4b:s2+s6], $0x20, s3, s6, $0xb8;
	[tilespmem:$0x103E0] =	vst v63  }
0x6e: {  	s0 =	sshll.u32 s0, $0x2;
	s29 =	sadd.s32 s30, s1;
	_ =	swait.ge [sflag:s14], $0x7E00  }
0x6f: {  	s30 =	sadd.s32 s30, s0;
	s0 =	ssub.s32 $0x2, s31;
	[sflag:s14] =	ssyncset.done $0x0  }
0x70: {  	s1 =	sshrl.u32 s0, $0x1;
	[sflag:s14] =	ssyncadd.s32 $0xFFFF8200  }
0x71: {  	[hbm4b:s29+s3] =	stream.linear.scatter [tilespmem:s9], [sflag:$0x4], $0x7E00, $0x38;
	[tilespmem:$0x103E0] =	vst v63  }
0x72: {  	s0 =	ssub.s32 s0, s1;
	_ =	swait.ge [sflag:s10], $0x7E00  }
0x73: {  	s0 =	smax.u32 s0, $0x1;
	[sflag:s10] =	ssyncset.done $0x0  }
0x74: {  	p0 =	sne.s32 s0, $0x1;
	[sflag:s10] =	ssyncadd.s32 $0xFFFF8200  }
0x75: {  	[hbm4b:s30+s3] =	stream.linear.scatter [tilespmem:s7], [sflag:$0x3], $0x7E00, $0x38;
	[tilespmem:$0x103E0] =	vst v63  }
.Ltmp0:
0x76: {  	_ =	swait.ge [sflag:s13], $0x7E00;
	(pc) =	sbr.rel @!p0 .LBB2_2-.Ltmp0, $4  }
0x77: {  	[sflag:s13] =	ssyncset.done $0x0  }
0x78: {  	[sflag:s13] =	ssyncadd.s32 $0xFFFF8200  }
0x79: {  	_ =	swait.ge [sflag:s17], $0x7E00  }
0x7a: {  	s31 =	sadd.s32 $0xFFFFFFFF, s0;
	[sflag:s17] =	ssyncset.done $0x0  }
.LBB2_1:
0x7b: {  	p0 =	sne.s32 s31, $0x1;
	s31 =	sadd.s32 $0xFFFFFFFF, s31;
	[sflag:s17] =	ssyncadd.s32 $0xFFFF8200  }
0x7c: {  	[tilespmem:s3], [sflag:$0x5] =	stream.linear.gather [hbm4b:s4+s3], $0x3F0, $0x38;
	[tilespmem:$0x103E0] =	vst v63  }
0x7d: {  	_ =	swait.ge [sflag:s5], $0x3F0  }
0x7e: {  	[sflag:s5] =	ssyncset.done $0x0  }
0x7f: {  	[sflag:s5] =	ssyncadd.s32 $0xFFFFFC10  }
0x80: {  	[tilespmem:s7], [sflag:$0x1] =	stream.indirect.gather [hbm4b:s2+s6], $0x20, s3, s6, $0xb8;
	[tilespmem:$0x103E0] =	vst v63  }
0x81: {  	_ = 	snop  }
0x82: {  	[tilespmem:s6], [sflag:$0x5] =	stream.linear.gather [hbm4b:s8+s3], $0x3F0, $0x38;
	[tilespmem:$0x103E0] =	vst v63  }
0x83: {  	_ =	swait.ge [sflag:s5], $0x3F0  }
0x84: {  	[sflag:s5] =	ssyncset.done $0x0  }
0x85: {  	[sflag:s5] =	ssyncadd.s32 $0xFFFFFC10  }
0x86: {  	[tilespmem:s9], [sflag:$0x2] =	stream.indirect.gather [hbm4b:s2+s6], $0x20, s6, s6, $0xb8;
	[tilespmem:$0x103E0] =	vst v63  }
0x87: {  	_ =	swait.ge [sflag:s10], $0x7E00  }
0x88: {  	[sflag:s10] =	ssyncset.done $0x0  }
0x89: {  	[sflag:s10] =	ssyncadd.s32 $0xFFFF8200  }
0x8a: {  	[hbm4b:s11+s3] =	stream.linear.scatter [tilespmem:s7], [sflag:$0x3], $0x7E00, $0x38;
	[tilespmem:$0x103E0] =	vst v63  }
0x8b: {  	_ = 	snop  }
0x8c: {  	[tilespmem:s3], [sflag:$0x5] =	stream.linear.gather [hbm4b:s12+s3], $0x3F0, $0x38;
	[tilespmem:$0x103E0] =	vst v63  }
0x8d: {  	_ =	swait.ge [sflag:s5], $0x3F0  }
0x8e: {  	[sflag:s5] =	ssyncset.done $0x0  }
0x8f: {  	[sflag:s5] =	ssyncadd.s32 $0xFFFFFC10  }
0x90: {  	_ =	swait.ge [sflag:s13], $0x7E00  }
0x91: {  	[sflag:s13] =	ssyncset.done $0x0  }
0x92: {  	[sflag:s13] =	ssyncadd.s32 $0xFFFF8200  }
0x93: {  	[tilespmem:s7], [sflag:$0x1] =	stream.indirect.gather [hbm4b:s2+s6], $0x20, s3, s6, $0xb8;
	[tilespmem:$0x103E0] =	vst v63  }
0x94: {  	_ =	swait.ge [sflag:s14], $0x7E00  }
0x95: {  	[sflag:s14] =	ssyncset.done $0x0  }
0x96: {  	[sflag:s14] =	ssyncadd.s32 $0xFFFF8200  }
0x97: {  	[hbm4b:s15+s3] =	stream.linear.scatter [tilespmem:s9], [sflag:$0x4], $0x7E00, $0x38;
	[tilespmem:$0x103E0] =	vst v63  }
0x98: {  	_ = 	snop  }
0x99: {  	[tilespmem:s6], [sflag:$0x5] =	stream.linear.gather [hbm4b:s16+s3], $0x3F0, $0x38;
	[tilespmem:$0x103E0] =	vst v63  }
0x9a: {  	_ =	swait.ge [sflag:s5], $0x3F0  }
0x9b: {  	[sflag:s5] =	ssyncset.done $0x0  }
0x9c: {  	[sflag:s5] =	ssyncadd.s32 $0xFFFFFC10  }
0x9d: {  	_ =	swait.ge [sflag:s17], $0x7E00  }
0x9e: {  	[sflag:s17] =	ssyncset.done $0x0  }
0x9f: {  	[sflag:s17] =	ssyncadd.s32 $0xFFFF8200  }
0xa0: {  	[tilespmem:s9], [sflag:$0x2] =	stream.indirect.gather [hbm4b:s2+s6], $0x20, s6, s6, $0xb8;
	[tilespmem:$0x103E0] =	vst v63  }
0xa1: {  	_ =	swait.ge [sflag:s10], $0x7E00  }
0xa2: {  	[sflag:s10] =	ssyncset.done $0x0  }
0xa3: {  	[sflag:s10] =	ssyncadd.s32 $0xFFFF8200  }
0xa4: {  	[hbm4b:s18+s3] =	stream.linear.scatter [tilespmem:s7], [sflag:$0x3], $0x7E00, $0x38;
	[tilespmem:$0x103E0] =	vst v63  }
0xa5: {  	_ = 	snop  }
0xa6: {  	[tilespmem:s3], [sflag:$0x5] =	stream.linear.gather [hbm4b:s19+s3], $0x3F0, $0x38;
	[tilespmem:$0x103E0] =	vst v63  }
0xa7: {  	_ =	swait.ge [sflag:s5], $0x3F0  }
0xa8: {  	[sflag:s5] =	ssyncset.done $0x0  }
0xa9: {  	[sflag:s5] =	ssyncadd.s32 $0xFFFFFC10  }
0xaa: {  	_ =	swait.ge [sflag:s13], $0x7E00  }
0xab: {  	[sflag:s13] =	ssyncset.done $0x0  }
0xac: {  	[sflag:s13] =	ssyncadd.s32 $0xFFFF8200  }
0xad: {  	[tilespmem:s7], [sflag:$0x1] =	stream.indirect.gather [hbm4b:s2+s6], $0x20, s3, s6, $0xb8;
	[tilespmem:$0x103E0] =	vst v63  }
0xae: {  	_ =	swait.ge [sflag:s14], $0x7E00  }
0xaf: {  	[sflag:s14] =	ssyncset.done $0x0  }
0xb0: {  	[sflag:s14] =	ssyncadd.s32 $0xFFFF8200  }
0xb1: {  	[hbm4b:s20+s3] =	stream.linear.scatter [tilespmem:s9], [sflag:$0x4], $0x7E00, $0x38;
	[tilespmem:$0x103E0] =	vst v63  }
0xb2: {  	_ = 	snop  }
0xb3: {  	[tilespmem:s6], [sflag:$0x5] =	stream.linear.gather [hbm4b:s21+s3], $0x3F0, $0x38;
	[tilespmem:$0x103E0] =	vst v63  }
0xb4: {  	_ =	swait.ge [sflag:s5], $0x3F0  }
0xb5: {  	[sflag:s5] =	ssyncset.done $0x0  }
0xb6: {  	[sflag:s5] =	ssyncadd.s32 $0xFFFFFC10  }
0xb7: {  	_ =	swait.ge [sflag:s17], $0x7E00  }
0xb8: {  	[sflag:s17] =	ssyncset.done $0x0  }
0xb9: {  	[sflag:s17] =	ssyncadd.s32 $0xFFFF8200  }
0xba: {  	[tilespmem:s9], [sflag:$0x2] =	stream.indirect.gather [hbm4b:s2+s6], $0x20, s6, s6, $0xb8;
	[tilespmem:$0x103E0] =	vst v63  }
0xbb: {  	_ =	swait.ge [sflag:s10], $0x7E00  }
0xbc: {  	[sflag:s10] =	ssyncset.done $0x0  }
0xbd: {  	[sflag:s10] =	ssyncadd.s32 $0xFFFF8200  }
0xbe: {  	[hbm4b:s22+s3] =	stream.linear.scatter [tilespmem:s7], [sflag:$0x3], $0x7E00, $0x38;
	[tilespmem:$0x103E0] =	vst v63  }
0xbf: {  	_ = 	snop  }
0xc0: {  	[tilespmem:s3], [sflag:$0x5] =	stream.linear.gather [hbm4b:s23+s3], $0x3F0, $0x38;
	[tilespmem:$0x103E0] =	vst v63  }
0xc1: {  	_ =	swait.ge [sflag:s5], $0x3F0  }
0xc2: {  	[sflag:s5] =	ssyncset.done $0x0  }
0xc3: {  	[sflag:s5] =	ssyncadd.s32 $0xFFFFFC10  }
0xc4: {  	_ =	swait.ge [sflag:s13], $0x7E00  }
0xc5: {  	[sflag:s13] =	ssyncset.done $0x0  }
0xc6: {  	[sflag:s13] =	ssyncadd.s32 $0xFFFF8200  }
0xc7: {  	[tilespmem:s7], [sflag:$0x1] =	stream.indirect.gather [hbm4b:s2+s6], $0x20, s3, s6, $0xb8;
	[tilespmem:$0x103E0] =	vst v63  }
0xc8: {  	_ =	swait.ge [sflag:s14], $0x7E00  }
0xc9: {  	[sflag:s14] =	ssyncset.done $0x0  }
0xca: {  	[sflag:s14] =	ssyncadd.s32 $0xFFFF8200  }
0xcb: {  	[hbm4b:s24+s3] =	stream.linear.scatter [tilespmem:s9], [sflag:$0x4], $0x7E00, $0x38;
	[tilespmem:$0x103E0] =	vst v63  }
0xcc: {  	_ = 	snop  }
0xcd: {  	[tilespmem:s6], [sflag:$0x5] =	stream.linear.gather [hbm4b:s25+s3], $0x3F0, $0x38;
	[tilespmem:$0x103E0] =	vst v63  }
0xce: {  	_ =	swait.ge [sflag:s5], $0x3F0  }
0xcf: {  	[sflag:s5] =	ssyncset.done $0x0  }
0xd0: {  	[sflag:s5] =	ssyncadd.s32 $0xFFFFFC10  }
0xd1: {  	_ =	swait.ge [sflag:s17], $0x7E00  }
0xd2: {  	[sflag:s17] =	ssyncset.done $0x0  }
0xd3: {  	[sflag:s17] =	ssyncadd.s32 $0xFFFF8200  }
0xd4: {  	[tilespmem:s9], [sflag:$0x2] =	stream.indirect.gather [hbm4b:s2+s6], $0x20, s6, s6, $0xb8;
	[tilespmem:$0x103E0] =	vst v63  }
0xd5: {  	_ =	swait.ge [sflag:s10], $0x7E00  }
0xd6: {  	[sflag:s10] =	ssyncset.done $0x0  }
0xd7: {  	[sflag:s10] =	ssyncadd.s32 $0xFFFF8200  }
0xd8: {  	[hbm4b:s26+s3] =	stream.linear.scatter [tilespmem:s7], [sflag:$0x3], $0x7E00, $0x38;
	[tilespmem:$0x103E0] =	vst v63  }
0xd9: {  	_ = 	snop  }
0xda: {  	[tilespmem:s3], [sflag:$0x5] =	stream.linear.gather [hbm4b:s28+s3], $0x3F0, $0x38;
	[tilespmem:$0x103E0] =	vst v63  }
0xdb: {  	_ =	swait.ge [sflag:s5], $0x3F0  }
0xdc: {  	[sflag:s5] =	ssyncset.done $0x0  }
0xdd: {  	[sflag:s5] =	ssyncadd.s32 $0xFFFFFC10  }
0xde: {  	_ =	swait.ge [sflag:s13], $0x7E00  }
0xdf: {  	[sflag:s13] =	ssyncset.done $0x0  }
0xe0: {  	[sflag:s13] =	ssyncadd.s32 $0xFFFF8200  }
0xe1: {  	[tilespmem:s7], [sflag:$0x1] =	stream.indirect.gather [hbm4b:s2+s6], $0x20, s3, s6, $0xb8;
	[tilespmem:$0x103E0] =	vst v63  }
0xe2: {  	_ =	swait.ge [sflag:s14], $0x7E00  }
0xe3: {  	[sflag:s14] =	ssyncset.done $0x0  }
0xe4: {  	[sflag:s14] =	ssyncadd.s32 $0xFFFF8200  }
0xe5: {  	[hbm4b:s29+s3] =	stream.linear.scatter [tilespmem:s9], [sflag:$0x4], $0x7E00, $0x38;
	[tilespmem:$0x103E0] =	vst v63  }
0xe6: {  	_ =	swait.ge [sflag:s10], $0x7E00  }
0xe7: {  	[sflag:s10] =	ssyncset.done $0x0  }
0xe8: {  	[sflag:s10] =	ssyncadd.s32 $0xFFFF8200  }
0xe9: {  	[hbm4b:s30+s3] =	stream.linear.scatter [tilespmem:s7], [sflag:$0x3], $0x7E00, $0x38;
	[tilespmem:$0x103E0] =	vst v63  }
.Ltmp1:
0xea: {  	_ =	swait.ge [sflag:s13], $0x7E00;
	(pc) =	sbr.rel @p0 .LBB2_1-.Ltmp1, $4  }
0xeb: {  	[sflag:s13] =	ssyncset.done $0x0  }
0xec: {  	[sflag:s13] =	ssyncadd.s32 $0xFFFF8200  }
0xed: {  	_ =	swait.ge [sflag:s17], $0x7E00  }
0xee: {  	[sflag:s17] =	ssyncset.done $0x0  }
.LBB2_2:
0xef: {  	[sflag:s17] =	ssyncadd.s32 $0xFFFF8200  }
0xf0: {  	_ =	sfence.sel $0x180000  }
0xf1: {  	[bflag:$0x0] =	sbarrier.arrive $0xFFFF  }
0xf2: {  	_ =	strace $0x9000004A  }
0xf3: {  	s0 =	stileid.u32;
	[bflag:$0x2] =	sbarrier.arrive $0xFFFF  }
0xf4: {  	p0 =	sne.s32 s0, $0x0;
	s0 =	rddreg [dreg:$0x2]  }
0xf5: {  	s0 =	sadd.s32 @!p0 $0x100000, s0  }
0xf6: {  	[sflag:s0] =	ssyncadd.tile.s32 @!p0 $0x1;
	_ =	shalt  }
.Lfunc_end2:
_tile_overlayer_lowered:
.L_overlay_start_2:
0xf7: {  	(tag) =	ssettag $0x2  }
0xf8: {  	s0 =	rddreg [dreg:$0x0];
	s2 =	stileid.u32  }
0xf9: {  	s1 =	rddreg [dreg:$0x1];
	p0 =	sne.s32 s2, $0x0  }
0xfa: {  	s3 =	rddreg [dreg:$0x2];
	[bflag:$0x3] =	sbarrier.arrive $0xFFFF;
	s2 =	simm.s32 @!p0 $0x1C05  }
0xfb: {  	[timem:s3], [sflag:s2] =	dma.local @!p0 [hbm:s0], s1  }
0xfc: {  	s0 =	simm.s32 @!p0 $0x5  }
0xfd: {  	_ =	swait.ge @!p0 [sflag:s0], s1  }
0xfe: {  	s1 =	ssub.s32 @!p0 $0x0, s1;
	[sflag:s0] =	ssyncset.done @!p0 $0x0  }
0xff: {  	[sflag:s0] =	ssyncadd.s32 @!p0 s1  }
0x100: {  	[bflag:$0x3] =	sbarrier.arrive $0xFFFF  }
0x101: {  	_ =	shalt  }

// kernel: kernel.14.cloned.1.call-start
scs
__scs_entry_jumppad:
0x0: {  	(pc) =	sbr.rel $0x88, $3  }
0x1: {  	(tag) =	ssettag $0x0;
	lr =	simm.s32 $0x1  }
0x2: {  	[smem:$0x3F96] =	sst lr;
	_ =	strace $0xD0000000  }
0x3: {  	_ = 	snop  }
0x4: {  	_ = 	snop  }
0x5: {  	_ = 	snop  }
0x6: {  	_ = 	snop  }
0x7: {  	_ = 	snop  }
__scs_overlays_trampoline_lowered:
0x8: {  	[smem:$0x3FA5] =	sst s0  }
0x9: {  	[smem:$0x3FA6] =	sst s1  }
0xa: {  	[smem:$0x3FA7] =	sst s2  }
0xb: {  	[smem:$0x3FA8] =	sst s3  }
0xc: {  	[smem:$0x3FA9] =	sst s4  }
0xd: {  	[smem:$0x3FAA] =	sst s5  }
0xe: {  	[smem:$0x3FAB] =	sst s6  }
0xf: {  	[smem:$0x3FAC] =	sst s7  }
0x10: {  	[smem:$0x3FAD] =	sst s8  }
0x11: {  	[smem:$0x3FAE] =	sst s9;
	s0 =	simm.s32 @!p0 $0x0  }
0x12: {  	s1 =	sld [smem:$0x3F94];
	s0 =	simm.s32 @p0 $0x1  }
0x13: {  	[smem:$0x3FAF] =	sst s0;
	s0 =	simm.s32 @!p1 $0x0  }
0x14: {  	s2 =	sld [smem:$0x3F93];
	s0 =	simm.s32 @p1 $0x1  }
0x15: {  	[smem:$0x3FB0] =	sst s0;
	s0 =	simm.s32 @!p2 $0x0  }
0x16: {  	s3 =	sld [smem:$0x3FDB];
	s0 =	simm.s32 @p2 $0x1  }
0x17: {  	s4 =	simm.s32 $0x1BF5;
	[smem:$0x3FB2] =	sst s0  }
0x18: {  	s0 =	sld [smem:$0x3F95];
	_ =	swait.ge [sflag:s4], $0x0  }
0x19: {  	s7 =	sld [smem:$0x3F96]  }
0x1a: {  	s8 =	sadd.s32 $0xFFFFE003, lr  }
0x1b: {  	s9 =	sadd.s32 $0xFFFFFEF7, lr;
	s5 =	simm.s32 $0xFFFFFFFF;
	p2 =	slt.u32 s8, $0xFFFFF086  }
0x1c: {  	p1 =	slt.u32 s9, $0xF7A;
	s5 =	simm.s32 @!p2 $0x0  }
0x1d: {  	s5 =	simm.s32 @p1 $0x1;
	p0 =	seq.s32 s7, s2  }
0x1e: {  	s7 =	smul.u32 @!p0 $0xF7A, s2;
	p2 =	seq.s32 @!p0 s5, $0x0  }
0x1f: {  	s9 =	smul.u32 $0xF7A, s1;
	s8 =	simm.s32 @!p0 $0x1BF5;
	p2 =	por !p2, p0  }
0x20: {  	[sflag:s8] =	ssyncset.s32 @!p0 $0xFFFFF086;
	s6 =	sadd.s32 @!p0 s3, s7;
	s7 =	simm.s32 @!p0 $0x108  }
0x21: {  	s3 =	sadd.s32 s3, s9;
	s6 =	sadd.s32 @!p0 $0x88, s6;
	s7 =	simm.s32 @p2 $0x1082  }
0x22: {  	[simem:s7], [sflag:s8] =	dma.local @!p0 [hbm:s6], $0xF7A  }
0x23: {  	s9 =	sor.u32 $0xD0000000, s2;
	s6 =	simm.s32 $0x108;
	_ =	swait.ge @!p0 [sflag:s8], $0x0  }
0x24: {  	s3 =	sadd.s32 $0x88, s3;
	s6 =	simm.s32 @!p1 $0x1082;
	[sflag:s4] =	ssyncset.s32 $0xFFFFF086  }
0x25: {  	[simem:s6], [sflag:s4] =	dma.local [hbm:s3], $0xF7A  }
0x26: {  	[smem:$0x3F96] =	sst s1;
	(tag) =	ssettag s2;
	_ =	strace s9  }
0x27: {  	s1 =	sld [smem:$0x3FA6]  }
0x28: {  	s2 =	sld [smem:$0x3FA7]  }
0x29: {  	s4 =	sld [smem:$0x3FA9]  }
0x2a: {  	p0 =	seq.s32 s5, $0x0;
	s5 =	sld [smem:$0x3FAA]  }
0x2b: {  	s6 =	sld [smem:$0x3FAB]  }
0x2c: {  	s7 =	sld [smem:$0x3FAC]  }
0x2d: {  	s3 =	simm.s32 $0x108;
	s8 =	sld [smem:$0x3FAD]  }
0x2e: {  	s3 =	simm.s32 @!p0 $0x1082;
	s9 =	sld [smem:$0x3FAE]  }
0x2f: {  	lr =	sadd.s32 s0, s3;
	s0 =	sld [smem:$0x3FA5]  }
0x30: {  	s3 =	sld [smem:$0x3FA8]  }
0x31: {  	[smem:$0x3FB1] =	sst s10  }
0x32: {  	s10 =	sld [smem:$0x3FAF];
	_ =	sdelay $0x3  }
0x33: {  	p0 =	seq.s32 s10, $0x1;
	s10 =	sld [smem:$0x3FB1];
	_ =	sdelay $0x3  }
0x34: {  	[smem:$0x3FB1] =	sst s10  }
0x35: {  	s10 =	sld [smem:$0x3FB0];
	_ =	sdelay $0x3  }
0x36: {  	p1 =	seq.s32 s10, $0x1;
	s10 =	sld [smem:$0x3FB1];
	_ =	sdelay $0x3  }
0x37: {  	[smem:$0x3FB1] =	sst s10  }
0x38: {  	s10 =	sld [smem:$0x3FB2]  }
0x39: {  	_ = 	snop;
	(pc) =	sbr.ind lr, $3  }
0x3a: {  	_ = 	snop  }
0x3b: {  	_ = 	snop  }
0x3c: {  	p2 =	seq.s32 s10, $0x1;
	s10 =	sld [smem:$0x3FB1]  }
0x3d: {  	_ =	shalt  }
0x3e: {  	_ =	shalt  }
0x3f: {  	_ =	shalt  }
0x40: {  	_ =	shalt  }
0x41: {  	_ =	shalt  }
0x42: {  	_ =	shalt  }
0x43: {  	_ =	shalt  }
0x44: {  	_ =	shalt  }
0x45: {  	_ =	shalt  }
0x46: {  	_ =	shalt  }
0x47: {  	_ =	shalt  }
0x48: {  	_ =	shalt  }
0x49: {  	_ =	shalt  }
0x4a: {  	_ =	shalt  }
0x4b: {  	_ =	shalt  }
0x4c: {  	_ =	shalt  }
0x4d: {  	_ =	shalt  }
0x4e: {  	_ =	shalt  }
0x4f: {  	_ =	shalt  }
0x50: {  	_ =	shalt  }
0x51: {  	_ =	shalt  }
0x52: {  	_ =	shalt  }
0x53: {  	_ =	shalt  }
0x54: {  	_ =	shalt  }
0x55: {  	_ =	shalt  }
0x56: {  	_ =	shalt  }
0x57: {  	_ =	shalt  }
0x58: {  	_ =	shalt  }
0x59: {  	_ =	shalt  }
0x5a: {  	_ =	shalt  }
0x5b: {  	_ =	shalt  }
0x5c: {  	_ =	shalt  }
0x5d: {  	_ =	shalt  }
0x5e: {  	_ =	shalt  }
0x5f: {  	_ =	shalt  }
0x60: {  	_ =	shalt  }
0x61: {  	_ =	shalt  }
0x62: {  	_ =	shalt  }
0x63: {  	_ =	shalt  }
0x64: {  	_ =	shalt  }
0x65: {  	_ =	shalt  }
0x66: {  	_ =	shalt  }
0x67: {  	_ =	shalt  }
0x68: {  	_ =	shalt  }
0x69: {  	_ =	shalt  }
0x6a: {  	_ =	shalt  }
0x6b: {  	_ =	shalt  }
0x6c: {  	_ =	shalt  }
0x6d: {  	_ =	shalt  }
0x6e: {  	_ =	shalt  }
0x6f: {  	_ =	shalt  }
0x70: {  	_ =	shalt  }
0x71: {  	_ =	shalt  }
0x72: {  	_ =	shalt  }
0x73: {  	_ =	shalt  }
0x74: {  	_ =	shalt  }
0x75: {  	_ =	shalt  }
0x76: {  	_ =	shalt  }
0x77: {  	_ =	shalt  }
0x78: {  	_ =	shalt  }
0x79: {  	_ =	shalt  }
0x7a: {  	_ =	shalt  }
0x7b: {  	_ =	shalt  }
0x7c: {  	_ =	shalt  }
0x7d: {  	_ =	shalt  }
0x7e: {  	_ =	shalt  }
0x7f: {  	_ =	shalt  }
0x80: {  	_ =	shalt  }
0x81: {  	_ =	shalt  }
0x82: {  	_ =	shalt  }
0x83: {  	_ =	shalt  }
0x84: {  	_ =	shalt  }
0x85: {  	_ =	shalt  }
0x86: {  	_ =	shalt  }
0x87: {  	_ =	shalt  }
.Lfunc_end0:
.L_simem_size_0:
called_computation.2_lowered:
.L_overlay_start_0:
0x88: {  	s2 =	sld [smem:$0x3FD9]  }
0x89: {  	s3 =	sld [smem:$0x3FFE];
	_ =	sdelay $0x1  }
0x8a: {  	s1 =	srdreg.scid  }
0x8b: {  	s0 =	sand.u32 $0x1, s1  }
0x8c: {  	s16 =	sshll.u32 s0, $0xA;
	s2 =	sadd.s32 s3, s2  }
0x8d: {  	s2 =	sadd.s32 s2, s16  }
0x8e: {  	[smem:$0x3FBD] =	sst s2  }
0x8f: {  	_ = 	snop  }
0x90: {  	(tm) =	ssettm $0x1  }
0x91: {  	s17 =	sld [smem:$0x3FFB];
	_ =	sdelay $0x3  }
0x92: {  	_ =	strace s17  }
0x93: {  	s2 =	sld [smem:$0x3FFC];
	_ =	sdelay $0x3  }
0x94: {  	_ =	strace s2  }
0x95: {  	s2 =	sld [smem:$0x3FFD];
	_ =	sdelay $0x3  }
0x96: {  	_ =	strace s2  }
0x97: {  	_ =	strace $0x8FFFFFFF  }
0x98: {  	s18 =	sld [smem:$0x3FDB];
	_ =	sdelay $0x1  }
0x99: {  	s19 =	simm.s32 $_scs_section_size  }
0x9a: {  	s4 =	simm.s32 $_size__tile_overlayer_lowered;
	s5 =	simm.s32 $_tile_overlayer_lowered  }
0x9b: {  	s22 =	simm.s32 $0x1BFF;
	s21 =	sshll.u32 s5, $0x1;
	s2 =	sadd.s32 s19, s18  }
0x9c: {  	s6 =	simm.s32 $0x0;
	s20 =	sshll.u32 s4, $0x1;
	s4 =	sadd.s32 s21, s2  }
0x9d: {  	[timem:s6], [sflag:s22] =	dma.local [hbm:s4], s20  }
0x9e: {  	_ =	swait.ge [sflag:s22], s20  }
0x9f: {  	s3 =	ssub.s32 $0x0, s20;
	[sflag:s22] =	ssyncset.done $0x0  }
0xa0: {  	[sflag:s22] =	ssyncadd.s32 s3;
	_ =	sdelay $0x1  }
0xa1: {  	s23 =	simm.s32 $0x1B8B  }
0xa2: {  	_ =	swait.ge [sflag:s23], $0x1  }
0xa3: {  	[sflag:s23] =	ssyncset.done $0x0  }
0xa4: {  	s25 =	simm.s32 $0x1B8E;
	s24 =	sld [smem:$0x3FFE];
	[sflag:s23] =	ssyncadd.s32 $0xFFFFFFFF  }
0xa5: {  	s26 =	simm.s32 $execute0_lowered;
	[smem:$0x3FD2] =	sst s25  }
0xa6: {  	s4 =	sshll.u32 s26, $0x1;
	_ =	strace $0x8000004C;
	[dreg:$0x1] =	wrdreg $0xFFFFFFFF  }
0xa7: {  	s28 =	simm.s32 $_size_execute0_lowered;
	s2 =	sadd.s32 s2, s4;
	[dreg:$0x0] =	wrdreg $0x0  }
0xa8: {  	s4 =	sshll.u32 s28, $0x1;
	[dreg:$0x2] =	wrdreg s2  }
0xa9: {  	[dreg:$0x3] =	wrdreg s4  }
0xaa: {  	[dreg:$0x4] =	wrdreg $0xC0  }
0xab: {  	_ =	task [dreg:s6], $0x5FFFF  }
0xac: {  	[dreg:$0x1] =	wrdreg $0xFFFFFFFF  }
0xad: {  	[dreg:$0x0] =	wrdreg $0x60  }
0xae: {  	[dreg:$0x2] =	wrdreg s24  }
0xaf: {  	[dreg:$0x3] =	wrdreg $0x9  }
0xb0: {  	_ =	task.clear_ibuf [dreg:s6], $0x4FFFF;
	_ =	strace $0x9000004C  }
0xb1: {  	s29 =	simm.s32 $0x9;
	_ =	strace $0x8000004E  }
0xb2: {  	_ =	swait.ge [sflag:s29], $0x1  }
0xb3: {  	[sflag:s29] =	ssyncadd.s32 $0xFFFFFFFF  }
0xb4: {  	_ =	strace $0x9000004E  }
0xb5: {  	_ =	sfence  }
0xb6: {  	s30 =	sld [smem:$0x0];
	_ =	sdelay $0x2  }
0xb7: {  	s31 =	sshll.u32 s1, $0xD;
	s1 =	sshrl.u32 s1, $0x2  }
0xb8: {  	s3 =	sand.u32 $0x4000, s31;
	s1 =	sadd.s32 s1, s30  }
0xb9: {  	s0 =	sor.u32 s3, s0;
	s1 =	sshll.u32 s1, $0x11  }
0xba: {  	s0 =	sor.u32 s1, s0  }
0xbb: {  	s0 =	sadd.s32 $0x8F2B, s0  }
0xbc: {  	[sflag:s0] =	ssyncadd.remote.s32 $0x1  }
0xbd: {  	_ =	sfence.sel $0xFFFF  }
0xbe: {  	[dreg:$0x0] =	wrdreg $0xFFFFFFFF;
	(pc) =	sbr.abs _section_cstart, $3  }
0xbf: {  	[dreg:$0x1] =	wrdreg $0xFFFFFFFF  }
0xc0: {  	_ =	task.clear_ibuf [dreg:s6], $0x2FFFF;
	_ =	strace $0x9FFFFFFF  }
0xc1: {  	(tm) =	ssettm $0x7FFFFFFF  }
tec
execute0_lowered:
.L_overlay_start_1:
0x0: {  	(tag) =	ssettag $0x1  }
0x1: {  	s0 =	srdreg.scid;
	s2 =	stileid.u32  }
0x2: {  	s1 =	rddreg [dreg:$0x0];
	p0 =	por $0x0, $0x0;
	s0 =	sand.u32 $0x1, s0  }
0x3: {  	s3 =	sshll.u32 s2, $0x1;
	s2 =	simm.s32 $0x0;
	s11 =	sadd.s32 $0xB400, s1  }
0x4: {  	s6 =	sor.u32 s0, s3;
	[smem:$0x7FF] =	sst s2;
	s3 =	sadd.s32 $0x14200, s1  }
0x5: {  	s1 =	sadd.s32 $0x65200, s1;
	s0 =	ssub.s32 $0x2, s0;
	s5 =	smul.u32 $0x2370, s6  }
0x6: {  	_ =	strace $0x8000004D;
	s6 =	smul.u32 $0x11B80, s6;
	s16 =	sshrl.u32 s0, $0x1  }
0x7: {  	s0 =	ssub.s32 s0, s16;
	s7 =	sshrl.u32 s5, $0x3;
	s8 =	sadd.s32 $0x1F8, s5  }
0x8: {  	s20 =	sadd.s32 $0x3F0, s5;
	s6 =	sadd.s32 s1, s6;
	s25 =	sadd.s32 $0x5E8, s5  }
0x9: {  	s4 =	sadd.s32 $0x7E0, s5;
	s15 =	sadd.s32 $0x9D8, s5;
	s16 =	sadd.s32 $0x15A8, s5  }
0xa: {  	s0 =	smax.u32 s0, $0x1;
	s7 =	sadd.s32 s11, s7;
	s9 =	sshrl.u32 s8, $0x3  }
0xb: {  	s21 =	sshrl.u32 s20, $0x3;
	[dreg:$0x4] =	wrdreg s6;
	s23 =	sshll.u32 s8, $0x3  }
0xc: {  	s26 =	sshrl.u32 s25, $0x3;
	[dreg:$0x2] =	wrdreg s7;
	s19 =	sadd.s32 s11, s9  }
0xd: {  	s31 =	sshll.u32 s20, $0x3;
	s22 =	sadd.s32 s11, s21;
	[dreg:$0x3] =	wrdreg s19  }
0xe: {  	s12 =	sshrl.u32 s4, $0x3;
	s24 =	sadd.s32 s1, s23;
	[dreg:$0x5] =	wrdreg s22  }
0xf: {  	s17 =	sshrl.u32 s15, $0x3;
	s6 =	sadd.s32 s11, s26;
	[dreg:$0x6] =	wrdreg s24  }
0x10: {  	p1 =	sne.s32 s0, $0x1;
	s10 =	sadd.s32 s1, s31;
	[dreg:$0x7] =	wrdreg s6  }
0x11: {  	s13 =	sadd.s32 s11, s12;
	s7 =	sshll.u32 s25, $0x3;
	[dreg:$0x8] =	wrdreg s10  }
0x12: {  	s9 =	sshll.u32 s4, $0x3;
	s25 =	sadd.s32 $0xFC0, s5;
	[dreg:$0x9] =	wrdreg s13  }
0x13: {  	s14 =	sadd.s32 s1, s7;
	s6 =	sadd.s32 s11, s17;
	s10 =	sadd.s32 $0xBD0, s5  }
0x14: {  	s18 =	sadd.s32 s1, s9;
	s7 =	sshll.u32 s15, $0x3;
	s22 =	sadd.s32 $0xDC8, s5  }
0x15: {  	s31 =	sshrl.u32 s25, $0x3;
	s13 =	sshll.u32 s25, $0x3;
	[dreg:$0xa] =	wrdreg s14  }
0x16: {  	s17 =	sshrl.u32 s16, $0x3;
	[dreg:$0xb] =	wrdreg s6;
	s19 =	sshrl.u32 s10, $0x3  }
0x17: {  	[dreg:$0xc] =	wrdreg s18;
	s21 =	sadd.s32 s1, s7;
	s23 =	sshrl.u32 s22, $0x3  }
0x18: {  	s24 =	sshll.u32 s10, $0x3;
	s4 =	sadd.s32 s11, s31;
	s7 =	sshll.u32 s22, $0x3  }
0x19: {  	s10 =	sadd.s32 $0x11B8, s5;
	s29 =	sadd.s32 s1, s13;
	s14 =	sadd.s32 $0x13B0, s5  }
0x1a: {  	s28 =	sadd.s32 s11, s17;
	s18 =	sadd.s32 $0x17A0, s5;
	s22 =	sadd.s32 $0x1998, s5  }
0x1b: {  	s31 =	sadd.s32 $0x1B90, s5;
	s20 =	sadd.s32 s11, s19;
	[dreg:$0xe] =	wrdreg s21  }
0x1c: {  	s6 =	sadd.s32 s11, s23;
	s26 =	sadd.s32 s1, s24;
	[dreg:$0x11] =	wrdreg s4  }
0x1d: {  	s8 =	sadd.s32 s1, s7;
	s12 =	sshrl.u32 s10, $0x3;
	[dreg:$0xd] =	wrdreg s20  }
0x1e: {  	s15 =	sshrl.u32 s14, $0x3;
	s7 =	sshll.u32 s10, $0x3;
	[dreg:$0xf] =	wrdreg s6  }
0x1f: {  	s19 =	sshrl.u32 s18, $0x3;
	s23 =	sshrl.u32 s22, $0x3;
	[dreg:$0x10] =	wrdreg s26  }
0x20: {  	s10 =	sshrl.u32 s31, $0x3;
	[dreg:$0x12] =	wrdreg s8;
	s4 =	sadd.s32 s11, s12  }
0x21: {  	s30 =	sadd.s32 s11, s15;
	s26 =	sadd.s32 s1, s7;
	s6 =	sshll.u32 s14, $0x3  }
0x22: {  	s20 =	sshll.u32 s16, $0x3;
	s25 =	sadd.s32 s11, s19;
	s7 =	sshll.u32 s18, $0x3  }
0x23: {  	s23 =	sadd.s32 s11, s23;
	s12 =	sadd.s32 $0x1D88, s5;
	s14 =	sshll.u32 s31, $0x3  }
0x24: {  	s15 =	sadd.s32 $0x1F80, s5;
	s5 =	sadd.s32 $0x2178, s5;
	s8 =	simm.s32 $0x81F0  }
0x25: {  	s24 =	sadd.s32 s1, s6;
	s21 =	sadd.s32 s1, s20;
	s7 =	sadd.s32 s1, s7  }
0x26: {  	s6 =	sshll.u32 s22, $0x3;
	s13 =	sshrl.u32 s12, $0x3;
	s17 =	sadd.s32 s1, s14  }
0x27: {  	s16 =	sshrl.u32 s15, $0x3;
	s18 =	sshrl.u32 s5, $0x3;
	s20 =	sshll.u32 s15, $0x3  }
0x28: {  	s31 =	sshll.u32 s5, $0x3;
	s14 =	simm.s32 $0x5;
	[dreg:$0x17] =	wrdreg s21  }
0x29: {  	s15 =	simm.s32 $0x1;
	[dreg:$0x14] =	wrdreg s7;
	s7 =	sadd.s32 s11, s10  }
0x2a: {  	s6 =	sadd.s32 s1, s6;
	s19 =	sadd.s32 s11, s13;
	s21 =	sadd.s32 s11, s16  }
.Ltmp0:
0x2b: {  	s22 =	sadd.s32 s11, s18;
	s9 =	sadd.s32 s1, s20;
	(pc) =	sbr.rel @!p1 .LBB2_3-.Ltmp0, $4  }
0x2c: {  	s5 =	sadd.s32 s1, s31;
	s16 =	sadd.s32 $0xFFFFFFFF, s0;
	s0 =	rddreg [dreg:$0x2]  }
0x2d: {  	s11 =	simm.s32 $0x1F8;
	s13 =	simm.s32 $0x2;
	[dreg:$0x16] =	wrdreg s7  }
0x2e: {  	[dreg:$0x15] =	wrdreg s6;
	s7 =	sshll.u32 s12, $0x3;
	s12 =	simm.s32 $0x3F0  }
0x2f: {  	s6 =	simm.s32 $0x4;
	s10 =	sadd.s32 s1, s7;
	s7 =	simm.s32 $0x3  }
0x30: {  	[tilespmem:s2], [sflag:$0x5] =	stream.linear.gather [hbm4b:s0+s2], $0x1F8, $0x38;
	[tilespmem:$0xFFF0] =	vst v63  }
0x31: {  	_ =	swait.ge [sflag:s14], $0x1F8  }
0x32: {  	[sflag:s14] =	ssyncset.done $0x0  }
0x33: {  	[sflag:s14] =	ssyncadd.s32 $0xFFFFFE08  }
0x34: {  	[tilespmem:s12], [sflag:$0x1] =	stream.indirect.gather [hbm4b:s3+s11], $0x40, s2, s11, $0xb8;
	[tilespmem:$0xFFF0] =	vst v63  }
0x35: {  	s18 =	rddreg [dreg:$0x3]  }
0x36: {  	[tilespmem:s11], [sflag:$0x5] =	stream.linear.gather [hbm4b:s18+s2], $0x1F8, $0x38;
	[tilespmem:$0xFFF0] =	vst v63  }
0x37: {  	_ =	swait.ge [sflag:s14], $0x1F8  }
0x38: {  	[sflag:s14] =	ssyncset.done $0x0  }
0x39: {  	[sflag:s14] =	ssyncadd.s32 $0xFFFFFE08  }
0x3a: {  	[tilespmem:s8], [sflag:$0x2] =	stream.indirect.gather [hbm4b:s3+s11], $0x40, s11, s11, $0xb8;
	[tilespmem:$0xFFF0] =	vst v63  }
0x3b: {  	_ =	swait.ge [sflag:s15], $0x7E00  }
0x3c: {  	[sflag:s15] =	ssyncset.done $0x0  }
0x3d: {  	s20 =	rddreg [dreg:$0x4];
	[sflag:s15] =	ssyncadd.s32 $0xFFFF8200  }
0x3e: {  	[hbm4b:s20+s2] =	stream.linear.scatter [tilespmem:s12], [sflag:$0x3], $0x7E00, $0x38;
	[tilespmem:$0xFFF0] =	vst v63  }
0x3f: {  	s1 =	rddreg [dreg:$0x5]  }
0x40: {  	[tilespmem:s2], [sflag:$0x5] =	stream.linear.gather [hbm4b:s1+s2], $0x1F8, $0x38;
	[tilespmem:$0xFFF0] =	vst v63  }
0x41: {  	_ =	swait.ge [sflag:s14], $0x1F8  }
0x42: {  	[sflag:s14] =	ssyncset.done $0x0  }
0x43: {  	[sflag:s14] =	ssyncadd.s32 $0xFFFFFE08  }
0x44: {  	_ =	swait.ge [sflag:s7], $0x7E00  }
0x45: {  	[sflag:s7] =	ssyncset.done $0x0  }
0x46: {  	[sflag:s7] =	ssyncadd.s32 $0xFFFF8200  }
0x47: {  	[tilespmem:s12], [sflag:$0x1] =	stream.indirect.gather [hbm4b:s3+s11], $0x40, s2, s11, $0xb8;
	[tilespmem:$0xFFF0] =	vst v63  }
0x48: {  	_ =	swait.ge [sflag:s13], $0x7E00  }
0x49: {  	[sflag:s13] =	ssyncset.done $0x0  }
0x4a: {  	s18 =	rddreg [dreg:$0x6];
	[sflag:s13] =	ssyncadd.s32 $0xFFFF8200  }
0x4b: {  	[hbm4b:s18+s2] =	stream.linear.scatter [tilespmem:s8], [sflag:$0x4], $0x7E00, $0x38;
	[tilespmem:$0xFFF0] =	vst v63  }
0x4c: {  	s20 =	rddreg [dreg:$0x7]  }
0x4d: {  	[tilespmem:s11], [sflag:$0x5] =	stream.linear.gather [hbm4b:s20+s2], $0x1F8, $0x38;
	[tilespmem:$0xFFF0] =	vst v63  }
0x4e: {  	_ =	swait.ge [sflag:s14], $0x1F8  }
0x4f: {  	[sflag:s14] =	ssyncset.done $0x0  }
0x50: {  	[sflag:s14] =	ssyncadd.s32 $0xFFFFFE08  }
0x51: {  	_ =	swait.ge [sflag:s6], $0x7E00  }
0x52: {  	[sflag:s6] =	ssyncset.done $0x0  }
0x53: {  	[sflag:s6] =	ssyncadd.s32 $0xFFFF8200  }
0x54: {  	[tilespmem:s8], [sflag:$0x2] =	stream.indirect.gather [hbm4b:s3+s11], $0x40, s11, s11, $0xb8;
	[tilespmem:$0xFFF0] =	vst v63  }
0x55: {  	_ =	swait.ge [sflag:s15], $0x7E00  }
0x56: {  	[sflag:s15] =	ssyncset.done $0x0  }
0x57: {  	s18 =	rddreg [dreg:$0x8];
	[sflag:s15] =	ssyncadd.s32 $0xFFFF8200  }
0x58: {  	[hbm4b:s18+s2] =	stream.linear.scatter [tilespmem:s12], [sflag:$0x3], $0x7E00, $0x38;
	[tilespmem:$0xFFF0] =	vst v63  }
0x59: {  	s20 =	rddreg [dreg:$0x9]  }
0x5a: {  	[tilespmem:s2], [sflag:$0x5] =	stream.linear.gather [hbm4b:s20+s2], $0x1F8, $0x38;
	[tilespmem:$0xFFF0] =	vst v63  }
0x5b: {  	_ =	swait.ge [sflag:s14], $0x1F8  }
0x5c: {  	[sflag:s14] =	ssyncset.done $0x0  }
0x5d: {  	[sflag:s14] =	ssyncadd.s32 $0xFFFFFE08  }
0x5e: {  	_ =	swait.ge [sflag:s7], $0x7E00  }
0x5f: {  	[sflag:s7] =	ssyncset.done $0x0  }
0x60: {  	[sflag:s7] =	ssyncadd.s32 $0xFFFF8200  }
0x61: {  	[tilespmem:s12], [sflag:$0x1] =	stream.indirect.gather [hbm4b:s3+s11], $0x40, s2, s11, $0xb8;
	[tilespmem:$0xFFF0] =	vst v63  }
0x62: {  	_ =	swait.ge [sflag:s13], $0x7E00  }
0x63: {  	[sflag:s13] =	ssyncset.done $0x0  }
0x64: {  	s18 =	rddreg [dreg:$0xa];
	[sflag:s13] =	ssyncadd.s32 $0xFFFF8200  }
0x65: {  	[hbm4b:s18+s2] =	stream.linear.scatter [tilespmem:s8], [sflag:$0x4], $0x7E00, $0x38;
	[tilespmem:$0xFFF0] =	vst v63  }
0x66: {  	s20 =	rddreg [dreg:$0xb]  }
0x67: {  	[tilespmem:s11], [sflag:$0x5] =	stream.linear.gather [hbm4b:s20+s2], $0x1F8, $0x38;
	[tilespmem:$0xFFF0] =	vst v63  }
0x68: {  	_ =	swait.ge [sflag:s14], $0x1F8  }
0x69: {  	[sflag:s14] =	ssyncset.done $0x0  }
0x6a: {  	[sflag:s14] =	ssyncadd.s32 $0xFFFFFE08  }
0x6b: {  	_ =	swait.ge [sflag:s6], $0x7E00  }
0x6c: {  	[sflag:s6] =	ssyncset.done $0x0  }
0x6d: {  	[sflag:s6] =	ssyncadd.s32 $0xFFFF8200  }
0x6e: {  	[tilespmem:s8], [sflag:$0x2] =	stream.indirect.gather [hbm4b:s3+s11], $0x40, s11, s11, $0xb8;
	[tilespmem:$0xFFF0] =	vst v63  }
0x6f: {  	_ =	swait.ge [sflag:s15], $0x7E00  }
0x70: {  	[sflag:s15] =	ssyncset.done $0x0  }
0x71: {  	s18 =	rddreg [dreg:$0xc];
	[sflag:s15] =	ssyncadd.s32 $0xFFFF8200  }
0x72: {  	[hbm4b:s18+s2] =	stream.linear.scatter [tilespmem:s12], [sflag:$0x3], $0x7E00, $0x38;
	[tilespmem:$0xFFF0] =	vst v63  }
0x73: {  	s20 =	rddreg [dreg:$0xd]  }
0x74: {  	[tilespmem:s2], [sflag:$0x5] =	stream.linear.gather [hbm4b:s20+s2], $0x1F8, $0x38;
	[tilespmem:$0xFFF0] =	vst v63  }
0x75: {  	_ =	swait.ge [sflag:s14], $0x1F8  }
0x76: {  	[sflag:s14] =	ssyncset.done $0x0  }
0x77: {  	[sflag:s14] =	ssyncadd.s32 $0xFFFFFE08  }
0x78: {  	_ =	swait.ge [sflag:s7], $0x7E00  }
0x79: {  	[sflag:s7] =	ssyncset.done $0x0  }
0x7a: {  	[sflag:s7] =	ssyncadd.s32 $0xFFFF8200  }
0x7b: {  	[tilespmem:s12], [sflag:$0x1] =	stream.indirect.gather [hbm4b:s3+s11], $0x40, s2, s11, $0xb8;
	[tilespmem:$0xFFF0] =	vst v63  }
0x7c: {  	_ =	swait.ge [sflag:s13], $0x7E00  }
0x7d: {  	[sflag:s13] =	ssyncset.done $0x0  }
0x7e: {  	s18 =	rddreg [dreg:$0xe];
	[sflag:s13] =	ssyncadd.s32 $0xFFFF8200  }
0x7f: {  	[hbm4b:s18+s2] =	stream.linear.scatter [tilespmem:s8], [sflag:$0x4], $0x7E00, $0x38;
	[tilespmem:$0xFFF0] =	vst v63  }
0x80: {  	s20 =	rddreg [dreg:$0xf]  }
0x81: {  	[tilespmem:s11], [sflag:$0x5] =	stream.linear.gather [hbm4b:s20+s2], $0x1F8, $0x38;
	[tilespmem:$0xFFF0] =	vst v63  }
0x82: {  	_ =	swait.ge [sflag:s14], $0x1F8  }
0x83: {  	[sflag:s14] =	ssyncset.done $0x0  }
0x84: {  	[sflag:s14] =	ssyncadd.s32 $0xFFFFFE08  }
0x85: {  	_ =	swait.ge [sflag:s6], $0x7E00  }
0x86: {  	[sflag:s6] =	ssyncset.done $0x0  }
0x87: {  	[sflag:s6] =	ssyncadd.s32 $0xFFFF8200  }
0x88: {  	[tilespmem:s8], [sflag:$0x2] =	stream.indirect.gather [hbm4b:s3+s11], $0x40, s11, s11, $0xb8;
	[tilespmem:$0xFFF0] =	vst v63  }
0x89: {  	_ =	swait.ge [sflag:s15], $0x7E00  }
0x8a: {  	[sflag:s15] =	ssyncset.done $0x0  }
0x8b: {  	s18 =	rddreg [dreg:$0x10];
	[sflag:s15] =	ssyncadd.s32 $0xFFFF8200  }
0x8c: {  	[hbm4b:s18+s2] =	stream.linear.scatter [tilespmem:s12], [sflag:$0x3], $0x7E00, $0x38;
	[tilespmem:$0xFFF0] =	vst v63  }
0x8d: {  	s20 =	rddreg [dreg:$0x11]  }
0x8e: {  	[tilespmem:s2], [sflag:$0x5] =	stream.linear.gather [hbm4b:s20+s2], $0x1F8, $0x38;
	[tilespmem:$0xFFF0] =	vst v63  }
0x8f: {  	_ =	swait.ge [sflag:s14], $0x1F8  }
0x90: {  	[sflag:s14] =	ssyncset.done $0x0  }
0x91: {  	[sflag:s14] =	ssyncadd.s32 $0xFFFFFE08  }
0x92: {  	_ =	swait.ge [sflag:s7], $0x7E00  }
0x93: {  	[sflag:s7] =	ssyncset.done $0x0  }
0x94: {  	[sflag:s7] =	ssyncadd.s32 $0xFFFF8200  }
0x95: {  	[tilespmem:s12], [sflag:$0x1] =	stream.indirect.gather [hbm4b:s3+s11], $0x40, s2, s11, $0xb8;
	[tilespmem:$0xFFF0] =	vst v63  }
0x96: {  	_ =	swait.ge [sflag:s13], $0x7E00  }
0x97: {  	[sflag:s13] =	ssyncset.done $0x0  }
0x98: {  	s18 =	rddreg [dreg:$0x12];
	[sflag:s13] =	ssyncadd.s32 $0xFFFF8200  }
0x99: {  	[hbm4b:s18+s2] =	stream.linear.scatter [tilespmem:s8], [sflag:$0x4], $0x7E00, $0x38;
	[tilespmem:$0xFFF0] =	vst v63  }
0x9a: {  	_ = 	snop  }
0x9b: {  	[tilespmem:s11], [sflag:$0x5] =	stream.linear.gather [hbm4b:s4+s2], $0x1F8, $0x38;
	[tilespmem:$0xFFF0] =	vst v63  }
0x9c: {  	_ =	swait.ge [sflag:s14], $0x1F8  }
0x9d: {  	[sflag:s14] =	ssyncset.done $0x0  }
0x9e: {  	[sflag:s14] =	ssyncadd.s32 $0xFFFFFE08  }
0x9f: {  	_ =	swait.ge [sflag:s6], $0x7E00  }
0xa0: {  	[sflag:s6] =	ssyncset.done $0x0  }
0xa1: {  	[sflag:s6] =	ssyncadd.s32 $0xFFFF8200  }
0xa2: {  	[tilespmem:s8], [sflag:$0x2] =	stream.indirect.gather [hbm4b:s3+s11], $0x40, s11, s11, $0xb8;
	[tilespmem:$0xFFF0] =	vst v63  }
0xa3: {  	_ =	swait.ge [sflag:s15], $0x7E00  }
0xa4: {  	[sflag:s15] =	ssyncset.done $0x0  }
0xa5: {  	[sflag:s15] =	ssyncadd.s32 $0xFFFF8200  }
0xa6: {  	[hbm4b:s29+s2] =	stream.linear.scatter [tilespmem:s12], [sflag:$0x3], $0x7E00, $0x38;
	[tilespmem:$0xFFF0] =	vst v63  }
0xa7: {  	_ = 	snop  }
0xa8: {  	[tilespmem:s2], [sflag:$0x5] =	stream.linear.gather [hbm4b:s30+s2], $0x1F8, $0x38;
	[tilespmem:$0xFFF0] =	vst v63  }
0xa9: {  	_ =	swait.ge [sflag:s14], $0x1F8  }
0xaa: {  	[sflag:s14] =	ssyncset.done $0x0  }
0xab: {  	[sflag:s14] =	ssyncadd.s32 $0xFFFFFE08  }
0xac: {  	_ =	swait.ge [sflag:s7], $0x7E00  }
0xad: {  	[sflag:s7] =	ssyncset.done $0x0  }
0xae: {  	[sflag:s7] =	ssyncadd.s32 $0xFFFF8200  }
0xaf: {  	[tilespmem:s12], [sflag:$0x1] =	stream.indirect.gather [hbm4b:s3+s11], $0x40, s2, s11, $0xb8;
	[tilespmem:$0xFFF0] =	vst v63  }
0xb0: {  	_ =	swait.ge [sflag:s13], $0x7E00  }
0xb1: {  	[sflag:s13] =	ssyncset.done $0x0  }
0xb2: {  	[sflag:s13] =	ssyncadd.s32 $0xFFFF8200  }
0xb3: {  	[hbm4b:s26+s2] =	stream.linear.scatter [tilespmem:s8], [sflag:$0x4], $0x7E00, $0x38;
	[tilespmem:$0xFFF0] =	vst v63  }
0xb4: {  	_ = 	snop  }
0xb5: {  	[tilespmem:s11], [sflag:$0x5] =	stream.linear.gather [hbm4b:s28+s2], $0x1F8, $0x38;
	[tilespmem:$0xFFF0] =	vst v63  }
0xb6: {  	_ =	swait.ge [sflag:s14], $0x1F8  }
0xb7: {  	[sflag:s14] =	ssyncset.done $0x0  }
0xb8: {  	[sflag:s14] =	ssyncadd.s32 $0xFFFFFE08  }
0xb9: {  	_ =	swait.ge [sflag:s6], $0x7E00  }
0xba: {  	[sflag:s6] =	ssyncset.done $0x0  }
0xbb: {  	[sflag:s6] =	ssyncadd.s32 $0xFFFF8200  }
0xbc: {  	[tilespmem:s8], [sflag:$0x2] =	stream.indirect.gather [hbm4b:s3+s11], $0x40, s11, s11, $0xb8;
	[tilespmem:$0xFFF0] =	vst v63  }
0xbd: {  	_ =	swait.ge [sflag:s15], $0x7E00  }
0xbe: {  	[sflag:s15] =	ssyncset.done $0x0  }
0xbf: {  	[sflag:s15] =	ssyncadd.s32 $0xFFFF8200  }
0xc0: {  	[hbm4b:s24+s2] =	stream.linear.scatter [tilespmem:s12], [sflag:$0x3], $0x7E00, $0x38;
	[tilespmem:$0xFFF0] =	vst v63  }
0xc1: {  	_ = 	snop  }
0xc2: {  	[tilespmem:s2], [sflag:$0x5] =	stream.linear.gather [hbm4b:s25+s2], $0x1F8, $0x38;
	[tilespmem:$0xFFF0] =	vst v63  }
0xc3: {  	_ =	swait.ge [sflag:s14], $0x1F8  }
0xc4: {  	[sflag:s14] =	ssyncset.done $0x0  }
0xc5: {  	[sflag:s14] =	ssyncadd.s32 $0xFFFFFE08  }
0xc6: {  	_ =	swait.ge [sflag:s7], $0x7E00  }
0xc7: {  	[sflag:s7] =	ssyncset.done $0x0  }
0xc8: {  	[sflag:s7] =	ssyncadd.s32 $0xFFFF8200  }
0xc9: {  	[tilespmem:s12], [sflag:$0x1] =	stream.indirect.gather [hbm4b:s3+s11], $0x40, s2, s11, $0xb8;
	[tilespmem:$0xFFF0] =	vst v63  }
0xca: {  	_ =	swait.ge [sflag:s13], $0x7E00  }
0xcb: {  	[sflag:s13] =	ssyncset.done $0x0  }
0xcc: {  	s20 =	rddreg [dreg:$0x17];
	[sflag:s13] =	ssyncadd.s32 $0xFFFF8200  }
0xcd: {  	[hbm4b:s20+s2] =	stream.linear.scatter [tilespmem:s8], [sflag:$0x4], $0x7E00, $0x38;
	[tilespmem:$0xFFF0] =	vst v63  }
0xce: {  	_ = 	snop  }
0xcf: {  	[tilespmem:s11], [sflag:$0x5] =	stream.linear.gather [hbm4b:s23+s2], $0x1F8, $0x38;
	[tilespmem:$0xFFF0] =	vst v63  }
0xd0: {  	_ =	swait.ge [sflag:s14], $0x1F8  }
0xd1: {  	[sflag:s14] =	ssyncset.done $0x0  }
0xd2: {  	[sflag:s14] =	ssyncadd.s32 $0xFFFFFE08  }
0xd3: {  	_ =	swait.ge [sflag:s6], $0x7E00  }
0xd4: {  	[sflag:s6] =	ssyncset.done $0x0  }
0xd5: {  	[sflag:s6] =	ssyncadd.s32 $0xFFFF8200  }
0xd6: {  	[tilespmem:s8], [sflag:$0x2] =	stream.indirect.gather [hbm4b:s3+s11], $0x40, s11, s11, $0xb8;
	[tilespmem:$0xFFF0] =	vst v63  }
0xd7: {  	_ =	swait.ge [sflag:s15], $0x7E00  }
0xd8: {  	[sflag:s15] =	ssyncset.done $0x0  }
0xd9: {  	s1 =	rddreg [dreg:$0x14];
	[sflag:s15] =	ssyncadd.s32 $0xFFFF8200  }
0xda: {  	[hbm4b:s1+s2] =	stream.linear.scatter [tilespmem:s12], [sflag:$0x3], $0x7E00, $0x38;
	[tilespmem:$0xFFF0] =	vst v63  }
0xdb: {  	s18 =	rddreg [dreg:$0x16]  }
0xdc: {  	[tilespmem:s2], [sflag:$0x5] =	stream.linear.gather [hbm4b:s18+s2], $0x1F8, $0x38;
	[tilespmem:$0xFFF0] =	vst v63  }
0xdd: {  	_ =	swait.ge [sflag:s14], $0x1F8  }
0xde: {  	[sflag:s14] =	ssyncset.done $0x0  }
0xdf: {  	[sflag:s14] =	ssyncadd.s32 $0xFFFFFE08  }
0xe0: {  	_ =	swait.ge [sflag:s7], $0x7E00  }
0xe1: {  	[sflag:s7] =	ssyncset.done $0x0  }
0xe2: {  	[sflag:s7] =	ssyncadd.s32 $0xFFFF8200  }
0xe3: {  	[tilespmem:s12], [sflag:$0x1] =	stream.indirect.gather [hbm4b:s3+s11], $0x40, s2, s11, $0xb8;
	[tilespmem:$0xFFF0] =	vst v63  }
0xe4: {  	_ =	swait.ge [sflag:s13], $0x7E00  }
0xe5: {  	[sflag:s13] =	ssyncset.done $0x0  }
0xe6: {  	s20 =	rddreg [dreg:$0x15];
	[sflag:s13] =	ssyncadd.s32 $0xFFFF8200  }
0xe7: {  	[hbm4b:s20+s2] =	stream.linear.scatter [tilespmem:s8], [sflag:$0x4], $0x7E00, $0x38;
	[tilespmem:$0xFFF0] =	vst v63  }
0xe8: {  	_ = 	snop  }
0xe9: {  	[tilespmem:s11], [sflag:$0x5] =	stream.linear.gather [hbm4b:s19+s2], $0x1F8, $0x38;
	[tilespmem:$0xFFF0] =	vst v63  }
0xea: {  	_ =	swait.ge [sflag:s14], $0x1F8  }
0xeb: {  	[sflag:s14] =	ssyncset.done $0x0  }
0xec: {  	[sflag:s14] =	ssyncadd.s32 $0xFFFFFE08  }
0xed: {  	_ =	swait.ge [sflag:s6], $0x7E00  }
0xee: {  	[sflag:s6] =	ssyncset.done $0x0  }
0xef: {  	[sflag:s6] =	ssyncadd.s32 $0xFFFF8200  }
0xf0: {  	[tilespmem:s8], [sflag:$0x2] =	stream.indirect.gather [hbm4b:s3+s11], $0x40, s11, s11, $0xb8;
	[tilespmem:$0xFFF0] =	vst v63  }
0xf1: {  	_ =	swait.ge [sflag:s15], $0x7E00  }
0xf2: {  	[sflag:s15] =	ssyncset.done $0x0  }
0xf3: {  	[sflag:s15] =	ssyncadd.s32 $0xFFFF8200  }
0xf4: {  	[hbm4b:s17+s2] =	stream.linear.scatter [tilespmem:s12], [sflag:$0x3], $0x7E00, $0x38;
	[tilespmem:$0xFFF0] =	vst v63  }
0xf5: {  	_ = 	snop  }
0xf6: {  	[tilespmem:s2], [sflag:$0x5] =	stream.linear.gather [hbm4b:s21+s2], $0x1F8, $0x38;
	[tilespmem:$0xFFF0] =	vst v63  }
0xf7: {  	_ =	swait.ge [sflag:s14], $0x1F8  }
0xf8: {  	[sflag:s14] =	ssyncset.done $0x0  }
0xf9: {  	[sflag:s14] =	ssyncadd.s32 $0xFFFFFE08  }
0xfa: {  	_ =	swait.ge [sflag:s7], $0x7E00  }
0xfb: {  	[sflag:s7] =	ssyncset.done $0x0  }
0xfc: {  	[sflag:s7] =	ssyncadd.s32 $0xFFFF8200  }
0xfd: {  	[tilespmem:s12], [sflag:$0x1] =	stream.indirect.gather [hbm4b:s3+s11], $0x40, s2, s11, $0xb8;
	[tilespmem:$0xFFF0] =	vst v63  }
0xfe: {  	_ =	swait.ge [sflag:s13], $0x7E00  }
0xff: {  	[sflag:s13] =	ssyncset.done $0x0  }
0x100: {  	[sflag:s13] =	ssyncadd.s32 $0xFFFF8200  }
0x101: {  	[hbm4b:s10+s2] =	stream.linear.scatter [tilespmem:s8], [sflag:$0x4], $0x7E00, $0x38;
	[tilespmem:$0xFFF0] =	vst v63  }
0x102: {  	_ = 	snop  }
0x103: {  	[tilespmem:s11], [sflag:$0x5] =	stream.linear.gather [hbm4b:s22+s2], $0x1F8, $0x38;
	[tilespmem:$0xFFF0] =	vst v63  }
0x104: {  	_ =	swait.ge [sflag:s14], $0x1F8  }
0x105: {  	[sflag:s14] =	ssyncset.done $0x0  }
0x106: {  	[sflag:s14] =	ssyncadd.s32 $0xFFFFFE08  }
0x107: {  	_ =	swait.ge [sflag:s6], $0x7E00  }
0x108: {  	[sflag:s6] =	ssyncset.done $0x0  }
0x109: {  	[sflag:s6] =	ssyncadd.s32 $0xFFFF8200  }
0x10a: {  	[tilespmem:s8], [sflag:$0x2] =	stream.indirect.gather [hbm4b:s3+s11], $0x40, s11, s11, $0xb8;
	[tilespmem:$0xFFF0] =	vst v63  }
0x10b: {  	_ =	swait.ge [sflag:s15], $0x7E00  }
0x10c: {  	[sflag:s15] =	ssyncset.done $0x0  }
0x10d: {  	[sflag:s15] =	ssyncadd.s32 $0xFFFF8200  }
0x10e: {  	[hbm4b:s9+s2] =	stream.linear.scatter [tilespmem:s12], [sflag:$0x3], $0x7E00, $0x38;
	[tilespmem:$0xFFF0] =	vst v63  }
0x10f: {  	_ =	swait.ge [sflag:s13], $0x7E00  }
0x110: {  	[sflag:s13] =	ssyncset.done $0x0  }
0x111: {  	p1 =	sne.s32 s16, $0x1;
	[sflag:s13] =	ssyncadd.s32 $0xFFFF8200  }
0x112: {  	[hbm4b:s5+s2] =	stream.linear.scatter [tilespmem:s8], [sflag:$0x4], $0x7E00, $0x38;
	[tilespmem:$0xFFF0] =	vst v63  }
.Ltmp1:
0x113: {  	_ =	swait.ge [sflag:s7], $0x7E00;
	(pc) =	sbr.rel @!p1 .LBB2_3-.Ltmp1, $4  }
0x114: {  	[sflag:s7] =	ssyncset.done $0x0  }
0x115: {  	[sflag:s7] =	ssyncadd.s32 $0xFFFF8200  }
0x116: {  	s31 =	sadd.s32 $0xFFFFFFFF, s16;
	_ =	swait.ge [sflag:s6], $0x7E00;
	[dreg:$0x13] =	wrdreg s4  }
0x117: {  	p0 =	por $0x1, $0x1;
	s0 =	rddreg [dreg:$0x2];
	[sflag:s6] =	ssyncset.done $0x0  }
.LBB2_2:
0x118: {  	[sflag:s6] =	ssyncadd.s32 $0xFFFF8200  }
0x119: {  	[tilespmem:s2], [sflag:$0x5] =	stream.linear.gather [hbm4b:s0+s2], $0x1F8, $0x38;
	[tilespmem:$0xFFF0] =	vst v63  }
0x11a: {  	_ =	swait.ge [sflag:s14], $0x1F8  }
0x11b: {  	[sflag:s14] =	ssyncset.done $0x0  }
0x11c: {  	[sflag:s14] =	ssyncadd.s32 $0xFFFFFE08  }
0x11d: {  	[tilespmem:s12], [sflag:$0x1] =	stream.indirect.gather [hbm4b:s3+s11], $0x40, s2, s11, $0xb8;
	[tilespmem:$0xFFF0] =	vst v63  }
0x11e: {  	s18 =	rddreg [dreg:$0x3]  }
0x11f: {  	[tilespmem:s11], [sflag:$0x5] =	stream.linear.gather [hbm4b:s18+s2], $0x1F8, $0x38;
	[tilespmem:$0xFFF0] =	vst v63  }
0x120: {  	_ =	swait.ge [sflag:s14], $0x1F8  }
0x121: {  	[sflag:s14] =	ssyncset.done $0x0  }
0x122: {  	[sflag:s14] =	ssyncadd.s32 $0xFFFFFE08  }
0x123: {  	[tilespmem:s8], [sflag:$0x2] =	stream.indirect.gather [hbm4b:s3+s11], $0x40, s11, s11, $0xb8;
	[tilespmem:$0xFFF0] =	vst v63  }
0x124: {  	_ =	swait.ge [sflag:s15], $0x7E00  }
0x125: {  	[sflag:s15] =	ssyncset.done $0x0  }
0x126: {  	s1 =	simm.s32 $0x3F0;
	s20 =	rddreg [dreg:$0x4];
	[sflag:s15] =	ssyncadd.s32 $0xFFFF8200  }
0x127: {  	[hbm4b:s20+s2] =	stream.linear.scatter [tilespmem:s1], [sflag:$0x3], $0x7E00, $0x38;
	[tilespmem:$0xFFF0] =	vst v63  }
0x128: {  	s4 =	rddreg [dreg:$0x5]  }
0x129: {  	[tilespmem:s2], [sflag:$0x5] =	stream.linear.gather [hbm4b:s4+s2], $0x1F8, $0x38;
	[tilespmem:$0xFFF0] =	vst v63  }
0x12a: {  	_ =	swait.ge [sflag:s14], $0x1F8  }
0x12b: {  	[sflag:s14] =	ssyncset.done $0x0  }
0x12c: {  	[sflag:s14] =	ssyncadd.s32 $0xFFFFFE08  }
0x12d: {  	_ =	swait.ge [sflag:s7], $0x7E00  }
0x12e: {  	[sflag:s7] =	ssyncset.done $0x0  }
0x12f: {  	[sflag:s7] =	ssyncadd.s32 $0xFFFF8200  }
0x130: {  	[tilespmem:s1], [sflag:$0x1] =	stream.indirect.gather [hbm4b:s3+s11], $0x40, s2, s11, $0xb8;
	[tilespmem:$0xFFF0] =	vst v63  }
0x131: {  	_ =	swait.ge [sflag:s13], $0x7E00  }
0x132: {  	[sflag:s13] =	ssyncset.done $0x0  }
0x133: {  	s12 =	simm.s32 $0x81F0;
	s16 =	rddreg [dreg:$0x6];
	[sflag:s13] =	ssyncadd.s32 $0xFFFF8200  }
0x134: {  	[hbm4b:s16+s2] =	stream.linear.scatter [tilespmem:s12], [sflag:$0x4], $0x7E00, $0x38;
	[tilespmem:$0xFFF0] =	vst v63  }
0x135: {  	s18 =	rddreg [dreg:$0x7]  }
0x136: {  	[tilespmem:s11], [sflag:$0x5] =	stream.linear.gather [hbm4b:s18+s2], $0x1F8, $0x38;
	[tilespmem:$0xFFF0] =	vst v63  }
0x137: {  	_ =	swait.ge [sflag:s14], $0x1F8  }
0x138: {  	[sflag:s14] =	ssyncset.done $0x0  }
0x139: {  	[sflag:s14] =	ssyncadd.s32 $0xFFFFFE08  }
0x13a: {  	_ =	swait.ge [sflag:s6], $0x7E00  }
0x13b: {  	[sflag:s6] =	ssyncset.done $0x0  }
0x13c: {  	[sflag:s6] =	ssyncadd.s32 $0xFFFF8200  }
0x13d: {  	[tilespmem:s12], [sflag:$0x2] =	stream.indirect.gather [hbm4b:s3+s11], $0x40, s11, s11, $0xb8;
	[tilespmem:$0xFFF0] =	vst v63  }
0x13e: {  	_ =	swait.ge [sflag:s15], $0x7E00  }
0x13f: {  	s8 =	smov.u32 s30;
	s30 =	smov.u32 s29;
	[sflag:s15] =	ssyncset.done $0x0  }
0x140: {  	s29 =	smov.u32 s28;
	s20 =	rddreg [dreg:$0x8];
	[sflag:s15] =	ssyncadd.s32 $0xFFFF8200  }
0x141: {  	[hbm4b:s20+s2] =	stream.linear.scatter [tilespmem:s1], [sflag:$0x3], $0x7E00, $0x38;
	[tilespmem:$0xFFF0] =	vst v63  }
0x142: {  	s28 =	smov.u32 s26;
	s26 =	smov.u32 s25;
	s25 =	rddreg [dreg:$0x9]  }
0x143: {  	[tilespmem:s2], [sflag:$0x5] =	stream.linear.gather [hbm4b:s25+s2], $0x1F8, $0x38;
	[tilespmem:$0xFFF0] =	vst v63  }
0x144: {  	_ =	swait.ge [sflag:s14], $0x1F8  }
0x145: {  	[sflag:s14] =	ssyncset.done $0x0  }
0x146: {  	[sflag:s14] =	ssyncadd.s32 $0xFFFFFE08  }
0x147: {  	_ =	swait.ge [sflag:s7], $0x7E00  }
0x148: {  	[sflag:s7] =	ssyncset.done $0x0  }
0x149: {  	[sflag:s7] =	ssyncadd.s32 $0xFFFF8200  }
0x14a: {  	[tilespmem:s1], [sflag:$0x1] =	stream.indirect.gather [hbm4b:s3+s11], $0x40, s2, s11, $0xb8;
	[tilespmem:$0xFFF0] =	vst v63  }
0x14b: {  	_ =	swait.ge [sflag:s13], $0x7E00  }
0x14c: {  	[sflag:s13] =	ssyncset.done $0x0  }
0x14d: {  	s16 =	rddreg [dreg:$0xa];
	[sflag:s13] =	ssyncadd.s32 $0xFFFF8200  }
0x14e: {  	[hbm4b:s16+s2] =	stream.linear.scatter [tilespmem:s12], [sflag:$0x4], $0x7E00, $0x38;
	[tilespmem:$0xFFF0] =	vst v63  }
0x14f: {  	s18 =	rddreg [dreg:$0xb]  }
0x150: {  	[tilespmem:s11], [sflag:$0x5] =	stream.linear.gather [hbm4b:s18+s2], $0x1F8, $0x38;
	[tilespmem:$0xFFF0] =	vst v63  }
0x151: {  	_ =	swait.ge [sflag:s14], $0x1F8  }
0x152: {  	[sflag:s14] =	ssyncset.done $0x0  }
0x153: {  	[sflag:s14] =	ssyncadd.s32 $0xFFFFFE08  }
0x154: {  	_ =	swait.ge [sflag:s6], $0x7E00  }
0x155: {  	[sflag:s6] =	ssyncset.done $0x0  }
0x156: {  	[sflag:s6] =	ssyncadd.s32 $0xFFFF8200  }
0x157: {  	[tilespmem:s12], [sflag:$0x2] =	stream.indirect.gather [hbm4b:s3+s11], $0x40, s11, s11, $0xb8;
	[tilespmem:$0xFFF0] =	vst v63  }
0x158: {  	_ =	swait.ge [sflag:s15], $0x7E00  }
0x159: {  	[sflag:s15] =	ssyncset.done $0x0  }
0x15a: {  	s20 =	rddreg [dreg:$0xc];
	[sflag:s15] =	ssyncadd.s32 $0xFFFF8200  }
0x15b: {  	[hbm4b:s20+s2] =	stream.linear.scatter [tilespmem:s1], [sflag:$0x3], $0x7E00, $0x38;
	[tilespmem:$0xFFF0] =	vst v63  }
0x15c: {  	s25 =	rddreg [dreg:$0xd]  }
0x15d: {  	[tilespmem:s2], [sflag:$0x5] =	stream.linear.gather [hbm4b:s25+s2], $0x1F8, $0x38;
	[tilespmem:$0xFFF0] =	vst v63  }
0x15e: {  	_ =	swait.ge [sflag:s14], $0x1F8  }
0x15f: {  	[sflag:s14] =	ssyncset.done $0x0  }
0x160: {  	[sflag:s14] =	ssyncadd.s32 $0xFFFFFE08  }
0x161: {  	_ =	swait.ge [sflag:s7], $0x7E00  }
0x162: {  	[sflag:s7] =	ssyncset.done $0x0  }
0x163: {  	[sflag:s7] =	ssyncadd.s32 $0xFFFF8200  }
0x164: {  	[tilespmem:s1], [sflag:$0x1] =	stream.indirect.gather [hbm4b:s3+s11], $0x40, s2, s11, $0xb8;
	[tilespmem:$0xFFF0] =	vst v63  }
0x165: {  	_ =	swait.ge [sflag:s13], $0x7E00  }
0x166: {  	[sflag:s13] =	ssyncset.done $0x0  }
0x167: {  	s16 =	rddreg [dreg:$0xe];
	[sflag:s13] =	ssyncadd.s32 $0xFFFF8200  }
0x168: {  	[hbm4b:s16+s2] =	stream.linear.scatter [tilespmem:s12], [sflag:$0x4], $0x7E00, $0x38;
	[tilespmem:$0xFFF0] =	vst v63  }
0x169: {  	s18 =	rddreg [dreg:$0xf]  }
0x16a: {  	[tilespmem:s11], [sflag:$0x5] =	stream.linear.gather [hbm4b:s18+s2], $0x1F8, $0x38;
	[tilespmem:$0xFFF0] =	vst v63  }
0x16b: {  	_ =	swait.ge [sflag:s14], $0x1F8  }
0x16c: {  	[sflag:s14] =	ssyncset.done $0x0  }
0x16d: {  	[sflag:s14] =	ssyncadd.s32 $0xFFFFFE08  }
0x16e: {  	_ =	swait.ge [sflag:s6], $0x7E00  }
0x16f: {  	[sflag:s6] =	ssyncset.done $0x0  }
0x170: {  	[sflag:s6] =	ssyncadd.s32 $0xFFFF8200  }
0x171: {  	[tilespmem:s12], [sflag:$0x2] =	stream.indirect.gather [hbm4b:s3+s11], $0x40, s11, s11, $0xb8;
	[tilespmem:$0xFFF0] =	vst v63  }
0x172: {  	_ =	swait.ge [sflag:s15], $0x7E00  }
0x173: {  	s1 =	smov.u32 s5;
	s20 =	rddreg [dreg:$0x10]  }
0x174: {  	s5 =	smov.u32 s9;
	s9 =	smov.u32 s10;
	s25 =	rddreg [dreg:$0x11]  }
0x175: {  	s10 =	smov.u32 s17;
	s16 =	smov.u32 s22;
	s17 =	rddreg [dreg:$0x15]  }
0x176: {  	s18 =	smov.u32 s21;
	[sflag:s15] =	ssyncset.done $0x0;
	s21 =	rddreg [dreg:$0x16]  }
0x177: {  	s12 =	simm.s32 $0x3F0;
	s22 =	rddreg [dreg:$0x17];
	[sflag:s15] =	ssyncadd.s32 $0xFFFF8200  }
0x178: {  	[hbm4b:s20+s2] =	stream.linear.scatter [tilespmem:s12], [sflag:$0x3], $0x7E00, $0x38;
	[tilespmem:$0xFFF0] =	vst v63  }
0x179: {  	s4 =	rddreg [dreg:$0x13]  }
0x17a: {  	[tilespmem:s2], [sflag:$0x5] =	stream.linear.gather [hbm4b:s25+s2], $0x1F8, $0x38;
	[tilespmem:$0xFFF0] =	vst v63  }
0x17b: {  	s20 =	smov.u32 s19;
	s19 =	rddreg [dreg:$0x14];
	_ =	swait.ge [sflag:s14], $0x1F8  }
0x17c: {  	[sflag:s14] =	ssyncset.done $0x0  }
0x17d: {  	[sflag:s14] =	ssyncadd.s32 $0xFFFFFE08  }
0x17e: {  	_ =	swait.ge [sflag:s7], $0x7E00  }
0x17f: {  	[sflag:s7] =	ssyncset.done $0x0  }
0x180: {  	s25 =	smov.u32 s26;
	[sflag:s7] =	ssyncadd.s32 $0xFFFF8200  }
0x181: {  	[tilespmem:s12], [sflag:$0x1] =	stream.indirect.gather [hbm4b:s3+s11], $0x40, s2, s11, $0xb8;
	[tilespmem:$0xFFF0] =	vst v63  }
0x182: {  	s26 =	smov.u32 s28;
	s28 =	smov.u32 s29;
	_ =	swait.ge [sflag:s13], $0x7E00  }
0x183: {  	s29 =	smov.u32 s30;
	s30 =	smov.u32 s8;
	[sflag:s13] =	ssyncset.done $0x0  }
0x184: {  	s8 =	simm.s32 $0x81F0;
	s0 =	rddreg [dreg:$0x12];
	[sflag:s13] =	ssyncadd.s32 $0xFFFF8200  }
0x185: {  	[hbm4b:s0+s2] =	stream.linear.scatter [tilespmem:s8], [sflag:$0x4], $0x7E00, $0x38;
	[tilespmem:$0xFFF0] =	vst v63  }
0x186: {  	_ = 	snop  }
0x187: {  	[tilespmem:s11], [sflag:$0x5] =	stream.linear.gather [hbm4b:s4+s2], $0x1F8, $0x38;
	[tilespmem:$0xFFF0] =	vst v63  }
0x188: {  	_ =	swait.ge [sflag:s14], $0x1F8  }
0x189: {  	[sflag:s14] =	ssyncset.done $0x0  }
0x18a: {  	[sflag:s14] =	ssyncadd.s32 $0xFFFFFE08  }
0x18b: {  	_ =	swait.ge [sflag:s6], $0x7E00  }
0x18c: {  	[sflag:s6] =	ssyncset.done $0x0  }
0x18d: {  	[sflag:s6] =	ssyncadd.s32 $0xFFFF8200  }
0x18e: {  	[tilespmem:s8], [sflag:$0x2] =	stream.indirect.gather [hbm4b:s3+s11], $0x40, s11, s11, $0xb8;
	[tilespmem:$0xFFF0] =	vst v63  }
0x18f: {  	_ =	swait.ge [sflag:s15], $0x7E00  }
0x190: {  	[sflag:s15] =	ssyncset.done $0x0  }
0x191: {  	[sflag:s15] =	ssyncadd.s32 $0xFFFF8200  }
0x192: {  	[hbm4b:s29+s2] =	stream.linear.scatter [tilespmem:s12], [sflag:$0x3], $0x7E00, $0x38;
	[tilespmem:$0xFFF0] =	vst v63  }
0x193: {  	_ = 	snop  }
0x194: {  	[tilespmem:s2], [sflag:$0x5] =	stream.linear.gather [hbm4b:s30+s2], $0x1F8, $0x38;
	[tilespmem:$0xFFF0] =	vst v63  }
0x195: {  	_ =	swait.ge [sflag:s14], $0x1F8  }
0x196: {  	[sflag:s14] =	ssyncset.done $0x0  }
0x197: {  	[sflag:s14] =	ssyncadd.s32 $0xFFFFFE08  }
0x198: {  	_ =	swait.ge [sflag:s7], $0x7E00  }
0x199: {  	[sflag:s7] =	ssyncset.done $0x0  }
0x19a: {  	[sflag:s7] =	ssyncadd.s32 $0xFFFF8200  }
0x19b: {  	[tilespmem:s12], [sflag:$0x1] =	stream.indirect.gather [hbm4b:s3+s11], $0x40, s2, s11, $0xb8;
	[tilespmem:$0xFFF0] =	vst v63  }
0x19c: {  	_ =	swait.ge [sflag:s13], $0x7E00  }
0x19d: {  	[sflag:s13] =	ssyncset.done $0x0  }
0x19e: {  	[sflag:s13] =	ssyncadd.s32 $0xFFFF8200  }
0x19f: {  	[hbm4b:s26+s2] =	stream.linear.scatter [tilespmem:s8], [sflag:$0x4], $0x7E00, $0x38;
	[tilespmem:$0xFFF0] =	vst v63  }
0x1a0: {  	_ = 	snop  }
0x1a1: {  	[tilespmem:s11], [sflag:$0x5] =	stream.linear.gather [hbm4b:s28+s2], $0x1F8, $0x38;
	[tilespmem:$0xFFF0] =	vst v63  }
0x1a2: {  	_ =	swait.ge [sflag:s14], $0x1F8  }
0x1a3: {  	[sflag:s14] =	ssyncset.done $0x0  }
0x1a4: {  	[sflag:s14] =	ssyncadd.s32 $0xFFFFFE08  }
0x1a5: {  	_ =	swait.ge [sflag:s6], $0x7E00  }
0x1a6: {  	[sflag:s6] =	ssyncset.done $0x0  }
0x1a7: {  	[sflag:s6] =	ssyncadd.s32 $0xFFFF8200  }
0x1a8: {  	[tilespmem:s8], [sflag:$0x2] =	stream.indirect.gather [hbm4b:s3+s11], $0x40, s11, s11, $0xb8;
	[tilespmem:$0xFFF0] =	vst v63  }
0x1a9: {  	_ =	swait.ge [sflag:s15], $0x7E00  }
0x1aa: {  	[sflag:s15] =	ssyncset.done $0x0  }
0x1ab: {  	[sflag:s15] =	ssyncadd.s32 $0xFFFF8200  }
0x1ac: {  	[hbm4b:s24+s2] =	stream.linear.scatter [tilespmem:s12], [sflag:$0x3], $0x7E00, $0x38;
	[tilespmem:$0xFFF0] =	vst v63  }
0x1ad: {  	_ = 	snop  }
0x1ae: {  	[tilespmem:s2], [sflag:$0x5] =	stream.linear.gather [hbm4b:s25+s2], $0x1F8, $0x38;
	[tilespmem:$0xFFF0] =	vst v63  }
0x1af: {  	_ =	swait.ge [sflag:s14], $0x1F8  }
0x1b0: {  	[sflag:s14] =	ssyncset.done $0x0  }
0x1b1: {  	[sflag:s14] =	ssyncadd.s32 $0xFFFFFE08  }
0x1b2: {  	_ =	swait.ge [sflag:s7], $0x7E00  }
0x1b3: {  	[sflag:s7] =	ssyncset.done $0x0  }
0x1b4: {  	[sflag:s7] =	ssyncadd.s32 $0xFFFF8200  }
0x1b5: {  	[tilespmem:s12], [sflag:$0x1] =	stream.indirect.gather [hbm4b:s3+s11], $0x40, s2, s11, $0xb8;
	[tilespmem:$0xFFF0] =	vst v63  }
0x1b6: {  	_ =	swait.ge [sflag:s13], $0x7E00  }
0x1b7: {  	[sflag:s13] =	ssyncset.done $0x0  }
0x1b8: {  	[sflag:s13] =	ssyncadd.s32 $0xFFFF8200  }
0x1b9: {  	[hbm4b:s22+s2] =	stream.linear.scatter [tilespmem:s8], [sflag:$0x4], $0x7E00, $0x38;
	[tilespmem:$0xFFF0] =	vst v63  }
0x1ba: {  	_ = 	snop  }
0x1bb: {  	[tilespmem:s11], [sflag:$0x5] =	stream.linear.gather [hbm4b:s23+s2], $0x1F8, $0x38;
	[tilespmem:$0xFFF0] =	vst v63  }
0x1bc: {  	_ =	swait.ge [sflag:s14], $0x1F8  }
0x1bd: {  	[sflag:s14] =	ssyncset.done $0x0  }
0x1be: {  	[sflag:s14] =	ssyncadd.s32 $0xFFFFFE08  }
0x1bf: {  	_ =	swait.ge [sflag:s6], $0x7E00  }
0x1c0: {  	[sflag:s6] =	ssyncset.done $0x0  }
0x1c1: {  	[sflag:s6] =	ssyncadd.s32 $0xFFFF8200  }
0x1c2: {  	[tilespmem:s8], [sflag:$0x2] =	stream.indirect.gather [hbm4b:s3+s11], $0x40, s11, s11, $0xb8;
	[tilespmem:$0xFFF0] =	vst v63  }
0x1c3: {  	_ =	swait.ge [sflag:s15], $0x7E00  }
0x1c4: {  	[sflag:s15] =	ssyncset.done $0x0  }
0x1c5: {  	[sflag:s15] =	ssyncadd.s32 $0xFFFF8200  }
0x1c6: {  	[hbm4b:s19+s2] =	stream.linear.scatter [tilespmem:s12], [sflag:$0x3], $0x7E00, $0x38;
	[tilespmem:$0xFFF0] =	vst v63  }
0x1c7: {  	_ = 	snop  }
0x1c8: {  	[tilespmem:s2], [sflag:$0x5] =	stream.linear.gather [hbm4b:s21+s2], $0x1F8, $0x38;
	[tilespmem:$0xFFF0] =	vst v63  }
0x1c9: {  	_ =	swait.ge [sflag:s14], $0x1F8  }
0x1ca: {  	[sflag:s14] =	ssyncset.done $0x0  }
0x1cb: {  	[sflag:s14] =	ssyncadd.s32 $0xFFFFFE08  }
0x1cc: {  	_ =	swait.ge [sflag:s7], $0x7E00  }
0x1cd: {  	[sflag:s7] =	ssyncset.done $0x0  }
0x1ce: {  	[sflag:s7] =	ssyncadd.s32 $0xFFFF8200  }
0x1cf: {  	[tilespmem:s12], [sflag:$0x1] =	stream.indirect.gather [hbm4b:s3+s11], $0x40, s2, s11, $0xb8;
	[tilespmem:$0xFFF0] =	vst v63  }
0x1d0: {  	_ =	swait.ge [sflag:s13], $0x7E00  }
0x1d1: {  	[sflag:s13] =	ssyncset.done $0x0  }
0x1d2: {  	[sflag:s13] =	ssyncadd.s32 $0xFFFF8200  }
0x1d3: {  	[hbm4b:s17+s2] =	stream.linear.scatter [tilespmem:s8], [sflag:$0x4], $0x7E00, $0x38;
	[tilespmem:$0xFFF0] =	vst v63  }
0x1d4: {  	_ = 	snop  }
0x1d5: {  	[tilespmem:s11], [sflag:$0x5] =	stream.linear.gather [hbm4b:s20+s2], $0x1F8, $0x38;
	[tilespmem:$0xFFF0] =	vst v63  }
0x1d6: {  	_ =	swait.ge [sflag:s14], $0x1F8  }
0x1d7: {  	[sflag:s14] =	ssyncset.done $0x0  }
0x1d8: {  	[sflag:s14] =	ssyncadd.s32 $0xFFFFFE08  }
0x1d9: {  	_ =	swait.ge [sflag:s6], $0x7E00  }
0x1da: {  	[sflag:s6] =	ssyncset.done $0x0  }
0x1db: {  	[sflag:s6] =	ssyncadd.s32 $0xFFFF8200  }
0x1dc: {  	[tilespmem:s8], [sflag:$0x2] =	stream.indirect.gather [hbm4b:s3+s11], $0x40, s11, s11, $0xb8;
	[tilespmem:$0xFFF0] =	vst v63  }
0x1dd: {  	_ =	swait.ge [sflag:s15], $0x7E00  }
0x1de: {  	[sflag:s15] =	ssyncset.done $0x0  }
0x1df: {  	[sflag:s15] =	ssyncadd.s32 $0xFFFF8200  }
0x1e0: {  	[hbm4b:s10+s2] =	stream.linear.scatter [tilespmem:s12], [sflag:$0x3], $0x7E00, $0x38;
	[tilespmem:$0xFFF0] =	vst v63  }
0x1e1: {  	_ = 	snop  }
0x1e2: {  	[tilespmem:s2], [sflag:$0x5] =	stream.linear.gather [hbm4b:s18+s2], $0x1F8, $0x38;
	[tilespmem:$0xFFF0] =	vst v63  }
0x1e3: {  	_ =	swait.ge [sflag:s14], $0x1F8  }
0x1e4: {  	[sflag:s14] =	ssyncset.done $0x0  }
0x1e5: {  	[sflag:s14] =	ssyncadd.s32 $0xFFFFFE08  }
0x1e6: {  	_ =	swait.ge [sflag:s7], $0x7E00  }
0x1e7: {  	[sflag:s7] =	ssyncset.done $0x0  }
0x1e8: {  	[sflag:s7] =	ssyncadd.s32 $0xFFFF8200  }
0x1e9: {  	[tilespmem:s12], [sflag:$0x1] =	stream.indirect.gather [hbm4b:s3+s11], $0x40, s2, s11, $0xb8;
	[tilespmem:$0xFFF0] =	vst v63  }
0x1ea: {  	_ =	swait.ge [sflag:s13], $0x7E00  }
0x1eb: {  	[sflag:s13] =	ssyncset.done $0x0  }
0x1ec: {  	[sflag:s13] =	ssyncadd.s32 $0xFFFF8200  }
0x1ed: {  	[hbm4b:s9+s2] =	stream.linear.scatter [tilespmem:s8], [sflag:$0x4], $0x7E00, $0x38;
	[tilespmem:$0xFFF0] =	vst v63  }
0x1ee: {  	_ = 	snop  }
0x1ef: {  	[tilespmem:s11], [sflag:$0x5] =	stream.linear.gather [hbm4b:s16+s2], $0x1F8, $0x38;
	[tilespmem:$0xFFF0] =	vst v63  }
0x1f0: {  	_ =	swait.ge [sflag:s14], $0x1F8  }
0x1f1: {  	[sflag:s14] =	ssyncset.done $0x0  }
0x1f2: {  	[sflag:s14] =	ssyncadd.s32 $0xFFFFFE08  }
0x1f3: {  	_ =	swait.ge [sflag:s6], $0x7E00  }
0x1f4: {  	[sflag:s6] =	ssyncset.done $0x0  }
0x1f5: {  	[sflag:s6] =	ssyncadd.s32 $0xFFFF8200  }
0x1f6: {  	[tilespmem:s8], [sflag:$0x2] =	stream.indirect.gather [hbm4b:s3+s11], $0x40, s11, s11, $0xb8;
	[tilespmem:$0xFFF0] =	vst v63  }
0x1f7: {  	_ =	swait.ge [sflag:s15], $0x7E00  }
0x1f8: {  	[sflag:s15] =	ssyncset.done $0x0  }
0x1f9: {  	[sflag:s15] =	ssyncadd.s32 $0xFFFF8200  }
0x1fa: {  	[hbm4b:s5+s2] =	stream.linear.scatter [tilespmem:s12], [sflag:$0x3], $0x7E00, $0x38;
	[tilespmem:$0xFFF0] =	vst v63  }
0x1fb: {  	_ =	swait.ge [sflag:s13], $0x7E00  }
0x1fc: {  	[sflag:s13] =	ssyncset.done $0x0  }
0x1fd: {  	p1 =	sne.s32 s31, $0x1;
	[sflag:s13] =	ssyncadd.s32 $0xFFFF8200  }
0x1fe: {  	[hbm4b:s1+s2] =	stream.linear.scatter [tilespmem:s8], [sflag:$0x4], $0x7E00, $0x38;
	[tilespmem:$0xFFF0] =	vst v63  }
.Ltmp2:
0x1ff: {  	s31 =	sadd.s32 $0xFFFFFFFF, s31;
	_ =	swait.ge [sflag:s7], $0x7E00;
	(pc) =	sbr.rel @p1 .LBB2_2-.Ltmp2, $4  }
0x200: {  	s22 =	smov.u32 s16;
	s19 =	smov.u32 s20;
	[sflag:s7] =	ssyncset.done $0x0  }
0x201: {  	s21 =	smov.u32 s18;
	s17 =	smov.u32 s10;
	[sflag:s7] =	ssyncadd.s32 $0xFFFF8200  }
0x202: {  	s10 =	smov.u32 s9;
	s9 =	smov.u32 s5;
	_ =	swait.ge [sflag:s6], $0x7E00  }
0x203: {  	s5 =	smov.u32 s1;
	s0 =	rddreg [dreg:$0x2];
	[sflag:s6] =	ssyncset.done $0x0  }
.LBB2_3:
0x204: {  	[sflag:s6] =	ssyncadd.s32 @p0 $0xFFFF8200  }
0x205: {  	[tilespmem:s2], [sflag:$0x5] =	stream.linear.gather [hbm4b:s0+s2], $0x1F8, $0x38;
	[tilespmem:$0xFFF0] =	vst v63  }
0x206: {  	_ =	swait.ge [sflag:s14], $0x1F8  }
0x207: {  	[sflag:s14] =	ssyncset.done $0x0  }
0x208: {  	[sflag:s14] =	ssyncadd.s32 $0xFFFFFE08  }
0x209: {  	[tilespmem:s12], [sflag:$0x1] =	stream.indirect.gather [hbm4b:s3+s11], $0x40, s2, s11, $0xb8;
	[tilespmem:$0xFFF0] =	vst v63  }
0x20a: {  	s16 =	rddreg [dreg:$0x3]  }
0x20b: {  	[tilespmem:s11], [sflag:$0x5] =	stream.linear.gather [hbm4b:s16+s2], $0x1F8, $0x38;
	[tilespmem:$0xFFF0] =	vst v63  }
0x20c: {  	_ =	swait.ge [sflag:s14], $0x1F8  }
0x20d: {  	[sflag:s14] =	ssyncset.done $0x0  }
0x20e: {  	[sflag:s14] =	ssyncadd.s32 $0xFFFFFE08  }
0x20f: {  	[tilespmem:s8], [sflag:$0x2] =	stream.indirect.gather [hbm4b:s3+s11], $0x40, s11, s11, $0xb8;
	[tilespmem:$0xFFF0] =	vst v63  }
0x210: {  	_ =	swait.ge [sflag:s15], $0x7E00  }
0x211: {  	[sflag:s15] =	ssyncset.done $0x0  }
0x212: {  	s18 =	rddreg [dreg:$0x4];
	[sflag:s15] =	ssyncadd.s32 $0xFFFF8200  }
0x213: {  	[hbm4b:s18+s2] =	stream.linear.scatter [tilespmem:s12], [sflag:$0x3], $0x7E00, $0x38;
	[tilespmem:$0xFFF0] =	vst v63  }
0x214: {  	s1 =	rddreg [dreg:$0x5]  }
0x215: {  	[tilespmem:s2], [sflag:$0x5] =	stream.linear.gather [hbm4b:s1+s2], $0x1F8, $0x38;
	[tilespmem:$0xFFF0] =	vst v63  }
0x216: {  	_ =	swait.ge [sflag:s14], $0x1F8  }
0x217: {  	[sflag:s14] =	ssyncset.done $0x0  }
0x218: {  	[sflag:s14] =	ssyncadd.s32 $0xFFFFFE08  }
0x219: {  	_ =	swait.ge [sflag:s7], $0x7E00  }
0x21a: {  	[sflag:s7] =	ssyncset.done $0x0  }
0x21b: {  	[sflag:s7] =	ssyncadd.s32 $0xFFFF8200  }
0x21c: {  	[tilespmem:s12], [sflag:$0x1] =	stream.indirect.gather [hbm4b:s3+s11], $0x40, s2, s11, $0xb8;
	[tilespmem:$0xFFF0] =	vst v63  }
0x21d: {  	_ =	swait.ge [sflag:s13], $0x7E00  }
0x21e: {  	[sflag:s13] =	ssyncset.done $0x0  }
0x21f: {  	s20 =	rddreg [dreg:$0x6];
	[sflag:s13] =	ssyncadd.s32 $0xFFFF8200  }
0x220: {  	[hbm4b:s20+s2] =	stream.linear.scatter [tilespmem:s8], [sflag:$0x4], $0x7E00, $0x38;
	[tilespmem:$0xFFF0] =	vst v63  }
0x221: {  	s31 =	rddreg [dreg:$0x7]  }
0x222: {  	[tilespmem:s11], [sflag:$0x5] =	stream.linear.gather [hbm4b:s31+s2], $0x1F8, $0x38;
	[tilespmem:$0xFFF0] =	vst v63  }
0x223: {  	_ =	swait.ge [sflag:s14], $0x1F8  }
0x224: {  	[sflag:s14] =	ssyncset.done $0x0  }
0x225: {  	[sflag:s14] =	ssyncadd.s32 $0xFFFFFE08  }
0x226: {  	_ =	swait.ge [sflag:s6], $0x7E00  }
0x227: {  	[sflag:s6] =	ssyncset.done $0x0  }
0x228: {  	[sflag:s6] =	ssyncadd.s32 $0xFFFF8200  }
0x229: {  	[tilespmem:s8], [sflag:$0x2] =	stream.indirect.gather [hbm4b:s3+s11], $0x40, s11, s11, $0xb8;
	[tilespmem:$0xFFF0] =	vst v63  }
0x22a: {  	_ =	swait.ge [sflag:s15], $0x7E00  }
0x22b: {  	[sflag:s15] =	ssyncset.done $0x0  }
0x22c: {  	s16 =	rddreg [dreg:$0x8];
	[sflag:s15] =	ssyncadd.s32 $0xFFFF8200  }
0x22d: {  	[hbm4b:s16+s2] =	stream.linear.scatter [tilespmem:s12], [sflag:$0x3], $0x7E00, $0x38;
	[tilespmem:$0xFFF0] =	vst v63  }
0x22e: {  	s18 =	rddreg [dreg:$0x9]  }
0x22f: {  	[tilespmem:s2], [sflag:$0x5] =	stream.linear.gather [hbm4b:s18+s2], $0x1F8, $0x38;
	[tilespmem:$0xFFF0] =	vst v63  }
0x230: {  	_ =	swait.ge [sflag:s14], $0x1F8  }
0x231: {  	[sflag:s14] =	ssyncset.done $0x0  }
0x232: {  	[sflag:s14] =	ssyncadd.s32 $0xFFFFFE08  }
0x233: {  	_ =	swait.ge [sflag:s7], $0x7E00  }
0x234: {  	[sflag:s7] =	ssyncset.done $0x0  }
0x235: {  	[sflag:s7] =	ssyncadd.s32 $0xFFFF8200  }
0x236: {  	[tilespmem:s12], [sflag:$0x1] =	stream.indirect.gather [hbm4b:s3+s11], $0x40, s2, s11, $0xb8;
	[tilespmem:$0xFFF0] =	vst v63  }
0x237: {  	_ =	swait.ge [sflag:s13], $0x7E00  }
0x238: {  	[sflag:s13] =	ssyncset.done $0x0  }
0x239: {  	s20 =	rddreg [dreg:$0xa];
	[sflag:s13] =	ssyncadd.s32 $0xFFFF8200  }
0x23a: {  	[hbm4b:s20+s2] =	stream.linear.scatter [tilespmem:s8], [sflag:$0x4], $0x7E00, $0x38;
	[tilespmem:$0xFFF0] =	vst v63  }
0x23b: {  	s31 =	rddreg [dreg:$0xb]  }
0x23c: {  	[tilespmem:s11], [sflag:$0x5] =	stream.linear.gather [hbm4b:s31+s2], $0x1F8, $0x38;
	[tilespmem:$0xFFF0] =	vst v63  }
0x23d: {  	_ =	swait.ge [sflag:s14], $0x1F8  }
0x23e: {  	[sflag:s14] =	ssyncset.done $0x0  }
0x23f: {  	[sflag:s14] =	ssyncadd.s32 $0xFFFFFE08  }
0x240: {  	_ =	swait.ge [sflag:s6], $0x7E00  }
0x241: {  	[sflag:s6] =	ssyncset.done $0x0  }
0x242: {  	[sflag:s6] =	ssyncadd.s32 $0xFFFF8200  }
0x243: {  	[tilespmem:s8], [sflag:$0x2] =	stream.indirect.gather [hbm4b:s3+s11], $0x40, s11, s11, $0xb8;
	[tilespmem:$0xFFF0] =	vst v63  }
0x244: {  	_ =	swait.ge [sflag:s15], $0x7E00  }
0x245: {  	[sflag:s15] =	ssyncset.done $0x0  }
0x246: {  	s16 =	rddreg [dreg:$0xc];
	[sflag:s15] =	ssyncadd.s32 $0xFFFF8200  }
0x247: {  	[hbm4b:s16+s2] =	stream.linear.scatter [tilespmem:s12], [sflag:$0x3], $0x7E00, $0x38;
	[tilespmem:$0xFFF0] =	vst v63  }
0x248: {  	s18 =	rddreg [dreg:$0xd]  }
0x249: {  	[tilespmem:s2], [sflag:$0x5] =	stream.linear.gather [hbm4b:s18+s2], $0x1F8, $0x38;
	[tilespmem:$0xFFF0] =	vst v63  }
0x24a: {  	_ =	swait.ge [sflag:s14], $0x1F8  }
0x24b: {  	[sflag:s14] =	ssyncset.done $0x0  }
0x24c: {  	[sflag:s14] =	ssyncadd.s32 $0xFFFFFE08  }
0x24d: {  	_ =	swait.ge [sflag:s7], $0x7E00  }
0x24e: {  	[sflag:s7] =	ssyncset.done $0x0  }
0x24f: {  	[sflag:s7] =	ssyncadd.s32 $0xFFFF8200  }
0x250: {  	[tilespmem:s12], [sflag:$0x1] =	stream.indirect.gather [hbm4b:s3+s11], $0x40, s2, s11, $0xb8;
	[tilespmem:$0xFFF0] =	vst v63  }
0x251: {  	_ =	swait.ge [sflag:s13], $0x7E00  }
0x252: {  	[sflag:s13] =	ssyncset.done $0x0  }
0x253: {  	s20 =	rddreg [dreg:$0xe];
	[sflag:s13] =	ssyncadd.s32 $0xFFFF8200  }
0x254: {  	[hbm4b:s20+s2] =	stream.linear.scatter [tilespmem:s8], [sflag:$0x4], $0x7E00, $0x38;
	[tilespmem:$0xFFF0] =	vst v63  }
0x255: {  	s31 =	rddreg [dreg:$0xf]  }
0x256: {  	[tilespmem:s11], [sflag:$0x5] =	stream.linear.gather [hbm4b:s31+s2], $0x1F8, $0x38;
	[tilespmem:$0xFFF0] =	vst v63  }
0x257: {  	_ =	swait.ge [sflag:s14], $0x1F8  }
0x258: {  	[sflag:s14] =	ssyncset.done $0x0  }
0x259: {  	[sflag:s14] =	ssyncadd.s32 $0xFFFFFE08  }
0x25a: {  	_ =	swait.ge [sflag:s6], $0x7E00  }
0x25b: {  	[sflag:s6] =	ssyncset.done $0x0  }
0x25c: {  	[sflag:s6] =	ssyncadd.s32 $0xFFFF8200  }
0x25d: {  	[tilespmem:s8], [sflag:$0x2] =	stream.indirect.gather [hbm4b:s3+s11], $0x40, s11, s11, $0xb8;
	[tilespmem:$0xFFF0] =	vst v63  }
0x25e: {  	_ =	swait.ge [sflag:s15], $0x7E00  }
0x25f: {  	[sflag:s15] =	ssyncset.done $0x0  }
0x260: {  	s16 =	rddreg [dreg:$0x10];
	[sflag:s15] =	ssyncadd.s32 $0xFFFF8200  }
0x261: {  	[hbm4b:s16+s2] =	stream.linear.scatter [tilespmem:s12], [sflag:$0x3], $0x7E00, $0x38;
	[tilespmem:$0xFFF0] =	vst v63  }
0x262: {  	s18 =	rddreg [dreg:$0x11]  }
0x263: {  	[tilespmem:s2], [sflag:$0x5] =	stream.linear.gather [hbm4b:s18+s2], $0x1F8, $0x38;
	[tilespmem:$0xFFF0] =	vst v63  }
0x264: {  	_ =	swait.ge [sflag:s14], $0x1F8  }
0x265: {  	[sflag:s14] =	ssyncset.done $0x0  }
0x266: {  	[sflag:s14] =	ssyncadd.s32 $0xFFFFFE08  }
0x267: {  	_ =	swait.ge [sflag:s7], $0x7E00  }
0x268: {  	[sflag:s7] =	ssyncset.done $0x0  }
0x269: {  	[sflag:s7] =	ssyncadd.s32 $0xFFFF8200  }
0x26a: {  	[tilespmem:s12], [sflag:$0x1] =	stream.indirect.gather [hbm4b:s3+s11], $0x40, s2, s11, $0xb8;
	[tilespmem:$0xFFF0] =	vst v63  }
0x26b: {  	_ =	swait.ge [sflag:s13], $0x7E00  }
0x26c: {  	[sflag:s13] =	ssyncset.done $0x0  }
0x26d: {  	s20 =	rddreg [dreg:$0x12];
	[sflag:s13] =	ssyncadd.s32 $0xFFFF8200  }
0x26e: {  	[hbm4b:s20+s2] =	stream.linear.scatter [tilespmem:s8], [sflag:$0x4], $0x7E00, $0x38;
	[tilespmem:$0xFFF0] =	vst v63  }
0x26f: {  	_ = 	snop  }
0x270: {  	[tilespmem:s11], [sflag:$0x5] =	stream.linear.gather [hbm4b:s4+s2], $0x1F8, $0x38;
	[tilespmem:$0xFFF0] =	vst v63  }
0x271: {  	_ =	swait.ge [sflag:s14], $0x1F8  }
0x272: {  	[sflag:s14] =	ssyncset.done $0x0  }
0x273: {  	[sflag:s14] =	ssyncadd.s32 $0xFFFFFE08  }
0x274: {  	_ =	swait.ge [sflag:s6], $0x7E00  }
0x275: {  	[sflag:s6] =	ssyncset.done $0x0  }
0x276: {  	[sflag:s6] =	ssyncadd.s32 $0xFFFF8200  }
0x277: {  	[tilespmem:s8], [sflag:$0x2] =	stream.indirect.gather [hbm4b:s3+s11], $0x40, s11, s11, $0xb8;
	[tilespmem:$0xFFF0] =	vst v63  }
0x278: {  	_ =	swait.ge [sflag:s15], $0x7E00  }
0x279: {  	[sflag:s15] =	ssyncset.done $0x0  }
0x27a: {  	[sflag:s15] =	ssyncadd.s32 $0xFFFF8200  }
0x27b: {  	[hbm4b:s29+s2] =	stream.linear.scatter [tilespmem:s12], [sflag:$0x3], $0x7E00, $0x38;
	[tilespmem:$0xFFF0] =	vst v63  }
0x27c: {  	_ = 	snop  }
0x27d: {  	[tilespmem:s2], [sflag:$0x5] =	stream.linear.gather [hbm4b:s30+s2], $0x1F8, $0x38;
	[tilespmem:$0xFFF0] =	vst v63  }
0x27e: {  	_ =	swait.ge [sflag:s14], $0x1F8  }
0x27f: {  	[sflag:s14] =	ssyncset.done $0x0  }
0x280: {  	[sflag:s14] =	ssyncadd.s32 $0xFFFFFE08  }
0x281: {  	_ =	swait.ge [sflag:s7], $0x7E00  }
0x282: {  	[sflag:s7] =	ssyncset.done $0x0  }
0x283: {  	[sflag:s7] =	ssyncadd.s32 $0xFFFF8200  }
0x284: {  	[tilespmem:s12], [sflag:$0x1] =	stream.indirect.gather [hbm4b:s3+s11], $0x40, s2, s11, $0xb8;
	[tilespmem:$0xFFF0] =	vst v63  }
0x285: {  	_ =	swait.ge [sflag:s13], $0x7E00  }
0x286: {  	[sflag:s13] =	ssyncset.done $0x0  }
0x287: {  	[sflag:s13] =	ssyncadd.s32 $0xFFFF8200  }
0x288: {  	[hbm4b:s26+s2] =	stream.linear.scatter [tilespmem:s8], [sflag:$0x4], $0x7E00, $0x38;
	[tilespmem:$0xFFF0] =	vst v63  }
0x289: {  	_ = 	snop  }
0x28a: {  	[tilespmem:s11], [sflag:$0x5] =	stream.linear.gather [hbm4b:s28+s2], $0x1F8, $0x38;
	[tilespmem:$0xFFF0] =	vst v63  }
0x28b: {  	_ =	swait.ge [sflag:s14], $0x1F8  }
0x28c: {  	[sflag:s14] =	ssyncset.done $0x0  }
0x28d: {  	[sflag:s14] =	ssyncadd.s32 $0xFFFFFE08  }
0x28e: {  	_ =	swait.ge [sflag:s6], $0x7E00  }
0x28f: {  	[sflag:s6] =	ssyncset.done $0x0  }
0x290: {  	[sflag:s6] =	ssyncadd.s32 $0xFFFF8200  }
0x291: {  	[tilespmem:s8], [sflag:$0x2] =	stream.indirect.gather [hbm4b:s3+s11], $0x40, s11, s11, $0xb8;
	[tilespmem:$0xFFF0] =	vst v63  }
0x292: {  	_ =	swait.ge [sflag:s15], $0x7E00  }
0x293: {  	[sflag:s15] =	ssyncset.done $0x0  }
0x294: {  	[sflag:s15] =	ssyncadd.s32 $0xFFFF8200  }
0x295: {  	[hbm4b:s24+s2] =	stream.linear.scatter [tilespmem:s12], [sflag:$0x3], $0x7E00, $0x38;
	[tilespmem:$0xFFF0] =	vst v63  }
0x296: {  	_ = 	snop  }
0x297: {  	[tilespmem:s2], [sflag:$0x5] =	stream.linear.gather [hbm4b:s25+s2], $0x1F8, $0x38;
	[tilespmem:$0xFFF0] =	vst v63  }
0x298: {  	_ =	swait.ge [sflag:s14], $0x1F8  }
0x299: {  	[sflag:s14] =	ssyncset.done $0x0  }
0x29a: {  	[sflag:s14] =	ssyncadd.s32 $0xFFFFFE08  }
0x29b: {  	_ =	swait.ge [sflag:s7], $0x7E00  }
0x29c: {  	[sflag:s7] =	ssyncset.done $0x0  }
0x29d: {  	[sflag:s7] =	ssyncadd.s32 $0xFFFF8200  }
0x29e: {  	[tilespmem:s12], [sflag:$0x1] =	stream.indirect.gather [hbm4b:s3+s11], $0x40, s2, s11, $0xb8;
	[tilespmem:$0xFFF0] =	vst v63  }
0x29f: {  	_ =	swait.ge [sflag:s13], $0x7E00  }
0x2a0: {  	[sflag:s13] =	ssyncset.done $0x0  }
0x2a1: {  	s26 =	rddreg [dreg:$0x17];
	[sflag:s13] =	ssyncadd.s32 $0xFFFF8200  }
0x2a2: {  	[hbm4b:s26+s2] =	stream.linear.scatter [tilespmem:s8], [sflag:$0x4], $0x7E00, $0x38;
	[tilespmem:$0xFFF0] =	vst v63  }
0x2a3: {  	_ = 	snop  }
0x2a4: {  	[tilespmem:s11], [sflag:$0x5] =	stream.linear.gather [hbm4b:s23+s2], $0x1F8, $0x38;
	[tilespmem:$0xFFF0] =	vst v63  }
0x2a5: {  	_ =	swait.ge [sflag:s14], $0x1F8  }
0x2a6: {  	[sflag:s14] =	ssyncset.done $0x0  }
0x2a7: {  	[sflag:s14] =	ssyncadd.s32 $0xFFFFFE08  }
0x2a8: {  	_ =	swait.ge [sflag:s6], $0x7E00  }
0x2a9: {  	[sflag:s6] =	ssyncset.done $0x0  }
0x2aa: {  	[sflag:s6] =	ssyncadd.s32 $0xFFFF8200  }
0x2ab: {  	[tilespmem:s8], [sflag:$0x2] =	stream.indirect.gather [hbm4b:s3+s11], $0x40, s11, s11, $0xb8;
	[tilespmem:$0xFFF0] =	vst v63  }
0x2ac: {  	_ =	swait.ge [sflag:s15], $0x7E00  }
0x2ad: {  	[sflag:s15] =	ssyncset.done $0x0  }
0x2ae: {  	s28 =	rddreg [dreg:$0x14];
	[sflag:s15] =	ssyncadd.s32 $0xFFFF8200  }
0x2af: {  	[hbm4b:s28+s2] =	stream.linear.scatter [tilespmem:s12], [sflag:$0x3], $0x7E00, $0x38;
	[tilespmem:$0xFFF0] =	vst v63  }
0x2b0: {  	s29 =	rddreg [dreg:$0x16]  }
0x2b1: {  	[tilespmem:s2], [sflag:$0x5] =	stream.linear.gather [hbm4b:s29+s2], $0x1F8, $0x38;
	[tilespmem:$0xFFF0] =	vst v63  }
0x2b2: {  	_ =	swait.ge [sflag:s14], $0x1F8  }
0x2b3: {  	[sflag:s14] =	ssyncset.done $0x0  }
0x2b4: {  	[sflag:s14] =	ssyncadd.s32 $0xFFFFFE08  }
0x2b5: {  	_ =	swait.ge [sflag:s7], $0x7E00  }
0x2b6: {  	[sflag:s7] =	ssyncset.done $0x0  }
0x2b7: {  	[sflag:s7] =	ssyncadd.s32 $0xFFFF8200  }
0x2b8: {  	[tilespmem:s12], [sflag:$0x1] =	stream.indirect.gather [hbm4b:s3+s11], $0x40, s2, s11, $0xb8;
	[tilespmem:$0xFFF0] =	vst v63  }
0x2b9: {  	_ =	swait.ge [sflag:s13], $0x7E00  }
0x2ba: {  	[sflag:s13] =	ssyncset.done $0x0  }
0x2bb: {  	s30 =	rddreg [dreg:$0x15];
	[sflag:s13] =	ssyncadd.s32 $0xFFFF8200  }
0x2bc: {  	[hbm4b:s30+s2] =	stream.linear.scatter [tilespmem:s8], [sflag:$0x4], $0x7E00, $0x38;
	[tilespmem:$0xFFF0] =	vst v63  }
0x2bd: {  	_ = 	snop  }
0x2be: {  	[tilespmem:s11], [sflag:$0x5] =	stream.linear.gather [hbm4b:s19+s2], $0x1F8, $0x38;
	[tilespmem:$0xFFF0] =	vst v63  }
0x2bf: {  	_ =	swait.ge [sflag:s14], $0x1F8  }
0x2c0: {  	[sflag:s14] =	ssyncset.done $0x0  }
0x2c1: {  	[sflag:s14] =	ssyncadd.s32 $0xFFFFFE08  }
0x2c2: {  	_ =	swait.ge [sflag:s6], $0x7E00  }
0x2c3: {  	[sflag:s6] =	ssyncset.done $0x0  }
0x2c4: {  	[sflag:s6] =	ssyncadd.s32 $0xFFFF8200  }
0x2c5: {  	[tilespmem:s8], [sflag:$0x2] =	stream.indirect.gather [hbm4b:s3+s11], $0x40, s11, s11, $0xb8;
	[tilespmem:$0xFFF0] =	vst v63  }
0x2c6: {  	_ =	swait.ge [sflag:s15], $0x7E00  }
0x2c7: {  	[sflag:s15] =	ssyncset.done $0x0  }
0x2c8: {  	[sflag:s15] =	ssyncadd.s32 $0xFFFF8200  }
0x2c9: {  	[hbm4b:s17+s2] =	stream.linear.scatter [tilespmem:s12], [sflag:$0x3], $0x7E00, $0x38;
	[tilespmem:$0xFFF0] =	vst v63  }
0x2ca: {  	_ = 	snop  }
0x2cb: {  	[tilespmem:s2], [sflag:$0x5] =	stream.linear.gather [hbm4b:s21+s2], $0x1F8, $0x38;
	[tilespmem:$0xFFF0] =	vst v63  }
0x2cc: {  	_ =	swait.ge [sflag:s14], $0x1F8  }
0x2cd: {  	[sflag:s14] =	ssyncset.done $0x0  }
0x2ce: {  	[sflag:s14] =	ssyncadd.s32 $0xFFFFFE08  }
0x2cf: {  	_ =	swait.ge [sflag:s7], $0x7E00  }
0x2d0: {  	[sflag:s7] =	ssyncset.done $0x0  }
0x2d1: {  	[sflag:s7] =	ssyncadd.s32 $0xFFFF8200  }
0x2d2: {  	[tilespmem:s12], [sflag:$0x1] =	stream.indirect.gather [hbm4b:s3+s11], $0x40, s2, s11, $0xb8;
	[tilespmem:$0xFFF0] =	vst v63  }
0x2d3: {  	_ =	swait.ge [sflag:s13], $0x7E00  }
0x2d4: {  	[sflag:s13] =	ssyncset.done $0x0  }
0x2d5: {  	[sflag:s13] =	ssyncadd.s32 $0xFFFF8200  }
0x2d6: {  	[hbm4b:s10+s2] =	stream.linear.scatter [tilespmem:s8], [sflag:$0x4], $0x7E00, $0x38;
	[tilespmem:$0xFFF0] =	vst v63  }
0x2d7: {  	_ = 	snop  }
0x2d8: {  	[tilespmem:s11], [sflag:$0x5] =	stream.linear.gather [hbm4b:s22+s2], $0x1F8, $0x38;
	[tilespmem:$0xFFF0] =	vst v63  }
0x2d9: {  	_ =	swait.ge [sflag:s14], $0x1F8  }
0x2da: {  	[sflag:s14] =	ssyncset.done $0x0  }
0x2db: {  	[sflag:s14] =	ssyncadd.s32 $0xFFFFFE08  }
0x2dc: {  	_ =	swait.ge [sflag:s6], $0x7E00  }
0x2dd: {  	[sflag:s6] =	ssyncset.done $0x0  }
0x2de: {  	[sflag:s6] =	ssyncadd.s32 $0xFFFF8200  }
0x2df: {  	[tilespmem:s8], [sflag:$0x2] =	stream.indirect.gather [hbm4b:s3+s11], $0x40, s11, s11, $0xb8;
	[tilespmem:$0xFFF0] =	vst v63  }
0x2e0: {  	_ =	swait.ge [sflag:s15], $0x7E00  }
0x2e1: {  	[sflag:s15] =	ssyncset.done $0x0  }
0x2e2: {  	[sflag:s15] =	ssyncadd.s32 $0xFFFF8200  }
0x2e3: {  	[hbm4b:s9+s2] =	stream.linear.scatter [tilespmem:s12], [sflag:$0x3], $0x7E00, $0x38;
	[tilespmem:$0xFFF0] =	vst v63  }
0x2e4: {  	_ =	swait.ge [sflag:s13], $0x7E00  }
0x2e5: {  	[sflag:s13] =	ssyncset.done $0x0  }
0x2e6: {  	[sflag:s13] =	ssyncadd.s32 $0xFFFF8200  }
0x2e7: {  	[hbm4b:s5+s2] =	stream.linear.scatter [tilespmem:s8], [sflag:$0x4], $0x7E00, $0x38;
	[tilespmem:$0xFFF0] =	vst v63  }
0x2e8: {  	_ =	swait.ge [sflag:s7], $0x7E00  }
0x2e9: {  	[sflag:s7] =	ssyncset.done $0x0  }
0x2ea: {  	[sflag:s7] =	ssyncadd.s32 $0xFFFF8200  }
0x2eb: {  	_ =	swait.ge [sflag:s6], $0x7E00  }
0x2ec: {  	[sflag:s6] =	ssyncset.done $0x0  }
0x2ed: {  	[sflag:s6] =	ssyncadd.s32 $0xFFFF8200  }
0x2ee: {  	_ =	sfence.sel $0x180000  }
0x2ef: {  	[bflag:$0x0] =	sbarrier.arrive $0xFFFF  }
0x2f0: {  	_ =	strace $0x9000004D  }
0x2f1: {  	s31 =	stileid.u32;
	[bflag:$0x2] =	sbarrier.arrive $0xFFFF  }
0x2f2: {  	p0 =	sne.s32 s31, $0x0;
	s0 =	rddreg [dreg:$0x1]  }
0x2f3: {  	s0 =	sadd.s32 @!p0 $0x100000, s0  }
0x2f4: {  	[sflag:s0] =	ssyncadd.tile.s32 @!p0 $0x1;
	_ =	shalt  }
.Lfunc_end2:
_tile_overlayer_lowered:
.L_overlay_start_2:
0x2f5: {  	(tag) =	ssettag $0x2  }
0x2f6: {  	s0 =	rddreg [dreg:$0x0];
	s2 =	stileid.u32  }
0x2f7: {  	s1 =	rddreg [dreg:$0x1];
	p0 =	sne.s32 s2, $0x0  }
0x2f8: {  	s3 =	rddreg [dreg:$0x2];
	[bflag:$0x3] =	sbarrier.arrive $0xFFFF;
	s2 =	simm.s32 @!p0 $0x1C05  }
0x2f9: {  	[timem:s3], [sflag:s2] =	dma.local @!p0 [hbm:s0], s1  }
0x2fa: {  	s0 =	simm.s32 @!p0 $0x5  }
0x2fb: {  	_ =	swait.ge @!p0 [sflag:s0], s1  }
0x2fc: {  	s1 =	ssub.s32 @!p0 $0x0, s1;
	[sflag:s0] =	ssyncset.done @!p0 $0x0  }
0x2fd: {  	[sflag:s0] =	ssyncadd.s32 @!p0 s1  }
0x2fe: {  	[bflag:$0x3] =	sbarrier.arrive $0xFFFF  }
0x2ff: {  	_ =	shalt  }

// kernel: kernel.8.cloned.1.call-start
scs
__scs_entry_jumppad:
0x0: {  	(pc) =	sbr.rel $0x88, $3  }
0x1: {  	(tag) =	ssettag $0x0;
	lr =	simm.s32 $0x1  }
0x2: {  	[smem:$0x3F96] =	sst lr;
	_ =	strace $0xD0000000  }
0x3: {  	_ = 	snop  }
0x4: {  	_ = 	snop  }
0x5: {  	_ = 	snop  }
0x6: {  	_ = 	snop  }
0x7: {  	_ = 	snop  }
__scs_overlays_trampoline_lowered:
0x8: {  	[smem:$0x3FA5] =	sst s0  }
0x9: {  	[smem:$0x3FA6] =	sst s1  }
0xa: {  	[smem:$0x3FA7] =	sst s2  }
0xb: {  	[smem:$0x3FA8] =	sst s3  }
0xc: {  	[smem:$0x3FA9] =	sst s4  }
0xd: {  	[smem:$0x3FAA] =	sst s5  }
0xe: {  	[smem:$0x3FAB] =	sst s6  }
0xf: {  	[smem:$0x3FAC] =	sst s7  }
0x10: {  	[smem:$0x3FAD] =	sst s8  }
0x11: {  	[smem:$0x3FAE] =	sst s9;
	s0 =	simm.s32 @!p0 $0x0  }
0x12: {  	s1 =	sld [smem:$0x3F94];
	s0 =	simm.s32 @p0 $0x1  }
0x13: {  	[smem:$0x3FAF] =	sst s0;
	s0 =	simm.s32 @!p1 $0x0  }
0x14: {  	s2 =	sld [smem:$0x3F93];
	s0 =	simm.s32 @p1 $0x1  }
0x15: {  	[smem:$0x3FB0] =	sst s0;
	s0 =	simm.s32 @!p2 $0x0  }
0x16: {  	s3 =	sld [smem:$0x3FDB];
	s0 =	simm.s32 @p2 $0x1  }
0x17: {  	s4 =	simm.s32 $0x1BF5;
	[smem:$0x3FB2] =	sst s0  }
0x18: {  	s0 =	sld [smem:$0x3F95];
	_ =	swait.ge [sflag:s4], $0x0  }
0x19: {  	s7 =	sld [smem:$0x3F96]  }
0x1a: {  	s8 =	sadd.s32 $0xFFFFE003, lr  }
0x1b: {  	s9 =	sadd.s32 $0xFFFFFEF7, lr;
	s5 =	simm.s32 $0xFFFFFFFF;
	p2 =	slt.u32 s8, $0xFFFFF086  }
0x1c: {  	p1 =	slt.u32 s9, $0xF7A;
	s5 =	simm.s32 @!p2 $0x0  }
0x1d: {  	s5 =	simm.s32 @p1 $0x1;
	p0 =	seq.s32 s7, s2  }
0x1e: {  	s7 =	smul.u32 @!p0 $0xF7A, s2;
	p2 =	seq.s32 @!p0 s5, $0x0  }
0x1f: {  	s9 =	smul.u32 $0xF7A, s1;
	s8 =	simm.s32 @!p0 $0x1BF5;
	p2 =	por !p2, p0  }
0x20: {  	[sflag:s8] =	ssyncset.s32 @!p0 $0xFFFFF086;
	s6 =	sadd.s32 @!p0 s3, s7;
	s7 =	simm.s32 @!p0 $0x108  }
0x21: {  	s3 =	sadd.s32 s3, s9;
	s6 =	sadd.s32 @!p0 $0x88, s6;
	s7 =	simm.s32 @p2 $0x1082  }
0x22: {  	[simem:s7], [sflag:s8] =	dma.local @!p0 [hbm:s6], $0xF7A  }
0x23: {  	s9 =	sor.u32 $0xD0000000, s2;
	s6 =	simm.s32 $0x108;
	_ =	swait.ge @!p0 [sflag:s8], $0x0  }
0x24: {  	s3 =	sadd.s32 $0x88, s3;
	s6 =	simm.s32 @!p1 $0x1082;
	[sflag:s4] =	ssyncset.s32 $0xFFFFF086  }
0x25: {  	[simem:s6], [sflag:s4] =	dma.local [hbm:s3], $0xF7A  }
0x26: {  	[smem:$0x3F96] =	sst s1;
	(tag) =	ssettag s2;
	_ =	strace s9  }
0x27: {  	s1 =	sld [smem:$0x3FA6]  }
0x28: {  	s2 =	sld [smem:$0x3FA7]  }
0x29: {  	s4 =	sld [smem:$0x3FA9]  }
0x2a: {  	p0 =	seq.s32 s5, $0x0;
	s5 =	sld [smem:$0x3FAA]  }
0x2b: {  	s6 =	sld [smem:$0x3FAB]  }
0x2c: {  	s7 =	sld [smem:$0x3FAC]  }
0x2d: {  	s3 =	simm.s32 $0x108;
	s8 =	sld [smem:$0x3FAD]  }
0x2e: {  	s3 =	simm.s32 @!p0 $0x1082;
	s9 =	sld [smem:$0x3FAE]  }
0x2f: {  	lr =	sadd.s32 s0, s3;
	s0 =	sld [smem:$0x3FA5]  }
0x30: {  	s3 =	sld [smem:$0x3FA8]  }
0x31: {  	[smem:$0x3FB1] =	sst s10  }
0x32: {  	s10 =	sld [smem:$0x3FAF];
	_ =	sdelay $0x3  }
0x33: {  	p0 =	seq.s32 s10, $0x1;
	s10 =	sld [smem:$0x3FB1];
	_ =	sdelay $0x3  }
0x34: {  	[smem:$0x3FB1] =	sst s10  }
0x35: {  	s10 =	sld [smem:$0x3FB0];
	_ =	sdelay $0x3  }
0x36: {  	p1 =	seq.s32 s10, $0x1;
	s10 =	sld [smem:$0x3FB1];
	_ =	sdelay $0x3  }
0x37: {  	[smem:$0x3FB1] =	sst s10  }
0x38: {  	s10 =	sld [smem:$0x3FB2]  }
0x39: {  	_ = 	snop;
	(pc) =	sbr.ind lr, $3  }
0x3a: {  	_ = 	snop  }
0x3b: {  	_ = 	snop  }
0x3c: {  	p2 =	seq.s32 s10, $0x1;
	s10 =	sld [smem:$0x3FB1]  }
0x3d: {  	_ =	shalt  }
0x3e: {  	_ =	shalt  }
0x3f: {  	_ =	shalt  }
0x40: {  	_ =	shalt  }
0x41: {  	_ =	shalt  }
0x42: {  	_ =	shalt  }
0x43: {  	_ =	shalt  }
0x44: {  	_ =	shalt  }
0x45: {  	_ =	shalt  }
0x46: {  	_ =	shalt  }
0x47: {  	_ =	shalt  }
0x48: {  	_ =	shalt  }
0x49: {  	_ =	shalt  }
0x4a: {  	_ =	shalt  }
0x4b: {  	_ =	shalt  }
0x4c: {  	_ =	shalt  }
0x4d: {  	_ =	shalt  }
0x4e: {  	_ =	shalt  }
0x4f: {  	_ =	shalt  }
0x50: {  	_ =	shalt  }
0x51: {  	_ =	shalt  }
0x52: {  	_ =	shalt  }
0x53: {  	_ =	shalt  }
0x54: {  	_ =	shalt  }
0x55: {  	_ =	shalt  }
0x56: {  	_ =	shalt  }
0x57: {  	_ =	shalt  }
0x58: {  	_ =	shalt  }
0x59: {  	_ =	shalt  }
0x5a: {  	_ =	shalt  }
0x5b: {  	_ =	shalt  }
0x5c: {  	_ =	shalt  }
0x5d: {  	_ =	shalt  }
0x5e: {  	_ =	shalt  }
0x5f: {  	_ =	shalt  }
0x60: {  	_ =	shalt  }
0x61: {  	_ =	shalt  }
0x62: {  	_ =	shalt  }
0x63: {  	_ =	shalt  }
0x64: {  	_ =	shalt  }
0x65: {  	_ =	shalt  }
0x66: {  	_ =	shalt  }
0x67: {  	_ =	shalt  }
0x68: {  	_ =	shalt  }
0x69: {  	_ =	shalt  }
0x6a: {  	_ =	shalt  }
0x6b: {  	_ =	shalt  }
0x6c: {  	_ =	shalt  }
0x6d: {  	_ =	shalt  }
0x6e: {  	_ =	shalt  }
0x6f: {  	_ =	shalt  }
0x70: {  	_ =	shalt  }
0x71: {  	_ =	shalt  }
0x72: {  	_ =	shalt  }
0x73: {  	_ =	shalt  }
0x74: {  	_ =	shalt  }
0x75: {  	_ =	shalt  }
0x76: {  	_ =	shalt  }
0x77: {  	_ =	shalt  }
0x78: {  	_ =	shalt  }
0x79: {  	_ =	shalt  }
0x7a: {  	_ =	shalt  }
0x7b: {  	_ =	shalt  }
0x7c: {  	_ =	shalt  }
0x7d: {  	_ =	shalt  }
0x7e: {  	_ =	shalt  }
0x7f: {  	_ =	shalt  }
0x80: {  	_ =	shalt  }
0x81: {  	_ =	shalt  }
0x82: {  	_ =	shalt  }
0x83: {  	_ =	shalt  }
0x84: {  	_ =	shalt  }
0x85: {  	_ =	shalt  }
0x86: {  	_ =	shalt  }
0x87: {  	_ =	shalt  }
.Lfunc_end0:
.L_simem_size_0:
called_computation_lowered:
.L_overlay_start_0:
0x88: {  	s2 =	sld [smem:$0x3FD9]  }
0x89: {  	s3 =	sld [smem:$0x3FFE];
	_ =	sdelay $0x1  }
0x8a: {  	s1 =	srdreg.scid  }
0x8b: {  	s0 =	sand.u32 $0x1, s1  }
0x8c: {  	s17 =	sshll.u32 s0, $0xA;
	s2 =	sadd.s32 s3, s2  }
0x8d: {  	s2 =	sadd.s32 s2, s17  }
0x8e: {  	[smem:$0x3FBD] =	sst s2  }
0x8f: {  	_ = 	snop  }
0x90: {  	s2 =	sld [smem:$0x3FD0];
	(tm) =	ssettm $0x1  }
0x91: {  	s18 =	sld [smem:$0x3FFB];
	_ =	sdelay $0x3  }
0x92: {  	_ =	strace s18  }
0x93: {  	s3 =	sld [smem:$0x3FFC];
	_ =	sdelay $0x3  }
0x94: {  	_ =	strace s3  }
0x95: {  	s3 =	sld [smem:$0x3FFD];
	_ =	sdelay $0x3  }
0x96: {  	_ =	strace s3  }
0x97: {  	_ =	strace $0x8FFFFFFF  }
0x98: {  	s19 =	sld [smem:$0x3FDB];
	_ =	sdelay $0x1  }
0x99: {  	s4 =	simm.s32 $_scs_section_size  }
0x9a: {  	s5 =	simm.s32 $_size__tile_overlayer_lowered;
	s6 =	simm.s32 $_tile_overlayer_lowered  }
0x9b: {  	s22 =	simm.s32 $0x1BFF;
	s21 =	sshll.u32 s6, $0x1;
	s3 =	sadd.s32 s4, s19  }
0x9c: {  	s7 =	simm.s32 $0x0;
	s20 =	sshll.u32 s5, $0x1;
	s5 =	sadd.s32 s21, s3  }
0x9d: {  	[timem:s7], [sflag:s22] =	dma.local [hbm:s5], s20  }
0x9e: {  	_ =	swait.ge [sflag:s22], s20  }
0x9f: {  	s4 =	ssub.s32 $0x0, s20;
	[sflag:s22] =	ssyncset.done $0x0  }
0xa0: {  	[sflag:s22] =	ssyncadd.s32 s4;
	_ =	sdelay $0x1  }
0xa1: {  	s23 =	simm.s32 $0x1B8B  }
0xa2: {  	_ =	swait.ge [sflag:s23], $0x1  }
0xa3: {  	[sflag:s23] =	ssyncset.done $0x0  }
0xa4: {  	s25 =	simm.s32 $0x1B8E;
	s24 =	sld [smem:$0x3FFE];
	[sflag:s23] =	ssyncadd.s32 $0xFFFFFFFF  }
0xa5: {  	s26 =	simm.s32 $execute0_lowered;
	[smem:$0x3FD2] =	sst s25  }
0xa6: {  	s5 =	sshll.u32 s26, $0x1;
	_ =	strace $0x80000046;
	[dreg:$0x1] =	wrdreg $0xFFFFFFFF  }
0xa7: {  	s28 =	simm.s32 $_size_execute0_lowered;
	s3 =	sadd.s32 s3, s5;
	[dreg:$0x0] =	wrdreg $0x0  }
0xa8: {  	s5 =	sshll.u32 s28, $0x1;
	[dreg:$0x2] =	wrdreg s3  }
0xa9: {  	[dreg:$0x3] =	wrdreg s5  }
0xaa: {  	[dreg:$0x4] =	wrdreg $0xC0  }
0xab: {  	_ =	task [dreg:s7], $0x5FFFF  }
0xac: {  	[dreg:$0x1] =	wrdreg $0xFFFFFFFF  }
0xad: {  	[dreg:$0x0] =	wrdreg $0x60  }
0xae: {  	[dreg:$0x2] =	wrdreg s24  }
0xaf: {  	[dreg:$0x3] =	wrdreg s2  }
0xb0: {  	[dreg:$0x4] =	wrdreg $0x9  }
0xb1: {  	_ =	task.clear_ibuf [dreg:s7], $0x5FFFF;
	_ =	strace $0x90000046  }
0xb2: {  	s29 =	simm.s32 $0x9;
	_ =	strace $0x80000048  }
0xb3: {  	_ =	swait.ge [sflag:s29], $0x1  }
0xb4: {  	[sflag:s29] =	ssyncadd.s32 $0xFFFFFFFF  }
0xb5: {  	_ =	strace $0x90000048  }
0xb6: {  	_ =	sfence  }
0xb7: {  	s30 =	sld [smem:$0x0];
	_ =	sdelay $0x2  }
0xb8: {  	s31 =	sshll.u32 s1, $0xD;
	s1 =	sshrl.u32 s1, $0x2  }
0xb9: {  	s3 =	sand.u32 $0x4000, s31;
	s1 =	sadd.s32 s1, s30  }
0xba: {  	s0 =	sor.u32 s3, s0;
	s1 =	sshll.u32 s1, $0x11  }
0xbb: {  	s0 =	sor.u32 s1, s0  }
0xbc: {  	s0 =	sadd.s32 $0x8F2B, s0  }
0xbd: {  	[sflag:s0] =	ssyncadd.remote.s32 $0x1  }
0xbe: {  	_ =	sfence.sel $0xFFFF  }
0xbf: {  	[dreg:$0x0] =	wrdreg $0xFFFFFFFF;
	(pc) =	sbr.abs _section_cstart, $3  }
0xc0: {  	[dreg:$0x1] =	wrdreg $0xFFFFFFFF  }
0xc1: {  	_ =	task.clear_ibuf [dreg:s7], $0x2FFFF;
	_ =	strace $0x9FFFFFFF  }
0xc2: {  	(tm) =	ssettm $0x7FFFFFFF  }
0xc3: {  	_ =	shalt  }
tec
execute0_lowered:
.L_overlay_start_1:
0x0: {  	(tag) =	ssettag $0x1  }
0x1: {  	s0 =	srdreg.scid;
	s4 =	rddreg [dreg:$0x0]  }
0x2: {  	s1 =	stileid.u32;
	s5 =	rddreg [dreg:$0x1];
	s2 =	simm.s32 $0x0  }
0x3: {  	s28 =	simm.s32 $0x1;
	s0 =	sand.u32 $0x1, s0;
	s1 =	sshll.u32 s1, $0x1  }
0x4: {  	s29 =	simm.s32 $0x103E0;
	s30 =	simm.s32 $0x2;
	s1 =	sor.u32 s0, s1  }
0x5: {  	s31 =	simm.s32 $0x115E0;
	[smem:$0x7FF] =	sst s2;
	s6 =	smul.u32 $0x510, s1  }
0x6: {  	s3 =	sadd.s32 $0x282800, s4;
	s0 =	ssub.s32 $0x2, s0;
	s7 =	smul.u32 $0x46E, s1  }
0x7: {  	s4 =	sadd.s32 $0x2600, s4;
	s10 =	smul.u32 $0x1440, s1;
	s11 =	sshrl.u32 s0, $0x1  }
0x8: {  	_ =	strace $0x80000047;
	s1 =	smul.u32 $0x2370, s1;
	s0 =	ssub.s32 s0, s11  }
0x9: {  	s8 =	sadd.s32 $0x90, s6;
	s7 =	sadd.s32 s4, s7;
	s16 =	sadd.s32 s5, s10  }
0xa: {  	s6 =	sshll.u32 s6, $0x2;
	s17 =	sadd.s32 $0x7E0, s1;
	s18 =	sadd.s32 $0xBD0, s1  }
0xb: {  	s21 =	sadd.s32 $0xFC0, s1;
	s22 =	sadd.s32 $0x13B0, s1;
	s24 =	sadd.s32 $0x17A0, s1  }
0xc: {  	s26 =	sadd.s32 $0x1B90, s1;
	s1 =	sadd.s32 $0x1F80, s1;
	[dreg:$0x3] =	wrdreg s7  }
0xd: {  	s9 =	smul.u32 $0x7, s8;
	[dreg:$0x5] =	wrdreg s16;
	s7 =	sshrl.u32 s17, $0x3  }
0xe: {  	s8 =	sshll.u32 s8, $0x2;
	s20 =	sshrl.u32 s18, $0x3;
	s23 =	sshrl.u32 s22, $0x3  }
0xf: {  	s25 =	sshrl.u32 s24, $0x3;
	s1 =	sshrl.u32 s1, $0x3;
	s22 =	smax.u32 s0, $0x1  }
0x10: {  	s24 =	simm.s32 $0x3F0;
	s0 =	simm.s32 $0x4;
	s7 =	sadd.s32 s4, s7  }
0x11: {  	s19 =	sadd.s32 s5, s8;
	s5 =	sadd.s32 s5, s6;
	s6 =	sshrl.u32 s21, $0x3  }
0x12: {  	s13 =	sadd.s32 s4, s23;
	s23 =	simm.s32 $0x5;
	[dreg:$0x6] =	wrdreg s7  }
0x13: {  	s9 =	sshrl.u32 s9, $0x3;
	[dreg:$0x7] =	wrdreg s19;
	s10 =	sadd.s32 $0x480, s5  }
0x14: {  	s11 =	sadd.s32 s4, s6;
	s12 =	sadd.s32 $0x6C0, s5;
	s14 =	sadd.s32 $0x900, s5  }
0x15: {  	s16 =	sadd.s32 $0xB40, s5;
	s6 =	sshrl.u32 s26, $0x3;
	s18 =	sadd.s32 $0xD80, s5  }
0x16: {  	s19 =	sadd.s32 s4, s1;
	s21 =	sadd.s32 $0x1200, s5;
	s26 =	simm.s32 $0x85E0  }
0x17: {  	s1 =	simm.s32 $0x3;
	s15 =	sadd.s32 s4, s9;
	s9 =	sadd.s32 s4, s20  }
0x18: {  	s17 =	sadd.s32 s4, s6;
	s20 =	sadd.s32 $0xFC0, s5;
	[dreg:$0x4] =	wrdreg s15  }
0x19: {  	s15 =	sadd.s32 s4, s25;
	s25 =	simm.s32 $0x7E0;
	s4 =	simm.s32 $0x0  }
.LBB2_1:
0x1a: {  	s5 =	rddreg [dreg:$0x3]  }
0x1b: {  	[tilespmem:s2], [sflag:$0x5] =	stream.linear.gather [hbm4b:s5+s2], $0x3F0, $0x38;
	[tilespmem:$0x127E0] =	vst v63  }
0x1c: {  	_ =	swait.ge [sflag:s23], $0x3F0  }
0x1d: {  	[sflag:s23] =	ssyncset.done $0x0  }
0x1e: {  	[sflag:s23] =	ssyncadd.s32 $0xFFFFFC10  }
0x1f: {  	[tilespmem:s25], [sflag:$0x1] =	stream.indirect.gather [hbm4b:s3+s24], $0x20, s2, s24, $0xb8;
	[tilespmem:$0x127E0] =	vst v63  }
0x20: {  	s8 =	rddreg [dreg:$0x4]  }
0x21: {  	[tilespmem:s24], [sflag:$0x5] =	stream.linear.gather [hbm4b:s8+s2], $0x3F0, $0x38;
	[tilespmem:$0x127E0] =	vst v63  }
0x22: {  	_ =	swait.ge [sflag:s23], $0x3F0  }
0x23: {  	[sflag:s23] =	ssyncset.done $0x0  }
0x24: {  	[sflag:s23] =	ssyncadd.s32 $0xFFFFFC10  }
0x25: {  	[tilespmem:s26], [sflag:$0x2] =	stream.indirect.gather [hbm4b:s3+s24], $0x20, s24, s24, $0xb8;
	[tilespmem:$0x127E0] =	vst v63  }
0x26: {  	_ =	swait.ge [sflag:s28], $0x7E00  }
0x27: {  	[sflag:s28] =	ssyncset.done $0x0  }
0x28: {  	s5 =	simm.s32 $0x850;
	[sflag:s28] =	ssyncadd.s32 $0xFFFF8200  }
0x29: {  	v0 =	vld [tilespmem:s5+$0xFFFFFF90]  }
0x2a: {  	v1 =	vld [tilespmem:s5+$0xFFFFFFB0];
	_ =	sdelay $0x1  }
0x2b: {  	v2 =	vld [tilespmem:s5+$0xFFFFFFD0];
	_ =	sdelay $0x1  }
0x2c: {  	v3 =	vld [tilespmem:s5+$0xFFFFFFF0]  }
0x2d: {  	v0 =	vadd.f32 v1, v0  }
0x2e: {  	v1 =	vld [tilespmem:s5+$0x10]  }
0x2f: {  	v0 =	vadd.f32 v2, v0  }
0x30: {  	v2 =	vld [tilespmem:s5+$0x30]  }
0x31: {  	v0 =	vadd.f32 v3, v0  }
0x32: {  	v3 =	vld [tilespmem:s5+$0x50]  }
0x33: {  	v0 =	vadd.f32 v1, v0;
	_ =	sdelay $0x1  }
0x34: {  	v0 =	vadd.f32 v2, v0;
	_ =	sdelay $0x1  }
0x35: {  	v0 =	vadd.f32 v3, v0;
	_ =	sdelay $0x1  }
0x36: {  	v0 =	vmul.f32 $1.428571490e-01, v0  }
0x37: {  	s7 =	simm.s32 $0x0  }
0x38: {  	[tilespmem:s7+$0x103E0] =	vst v0  }
0x39: {  	v0 =	vld [tilespmem:s5+$0xFFFFFFA0]  }
0x3a: {  	v1 =	vld [tilespmem:s5+$0xFFFFFFC0];
	_ =	sdelay $0x1  }
0x3b: {  	v2 =	vld [tilespmem:s5+$0xFFFFFFE0];
	_ =	sdelay $0x1  }
0x3c: {  	v3 =	vld [tilespmem:s5+$0x0]  }
0x3d: {  	v0 =	vadd.f32 v1, v0  }
0x3e: {  	v1 =	vld [tilespmem:s5+$0x20]  }
0x3f: {  	v0 =	vadd.f32 v2, v0  }
0x40: {  	v2 =	vld [tilespmem:s5+$0x40]  }
0x41: {  	v0 =	vadd.f32 v3, v0  }
0x42: {  	v3 =	vld [tilespmem:s5+$0x60]  }
0x43: {  	v0 =	vadd.f32 v1, v0;
	_ =	sdelay $0x1  }
0x44: {  	v0 =	vadd.f32 v2, v0;
	_ =	sdelay $0x1  }
0x45: {  	v0 =	vadd.f32 v3, v0;
	_ =	sdelay $0x1  }
0x46: {  	s6 =	simm.s32 $0x80;
	v0 =	vmul.f32 $1.428571490e-01, v0  }
.LBB2_2:
0x47: {  	p0 =	sne.s32 s6, $0x4780  }
0x48: {  	s5 =	sadd.s32 $0xE0, s5;
	s8 =	smov.u32 s6;
	s6 =	sadd.s32 $0x80, s6  }
0x49: {  	[tilespmem:s7+$0x103F0] =	vst v0  }
0x4a: {  	v0 =	vld [tilespmem:s5+$0xFFFFFF90]  }
0x4b: {  	v1 =	vld [tilespmem:s5+$0xFFFFFFB0];
	_ =	sdelay $0x1  }
0x4c: {  	v2 =	vld [tilespmem:s5+$0xFFFFFFD0];
	_ =	sdelay $0x1  }
0x4d: {  	v3 =	vld [tilespmem:s5+$0xFFFFFFF0]  }
0x4e: {  	v0 =	vadd.f32 v1, v0  }
0x4f: {  	v1 =	vld [tilespmem:s5+$0x10]  }
0x50: {  	v0 =	vadd.f32 v2, v0  }
0x51: {  	v2 =	vld [tilespmem:s5+$0x30]  }
0x52: {  	v0 =	vadd.f32 v3, v0  }
0x53: {  	v3 =	vld [tilespmem:s5+$0x50]  }
0x54: {  	v0 =	vadd.f32 v1, v0;
	_ =	sdelay $0x1  }
0x55: {  	v0 =	vadd.f32 v2, v0;
	_ =	sdelay $0x1  }
0x56: {  	v0 =	vadd.f32 v3, v0;
	_ =	sdelay $0x1  }
0x57: {  	v0 =	vmul.f32 $1.428571490e-01, v0  }
0x58: {  	s7 =	sshra.s32 s8, $0x2  }
0x59: {  	[tilespmem:s7+$0x103E0] =	vst v0  }
0x5a: {  	v0 =	vld [tilespmem:s5+$0xFFFFFFA0]  }
0x5b: {  	v1 =	vld [tilespmem:s5+$0xFFFFFFC0]  }
0x5c: {  	v2 =	vld [tilespmem:s5+$0xFFFFFFE0];
	_ =	sdelay $0x1  }
0x5d: {  	v3 =	vld [tilespmem:s5+$0x0];
	_ =	sdelay $0x1  }
0x5e: {  	v0 =	vadd.f32 v1, v0;
	v1 =	vld [tilespmem:s5+$0x20];
	_ =	sdelay $0x1  }
0x5f: {  	v0 =	vadd.f32 v2, v0;
	v2 =	vld [tilespmem:s5+$0x40];
	_ =	sdelay $0x1  }
0x60: {  	v0 =	vadd.f32 v3, v0;
	v3 =	vld [tilespmem:s5+$0x60];
	_ =	sdelay $0x1  }
0x61: {  	v0 =	vadd.f32 v1, v0;
	_ =	sdelay $0x1  }
.Ltmp0:
0x62: {  	v0 =	vadd.f32 v2, v0;
	(pc) =	sbr.rel @p0 .LBB2_2-.Ltmp0, $3  }
0x63: {  	_ = 	snop  }
0x64: {  	v0 =	vadd.f32 v3, v0;
	_ =	sdelay $0x1  }
0x65: {  	v0 =	vmul.f32 $1.428571490e-01, v0  }
0x66: {  	_ = 	snop  }
0x67: {  	s5 =	simm.s32 $0x0;
	s6 =	rddreg [dreg:$0x5];
	[tilespmem:s7+$0x103F0] =	vst v0  }
0x68: {  	[hbm4b:s6+s5] =	stream.linear.scatter [tilespmem:s29], [sflag:$0x3], $0x1200, $0x38;
	[tilespmem:$0x127E0] =	vst v63  }
0x69: {  	s8 =	rddreg [dreg:$0x6]  }
0x6a: {  	[tilespmem:s5], [sflag:$0x5] =	stream.linear.gather [hbm4b:s8+s5], $0x3F0, $0x38;
	[tilespmem:$0x127E0] =	vst v63  }
0x6b: {  	_ =	swait.ge [sflag:s23], $0x3F0  }
0x6c: {  	[sflag:s23] =	ssyncset.done $0x0  }
0x6d: {  	[sflag:s23] =	ssyncadd.s32 $0xFFFFFC10  }
0x6e: {  	[tilespmem:s25], [sflag:$0x1] =	stream.indirect.gather [hbm4b:s3+s24], $0x20, s5, s24, $0xb8;
	[tilespmem:$0x127E0] =	vst v63  }
0x6f: {  	_ =	swait.ge [sflag:s30], $0x7E00  }
0x70: {  	[sflag:s30] =	ssyncset.done $0x0  }
0x71: {  	s5 =	simm.s32 $0x8650;
	[sflag:s30] =	ssyncadd.s32 $0xFFFF8200  }
0x72: {  	v0 =	vld [tilespmem:s5+$0xFFFFFF90]  }
0x73: {  	v1 =	vld [tilespmem:s5+$0xFFFFFFB0];
	_ =	sdelay $0x1  }
0x74: {  	v2 =	vld [tilespmem:s5+$0xFFFFFFD0];
	_ =	sdelay $0x1  }
0x75: {  	v3 =	vld [tilespmem:s5+$0xFFFFFFF0]  }
0x76: {  	v0 =	vadd.f32 v1, v0  }
0x77: {  	v1 =	vld [tilespmem:s5+$0x10]  }
0x78: {  	v0 =	vadd.f32 v2, v0  }
0x79: {  	v2 =	vld [tilespmem:s5+$0x30]  }
0x7a: {  	v0 =	vadd.f32 v3, v0  }
0x7b: {  	v3 =	vld [tilespmem:s5+$0x50]  }
0x7c: {  	v0 =	vadd.f32 v1, v0;
	_ =	sdelay $0x1  }
0x7d: {  	v0 =	vadd.f32 v2, v0;
	_ =	sdelay $0x1  }
0x7e: {  	v0 =	vadd.f32 v3, v0;
	_ =	sdelay $0x1  }
0x7f: {  	v0 =	vmul.f32 $1.428571490e-01, v0  }
0x80: {  	s7 =	simm.s32 $0x0  }
0x81: {  	[tilespmem:s7+$0x115E0] =	vst v0  }
0x82: {  	v0 =	vld [tilespmem:s5+$0xFFFFFFA0]  }
0x83: {  	v1 =	vld [tilespmem:s5+$0xFFFFFFC0];
	_ =	sdelay $0x1  }
0x84: {  	v2 =	vld [tilespmem:s5+$0xFFFFFFE0];
	_ =	sdelay $0x1  }
0x85: {  	v3 =	vld [tilespmem:s5+$0x0]  }
0x86: {  	v0 =	vadd.f32 v1, v0  }
0x87: {  	v1 =	vld [tilespmem:s5+$0x20]  }
0x88: {  	v0 =	vadd.f32 v2, v0  }
0x89: {  	v2 =	vld [tilespmem:s5+$0x40]  }
0x8a: {  	v0 =	vadd.f32 v3, v0  }
0x8b: {  	v3 =	vld [tilespmem:s5+$0x60]  }
0x8c: {  	v0 =	vadd.f32 v1, v0;
	_ =	sdelay $0x1  }
0x8d: {  	v0 =	vadd.f32 v2, v0;
	_ =	sdelay $0x1  }
0x8e: {  	v0 =	vadd.f32 v3, v0;
	_ =	sdelay $0x1  }
0x8f: {  	s6 =	simm.s32 $0x80;
	v0 =	vmul.f32 $1.428571490e-01, v0  }
.LBB2_4:
0x90: {  	p0 =	sne.s32 s6, $0x4780  }
0x91: {  	s5 =	sadd.s32 $0xE0, s5;
	s8 =	smov.u32 s6;
	s6 =	sadd.s32 $0x80, s6  }
0x92: {  	[tilespmem:s7+$0x115F0] =	vst v0  }
0x93: {  	v0 =	vld [tilespmem:s5+$0xFFFFFF90]  }
0x94: {  	v1 =	vld [tilespmem:s5+$0xFFFFFFB0];
	_ =	sdelay $0x1  }
0x95: {  	v2 =	vld [tilespmem:s5+$0xFFFFFFD0];
	_ =	sdelay $0x1  }
0x96: {  	v3 =	vld [tilespmem:s5+$0xFFFFFFF0]  }
0x97: {  	v0 =	vadd.f32 v1, v0  }
0x98: {  	v1 =	vld [tilespmem:s5+$0x10]  }
0x99: {  	v0 =	vadd.f32 v2, v0  }
0x9a: {  	v2 =	vld [tilespmem:s5+$0x30]  }
0x9b: {  	v0 =	vadd.f32 v3, v0  }
0x9c: {  	v3 =	vld [tilespmem:s5+$0x50]  }
0x9d: {  	v0 =	vadd.f32 v1, v0;
	_ =	sdelay $0x1  }
0x9e: {  	v0 =	vadd.f32 v2, v0;
	_ =	sdelay $0x1  }
0x9f: {  	v0 =	vadd.f32 v3, v0;
	_ =	sdelay $0x1  }
0xa0: {  	v0 =	vmul.f32 $1.428571490e-01, v0  }
0xa1: {  	s7 =	sshra.s32 s8, $0x2  }
0xa2: {  	[tilespmem:s7+$0x115E0] =	vst v0  }
0xa3: {  	v0 =	vld [tilespmem:s5+$0xFFFFFFA0]  }
0xa4: {  	v1 =	vld [tilespmem:s5+$0xFFFFFFC0]  }
0xa5: {  	v2 =	vld [tilespmem:s5+$0xFFFFFFE0];
	_ =	sdelay $0x1  }
0xa6: {  	v3 =	vld [tilespmem:s5+$0x0];
	_ =	sdelay $0x1  }
0xa7: {  	v0 =	vadd.f32 v1, v0;
	v1 =	vld [tilespmem:s5+$0x20];
	_ =	sdelay $0x1  }
0xa8: {  	v0 =	vadd.f32 v2, v0;
	v2 =	vld [tilespmem:s5+$0x40];
	_ =	sdelay $0x1  }
0xa9: {  	v0 =	vadd.f32 v3, v0;
	v3 =	vld [tilespmem:s5+$0x60];
	_ =	sdelay $0x1  }
0xaa: {  	v0 =	vadd.f32 v1, v0;
	_ =	sdelay $0x1  }
.Ltmp1:
0xab: {  	v0 =	vadd.f32 v2, v0;
	(pc) =	sbr.rel @p0 .LBB2_4-.Ltmp1, $3  }
0xac: {  	_ = 	snop  }
0xad: {  	v0 =	vadd.f32 v3, v0;
	_ =	sdelay $0x1  }
0xae: {  	v0 =	vmul.f32 $1.428571490e-01, v0  }
0xaf: {  	_ = 	snop  }
0xb0: {  	s5 =	simm.s32 $0x0;
	s6 =	rddreg [dreg:$0x7];
	[tilespmem:s7+$0x115F0] =	vst v0  }
0xb1: {  	[hbm4b:s6+s5] =	stream.linear.scatter [tilespmem:s31], [sflag:$0x4], $0x1200, $0x38;
	[tilespmem:$0x127E0] =	vst v63  }
0xb2: {  	_ = 	snop  }
0xb3: {  	[tilespmem:s24], [sflag:$0x5] =	stream.linear.gather [hbm4b:s9+s5], $0x3F0, $0x38;
	[tilespmem:$0x127E0] =	vst v63  }
0xb4: {  	_ =	swait.ge [sflag:s23], $0x3F0  }
0xb5: {  	[sflag:s23] =	ssyncset.done $0x0  }
0xb6: {  	[sflag:s23] =	ssyncadd.s32 $0xFFFFFC10  }
0xb7: {  	[tilespmem:s26], [sflag:$0x2] =	stream.indirect.gather [hbm4b:s3+s24], $0x20, s24, s24, $0xb8;
	[tilespmem:$0x127E0] =	vst v63  }
0xb8: {  	_ =	swait.ge [sflag:s28], $0x7E00  }
0xb9: {  	[sflag:s28] =	ssyncset.done $0x0  }
0xba: {  	[sflag:s28] =	ssyncadd.s32 $0xFFFF8200  }
0xbb: {  	_ =	swait.ge [sflag:s1], $0x1200  }
0xbc: {  	[sflag:s1] =	ssyncset.done $0x0  }
0xbd: {  	s5 =	simm.s32 $0x850;
	[sflag:s1] =	ssyncadd.s32 $0xFFFFEE00  }
0xbe: {  	v0 =	vld [tilespmem:s5+$0xFFFFFF90]  }
0xbf: {  	v1 =	vld [tilespmem:s5+$0xFFFFFFB0];
	_ =	sdelay $0x1  }
0xc0: {  	v2 =	vld [tilespmem:s5+$0xFFFFFFD0];
	_ =	sdelay $0x1  }
0xc1: {  	v3 =	vld [tilespmem:s5+$0xFFFFFFF0]  }
0xc2: {  	v0 =	vadd.f32 v1, v0  }
0xc3: {  	v1 =	vld [tilespmem:s5+$0x10]  }
0xc4: {  	v0 =	vadd.f32 v2, v0  }
0xc5: {  	v2 =	vld [tilespmem:s5+$0x30]  }
0xc6: {  	v0 =	vadd.f32 v3, v0  }
0xc7: {  	v3 =	vld [tilespmem:s5+$0x50]  }
0xc8: {  	v0 =	vadd.f32 v1, v0;
	_ =	sdelay $0x1  }
0xc9: {  	v0 =	vadd.f32 v2, v0;
	_ =	sdelay $0x1  }
0xca: {  	v0 =	vadd.f32 v3, v0;
	_ =	sdelay $0x1  }
0xcb: {  	v0 =	vmul.f32 $1.428571490e-01, v0  }
0xcc: {  	s7 =	simm.s32 $0x0  }
0xcd: {  	[tilespmem:s7+$0x103E0] =	vst v0  }
0xce: {  	v0 =	vld [tilespmem:s5+$0xFFFFFFA0]  }
0xcf: {  	v1 =	vld [tilespmem:s5+$0xFFFFFFC0];
	_ =	sdelay $0x1  }
0xd0: {  	v2 =	vld [tilespmem:s5+$0xFFFFFFE0];
	_ =	sdelay $0x1  }
0xd1: {  	v3 =	vld [tilespmem:s5+$0x0]  }
0xd2: {  	v0 =	vadd.f32 v1, v0  }
0xd3: {  	v1 =	vld [tilespmem:s5+$0x20]  }
0xd4: {  	v0 =	vadd.f32 v2, v0  }
0xd5: {  	v2 =	vld [tilespmem:s5+$0x40]  }
0xd6: {  	v0 =	vadd.f32 v3, v0  }
0xd7: {  	v3 =	vld [tilespmem:s5+$0x60]  }
0xd8: {  	v0 =	vadd.f32 v1, v0;
	_ =	sdelay $0x1  }
0xd9: {  	v0 =	vadd.f32 v2, v0;
	_ =	sdelay $0x1  }
0xda: {  	v0 =	vadd.f32 v3, v0;
	_ =	sdelay $0x1  }
0xdb: {  	s6 =	simm.s32 $0x80;
	v0 =	vmul.f32 $1.428571490e-01, v0  }
.LBB2_6:
0xdc: {  	p0 =	sne.s32 s6, $0x4780  }
0xdd: {  	s5 =	sadd.s32 $0xE0, s5;
	s8 =	smov.u32 s6;
	s6 =	sadd.s32 $0x80, s6  }
0xde: {  	[tilespmem:s7+$0x103F0] =	vst v0  }
0xdf: {  	v0 =	vld [tilespmem:s5+$0xFFFFFF90]  }
0xe0: {  	v1 =	vld [tilespmem:s5+$0xFFFFFFB0];
	_ =	sdelay $0x1  }
0xe1: {  	v2 =	vld [tilespmem:s5+$0xFFFFFFD0];
	_ =	sdelay $0x1  }
0xe2: {  	v3 =	vld [tilespmem:s5+$0xFFFFFFF0]  }
0xe3: {  	v0 =	vadd.f32 v1, v0  }
0xe4: {  	v1 =	vld [tilespmem:s5+$0x10]  }
0xe5: {  	v0 =	vadd.f32 v2, v0  }
0xe6: {  	v2 =	vld [tilespmem:s5+$0x30]  }
0xe7: {  	v0 =	vadd.f32 v3, v0  }
0xe8: {  	v3 =	vld [tilespmem:s5+$0x50]  }
0xe9: {  	v0 =	vadd.f32 v1, v0;
	_ =	sdelay $0x1  }
0xea: {  	v0 =	vadd.f32 v2, v0;
	_ =	sdelay $0x1  }
0xeb: {  	v0 =	vadd.f32 v3, v0;
	_ =	sdelay $0x1  }
0xec: {  	v0 =	vmul.f32 $1.428571490e-01, v0  }
0xed: {  	s7 =	sshra.s32 s8, $0x2  }
0xee: {  	[tilespmem:s7+$0x103E0] =	vst v0  }
0xef: {  	v0 =	vld [tilespmem:s5+$0xFFFFFFA0]  }
0xf0: {  	v1 =	vld [tilespmem:s5+$0xFFFFFFC0]  }
0xf1: {  	v2 =	vld [tilespmem:s5+$0xFFFFFFE0];
	_ =	sdelay $0x1  }
0xf2: {  	v3 =	vld [tilespmem:s5+$0x0];
	_ =	sdelay $0x1  }
0xf3: {  	v0 =	vadd.f32 v1, v0;
	v1 =	vld [tilespmem:s5+$0x20];
	_ =	sdelay $0x1  }
0xf4: {  	v0 =	vadd.f32 v2, v0;
	v2 =	vld [tilespmem:s5+$0x40];
	_ =	sdelay $0x1  }
0xf5: {  	v0 =	vadd.f32 v3, v0;
	v3 =	vld [tilespmem:s5+$0x60];
	_ =	sdelay $0x1  }
0xf6: {  	v0 =	vadd.f32 v1, v0;
	_ =	sdelay $0x1  }
.Ltmp2:
0xf7: {  	v0 =	vadd.f32 v2, v0;
	(pc) =	sbr.rel @p0 .LBB2_6-.Ltmp2, $3  }
0xf8: {  	_ = 	snop  }
0xf9: {  	v0 =	vadd.f32 v3, v0;
	_ =	sdelay $0x1  }
0xfa: {  	v0 =	vmul.f32 $1.428571490e-01, v0  }
0xfb: {  	_ = 	snop  }
0xfc: {  	s5 =	simm.s32 $0x0;
	[tilespmem:s7+$0x103F0] =	vst v0  }
0xfd: {  	[hbm4b:s10+s5] =	stream.linear.scatter [tilespmem:s29], [sflag:$0x3], $0x1200, $0x38;
	[tilespmem:$0x127E0] =	vst v63  }
0xfe: {  	_ = 	snop  }
0xff: {  	[tilespmem:s5], [sflag:$0x5] =	stream.linear.gather [hbm4b:s11+s5], $0x3F0, $0x38;
	[tilespmem:$0x127E0] =	vst v63  }
0x100: {  	_ =	swait.ge [sflag:s23], $0x3F0  }
0x101: {  	[sflag:s23] =	ssyncset.done $0x0  }
0x102: {  	[sflag:s23] =	ssyncadd.s32 $0xFFFFFC10  }
0x103: {  	[tilespmem:s25], [sflag:$0x1] =	stream.indirect.gather [hbm4b:s3+s24], $0x20, s5, s24, $0xb8;
	[tilespmem:$0x127E0] =	vst v63  }
0x104: {  	_ =	swait.ge [sflag:s30], $0x7E00  }
0x105: {  	[sflag:s30] =	ssyncset.done $0x0  }
0x106: {  	[sflag:s30] =	ssyncadd.s32 $0xFFFF8200  }
0x107: {  	_ =	swait.ge [sflag:s0], $0x1200  }
0x108: {  	[sflag:s0] =	ssyncset.done $0x0  }
0x109: {  	s5 =	simm.s32 $0x8650;
	[sflag:s0] =	ssyncadd.s32 $0xFFFFEE00  }
0x10a: {  	v0 =	vld [tilespmem:s5+$0xFFFFFF90]  }
0x10b: {  	v1 =	vld [tilespmem:s5+$0xFFFFFFB0];
	_ =	sdelay $0x1  }
0x10c: {  	v2 =	vld [tilespmem:s5+$0xFFFFFFD0];
	_ =	sdelay $0x1  }
0x10d: {  	v3 =	vld [tilespmem:s5+$0xFFFFFFF0]  }
0x10e: {  	v0 =	vadd.f32 v1, v0  }
0x10f: {  	v1 =	vld [tilespmem:s5+$0x10]  }
0x110: {  	v0 =	vadd.f32 v2, v0  }
0x111: {  	v2 =	vld [tilespmem:s5+$0x30]  }
0x112: {  	v0 =	vadd.f32 v3, v0  }
0x113: {  	v3 =	vld [tilespmem:s5+$0x50]  }
0x114: {  	v0 =	vadd.f32 v1, v0;
	_ =	sdelay $0x1  }
0x115: {  	v0 =	vadd.f32 v2, v0;
	_ =	sdelay $0x1  }
0x116: {  	v0 =	vadd.f32 v3, v0;
	_ =	sdelay $0x1  }
0x117: {  	v0 =	vmul.f32 $1.428571490e-01, v0  }
0x118: {  	s7 =	simm.s32 $0x0  }
0x119: {  	[tilespmem:s7+$0x115E0] =	vst v0  }
0x11a: {  	v0 =	vld [tilespmem:s5+$0xFFFFFFA0]  }
0x11b: {  	v1 =	vld [tilespmem:s5+$0xFFFFFFC0];
	_ =	sdelay $0x1  }
0x11c: {  	v2 =	vld [tilespmem:s5+$0xFFFFFFE0];
	_ =	sdelay $0x1  }
0x11d: {  	v3 =	vld [tilespmem:s5+$0x0]  }
0x11e: {  	v0 =	vadd.f32 v1, v0  }
0x11f: {  	v1 =	vld [tilespmem:s5+$0x20]  }
0x120: {  	v0 =	vadd.f32 v2, v0  }
0x121: {  	v2 =	vld [tilespmem:s5+$0x40]  }
0x122: {  	v0 =	vadd.f32 v3, v0  }
0x123: {  	v3 =	vld [tilespmem:s5+$0x60]  }
0x124: {  	v0 =	vadd.f32 v1, v0;
	_ =	sdelay $0x1  }
0x125: {  	v0 =	vadd.f32 v2, v0;
	_ =	sdelay $0x1  }
0x126: {  	v0 =	vadd.f32 v3, v0;
	_ =	sdelay $0x1  }
0x127: {  	s6 =	simm.s32 $0x80;
	v0 =	vmul.f32 $1.428571490e-01, v0  }
.LBB2_8:
0x128: {  	p0 =	sne.s32 s6, $0x4780  }
0x129: {  	s5 =	sadd.s32 $0xE0, s5;
	s8 =	smov.u32 s6;
	s6 =	sadd.s32 $0x80, s6  }
0x12a: {  	[tilespmem:s7+$0x115F0] =	vst v0  }
0x12b: {  	v0 =	vld [tilespmem:s5+$0xFFFFFF90]  }
0x12c: {  	v1 =	vld [tilespmem:s5+$0xFFFFFFB0];
	_ =	sdelay $0x1  }
0x12d: {  	v2 =	vld [tilespmem:s5+$0xFFFFFFD0];
	_ =	sdelay $0x1  }
0x12e: {  	v3 =	vld [tilespmem:s5+$0xFFFFFFF0]  }
0x12f: {  	v0 =	vadd.f32 v1, v0  }
0x130: {  	v1 =	vld [tilespmem:s5+$0x10]  }
0x131: {  	v0 =	vadd.f32 v2, v0  }
0x132: {  	v2 =	vld [tilespmem:s5+$0x30]  }
0x133: {  	v0 =	vadd.f32 v3, v0  }
0x134: {  	v3 =	vld [tilespmem:s5+$0x50]  }
0x135: {  	v0 =	vadd.f32 v1, v0;
	_ =	sdelay $0x1  }
0x136: {  	v0 =	vadd.f32 v2, v0;
	_ =	sdelay $0x1  }
0x137: {  	v0 =	vadd.f32 v3, v0;
	_ =	sdelay $0x1  }
0x138: {  	v0 =	vmul.f32 $1.428571490e-01, v0  }
0x139: {  	s7 =	sshra.s32 s8, $0x2  }
0x13a: {  	[tilespmem:s7+$0x115E0] =	vst v0  }
0x13b: {  	v0 =	vld [tilespmem:s5+$0xFFFFFFA0]  }
0x13c: {  	v1 =	vld [tilespmem:s5+$0xFFFFFFC0]  }
0x13d: {  	v2 =	vld [tilespmem:s5+$0xFFFFFFE0];
	_ =	sdelay $0x1  }
0x13e: {  	v3 =	vld [tilespmem:s5+$0x0];
	_ =	sdelay $0x1  }
0x13f: {  	v0 =	vadd.f32 v1, v0;
	v1 =	vld [tilespmem:s5+$0x20];
	_ =	sdelay $0x1  }
0x140: {  	v0 =	vadd.f32 v2, v0;
	v2 =	vld [tilespmem:s5+$0x40];
	_ =	sdelay $0x1  }
0x141: {  	v0 =	vadd.f32 v3, v0;
	v3 =	vld [tilespmem:s5+$0x60];
	_ =	sdelay $0x1  }
0x142: {  	v0 =	vadd.f32 v1, v0;
	_ =	sdelay $0x1  }
.Ltmp3:
0x143: {  	v0 =	vadd.f32 v2, v0;
	(pc) =	sbr.rel @p0 .LBB2_8-.Ltmp3, $3  }
0x144: {  	_ = 	snop  }
0x145: {  	v0 =	vadd.f32 v3, v0;
	_ =	sdelay $0x1  }
0x146: {  	v0 =	vmul.f32 $1.428571490e-01, v0  }
0x147: {  	_ = 	snop  }
0x148: {  	s5 =	simm.s32 $0x0;
	[tilespmem:s7+$0x115F0] =	vst v0  }
0x149: {  	[hbm4b:s12+s5] =	stream.linear.scatter [tilespmem:s31], [sflag:$0x4], $0x1200, $0x38;
	[tilespmem:$0x127E0] =	vst v63  }
0x14a: {  	_ = 	snop  }
0x14b: {  	[tilespmem:s24], [sflag:$0x5] =	stream.linear.gather [hbm4b:s13+s5], $0x3F0, $0x38;
	[tilespmem:$0x127E0] =	vst v63  }
0x14c: {  	_ =	swait.ge [sflag:s23], $0x3F0  }
0x14d: {  	[sflag:s23] =	ssyncset.done $0x0  }
0x14e: {  	[sflag:s23] =	ssyncadd.s32 $0xFFFFFC10  }
0x14f: {  	[tilespmem:s26], [sflag:$0x2] =	stream.indirect.gather [hbm4b:s3+s24], $0x20, s24, s24, $0xb8;
	[tilespmem:$0x127E0] =	vst v63  }
0x150: {  	_ =	swait.ge [sflag:s28], $0x7E00  }
0x151: {  	[sflag:s28] =	ssyncset.done $0x0  }
0x152: {  	[sflag:s28] =	ssyncadd.s32 $0xFFFF8200  }
0x153: {  	_ =	swait.ge [sflag:s1], $0x1200  }
0x154: {  	[sflag:s1] =	ssyncset.done $0x0  }
0x155: {  	s5 =	simm.s32 $0x850;
	[sflag:s1] =	ssyncadd.s32 $0xFFFFEE00  }
0x156: {  	v0 =	vld [tilespmem:s5+$0xFFFFFF90]  }
0x157: {  	v1 =	vld [tilespmem:s5+$0xFFFFFFB0];
	_ =	sdelay $0x1  }
0x158: {  	v2 =	vld [tilespmem:s5+$0xFFFFFFD0];
	_ =	sdelay $0x1  }
0x159: {  	v3 =	vld [tilespmem:s5+$0xFFFFFFF0]  }
0x15a: {  	v0 =	vadd.f32 v1, v0  }
0x15b: {  	v1 =	vld [tilespmem:s5+$0x10]  }
0x15c: {  	v0 =	vadd.f32 v2, v0  }
0x15d: {  	v2 =	vld [tilespmem:s5+$0x30]  }
0x15e: {  	v0 =	vadd.f32 v3, v0  }
0x15f: {  	v3 =	vld [tilespmem:s5+$0x50]  }
0x160: {  	v0 =	vadd.f32 v1, v0;
	_ =	sdelay $0x1  }
0x161: {  	v0 =	vadd.f32 v2, v0;
	_ =	sdelay $0x1  }
0x162: {  	v0 =	vadd.f32 v3, v0;
	_ =	sdelay $0x1  }
0x163: {  	v0 =	vmul.f32 $1.428571490e-01, v0  }
0x164: {  	s7 =	simm.s32 $0x0  }
0x165: {  	[tilespmem:s7+$0x103E0] =	vst v0  }
0x166: {  	v0 =	vld [tilespmem:s5+$0xFFFFFFA0]  }
0x167: {  	v1 =	vld [tilespmem:s5+$0xFFFFFFC0];
	_ =	sdelay $0x1  }
0x168: {  	v2 =	vld [tilespmem:s5+$0xFFFFFFE0];
	_ =	sdelay $0x1  }
0x169: {  	v3 =	vld [tilespmem:s5+$0x0]  }
0x16a: {  	v0 =	vadd.f32 v1, v0  }
0x16b: {  	v1 =	vld [tilespmem:s5+$0x20]  }
0x16c: {  	v0 =	vadd.f32 v2, v0  }
0x16d: {  	v2 =	vld [tilespmem:s5+$0x40]  }
0x16e: {  	v0 =	vadd.f32 v3, v0  }
0x16f: {  	v3 =	vld [tilespmem:s5+$0x60]  }
0x170: {  	v0 =	vadd.f32 v1, v0;
	_ =	sdelay $0x1  }
0x171: {  	v0 =	vadd.f32 v2, v0;
	_ =	sdelay $0x1  }
0x172: {  	v0 =	vadd.f32 v3, v0;
	_ =	sdelay $0x1  }
0x173: {  	s6 =	simm.s32 $0x80;
	v0 =	vmul.f32 $1.428571490e-01, v0  }
.LBB2_10:
0x174: {  	p0 =	sne.s32 s6, $0x4780  }
0x175: {  	s5 =	sadd.s32 $0xE0, s5;
	s8 =	smov.u32 s6;
	s6 =	sadd.s32 $0x80, s6  }
0x176: {  	[tilespmem:s7+$0x103F0] =	vst v0  }
0x177: {  	v0 =	vld [tilespmem:s5+$0xFFFFFF90]  }
0x178: {  	v1 =	vld [tilespmem:s5+$0xFFFFFFB0];
	_ =	sdelay $0x1  }
0x179: {  	v2 =	vld [tilespmem:s5+$0xFFFFFFD0];
	_ =	sdelay $0x1  }
0x17a: {  	v3 =	vld [tilespmem:s5+$0xFFFFFFF0]  }
0x17b: {  	v0 =	vadd.f32 v1, v0  }
0x17c: {  	v1 =	vld [tilespmem:s5+$0x10]  }
0x17d: {  	v0 =	vadd.f32 v2, v0  }
0x17e: {  	v2 =	vld [tilespmem:s5+$0x30]  }
0x17f: {  	v0 =	vadd.f32 v3, v0  }
0x180: {  	v3 =	vld [tilespmem:s5+$0x50]  }
0x181: {  	v0 =	vadd.f32 v1, v0;
	_ =	sdelay $0x1  }
0x182: {  	v0 =	vadd.f32 v2, v0;
	_ =	sdelay $0x1  }
0x183: {  	v0 =	vadd.f32 v3, v0;
	_ =	sdelay $0x1  }
0x184: {  	v0 =	vmul.f32 $1.428571490e-01, v0  }
0x185: {  	s7 =	sshra.s32 s8, $0x2  }
0x186: {  	[tilespmem:s7+$0x103E0] =	vst v0  }
0x187: {  	v0 =	vld [tilespmem:s5+$0xFFFFFFA0]  }
0x188: {  	v1 =	vld [tilespmem:s5+$0xFFFFFFC0]  }
0x189: {  	v2 =	vld [tilespmem:s5+$0xFFFFFFE0];
	_ =	sdelay $0x1  }
0x18a: {  	v3 =	vld [tilespmem:s5+$0x0];
	_ =	sdelay $0x1  }
0x18b: {  	v0 =	vadd.f32 v1, v0;
	v1 =	vld [tilespmem:s5+$0x20];
	_ =	sdelay $0x1  }
0x18c: {  	v0 =	vadd.f32 v2, v0;
	v2 =	vld [tilespmem:s5+$0x40];
	_ =	sdelay $0x1  }
0x18d: {  	v0 =	vadd.f32 v3, v0;
	v3 =	vld [tilespmem:s5+$0x60];
	_ =	sdelay $0x1  }
0x18e: {  	v0 =	vadd.f32 v1, v0;
	_ =	sdelay $0x1  }
.Ltmp4:
0x18f: {  	v0 =	vadd.f32 v2, v0;
	(pc) =	sbr.rel @p0 .LBB2_10-.Ltmp4, $3  }
0x190: {  	_ = 	snop  }
0x191: {  	v0 =	vadd.f32 v3, v0;
	_ =	sdelay $0x1  }
0x192: {  	v0 =	vmul.f32 $1.428571490e-01, v0  }
0x193: {  	_ = 	snop  }
0x194: {  	s5 =	simm.s32 $0x0;
	[tilespmem:s7+$0x103F0] =	vst v0  }
0x195: {  	[hbm4b:s14+s5] =	stream.linear.scatter [tilespmem:s29], [sflag:$0x3], $0x1200, $0x38;
	[tilespmem:$0x127E0] =	vst v63  }
0x196: {  	_ = 	snop  }
0x197: {  	[tilespmem:s5], [sflag:$0x5] =	stream.linear.gather [hbm4b:s15+s5], $0x3F0, $0x38;
	[tilespmem:$0x127E0] =	vst v63  }
0x198: {  	_ =	swait.ge [sflag:s23], $0x3F0  }
0x199: {  	[sflag:s23] =	ssyncset.done $0x0  }
0x19a: {  	[sflag:s23] =	ssyncadd.s32 $0xFFFFFC10  }
0x19b: {  	[tilespmem:s25], [sflag:$0x1] =	stream.indirect.gather [hbm4b:s3+s24], $0x20, s5, s24, $0xb8;
	[tilespmem:$0x127E0] =	vst v63  }
0x19c: {  	_ =	swait.ge [sflag:s30], $0x7E00  }
0x19d: {  	[sflag:s30] =	ssyncset.done $0x0  }
0x19e: {  	[sflag:s30] =	ssyncadd.s32 $0xFFFF8200  }
0x19f: {  	_ =	swait.ge [sflag:s0], $0x1200  }
0x1a0: {  	[sflag:s0] =	ssyncset.done $0x0  }
0x1a1: {  	s5 =	simm.s32 $0x8650;
	[sflag:s0] =	ssyncadd.s32 $0xFFFFEE00  }
0x1a2: {  	v0 =	vld [tilespmem:s5+$0xFFFFFF90]  }
0x1a3: {  	v1 =	vld [tilespmem:s5+$0xFFFFFFB0];
	_ =	sdelay $0x1  }
0x1a4: {  	v2 =	vld [tilespmem:s5+$0xFFFFFFD0];
	_ =	sdelay $0x1  }
0x1a5: {  	v3 =	vld [tilespmem:s5+$0xFFFFFFF0]  }
0x1a6: {  	v0 =	vadd.f32 v1, v0  }
0x1a7: {  	v1 =	vld [tilespmem:s5+$0x10]  }
0x1a8: {  	v0 =	vadd.f32 v2, v0  }
0x1a9: {  	v2 =	vld [tilespmem:s5+$0x30]  }
0x1aa: {  	v0 =	vadd.f32 v3, v0  }
0x1ab: {  	v3 =	vld [tilespmem:s5+$0x50]  }
0x1ac: {  	v0 =	vadd.f32 v1, v0;
	_ =	sdelay $0x1  }
0x1ad: {  	v0 =	vadd.f32 v2, v0;
	_ =	sdelay $0x1  }
0x1ae: {  	v0 =	vadd.f32 v3, v0;
	_ =	sdelay $0x1  }
0x1af: {  	v0 =	vmul.f32 $1.428571490e-01, v0  }
0x1b0: {  	s7 =	simm.s32 $0x0  }
0x1b1: {  	[tilespmem:s7+$0x115E0] =	vst v0  }
0x1b2: {  	v0 =	vld [tilespmem:s5+$0xFFFFFFA0]  }
0x1b3: {  	v1 =	vld [tilespmem:s5+$0xFFFFFFC0];
	_ =	sdelay $0x1  }
0x1b4: {  	v2 =	vld [tilespmem:s5+$0xFFFFFFE0];
	_ =	sdelay $0x1  }
0x1b5: {  	v3 =	vld [tilespmem:s5+$0x0]  }
0x1b6: {  	v0 =	vadd.f32 v1, v0  }
0x1b7: {  	v1 =	vld [tilespmem:s5+$0x20]  }
0x1b8: {  	v0 =	vadd.f32 v2, v0  }
0x1b9: {  	v2 =	vld [tilespmem:s5+$0x40]  }
0x1ba: {  	v0 =	vadd.f32 v3, v0  }
0x1bb: {  	v3 =	vld [tilespmem:s5+$0x60]  }
0x1bc: {  	v0 =	vadd.f32 v1, v0;
	_ =	sdelay $0x1  }
0x1bd: {  	v0 =	vadd.f32 v2, v0;
	_ =	sdelay $0x1  }
0x1be: {  	v0 =	vadd.f32 v3, v0;
	_ =	sdelay $0x1  }
0x1bf: {  	s6 =	simm.s32 $0x80;
	v0 =	vmul.f32 $1.428571490e-01, v0  }
.LBB2_12:
0x1c0: {  	p0 =	sne.s32 s6, $0x4780  }
0x1c1: {  	s5 =	sadd.s32 $0xE0, s5;
	s8 =	smov.u32 s6;
	s6 =	sadd.s32 $0x80, s6  }
0x1c2: {  	[tilespmem:s7+$0x115F0] =	vst v0  }
0x1c3: {  	v0 =	vld [tilespmem:s5+$0xFFFFFF90]  }
0x1c4: {  	v1 =	vld [tilespmem:s5+$0xFFFFFFB0];
	_ =	sdelay $0x1  }
0x1c5: {  	v2 =	vld [tilespmem:s5+$0xFFFFFFD0];
	_ =	sdelay $0x1  }
0x1c6: {  	v3 =	vld [tilespmem:s5+$0xFFFFFFF0]  }
0x1c7: {  	v0 =	vadd.f32 v1, v0  }
0x1c8: {  	v1 =	vld [tilespmem:s5+$0x10]  }
0x1c9: {  	v0 =	vadd.f32 v2, v0  }
0x1ca: {  	v2 =	vld [tilespmem:s5+$0x30]  }
0x1cb: {  	v0 =	vadd.f32 v3, v0  }
0x1cc: {  	v3 =	vld [tilespmem:s5+$0x50]  }
0x1cd: {  	v0 =	vadd.f32 v1, v0;
	_ =	sdelay $0x1  }
0x1ce: {  	v0 =	vadd.f32 v2, v0;
	_ =	sdelay $0x1  }
0x1cf: {  	v0 =	vadd.f32 v3, v0;
	_ =	sdelay $0x1  }
0x1d0: {  	v0 =	vmul.f32 $1.428571490e-01, v0  }
0x1d1: {  	s7 =	sshra.s32 s8, $0x2  }
0x1d2: {  	[tilespmem:s7+$0x115E0] =	vst v0  }
0x1d3: {  	v0 =	vld [tilespmem:s5+$0xFFFFFFA0]  }
0x1d4: {  	v1 =	vld [tilespmem:s5+$0xFFFFFFC0]  }
0x1d5: {  	v2 =	vld [tilespmem:s5+$0xFFFFFFE0];
	_ =	sdelay $0x1  }
0x1d6: {  	v3 =	vld [tilespmem:s5+$0x0];
	_ =	sdelay $0x1  }
0x1d7: {  	v0 =	vadd.f32 v1, v0;
	v1 =	vld [tilespmem:s5+$0x20];
	_ =	sdelay $0x1  }
0x1d8: {  	v0 =	vadd.f32 v2, v0;
	v2 =	vld [tilespmem:s5+$0x40];
	_ =	sdelay $0x1  }
0x1d9: {  	v0 =	vadd.f32 v3, v0;
	v3 =	vld [tilespmem:s5+$0x60];
	_ =	sdelay $0x1  }
0x1da: {  	v0 =	vadd.f32 v1, v0;
	_ =	sdelay $0x1  }
.Ltmp5:
0x1db: {  	v0 =	vadd.f32 v2, v0;
	(pc) =	sbr.rel @p0 .LBB2_12-.Ltmp5, $3  }
0x1dc: {  	_ = 	snop  }
0x1dd: {  	v0 =	vadd.f32 v3, v0;
	_ =	sdelay $0x1  }
0x1de: {  	v0 =	vmul.f32 $1.428571490e-01, v0  }
0x1df: {  	_ = 	snop  }
0x1e0: {  	s5 =	simm.s32 $0x0;
	[tilespmem:s7+$0x115F0] =	vst v0  }
0x1e1: {  	[hbm4b:s16+s5] =	stream.linear.scatter [tilespmem:s31], [sflag:$0x4], $0x1200, $0x38;
	[tilespmem:$0x127E0] =	vst v63  }
0x1e2: {  	_ = 	snop  }
0x1e3: {  	[tilespmem:s24], [sflag:$0x5] =	stream.linear.gather [hbm4b:s17+s5], $0x3F0, $0x38;
	[tilespmem:$0x127E0] =	vst v63  }
0x1e4: {  	_ =	swait.ge [sflag:s23], $0x3F0  }
0x1e5: {  	[sflag:s23] =	ssyncset.done $0x0  }
0x1e6: {  	[sflag:s23] =	ssyncadd.s32 $0xFFFFFC10  }
0x1e7: {  	[tilespmem:s26], [sflag:$0x2] =	stream.indirect.gather [hbm4b:s3+s24], $0x20, s24, s24, $0xb8;
	[tilespmem:$0x127E0] =	vst v63  }
0x1e8: {  	_ =	swait.ge [sflag:s28], $0x7E00  }
0x1e9: {  	[sflag:s28] =	ssyncset.done $0x0  }
0x1ea: {  	[sflag:s28] =	ssyncadd.s32 $0xFFFF8200  }
0x1eb: {  	_ =	swait.ge [sflag:s1], $0x1200  }
0x1ec: {  	[sflag:s1] =	ssyncset.done $0x0  }
0x1ed: {  	s5 =	simm.s32 $0x850;
	[sflag:s1] =	ssyncadd.s32 $0xFFFFEE00  }
0x1ee: {  	v0 =	vld [tilespmem:s5+$0xFFFFFF90]  }
0x1ef: {  	v1 =	vld [tilespmem:s5+$0xFFFFFFB0];
	_ =	sdelay $0x1  }
0x1f0: {  	v2 =	vld [tilespmem:s5+$0xFFFFFFD0];
	_ =	sdelay $0x1  }
0x1f1: {  	v3 =	vld [tilespmem:s5+$0xFFFFFFF0]  }
0x1f2: {  	v0 =	vadd.f32 v1, v0  }
0x1f3: {  	v1 =	vld [tilespmem:s5+$0x10]  }
0x1f4: {  	v0 =	vadd.f32 v2, v0  }
0x1f5: {  	v2 =	vld [tilespmem:s5+$0x30]  }
0x1f6: {  	v0 =	vadd.f32 v3, v0  }
0x1f7: {  	v3 =	vld [tilespmem:s5+$0x50]  }
0x1f8: {  	v0 =	vadd.f32 v1, v0;
	_ =	sdelay $0x1  }
0x1f9: {  	v0 =	vadd.f32 v2, v0;
	_ =	sdelay $0x1  }
0x1fa: {  	v0 =	vadd.f32 v3, v0;
	_ =	sdelay $0x1  }
0x1fb: {  	v0 =	vmul.f32 $1.428571490e-01, v0  }
0x1fc: {  	s7 =	simm.s32 $0x0  }
0x1fd: {  	[tilespmem:s7+$0x103E0] =	vst v0  }
0x1fe: {  	v0 =	vld [tilespmem:s5+$0xFFFFFFA0]  }
0x1ff: {  	v1 =	vld [tilespmem:s5+$0xFFFFFFC0];
	_ =	sdelay $0x1  }
0x200: {  	v2 =	vld [tilespmem:s5+$0xFFFFFFE0];
	_ =	sdelay $0x1  }
0x201: {  	v3 =	vld [tilespmem:s5+$0x0]  }
0x202: {  	v0 =	vadd.f32 v1, v0  }
0x203: {  	v1 =	vld [tilespmem:s5+$0x20]  }
0x204: {  	v0 =	vadd.f32 v2, v0  }
0x205: {  	v2 =	vld [tilespmem:s5+$0x40]  }
0x206: {  	v0 =	vadd.f32 v3, v0  }
0x207: {  	v3 =	vld [tilespmem:s5+$0x60]  }
0x208: {  	v0 =	vadd.f32 v1, v0;
	_ =	sdelay $0x1  }
0x209: {  	v0 =	vadd.f32 v2, v0;
	_ =	sdelay $0x1  }
0x20a: {  	v0 =	vadd.f32 v3, v0;
	_ =	sdelay $0x1  }
0x20b: {  	s6 =	simm.s32 $0x80;
	v0 =	vmul.f32 $1.428571490e-01, v0  }
.LBB2_14:
0x20c: {  	p0 =	sne.s32 s6, $0x4780  }
0x20d: {  	s5 =	sadd.s32 $0xE0, s5;
	s8 =	smov.u32 s6;
	s6 =	sadd.s32 $0x80, s6  }
0x20e: {  	[tilespmem:s7+$0x103F0] =	vst v0  }
0x20f: {  	v0 =	vld [tilespmem:s5+$0xFFFFFF90]  }
0x210: {  	v1 =	vld [tilespmem:s5+$0xFFFFFFB0];
	_ =	sdelay $0x1  }
0x211: {  	v2 =	vld [tilespmem:s5+$0xFFFFFFD0];
	_ =	sdelay $0x1  }
0x212: {  	v3 =	vld [tilespmem:s5+$0xFFFFFFF0]  }
0x213: {  	v0 =	vadd.f32 v1, v0  }
0x214: {  	v1 =	vld [tilespmem:s5+$0x10]  }
0x215: {  	v0 =	vadd.f32 v2, v0  }
0x216: {  	v2 =	vld [tilespmem:s5+$0x30]  }
0x217: {  	v0 =	vadd.f32 v3, v0  }
0x218: {  	v3 =	vld [tilespmem:s5+$0x50]  }
0x219: {  	v0 =	vadd.f32 v1, v0;
	_ =	sdelay $0x1  }
0x21a: {  	v0 =	vadd.f32 v2, v0;
	_ =	sdelay $0x1  }
0x21b: {  	v0 =	vadd.f32 v3, v0;
	_ =	sdelay $0x1  }
0x21c: {  	v0 =	vmul.f32 $1.428571490e-01, v0  }
0x21d: {  	s7 =	sshra.s32 s8, $0x2  }
0x21e: {  	[tilespmem:s7+$0x103E0] =	vst v0  }
0x21f: {  	v0 =	vld [tilespmem:s5+$0xFFFFFFA0]  }
0x220: {  	v1 =	vld [tilespmem:s5+$0xFFFFFFC0]  }
0x221: {  	v2 =	vld [tilespmem:s5+$0xFFFFFFE0];
	_ =	sdelay $0x1  }
0x222: {  	v3 =	vld [tilespmem:s5+$0x0];
	_ =	sdelay $0x1  }
0x223: {  	v0 =	vadd.f32 v1, v0;
	v1 =	vld [tilespmem:s5+$0x20];
	_ =	sdelay $0x1  }
0x224: {  	v0 =	vadd.f32 v2, v0;
	v2 =	vld [tilespmem:s5+$0x40];
	_ =	sdelay $0x1  }
0x225: {  	v0 =	vadd.f32 v3, v0;
	v3 =	vld [tilespmem:s5+$0x60];
	_ =	sdelay $0x1  }
0x226: {  	v0 =	vadd.f32 v1, v0;
	_ =	sdelay $0x1  }
.Ltmp6:
0x227: {  	v0 =	vadd.f32 v2, v0;
	(pc) =	sbr.rel @p0 .LBB2_14-.Ltmp6, $3  }
0x228: {  	_ = 	snop  }
0x229: {  	v0 =	vadd.f32 v3, v0;
	_ =	sdelay $0x1  }
0x22a: {  	v0 =	vmul.f32 $1.428571490e-01, v0  }
0x22b: {  	_ = 	snop  }
0x22c: {  	s5 =	simm.s32 $0x0;
	[tilespmem:s7+$0x103F0] =	vst v0  }
0x22d: {  	[hbm4b:s18+s5] =	stream.linear.scatter [tilespmem:s29], [sflag:$0x3], $0x1200, $0x38;
	[tilespmem:$0x127E0] =	vst v63  }
0x22e: {  	_ = 	snop  }
0x22f: {  	[tilespmem:s5], [sflag:$0x5] =	stream.linear.gather [hbm4b:s19+s5], $0x3F0, $0x38;
	[tilespmem:$0x127E0] =	vst v63  }
0x230: {  	_ =	swait.ge [sflag:s23], $0x3F0  }
0x231: {  	[sflag:s23] =	ssyncset.done $0x0  }
0x232: {  	[sflag:s23] =	ssyncadd.s32 $0xFFFFFC10  }
0x233: {  	[tilespmem:s25], [sflag:$0x1] =	stream.indirect.gather [hbm4b:s3+s24], $0x20, s5, s24, $0xb8;
	[tilespmem:$0x127E0] =	vst v63  }
0x234: {  	_ =	swait.ge [sflag:s30], $0x7E00  }
0x235: {  	[sflag:s30] =	ssyncset.done $0x0  }
0x236: {  	[sflag:s30] =	ssyncadd.s32 $0xFFFF8200  }
0x237: {  	_ =	swait.ge [sflag:s0], $0x1200  }
0x238: {  	[sflag:s0] =	ssyncset.done $0x0  }
0x239: {  	s5 =	simm.s32 $0x8650;
	[sflag:s0] =	ssyncadd.s32 $0xFFFFEE00  }
0x23a: {  	v0 =	vld [tilespmem:s5+$0xFFFFFF90]  }
0x23b: {  	v1 =	vld [tilespmem:s5+$0xFFFFFFB0];
	_ =	sdelay $0x1  }
0x23c: {  	v2 =	vld [tilespmem:s5+$0xFFFFFFD0];
	_ =	sdelay $0x1  }
0x23d: {  	v3 =	vld [tilespmem:s5+$0xFFFFFFF0]  }
0x23e: {  	v0 =	vadd.f32 v1, v0  }
0x23f: {  	v1 =	vld [tilespmem:s5+$0x10]  }
0x240: {  	v0 =	vadd.f32 v2, v0  }
0x241: {  	v2 =	vld [tilespmem:s5+$0x30]  }
0x242: {  	v0 =	vadd.f32 v3, v0  }
0x243: {  	v3 =	vld [tilespmem:s5+$0x50]  }
0x244: {  	v0 =	vadd.f32 v1, v0;
	_ =	sdelay $0x1  }
0x245: {  	v0 =	vadd.f32 v2, v0;
	_ =	sdelay $0x1  }
0x246: {  	v0 =	vadd.f32 v3, v0;
	_ =	sdelay $0x1  }
0x247: {  	v0 =	vmul.f32 $1.428571490e-01, v0  }
0x248: {  	s7 =	simm.s32 $0x0  }
0x249: {  	[tilespmem:s7+$0x115E0] =	vst v0  }
0x24a: {  	v0 =	vld [tilespmem:s5+$0xFFFFFFA0]  }
0x24b: {  	v1 =	vld [tilespmem:s5+$0xFFFFFFC0];
	_ =	sdelay $0x1  }
0x24c: {  	v2 =	vld [tilespmem:s5+$0xFFFFFFE0];
	_ =	sdelay $0x1  }
0x24d: {  	v3 =	vld [tilespmem:s5+$0x0]  }
0x24e: {  	v0 =	vadd.f32 v1, v0  }
0x24f: {  	v1 =	vld [tilespmem:s5+$0x20]  }
0x250: {  	v0 =	vadd.f32 v2, v0  }
0x251: {  	v2 =	vld [tilespmem:s5+$0x40]  }
0x252: {  	v0 =	vadd.f32 v3, v0  }
0x253: {  	v3 =	vld [tilespmem:s5+$0x60]  }
0x254: {  	v0 =	vadd.f32 v1, v0;
	_ =	sdelay $0x1  }
0x255: {  	v0 =	vadd.f32 v2, v0;
	_ =	sdelay $0x1  }
0x256: {  	v0 =	vadd.f32 v3, v0;
	_ =	sdelay $0x1  }
0x257: {  	s6 =	simm.s32 $0x80;
	v0 =	vmul.f32 $1.428571490e-01, v0  }
.LBB2_16:
0x258: {  	p0 =	sne.s32 s6, $0x4780  }
0x259: {  	s5 =	sadd.s32 $0xE0, s5;
	s8 =	smov.u32 s6;
	s6 =	sadd.s32 $0x80, s6  }
0x25a: {  	[tilespmem:s7+$0x115F0] =	vst v0  }
0x25b: {  	v0 =	vld [tilespmem:s5+$0xFFFFFF90]  }
0x25c: {  	v1 =	vld [tilespmem:s5+$0xFFFFFFB0];
	_ =	sdelay $0x1  }
0x25d: {  	v2 =	vld [tilespmem:s5+$0xFFFFFFD0];
	_ =	sdelay $0x1  }
0x25e: {  	v3 =	vld [tilespmem:s5+$0xFFFFFFF0]  }
0x25f: {  	v0 =	vadd.f32 v1, v0  }
0x260: {  	v1 =	vld [tilespmem:s5+$0x10]  }
0x261: {  	v0 =	vadd.f32 v2, v0  }
0x262: {  	v2 =	vld [tilespmem:s5+$0x30]  }
0x263: {  	v0 =	vadd.f32 v3, v0  }
0x264: {  	v3 =	vld [tilespmem:s5+$0x50]  }
0x265: {  	v0 =	vadd.f32 v1, v0;
	_ =	sdelay $0x1  }
0x266: {  	v0 =	vadd.f32 v2, v0;
	_ =	sdelay $0x1  }
0x267: {  	v0 =	vadd.f32 v3, v0;
	_ =	sdelay $0x1  }
0x268: {  	v0 =	vmul.f32 $1.428571490e-01, v0  }
0x269: {  	s7 =	sshra.s32 s8, $0x2  }
0x26a: {  	[tilespmem:s7+$0x115E0] =	vst v0  }
0x26b: {  	v0 =	vld [tilespmem:s5+$0xFFFFFFA0]  }
0x26c: {  	v1 =	vld [tilespmem:s5+$0xFFFFFFC0]  }
0x26d: {  	v2 =	vld [tilespmem:s5+$0xFFFFFFE0];
	_ =	sdelay $0x1  }
0x26e: {  	v3 =	vld [tilespmem:s5+$0x0];
	_ =	sdelay $0x1  }
0x26f: {  	v0 =	vadd.f32 v1, v0;
	v1 =	vld [tilespmem:s5+$0x20];
	_ =	sdelay $0x1  }
0x270: {  	v0 =	vadd.f32 v2, v0;
	v2 =	vld [tilespmem:s5+$0x40];
	_ =	sdelay $0x1  }
0x271: {  	v0 =	vadd.f32 v3, v0;
	v3 =	vld [tilespmem:s5+$0x60];
	_ =	sdelay $0x1  }
0x272: {  	v0 =	vadd.f32 v1, v0;
	_ =	sdelay $0x1  }
.Ltmp7:
0x273: {  	v0 =	vadd.f32 v2, v0;
	(pc) =	sbr.rel @p0 .LBB2_16-.Ltmp7, $3  }
0x274: {  	_ = 	snop  }
0x275: {  	v0 =	vadd.f32 v3, v0;
	_ =	sdelay $0x1  }
0x276: {  	v0 =	vmul.f32 $1.428571490e-01, v0  }
0x277: {  	_ = 	snop  }
0x278: {  	s5 =	simm.s32 $0x0;
	[tilespmem:s7+$0x115F0] =	vst v0  }
0x279: {  	[hbm4b:s20+s5] =	stream.linear.scatter [tilespmem:s31], [sflag:$0x4], $0x1200, $0x38;
	[tilespmem:$0x127E0] =	vst v63  }
0x27a: {  	_ =	swait.ge [sflag:s28], $0x7E00  }
0x27b: {  	[sflag:s28] =	ssyncset.done $0x0  }
0x27c: {  	[sflag:s28] =	ssyncadd.s32 $0xFFFF8200  }
0x27d: {  	_ =	swait.ge [sflag:s1], $0x1200  }
0x27e: {  	[sflag:s1] =	ssyncset.done $0x0  }
0x27f: {  	s5 =	simm.s32 $0x850;
	[sflag:s1] =	ssyncadd.s32 $0xFFFFEE00  }
0x280: {  	v0 =	vld [tilespmem:s5+$0xFFFFFF90]  }
0x281: {  	v1 =	vld [tilespmem:s5+$0xFFFFFFB0];
	_ =	sdelay $0x1  }
0x282: {  	v2 =	vld [tilespmem:s5+$0xFFFFFFD0];
	_ =	sdelay $0x1  }
0x283: {  	v3 =	vld [tilespmem:s5+$0xFFFFFFF0]  }
0x284: {  	v0 =	vadd.f32 v1, v0  }
0x285: {  	v1 =	vld [tilespmem:s5+$0x10]  }
0x286: {  	v0 =	vadd.f32 v2, v0  }
0x287: {  	v2 =	vld [tilespmem:s5+$0x30]  }
0x288: {  	v0 =	vadd.f32 v3, v0  }
0x289: {  	v3 =	vld [tilespmem:s5+$0x50]  }
0x28a: {  	v0 =	vadd.f32 v1, v0;
	_ =	sdelay $0x1  }
0x28b: {  	v0 =	vadd.f32 v2, v0;
	_ =	sdelay $0x1  }
0x28c: {  	v0 =	vadd.f32 v3, v0;
	_ =	sdelay $0x1  }
0x28d: {  	v0 =	vmul.f32 $1.428571490e-01, v0  }
0x28e: {  	s7 =	simm.s32 $0x0  }
0x28f: {  	[tilespmem:s7+$0x103E0] =	vst v0  }
0x290: {  	v0 =	vld [tilespmem:s5+$0xFFFFFFA0]  }
0x291: {  	v1 =	vld [tilespmem:s5+$0xFFFFFFC0];
	_ =	sdelay $0x1  }
0x292: {  	v2 =	vld [tilespmem:s5+$0xFFFFFFE0];
	_ =	sdelay $0x1  }
0x293: {  	v3 =	vld [tilespmem:s5+$0x0]  }
0x294: {  	v0 =	vadd.f32 v1, v0  }
0x295: {  	v1 =	vld [tilespmem:s5+$0x20]  }
0x296: {  	v0 =	vadd.f32 v2, v0  }
0x297: {  	v2 =	vld [tilespmem:s5+$0x40]  }
0x298: {  	v0 =	vadd.f32 v3, v0  }
0x299: {  	v3 =	vld [tilespmem:s5+$0x60]  }
0x29a: {  	v0 =	vadd.f32 v1, v0;
	_ =	sdelay $0x1  }
0x29b: {  	v0 =	vadd.f32 v2, v0;
	_ =	sdelay $0x1  }
0x29c: {  	v0 =	vadd.f32 v3, v0;
	_ =	sdelay $0x1  }
0x29d: {  	s6 =	simm.s32 $0x80;
	v0 =	vmul.f32 $1.428571490e-01, v0  }
.LBB2_18:
0x29e: {  	p0 =	sne.s32 s6, $0x4780  }
0x29f: {  	s5 =	sadd.s32 $0xE0, s5;
	s8 =	smov.u32 s6;
	s6 =	sadd.s32 $0x80, s6  }
0x2a0: {  	[tilespmem:s7+$0x103F0] =	vst v0  }
0x2a1: {  	v0 =	vld [tilespmem:s5+$0xFFFFFF90]  }
0x2a2: {  	v1 =	vld [tilespmem:s5+$0xFFFFFFB0];
	_ =	sdelay $0x1  }
0x2a3: {  	v2 =	vld [tilespmem:s5+$0xFFFFFFD0];
	_ =	sdelay $0x1  }
0x2a4: {  	v3 =	vld [tilespmem:s5+$0xFFFFFFF0]  }
0x2a5: {  	v0 =	vadd.f32 v1, v0  }
0x2a6: {  	v1 =	vld [tilespmem:s5+$0x10]  }
0x2a7: {  	v0 =	vadd.f32 v2, v0  }
0x2a8: {  	v2 =	vld [tilespmem:s5+$0x30]  }
0x2a9: {  	v0 =	vadd.f32 v3, v0  }
0x2aa: {  	v3 =	vld [tilespmem:s5+$0x50]  }
0x2ab: {  	v0 =	vadd.f32 v1, v0;
	_ =	sdelay $0x1  }
0x2ac: {  	v0 =	vadd.f32 v2, v0;
	_ =	sdelay $0x1  }
0x2ad: {  	v0 =	vadd.f32 v3, v0;
	_ =	sdelay $0x1  }
0x2ae: {  	v0 =	vmul.f32 $1.428571490e-01, v0  }
0x2af: {  	s7 =	sshra.s32 s8, $0x2  }
0x2b0: {  	[tilespmem:s7+$0x103E0] =	vst v0  }
0x2b1: {  	v0 =	vld [tilespmem:s5+$0xFFFFFFA0]  }
0x2b2: {  	v1 =	vld [tilespmem:s5+$0xFFFFFFC0]  }
0x2b3: {  	v2 =	vld [tilespmem:s5+$0xFFFFFFE0];
	_ =	sdelay $0x1  }
0x2b4: {  	v3 =	vld [tilespmem:s5+$0x0];
	_ =	sdelay $0x1  }
0x2b5: {  	v0 =	vadd.f32 v1, v0;
	v1 =	vld [tilespmem:s5+$0x20];
	_ =	sdelay $0x1  }
0x2b6: {  	v0 =	vadd.f32 v2, v0;
	v2 =	vld [tilespmem:s5+$0x40];
	_ =	sdelay $0x1  }
0x2b7: {  	v0 =	vadd.f32 v3, v0;
	v3 =	vld [tilespmem:s5+$0x60];
	_ =	sdelay $0x1  }
0x2b8: {  	v0 =	vadd.f32 v1, v0;
	_ =	sdelay $0x1  }
.Ltmp8:
0x2b9: {  	v0 =	vadd.f32 v2, v0;
	(pc) =	sbr.rel @p0 .LBB2_18-.Ltmp8, $3  }
0x2ba: {  	_ = 	snop  }
0x2bb: {  	v0 =	vadd.f32 v3, v0;
	_ =	sdelay $0x1  }
0x2bc: {  	v0 =	vmul.f32 $1.428571490e-01, v0  }
0x2bd: {  	_ = 	snop  }
0x2be: {  	s4 =	sadd.s32 $0x1, s4;
	[tilespmem:s7+$0x103F0] =	vst v0  }
0x2bf: {  	[hbm4b:s21+s2] =	stream.linear.scatter [tilespmem:s29], [sflag:$0x3], $0x1200, $0x38;
	[tilespmem:$0x127E0] =	vst v63  }
0x2c0: {  	p0 =	sne.s32 s4, s22;
	_ =	swait.ge [sflag:s1], $0x1200  }
.Ltmp9:
0x2c1: {  	[sflag:s1] =	ssyncset.done $0x0;
	(pc) =	sbr.rel @p0 .LBB2_1-.Ltmp9, $4  }
0x2c2: {  	[sflag:s1] =	ssyncadd.s32 $0xFFFFEE00  }
0x2c3: {  	_ =	swait.ge [sflag:s0], $0x1200  }
0x2c4: {  	[sflag:s0] =	ssyncset.done $0x0  }
0x2c5: {  	[sflag:s0] =	ssyncadd.s32 $0xFFFFEE00  }
0x2c6: {  	_ =	sfence.sel $0x180000  }
0x2c7: {  	[bflag:$0x0] =	sbarrier.arrive $0xFFFF  }
0x2c8: {  	_ =	strace $0x90000047  }
0x2c9: {  	s0 =	stileid.u32;
	[bflag:$0x2] =	sbarrier.arrive $0xFFFF  }
0x2ca: {  	p0 =	sne.s32 s0, $0x0;
	s0 =	rddreg [dreg:$0x2]  }
0x2cb: {  	s0 =	sadd.s32 @!p0 $0x100000, s0  }
0x2cc: {  	[sflag:s0] =	ssyncadd.tile.s32 @!p0 $0x1;
	_ =	shalt  }
.Lfunc_end2:
_tile_overlayer_lowered:
.L_overlay_start_2:
0x2cd: {  	(tag) =	ssettag $0x2  }
0x2ce: {  	s0 =	rddreg [dreg:$0x0];
	s2 =	stileid.u32  }
0x2cf: {  	s1 =	rddreg [dreg:$0x1];
	p0 =	sne.s32 s2, $0x0  }
0x2d0: {  	s3 =	rddreg [dreg:$0x2];
	[bflag:$0x3] =	sbarrier.arrive $0xFFFF;
	s2 =	simm.s32 @!p0 $0x1C05  }
0x2d1: {  	[timem:s3], [sflag:s2] =	dma.local @!p0 [hbm:s0], s1  }
0x2d2: {  	s0 =	simm.s32 @!p0 $0x5  }
0x2d3: {  	_ =	swait.ge @!p0 [sflag:s0], s1  }
0x2d4: {  	s1 =	ssub.s32 @!p0 $0x0, s1;
	[sflag:s0] =	ssyncset.done @!p0 $0x0  }
0x2d5: {  	[sflag:s0] =	ssyncadd.s32 @!p0 s1  }
0x2d6: {  	[bflag:$0x3] =	sbarrier.arrive $0xFFFF  }
0x2d7: {  	_ =	shalt  }

</sc_bundles>
